<compile_context>
chip_gen: v7x
topology: tpu7x:2x2x1
jax: 0.10.2.dev20260603
libtpu: 0.0.44.dev20260713+nightly
codegen_flags: <defaults>
</compile_context>

<pallas_src>
import functools

import jax
import jax.numpy as jnp
from jax import lax
from jax.experimental import pallas as pl
from jax.experimental.pallas import tpu as pltpu
from jax.experimental.pallas import tpu_sc as plsc

B = 16384
U = 1000000
GMF_DIM = 32
MLP_DIM = 128

NC = 2
NS = 16
NW = NC * NS
BPW = B // NW
CH = 128
NCH = BPW // CH

_sc_mesh = plsc.VectorSubcoreMesh(
    core_axis_name="c", subcore_axis_name="s", num_cores=NC, num_subcores=NS
)


@functools.partial(
    pl.kernel,
    out_type=(
        jax.ShapeDtypeStruct((B, MLP_DIM), jnp.float32),
        jax.ShapeDtypeStruct((B, MLP_DIM), jnp.float32),
    ),
    mesh=_sc_mesh,
    scratch_types=(
        pltpu.VMEM((NCH, CH), jnp.int32),
        pltpu.VMEM((NCH, CH), jnp.int32),
        pltpu.VMEM((CH, MLP_DIM), jnp.float32),
        pltpu.VMEM((CH, MLP_DIM), jnp.float32),
        pltpu.SemaphoreType.DMA,
    ),
)
def _gather_mlp_sc(ui_hbm, ii_hbm, mlp_p_hbm, mlp_q_hbm,
                   mu_out, mq_out,
                   ui_v, ii_v, mu_v, mq_v, sem):
    wid = lax.axis_index("s") * NC + lax.axis_index("c")
    base = wid * BPW
    for c in range(NCH):
        pltpu.sync_copy(ui_hbm.at[pl.ds(base + c * CH, CH)], ui_v.at[c])
        pltpu.sync_copy(ii_hbm.at[pl.ds(base + c * CH, CH)], ii_v.at[c])
    for c in range(NCH):
        cp1 = pltpu.async_copy(mlp_p_hbm.at[ui_v.at[c]], mu_v, sem)
        cp2 = pltpu.async_copy(mlp_q_hbm.at[ii_v.at[c]], mq_v, sem)
        cp1.wait()
        cp2.wait()
        off = base + c * CH
        pltpu.sync_copy(mu_v, mu_out.at[pl.ds(off, CH)])
        pltpu.sync_copy(mq_v, mq_out.at[pl.ds(off, CH)])


_GH = 4
_NH = BPW // _GH


@functools.partial(
    pl.kernel,
    out_type=(
        jax.ShapeDtypeStruct((B, GMF_DIM), jnp.float32),
        jax.ShapeDtypeStruct((B, GMF_DIM), jnp.float32),
    ),
    mesh=_sc_mesh,
    scratch_types=(
        pltpu.VMEM((BPW + 16,), jnp.int32),
        pltpu.VMEM((BPW + 16,), jnp.int32),
        pltpu.VMEM((_GH, GMF_DIM, 128), jnp.float32),
        pltpu.VMEM((_GH, GMF_DIM, 128), jnp.float32),
        pltpu.VMEM((_GH, GMF_DIM, 128), jnp.float32),
        pltpu.VMEM((_GH, GMF_DIM, 128), jnp.float32),
        pltpu.VMEM((2 * _GH, GMF_DIM), jnp.float32),
        pltpu.VMEM((2 * _GH, GMF_DIM), jnp.float32),
        pltpu.SemaphoreType.DMA,
        pltpu.SemaphoreType.DMA,
    ),
    compiler_params=pltpu.CompilerParams(disable_bounds_checks=True,
                                         needs_layout_passes=False),
)
def _gather_gmf_sc(ui_hbm, ii_hbm, pt_hbm, qt_hbm,
                   gu_out, gi_out,
                   ui_s, ii_s, pb_a, qb_a, pb_b, qb_b, gu_v, gi_v,
                   sem_a, sem_b):
    wid = lax.axis_index("s") * NC + lax.axis_index("c")
    base = wid * BPW
    pltpu.sync_copy(ui_hbm.at[pl.ds(base, BPW)], ui_s.at[pl.ds(0, BPW)])
    pltpu.sync_copy(ii_hbm.at[pl.ds(base, BPW)], ii_s.at[pl.ds(0, BPW)])
    dlo = lax.iota(jnp.int32, 16)

    def fire(uvec, ivec, lane0, pb, qb, sem):
        for k in range(_GH):
            u = uvec[lane0 + k]
            i = ivec[lane0 + k]
            cu = pl.multiple_of((u // 128) * 128, 128)
            ci = pl.multiple_of((i // 128) * 128, 128)
            pltpu.async_copy(pt_hbm.at[:, pl.ds(cu, 128)], pb.at[k], sem)
            pltpu.async_copy(qt_hbm.at[:, pl.ds(ci, 128)], qb.at[k], sem)

    def drain(pb, qb, sem):
        for k in range(_GH):
            pltpu.make_async_copy(pt_hbm.at[:, pl.ds(0, 128)], pb.at[k], sem).wait()
            pltpu.make_async_copy(qt_hbm.at[:, pl.ds(0, 128)], qb.at[k], sem).wait()

    def select(uvec, ivec, lane0, row0, pb, qb):
        ucol = uvec - (uvec // 128) * 128
        icol = ivec - (ivec // 128) * 128
        for k in range(_GH):
            colu = jnp.full((16,), ucol[lane0 + k], jnp.int32)
            coli = jnp.full((16,), icol[lane0 + k], jnp.int32)
            r = row0 + k
            gu_v[r, pl.ds(0, 16)] = plsc.load_gather(pb.at[k], [dlo, colu])
            gu_v[r, pl.ds(16, 16)] = plsc.load_gather(pb.at[k], [dlo + 16, colu])
            gi_v[r, pl.ds(0, 16)] = plsc.load_gather(qb.at[k], [dlo, coli])
            gi_v[r, pl.ds(16, 16)] = plsc.load_gather(qb.at[k], [dlo + 16, coli])

    uv0 = ui_s[pl.ds(0, 16)]
    iv0 = ii_s[pl.ds(0, 16)]
    fire(uv0, iv0, 0, pb_a, qb_a, sem_a)

    def body(m, carry):
        j0 = m * 2 * _GH
        uvec = ui_s[pl.ds(j0, 16)]
        ivec = ii_s[pl.ds(j0, 16)]
        uvec_n = ui_s[pl.ds(j0 + 2 * _GH, 16)]
        ivec_n = ii_s[pl.ds(j0 + 2 * _GH, 16)]
        fire(uvec, ivec, _GH, pb_b, qb_b, sem_b)
        drain(pb_a, qb_a, sem_a)
        select(uvec, ivec, 0, 0, pb_a, qb_a)
        fire(uvec_n, ivec_n, 0, pb_a, qb_a, sem_a)
        drain(pb_b, qb_b, sem_b)
        select(uvec, ivec, _GH, _GH, pb_b, qb_b)
        pltpu.sync_copy(gu_v, gu_out.at[pl.ds(base + j0, 2 * _GH)])
        pltpu.sync_copy(gi_v, gi_out.at[pl.ds(base + j0, 2 * _GH)])
        return carry

    lax.fori_loop(0, _NH // 2 - 1, body, 0)

    j0 = (_NH - 2) * _GH
    uvec = ui_s[pl.ds(j0, 16)]
    ivec = ii_s[pl.ds(j0, 16)]
    fire(uvec, ivec, _GH, pb_b, qb_b, sem_b)
    drain(pb_a, qb_a, sem_a)
    select(uvec, ivec, 0, 0, pb_a, qb_a)
    drain(pb_b, qb_b, sem_b)
    select(uvec, ivec, _GH, _GH, pb_b, qb_b)
    pltpu.sync_copy(gu_v, gu_out.at[pl.ds(base + j0, 2 * _GH)])
    pltpu.sync_copy(gi_v, gi_out.at[pl.ds(base + j0, 2 * _GH)])


_BB = 1024


def _mlp_body(gu_ref, gi_ref, mu_ref, mq_ref,
              w1_ref, b1_ref, w2_ref, b2_ref, w3_ref, b3_ref,
              wo_ref, bo_ref, out_ref):
    dg = lax.dot_general
    f32 = jnp.float32
    h = dg(mu_ref[...], w1_ref[0:MLP_DIM, :], (((1,), (0,)), ((), ())),
           preferred_element_type=f32)
    h = h + dg(mq_ref[...], w1_ref[MLP_DIM:2 * MLP_DIM, :], (((1,), (0,)), ((), ())),
               preferred_element_type=f32)
    h = jnp.maximum(h + b1_ref[...], 0.0)
    h = jnp.maximum(dg(h, w2_ref[...], (((1,), (0,)), ((), ())),
                       preferred_element_type=f32) + b2_ref[...], 0.0)
    h = jnp.maximum(dg(h, w3_ref[...], (((1,), (0,)), ((), ())),
                       preferred_element_type=f32) + b3_ref[...], 0.0)
    out = dg(wo_ref[GMF_DIM:2 * GMF_DIM, :], h, (((0,), (1,)), ((), ())),
             preferred_element_type=f32)
    out = out + dg(wo_ref[0:GMF_DIM, :], gu_ref[...] * gi_ref[...],
                   (((0,), (1,)), ((), ())), preferred_element_type=f32)
    out_ref[...] = out + bo_ref[...]


def _mlp_tc(gu, gi, mu, mq, w1, b1, w2, b2, w3, b3, wo, bo):
    grid = B // _BB
    return pl.pallas_call(
        _mlp_body,
        grid=(grid,),
        in_specs=[
            pl.BlockSpec((_BB, GMF_DIM), lambda i: (i, 0)),
            pl.BlockSpec((_BB, GMF_DIM), lambda i: (i, 0)),
            pl.BlockSpec((_BB, MLP_DIM), lambda i: (i, 0)),
            pl.BlockSpec((_BB, MLP_DIM), lambda i: (i, 0)),
            pl.BlockSpec((256, 128), lambda i: (0, 0)),
            pl.BlockSpec((1, 128), lambda i: (0, 0)),
            pl.BlockSpec((128, 64), lambda i: (0, 0)),
            pl.BlockSpec((1, 64), lambda i: (0, 0)),
            pl.BlockSpec((64, 32), lambda i: (0, 0)),
            pl.BlockSpec((1, 32), lambda i: (0, 0)),
            pl.BlockSpec((64, 1), lambda i: (0, 0)),
            pl.BlockSpec((1, 1), lambda i: (0, 0)),
        ],
        out_specs=pl.BlockSpec((1, _BB), lambda i: (0, i)),
        out_shape=jax.ShapeDtypeStruct((1, B), jnp.float32),
    )(gu, gi, mu, mq, w1, b1, w2, b2, w3, b3, wo, bo)


def kernel(user_id, item_id, gmf_P, gmf_Q, mlp_P, mlp_Q,
           W1, b1, W2, b2, W3, b3, Wout, bout):
    ui = user_id - 1
    ii = item_id - 1
    mu, mq = _gather_mlp_sc(ui, ii, mlp_P, mlp_Q)
    gu, gi = _gather_gmf_sc(ui, ii, gmf_P.T, gmf_Q.T)
    out_t = _mlp_tc(gu, gi, mu, mq,
                    W1, b1.reshape(1, -1), W2, b2.reshape(1, -1),
                    W3, b3.reshape(1, -1), Wout, bout.reshape(1, 1))
    return out_t.reshape(B, 1)

# --- scband reference (transcript-rebuilt; emitter-appended) ---
"""Pipeline reference for scband-neu-mf-73718818668702 (READ-ONLY COPY).

The authoritative reference and input builder live on the scoring server;
editing this copy changes nothing except your own understanding.
"""

import jax, jax.numpy as jnp
import numpy as np

U = 1000000
I = 1000000
B = 16384
GMF_DIM = 32
MLP_DIM = 128


def setup_inputs(seed: int = 0) -> dict:
    key = jax.random.key(seed)
    ks = jax.random.split(key, 16)
    d = {}
    # ids are 1-based in the original module (forward subtracts 1)
    d["user_id"] = jax.random.randint(ks[0], (B,), 1, U + 1, dtype=jnp.int32)
    d["item_id"] = jax.random.randint(ks[1], (B,), 1, I + 1, dtype=jnp.int32)
    # embedding tables, init std=0.01 like the torch module
    d["gmf_P"] = jax.random.normal(ks[2], (U, GMF_DIM), jnp.float32) * 0.01
    d["gmf_Q"] = jax.random.normal(ks[3], (I, GMF_DIM), jnp.float32) * 0.01
    d["mlp_P"] = jax.random.normal(ks[4], (U, MLP_DIM), jnp.float32) * 0.01
    d["mlp_Q"] = jax.random.normal(ks[5], (I, MLP_DIM), jnp.float32) * 0.01
    # MLP tower: 256 -> 128 -> 64 -> 32 (xavier-ish init)
    d["W1"] = jax.random.normal(ks[6], (256, 128), jnp.float32) * (1.0 / np.sqrt(256))
    d["b1"] = jnp.zeros((128,), jnp.float32)
    d["W2"] = jax.random.normal(ks[7], (128, 64), jnp.float32) * (1.0 / np.sqrt(128))
    d["b2"] = jnp.zeros((64,), jnp.float32)
    d["W3"] = jax.random.normal(ks[8], (64, 32), jnp.float32) * (1.0 / np.sqrt(64))
    d["b3"] = jnp.zeros((32,), jnp.float32)
    # final NeuMF head: 64 -> 1
    d["Wout"] = jax.random.normal(ks[9], (64, 1), jnp.float32) * (1.0 / np.sqrt(64))
    d["bout"] = jnp.zeros((1,), jnp.float32)
    return d


def reference(user_id, item_id, gmf_P, gmf_Q, mlp_P, mlp_Q, W1, b1, W2, b2, W3, b3, Wout, bout):
    # dropout_prob=0.0 / eval mode -> dropout is identity
    ui = user_id - 1
    ii = item_id - 1
    # GMF branch
    gmf_p_u = jnp.take(gmf_P, ui, axis=0)
    gmf_q_i = jnp.take(gmf_Q, ii, axis=0)
    gmf_out = gmf_p_u * gmf_q_i
    # MLP branch
    mlp_p_u = jnp.take(mlp_P, ui, axis=0)
    mlp_q_i = jnp.take(mlp_Q, ii, axis=0)
    h = jnp.concatenate([mlp_p_u, mlp_q_i], axis=-1)
    h = jax.nn.relu(jnp.dot(h, W1) + b1)
    h = jax.nn.relu(jnp.dot(h, W2) + b2)
    h = jax.nn.relu(jnp.dot(h, W3) + b3)
    # fusion head
    z = jnp.concatenate([gmf_out, h], axis=-1)
    return jnp.dot(z, Wout) + bout

if __name__ == "__main__":
    import jax
    _d = setup_inputs()
    print(jax.jit(kernel)(*tuple(_d.values())))

</pallas_src>

<mosaic_0001>
#map = affine_map<(d0, d1) -> (0)>
#map1 = affine_map<(d0, d1) -> (0, 0)>
module attributes {stable_mosaic.version = 14 : i64} {
  func.func @_gather_mlp_sc(%arg0: i32, %arg1: i32, %arg2: memref<16384xi32, #tpu.memory_space<hbm>>, %arg3: memref<16384xi32, #tpu.memory_space<hbm>>, %arg4: memref<1000000x128xf32, #tpu.memory_space<hbm>>, %arg5: memref<1000000x128xf32, #tpu.memory_space<hbm>>, %arg6: memref<16384x128xf32, #tpu.memory_space<hbm>>, %arg7: memref<16384x128xf32, #tpu.memory_space<hbm>>, %arg8: memref<4x128xi32, #tpu.memory_space<vmem>>, %arg9: memref<4x128xi32, #tpu.memory_space<vmem>>, %arg10: memref<128x128xf32, #tpu.memory_space<vmem>>, %arg11: memref<128x128xf32, #tpu.memory_space<vmem>>, %arg12: memref<!tpu.dma_semaphore, #tpu.memory_space<semaphore_mem>>) attributes {dimension_semantics = [#tpu.dimension_semantics<core_parallel>, #tpu.dimension_semantics<subcore_parallel>], iteration_bounds = array<i64: 2, 16>, scalar_prefetch = 0 : i64, scratch_operands = 5 : i64, tpu.core_type = #tpu.core_type<sc_vector_subcore>, window_params = [{transform_indices = #map}, {transform_indices = #map}, {transform_indices = #map1}, {transform_indices = #map1}, {transform_indices = #map1}, {transform_indices = #map1}]} {
    %mul3A = arith.constant 2 : i32
    %mul3A_0 = arith.muli %arg1, %mul3A : i32
    %add3A = arith.addi %mul3A_0, %arg0 : i32
    %mul3A_1 = arith.constant 512 : i32
    %mul3A_2 = arith.muli %add3A, %mul3A_1 : i32
    %add3A_3 = arith.constant 0 : i32
    %add3A_4 = arith.addi %mul3A_2, %add3A_3 : i32
    %run_scoped3A = arith.constant 0 : i32
    "tpu.region"() ({
      %run_scoped3A_144 = tpu.sem_alloc : memref<!tpu.dma_semaphore, #tpu.memory_space<semaphore_mem>>
      %dma_start3A_145 = arith.constant 0 : i32
      %dma_start3A_146 = tpu.memref_slice %arg8[%run_scoped3A, %dma_start3A_145] : memref<4x128xi32, #tpu.memory_space<vmem>> -> memref<1x128xi32, #tpu.memory_space<vmem>>
      %dma_start3A_147 = tpu.memref_squeeze %dma_start3A_146 : memref<1x128xi32, #tpu.memory_space<vmem>> -> memref<128xi32, #tpu.memory_space<vmem>>
      %dma_start3A_148 = tpu.memref_slice %arg2[%add3A_4] : memref<16384xi32, #tpu.memory_space<hbm>> -> memref<128xi32, #tpu.memory_space<hbm>>
      %dma_start3A_149 = arith.constant 0 : i32
      %dma_start3A_150 = tpu.memref_slice %arg8[%run_scoped3A, %dma_start3A_149] : memref<4x128xi32, #tpu.memory_space<vmem>> -> memref<1x128xi32, #tpu.memory_space<vmem>>
      %dma_start3A_151 = tpu.memref_squeeze %dma_start3A_150 : memref<1x128xi32, #tpu.memory_space<vmem>> -> memref<128xi32, #tpu.memory_space<vmem>>
      %dma_start3A_152 = tpu.memref_slice %arg2[%add3A_4] : memref<16384xi32, #tpu.memory_space<hbm>> -> memref<128xi32, #tpu.memory_space<hbm>>
      tpu.enqueue_dma source(%dma_start3A_152 : memref<128xi32, #tpu.memory_space<hbm>>) target(%dma_start3A_151 : memref<128xi32, #tpu.memory_space<vmem>>) target_semaphore(%run_scoped3A_144 : memref<!tpu.dma_semaphore, #tpu.memory_space<semaphore_mem>>)
      %dma_wait3A_153 = arith.constant 0 : i32
      %dma_wait3A_154 = tpu.memref_slice %arg8[%run_scoped3A, %dma_wait3A_153] : memref<4x128xi32, #tpu.memory_space<vmem>> -> memref<1x128xi32, #tpu.memory_space<vmem>>
      %dma_wait3A_155 = tpu.memref_squeeze %dma_wait3A_154 : memref<1x128xi32, #tpu.memory_space<vmem>> -> memref<128xi32, #tpu.memory_space<vmem>>
      %dma_wait3A_156 = tpu.memref_slice %arg2[%add3A_4] : memref<16384xi32, #tpu.memory_space<hbm>> -> memref<128xi32, #tpu.memory_space<hbm>>
      %dma_wait3A_157 = arith.constant 0 : i32
      %dma_wait3A_158 = tpu.memref_slice %arg8[%run_scoped3A, %dma_wait3A_157] : memref<4x128xi32, #tpu.memory_space<vmem>> -> memref<1x128xi32, #tpu.memory_space<vmem>>
      %dma_wait3A_159 = tpu.memref_squeeze %dma_wait3A_158 : memref<1x128xi32, #tpu.memory_space<vmem>> -> memref<128xi32, #tpu.memory_space<vmem>>
      %dma_wait3A_160 = tpu.memref_slice %arg2[%add3A_4] : memref<16384xi32, #tpu.memory_space<hbm>> -> memref<128xi32, #tpu.memory_space<hbm>>
      tpu.wait_dma2 semaphore(%run_scoped3A_144 : memref<!tpu.dma_semaphore, #tpu.memory_space<semaphore_mem>>) src(%dma_wait3A_160 : memref<128xi32, #tpu.memory_space<hbm>>) dst(%dma_wait3A_159 : memref<128xi32, #tpu.memory_space<vmem>>)
      tpu.yield
    }) : () -> ()
    %add3A_5 = arith.constant 0 : i32
    %add3A_6 = arith.addi %mul3A_2, %add3A_5 : i32
    %run_scoped3A_7 = arith.constant 0 : i32
    "tpu.region"() ({
      %run_scoped3A_144 = tpu.sem_alloc : memref<!tpu.dma_semaphore, #tpu.memory_space<semaphore_mem>>
      %dma_start3A_145 = arith.constant 0 : i32
      %dma_start3A_146 = tpu.memref_slice %arg9[%run_scoped3A_7, %dma_start3A_145] : memref<4x128xi32, #tpu.memory_space<vmem>> -> memref<1x128xi32, #tpu.memory_space<vmem>>
      %dma_start3A_147 = tpu.memref_squeeze %dma_start3A_146 : memref<1x128xi32, #tpu.memory_space<vmem>> -> memref<128xi32, #tpu.memory_space<vmem>>
      %dma_start3A_148 = tpu.memref_slice %arg3[%add3A_6] : memref<16384xi32, #tpu.memory_space<hbm>> -> memref<128xi32, #tpu.memory_space<hbm>>
      %dma_start3A_149 = arith.constant 0 : i32
      %dma_start3A_150 = tpu.memref_slice %arg9[%run_scoped3A_7, %dma_start3A_149] : memref<4x128xi32, #tpu.memory_space<vmem>> -> memref<1x128xi32, #tpu.memory_space<vmem>>
      %dma_start3A_151 = tpu.memref_squeeze %dma_start3A_150 : memref<1x128xi32, #tpu.memory_space<vmem>> -> memref<128xi32, #tpu.memory_space<vmem>>
      %dma_start3A_152 = tpu.memref_slice %arg3[%add3A_6] : memref<16384xi32, #tpu.memory_space<hbm>> -> memref<128xi32, #tpu.memory_space<hbm>>
      tpu.enqueue_dma source(%dma_start3A_152 : memref<128xi32, #tpu.memory_space<hbm>>) target(%dma_start3A_151 : memref<128xi32, #tpu.memory_space<vmem>>) target_semaphore(%run_scoped3A_144 : memref<!tpu.dma_semaphore, #tpu.memory_space<semaphore_mem>>)
      %dma_wait3A_153 = arith.constant 0 : i32
      %dma_wait3A_154 = tpu.memref_slice %arg9[%run_scoped3A_7, %dma_wait3A_153] : memref<4x128xi32, #tpu.memory_space<vmem>> -> memref<1x128xi32, #tpu.memory_space<vmem>>
      %dma_wait3A_155 = tpu.memref_squeeze %dma_wait3A_154 : memref<1x128xi32, #tpu.memory_space<vmem>> -> memref<128xi32, #tpu.memory_space<vmem>>
      %dma_wait3A_156 = tpu.memref_slice %arg3[%add3A_6] : memref<16384xi32, #tpu.memory_space<hbm>> -> memref<128xi32, #tpu.memory_space<hbm>>
      %dma_wait3A_157 = arith.constant 0 : i32
      %dma_wait3A_158 = tpu.memref_slice %arg9[%run_scoped3A_7, %dma_wait3A_157] : memref<4x128xi32, #tpu.memory_space<vmem>> -> memref<1x128xi32, #tpu.memory_space<vmem>>
      %dma_wait3A_159 = tpu.memref_squeeze %dma_wait3A_158 : memref<1x128xi32, #tpu.memory_space<vmem>> -> memref<128xi32, #tpu.memory_space<vmem>>
      %dma_wait3A_160 = tpu.memref_slice %arg3[%add3A_6] : memref<16384xi32, #tpu.memory_space<hbm>> -> memref<128xi32, #tpu.memory_space<hbm>>
      tpu.wait_dma2 semaphore(%run_scoped3A_144 : memref<!tpu.dma_semaphore, #tpu.memory_space<semaphore_mem>>) src(%dma_wait3A_160 : memref<128xi32, #tpu.memory_space<hbm>>) dst(%dma_wait3A_159 : memref<128xi32, #tpu.memory_space<vmem>>)
      tpu.yield
    }) : () -> ()
    %add3A_8 = arith.constant 128 : i32
    %add3A_9 = arith.addi %mul3A_2, %add3A_8 : i32
    %run_scoped3A_10 = arith.constant 1 : i32
    "tpu.region"() ({
      %run_scoped3A_144 = tpu.sem_alloc : memref<!tpu.dma_semaphore, #tpu.memory_space<semaphore_mem>>
      %dma_start3A_145 = arith.constant 0 : i32
      %dma_start3A_146 = tpu.memref_slice %arg8[%run_scoped3A_10, %dma_start3A_145] : memref<4x128xi32, #tpu.memory_space<vmem>> -> memref<1x128xi32, #tpu.memory_space<vmem>>
      %dma_start3A_147 = tpu.memref_squeeze %dma_start3A_146 : memref<1x128xi32, #tpu.memory_space<vmem>> -> memref<128xi32, #tpu.memory_space<vmem>>
      %dma_start3A_148 = tpu.memref_slice %arg2[%add3A_9] : memref<16384xi32, #tpu.memory_space<hbm>> -> memref<128xi32, #tpu.memory_space<hbm>>
      %dma_start3A_149 = arith.constant 0 : i32
      %dma_start3A_150 = tpu.memref_slice %arg8[%run_scoped3A_10, %dma_start3A_149] : memref<4x128xi32, #tpu.memory_space<vmem>> -> memref<1x128xi32, #tpu.memory_space<vmem>>
      %dma_start3A_151 = tpu.memref_squeeze %dma_start3A_150 : memref<1x128xi32, #tpu.memory_space<vmem>> -> memref<128xi32, #tpu.memory_space<vmem>>
      %dma_start3A_152 = tpu.memref_slice %arg2[%add3A_9] : memref<16384xi32, #tpu.memory_space<hbm>> -> memref<128xi32, #tpu.memory_space<hbm>>
      tpu.enqueue_dma source(%dma_start3A_152 : memref<128xi32, #tpu.memory_space<hbm>>) target(%dma_start3A_151 : memref<128xi32, #tpu.memory_space<vmem>>) target_semaphore(%run_scoped3A_144 : memref<!tpu.dma_semaphore, #tpu.memory_space<semaphore_mem>>)
      %dma_wait3A_153 = arith.constant 0 : i32
      %dma_wait3A_154 = tpu.memref_slice %arg8[%run_scoped3A_10, %dma_wait3A_153] : memref<4x128xi32, #tpu.memory_space<vmem>> -> memref<1x128xi32, #tpu.memory_space<vmem>>
      %dma_wait3A_155 = tpu.memref_squeeze %dma_wait3A_154 : memref<1x128xi32, #tpu.memory_space<vmem>> -> memref<128xi32, #tpu.memory_space<vmem>>
      %dma_wait3A_156 = tpu.memref_slice %arg2[%add3A_9] : memref<16384xi32, #tpu.memory_space<hbm>> -> memref<128xi32, #tpu.memory_space<hbm>>
      %dma_wait3A_157 = arith.constant 0 : i32
      %dma_wait3A_158 = tpu.memref_slice %arg8[%run_scoped3A_10, %dma_wait3A_157] : memref<4x128xi32, #tpu.memory_space<vmem>> -> memref<1x128xi32, #tpu.memory_space<vmem>>
      %dma_wait3A_159 = tpu.memref_squeeze %dma_wait3A_158 : memref<1x128xi32, #tpu.memory_space<vmem>> -> memref<128xi32, #tpu.memory_space<vmem>>
      %dma_wait3A_160 = tpu.memref_slice %arg2[%add3A_9] : memref<16384xi32, #tpu.memory_space<hbm>> -> memref<128xi32, #tpu.memory_space<hbm>>
      tpu.wait_dma2 semaphore(%run_scoped3A_144 : memref<!tpu.dma_semaphore, #tpu.memory_space<semaphore_mem>>) src(%dma_wait3A_160 : memref<128xi32, #tpu.memory_space<hbm>>) dst(%dma_wait3A_159 : memref<128xi32, #tpu.memory_space<vmem>>)
      tpu.yield
    }) : () -> ()
    %add3A_11 = arith.constant 128 : i32
    %add3A_12 = arith.addi %mul3A_2, %add3A_11 : i32
    %run_scoped3A_13 = arith.constant 1 : i32
    "tpu.region"() ({
      %run_scoped3A_144 = tpu.sem_alloc : memref<!tpu.dma_semaphore, #tpu.memory_space<semaphore_mem>>
      %dma_start3A_145 = arith.constant 0 : i32
      %dma_start3A_146 = tpu.memref_slice %arg9[%run_scoped3A_13, %dma_start3A_145] : memref<4x128xi32, #tpu.memory_space<vmem>> -> memref<1x128xi32, #tpu.memory_space<vmem>>
      %dma_start3A_147 = tpu.memref_squeeze %dma_start3A_146 : memref<1x128xi32, #tpu.memory_space<vmem>> -> memref<128xi32, #tpu.memory_space<vmem>>
      %dma_start3A_148 = tpu.memref_slice %arg3[%add3A_12] : memref<16384xi32, #tpu.memory_space<hbm>> -> memref<128xi32, #tpu.memory_space<hbm>>
      %dma_start3A_149 = arith.constant 0 : i32
      %dma_start3A_150 = tpu.memref_slice %arg9[%run_scoped3A_13, %dma_start3A_149] : memref<4x128xi32, #tpu.memory_space<vmem>> -> memref<1x128xi32, #tpu.memory_space<vmem>>
      %dma_start3A_151 = tpu.memref_squeeze %dma_start3A_150 : memref<1x128xi32, #tpu.memory_space<vmem>> -> memref<128xi32, #tpu.memory_space<vmem>>
      %dma_start3A_152 = tpu.memref_slice %arg3[%add3A_12] : memref<16384xi32, #tpu.memory_space<hbm>> -> memref<128xi32, #tpu.memory_space<hbm>>
      tpu.enqueue_dma source(%dma_start3A_152 : memref<128xi32, #tpu.memory_space<hbm>>) target(%dma_start3A_151 : memref<128xi32, #tpu.memory_space<vmem>>) target_semaphore(%run_scoped3A_144 : memref<!tpu.dma_semaphore, #tpu.memory_space<semaphore_mem>>)
      %dma_wait3A_153 = arith.constant 0 : i32
      %dma_wait3A_154 = tpu.memref_slice %arg9[%run_scoped3A_13, %dma_wait3A_153] : memref<4x128xi32, #tpu.memory_space<vmem>> -> memref<1x128xi32, #tpu.memory_space<vmem>>
      %dma_wait3A_155 = tpu.memref_squeeze %dma_wait3A_154 : memref<1x128xi32, #tpu.memory_space<vmem>> -> memref<128xi32, #tpu.memory_space<vmem>>
      %dma_wait3A_156 = tpu.memref_slice %arg3[%add3A_12] : memref<16384xi32, #tpu.memory_space<hbm>> -> memref<128xi32, #tpu.memory_space<hbm>>
      %dma_wait3A_157 = arith.constant 0 : i32
      %dma_wait3A_158 = tpu.memref_slice %arg9[%run_scoped3A_13, %dma_wait3A_157] : memref<4x128xi32, #tpu.memory_space<vmem>> -> memref<1x128xi32, #tpu.memory_space<vmem>>
      %dma_wait3A_159 = tpu.memref_squeeze %dma_wait3A_158 : memref<1x128xi32, #tpu.memory_space<vmem>> -> memref<128xi32, #tpu.memory_space<vmem>>
      %dma_wait3A_160 = tpu.memref_slice %arg3[%add3A_12] : memref<16384xi32, #tpu.memory_space<hbm>> -> memref<128xi32, #tpu.memory_space<hbm>>
      tpu.wait_dma2 semaphore(%run_scoped3A_144 : memref<!tpu.dma_semaphore, #tpu.memory_space<semaphore_mem>>) src(%dma_wait3A_160 : memref<128xi32, #tpu.memory_space<hbm>>) dst(%dma_wait3A_159 : memref<128xi32, #tpu.memory_space<vmem>>)
      tpu.yield
    }) : () -> ()
    %add3A_14 = arith.constant 256 : i32
    %add3A_15 = arith.addi %mul3A_2, %add3A_14 : i32
    %run_scoped3A_16 = arith.constant 2 : i32
    "tpu.region"() ({
      %run_scoped3A_144 = tpu.sem_alloc : memref<!tpu.dma_semaphore, #tpu.memory_space<semaphore_mem>>
      %dma_start3A_145 = arith.constant 0 : i32
      %dma_start3A_146 = tpu.memref_slice %arg8[%run_scoped3A_16, %dma_start3A_145] : memref<4x128xi32, #tpu.memory_space<vmem>> -> memref<1x128xi32, #tpu.memory_space<vmem>>
      %dma_start3A_147 = tpu.memref_squeeze %dma_start3A_146 : memref<1x128xi32, #tpu.memory_space<vmem>> -> memref<128xi32, #tpu.memory_space<vmem>>
      %dma_start3A_148 = tpu.memref_slice %arg2[%add3A_15] : memref<16384xi32, #tpu.memory_space<hbm>> -> memref<128xi32, #tpu.memory_space<hbm>>
      %dma_start3A_149 = arith.constant 0 : i32
      %dma_start3A_150 = tpu.memref_slice %arg8[%run_scoped3A_16, %dma_start3A_149] : memref<4x128xi32, #tpu.memory_space<vmem>> -> memref<1x128xi32, #tpu.memory_space<vmem>>
      %dma_start3A_151 = tpu.memref_squeeze %dma_start3A_150 : memref<1x128xi32, #tpu.memory_space<vmem>> -> memref<128xi32, #tpu.memory_space<vmem>>
      %dma_start3A_152 = tpu.memref_slice %arg2[%add3A_15] : memref<16384xi32, #tpu.memory_space<hbm>> -> memref<128xi32, #tpu.memory_space<hbm>>
      tpu.enqueue_dma source(%dma_start3A_152 : memref<128xi32, #tpu.memory_space<hbm>>) target(%dma_start3A_151 : memref<128xi32, #tpu.memory_space<vmem>>) target_semaphore(%run_scoped3A_144 : memref<!tpu.dma_semaphore, #tpu.memory_space<semaphore_mem>>)
      %dma_wait3A_153 = arith.constant 0 : i32
      %dma_wait3A_154 = tpu.memref_slice %arg8[%run_scoped3A_16, %dma_wait3A_153] : memref<4x128xi32, #tpu.memory_space<vmem>> -> memref<1x128xi32, #tpu.memory_space<vmem>>
      %dma_wait3A_155 = tpu.memref_squeeze %dma_wait3A_154 : memref<1x128xi32, #tpu.memory_space<vmem>> -> memref<128xi32, #tpu.memory_space<vmem>>
      %dma_wait3A_156 = tpu.memref_slice %arg2[%add3A_15] : memref<16384xi32, #tpu.memory_space<hbm>> -> memref<128xi32, #tpu.memory_space<hbm>>
      %dma_wait3A_157 = arith.constant 0 : i32
      %dma_wait3A_158 = tpu.memref_slice %arg8[%run_scoped3A_16, %dma_wait3A_157] : memref<4x128xi32, #tpu.memory_space<vmem>> -> memref<1x128xi32, #tpu.memory_space<vmem>>
      %dma_wait3A_159 = tpu.memref_squeeze %dma_wait3A_158 : memref<1x128xi32, #tpu.memory_space<vmem>> -> memref<128xi32, #tpu.memory_space<vmem>>
      %dma_wait3A_160 = tpu.memref_slice %arg2[%add3A_15] : memref<16384xi32, #tpu.memory_space<hbm>> -> memref<128xi32, #tpu.memory_space<hbm>>
      tpu.wait_dma2 semaphore(%run_scoped3A_144 : memref<!tpu.dma_semaphore, #tpu.memory_space<semaphore_mem>>) src(%dma_wait3A_160 : memref<128xi32, #tpu.memory_space<hbm>>) dst(%dma_wait3A_159 : memref<128xi32, #tpu.memory_space<vmem>>)
      tpu.yield
    }) : () -> ()
    %add3A_17 = arith.constant 256 : i32
    %add3A_18 = arith.addi %mul3A_2, %add3A_17 : i32
    %run_scoped3A_19 = arith.constant 2 : i32
    "tpu.region"() ({
      %run_scoped3A_144 = tpu.sem_alloc : memref<!tpu.dma_semaphore, #tpu.memory_space<semaphore_mem>>
      %dma_start3A_145 = arith.constant 0 : i32
      %dma_start3A_146 = tpu.memref_slice %arg9[%run_scoped3A_19, %dma_start3A_145] : memref<4x128xi32, #tpu.memory_space<vmem>> -> memref<1x128xi32, #tpu.memory_space<vmem>>
      %dma_start3A_147 = tpu.memref_squeeze %dma_start3A_146 : memref<1x128xi32, #tpu.memory_space<vmem>> -> memref<128xi32, #tpu.memory_space<vmem>>
      %dma_start3A_148 = tpu.memref_slice %arg3[%add3A_18] : memref<16384xi32, #tpu.memory_space<hbm>> -> memref<128xi32, #tpu.memory_space<hbm>>
      %dma_start3A_149 = arith.constant 0 : i32
      %dma_start3A_150 = tpu.memref_slice %arg9[%run_scoped3A_19, %dma_start3A_149] : memref<4x128xi32, #tpu.memory_space<vmem>> -> memref<1x128xi32, #tpu.memory_space<vmem>>
      %dma_start3A_151 = tpu.memref_squeeze %dma_start3A_150 : memref<1x128xi32, #tpu.memory_space<vmem>> -> memref<128xi32, #tpu.memory_space<vmem>>
      %dma_start3A_152 = tpu.memref_slice %arg3[%add3A_18] : memref<16384xi32, #tpu.memory_space<hbm>> -> memref<128xi32, #tpu.memory_space<hbm>>
      tpu.enqueue_dma source(%dma_start3A_152 : memref<128xi32, #tpu.memory_space<hbm>>) target(%dma_start3A_151 : memref<128xi32, #tpu.memory_space<vmem>>) target_semaphore(%run_scoped3A_144 : memref<!tpu.dma_semaphore, #tpu.memory_space<semaphore_mem>>)
      %dma_wait3A_153 = arith.constant 0 : i32
      %dma_wait3A_154 = tpu.memref_slice %arg9[%run_scoped3A_19, %dma_wait3A_153] : memref<4x128xi32, #tpu.memory_space<vmem>> -> memref<1x128xi32, #tpu.memory_space<vmem>>
      %dma_wait3A_155 = tpu.memref_squeeze %dma_wait3A_154 : memref<1x128xi32, #tpu.memory_space<vmem>> -> memref<128xi32, #tpu.memory_space<vmem>>
      %dma_wait3A_156 = tpu.memref_slice %arg3[%add3A_18] : memref<16384xi32, #tpu.memory_space<hbm>> -> memref<128xi32, #tpu.memory_space<hbm>>
      %dma_wait3A_157 = arith.constant 0 : i32
      %dma_wait3A_158 = tpu.memref_slice %arg9[%run_scoped3A_19, %dma_wait3A_157] : memref<4x128xi32, #tpu.memory_space<vmem>> -> memref<1x128xi32, #tpu.memory_space<vmem>>
      %dma_wait3A_159 = tpu.memref_squeeze %dma_wait3A_158 : memref<1x128xi32, #tpu.memory_space<vmem>> -> memref<128xi32, #tpu.memory_space<vmem>>
      %dma_wait3A_160 = tpu.memref_slice %arg3[%add3A_18] : memref<16384xi32, #tpu.memory_space<hbm>> -> memref<128xi32, #tpu.memory_space<hbm>>
      tpu.wait_dma2 semaphore(%run_scoped3A_144 : memref<!tpu.dma_semaphore, #tpu.memory_space<semaphore_mem>>) src(%dma_wait3A_160 : memref<128xi32, #tpu.memory_space<hbm>>) dst(%dma_wait3A_159 : memref<128xi32, #tpu.memory_space<vmem>>)
      tpu.yield
    }) : () -> ()
    %add3A_20 = arith.constant 384 : i32
    %add3A_21 = arith.addi %mul3A_2, %add3A_20 : i32
    %run_scoped3A_22 = arith.constant 3 : i32
    "tpu.region"() ({
      %run_scoped3A_144 = tpu.sem_alloc : memref<!tpu.dma_semaphore, #tpu.memory_space<semaphore_mem>>
      %dma_start3A_145 = arith.constant 0 : i32
      %dma_start3A_146 = tpu.memref_slice %arg8[%run_scoped3A_22, %dma_start3A_145] : memref<4x128xi32, #tpu.memory_space<vmem>> -> memref<1x128xi32, #tpu.memory_space<vmem>>
      %dma_start3A_147 = tpu.memref_squeeze %dma_start3A_146 : memref<1x128xi32, #tpu.memory_space<vmem>> -> memref<128xi32, #tpu.memory_space<vmem>>
      %dma_start3A_148 = tpu.memref_slice %arg2[%add3A_21] : memref<16384xi32, #tpu.memory_space<hbm>> -> memref<128xi32, #tpu.memory_space<hbm>>
      %dma_start3A_149 = arith.constant 0 : i32
      %dma_start3A_150 = tpu.memref_slice %arg8[%run_scoped3A_22, %dma_start3A_149] : memref<4x128xi32, #tpu.memory_space<vmem>> -> memref<1x128xi32, #tpu.memory_space<vmem>>
      %dma_start3A_151 = tpu.memref_squeeze %dma_start3A_150 : memref<1x128xi32, #tpu.memory_space<vmem>> -> memref<128xi32, #tpu.memory_space<vmem>>
      %dma_start3A_152 = tpu.memref_slice %arg2[%add3A_21] : memref<16384xi32, #tpu.memory_space<hbm>> -> memref<128xi32, #tpu.memory_space<hbm>>
      tpu.enqueue_dma source(%dma_start3A_152 : memref<128xi32, #tpu.memory_space<hbm>>) target(%dma_start3A_151 : memref<128xi32, #tpu.memory_space<vmem>>) target_semaphore(%run_scoped3A_144 : memref<!tpu.dma_semaphore, #tpu.memory_space<semaphore_mem>>)
      %dma_wait3A_153 = arith.constant 0 : i32
      %dma_wait3A_154 = tpu.memref_slice %arg8[%run_scoped3A_22, %dma_wait3A_153] : memref<4x128xi32, #tpu.memory_space<vmem>> -> memref<1x128xi32, #tpu.memory_space<vmem>>
      %dma_wait3A_155 = tpu.memref_squeeze %dma_wait3A_154 : memref<1x128xi32, #tpu.memory_space<vmem>> -> memref<128xi32, #tpu.memory_space<vmem>>
      %dma_wait3A_156 = tpu.memref_slice %arg2[%add3A_21] : memref<16384xi32, #tpu.memory_space<hbm>> -> memref<128xi32, #tpu.memory_space<hbm>>
      %dma_wait3A_157 = arith.constant 0 : i32
      %dma_wait3A_158 = tpu.memref_slice %arg8[%run_scoped3A_22, %dma_wait3A_157] : memref<4x128xi32, #tpu.memory_space<vmem>> -> memref<1x128xi32, #tpu.memory_space<vmem>>
      %dma_wait3A_159 = tpu.memref_squeeze %dma_wait3A_158 : memref<1x128xi32, #tpu.memory_space<vmem>> -> memref<128xi32, #tpu.memory_space<vmem>>
      %dma_wait3A_160 = tpu.memref_slice %arg2[%add3A_21] : memref<16384xi32, #tpu.memory_space<hbm>> -> memref<128xi32, #tpu.memory_space<hbm>>
      tpu.wait_dma2 semaphore(%run_scoped3A_144 : memref<!tpu.dma_semaphore, #tpu.memory_space<semaphore_mem>>) src(%dma_wait3A_160 : memref<128xi32, #tpu.memory_space<hbm>>) dst(%dma_wait3A_159 : memref<128xi32, #tpu.memory_space<vmem>>)
      tpu.yield
    }) : () -> ()
    %add3A_23 = arith.constant 384 : i32
    %add3A_24 = arith.addi %mul3A_2, %add3A_23 : i32
    %run_scoped3A_25 = arith.constant 3 : i32
    "tpu.region"() ({
      %run_scoped3A_144 = tpu.sem_alloc : memref<!tpu.dma_semaphore, #tpu.memory_space<semaphore_mem>>
      %dma_start3A_145 = arith.constant 0 : i32
      %dma_start3A_146 = tpu.memref_slice %arg9[%run_scoped3A_25, %dma_start3A_145] : memref<4x128xi32, #tpu.memory_space<vmem>> -> memref<1x128xi32, #tpu.memory_space<vmem>>
      %dma_start3A_147 = tpu.memref_squeeze %dma_start3A_146 : memref<1x128xi32, #tpu.memory_space<vmem>> -> memref<128xi32, #tpu.memory_space<vmem>>
      %dma_start3A_148 = tpu.memref_slice %arg3[%add3A_24] : memref<16384xi32, #tpu.memory_space<hbm>> -> memref<128xi32, #tpu.memory_space<hbm>>
      %dma_start3A_149 = arith.constant 0 : i32
      %dma_start3A_150 = tpu.memref_slice %arg9[%run_scoped3A_25, %dma_start3A_149] : memref<4x128xi32, #tpu.memory_space<vmem>> -> memref<1x128xi32, #tpu.memory_space<vmem>>
      %dma_start3A_151 = tpu.memref_squeeze %dma_start3A_150 : memref<1x128xi32, #tpu.memory_space<vmem>> -> memref<128xi32, #tpu.memory_space<vmem>>
      %dma_start3A_152 = tpu.memref_slice %arg3[%add3A_24] : memref<16384xi32, #tpu.memory_space<hbm>> -> memref<128xi32, #tpu.memory_space<hbm>>
      tpu.enqueue_dma source(%dma_start3A_152 : memref<128xi32, #tpu.memory_space<hbm>>) target(%dma_start3A_151 : memref<128xi32, #tpu.memory_space<vmem>>) target_semaphore(%run_scoped3A_144 : memref<!tpu.dma_semaphore, #tpu.memory_space<semaphore_mem>>)
      %dma_wait3A_153 = arith.constant 0 : i32
      %dma_wait3A_154 = tpu.memref_slice %arg9[%run_scoped3A_25, %dma_wait3A_153] : memref<4x128xi32, #tpu.memory_space<vmem>> -> memref<1x128xi32, #tpu.memory_space<vmem>>
      %dma_wait3A_155 = tpu.memref_squeeze %dma_wait3A_154 : memref<1x128xi32, #tpu.memory_space<vmem>> -> memref<128xi32, #tpu.memory_space<vmem>>
      %dma_wait3A_156 = tpu.memref_slice %arg3[%add3A_24] : memref<16384xi32, #tpu.memory_space<hbm>> -> memref<128xi32, #tpu.memory_space<hbm>>
      %dma_wait3A_157 = arith.constant 0 : i32
      %dma_wait3A_158 = tpu.memref_slice %arg9[%run_scoped3A_25, %dma_wait3A_157] : memref<4x128xi32, #tpu.memory_space<vmem>> -> memref<1x128xi32, #tpu.memory_space<vmem>>
      %dma_wait3A_159 = tpu.memref_squeeze %dma_wait3A_158 : memref<1x128xi32, #tpu.memory_space<vmem>> -> memref<128xi32, #tpu.memory_space<vmem>>
      %dma_wait3A_160 = tpu.memref_slice %arg3[%add3A_24] : memref<16384xi32, #tpu.memory_space<hbm>> -> memref<128xi32, #tpu.memory_space<hbm>>
      tpu.wait_dma2 semaphore(%run_scoped3A_144 : memref<!tpu.dma_semaphore, #tpu.memory_space<semaphore_mem>>) src(%dma_wait3A_160 : memref<128xi32, #tpu.memory_space<hbm>>) dst(%dma_wait3A_159 : memref<128xi32, #tpu.memory_space<vmem>>)
      tpu.yield
    }) : () -> ()
    %dma_start3A = arith.constant 0 : i32
    %dma_start3A_26 = arith.constant 0 : i32
    %dma_start3A_27 = tpu.memref_slice %arg8[%dma_start3A, %dma_start3A_26] : memref<4x128xi32, #tpu.memory_space<vmem>> -> memref<1x128xi32, #tpu.memory_space<vmem>>
    %dma_start3A_28 = tpu.memref_squeeze %dma_start3A_27 : memref<1x128xi32, #tpu.memory_space<vmem>> -> memref<128xi32, #tpu.memory_space<vmem>>
    %dma_start3A_29 = arith.constant 0 : i32
    %dma_start3A_30 = arith.constant 0 : i32
    %dma_start3A_31 = tpu.memref_slice %arg4[%dma_start3A_29, %dma_start3A_30] : memref<1000000x128xf32, #tpu.memory_space<hbm>> -> memref<1000000x128xf32, #tpu.memory_space<hbm>>
    tpu.enqueue_indirect_dma source(%dma_start3A_31 : memref<1000000x128xf32, #tpu.memory_space<hbm>>) target(%arg10 : memref<128x128xf32, #tpu.memory_space<vmem>>) offsets(%dma_start3A_28 : memref<128xi32, #tpu.memory_space<vmem>>) semaphore(%arg12 : memref<!tpu.dma_semaphore, #tpu.memory_space<semaphore_mem>>)
    %dma_start3A_32 = arith.constant 0 : i32
    %dma_start3A_33 = arith.constant 0 : i32
    %dma_start3A_34 = tpu.memref_slice %arg9[%dma_start3A_32, %dma_start3A_33] : memref<4x128xi32, #tpu.memory_space<vmem>> -> memref<1x128xi32, #tpu.memory_space<vmem>>
    %dma_start3A_35 = tpu.memref_squeeze %dma_start3A_34 : memref<1x128xi32, #tpu.memory_space<vmem>> -> memref<128xi32, #tpu.memory_space<vmem>>
    %dma_start3A_36 = arith.constant 0 : i32
    %dma_start3A_37 = arith.constant 0 : i32
    %dma_start3A_38 = tpu.memref_slice %arg5[%dma_start3A_36, %dma_start3A_37] : memref<1000000x128xf32, #tpu.memory_space<hbm>> -> memref<1000000x128xf32, #tpu.memory_space<hbm>>
    tpu.enqueue_indirect_dma source(%dma_start3A_38 : memref<1000000x128xf32, #tpu.memory_space<hbm>>) target(%arg11 : memref<128x128xf32, #tpu.memory_space<vmem>>) offsets(%dma_start3A_35 : memref<128xi32, #tpu.memory_space<vmem>>) semaphore(%arg12 : memref<!tpu.dma_semaphore, #tpu.memory_space<semaphore_mem>>)
    %dma_wait3A = arith.constant 0 : i32
    %dma_wait3A_39 = arith.constant 0 : i32
    %dma_wait3A_40 = tpu.memref_slice %arg8[%dma_wait3A, %dma_wait3A_39] : memref<4x128xi32, #tpu.memory_space<vmem>> -> memref<1x128xi32, #tpu.memory_space<vmem>>
    %dma_wait3A_41 = tpu.memref_squeeze %dma_wait3A_40 : memref<1x128xi32, #tpu.memory_space<vmem>> -> memref<128xi32, #tpu.memory_space<vmem>>
    %dma_wait3A_42 = arith.constant 0 : i32
    %dma_wait3A_43 = arith.constant 0 : i32
    %dma_wait3A_44 = tpu.memref_slice %arg4[%dma_wait3A_42, %dma_wait3A_43] : memref<1000000x128xf32, #tpu.memory_space<hbm>> -> memref<1000000x128xf32, #tpu.memory_space<hbm>>
    tpu.wait_indirect_dma semaphore(%arg12 : memref<!tpu.dma_semaphore, #tpu.memory_space<semaphore_mem>>) src(%dma_wait3A_44 : memref<1000000x128xf32, #tpu.memory_space<hbm>>) dst(%arg10 : memref<128x128xf32, #tpu.memory_space<vmem>>)
    %dma_wait3A_45 = arith.constant 0 : i32
    %dma_wait3A_46 = arith.constant 0 : i32
    %dma_wait3A_47 = tpu.memref_slice %arg9[%dma_wait3A_45, %dma_wait3A_46] : memref<4x128xi32, #tpu.memory_space<vmem>> -> memref<1x128xi32, #tpu.memory_space<vmem>>
    %dma_wait3A_48 = tpu.memref_squeeze %dma_wait3A_47 : memref<1x128xi32, #tpu.memory_space<vmem>> -> memref<128xi32, #tpu.memory_space<vmem>>
    %dma_wait3A_49 = arith.constant 0 : i32
    %dma_wait3A_50 = arith.constant 0 : i32
    %dma_wait3A_51 = tpu.memref_slice %arg5[%dma_wait3A_49, %dma_wait3A_50] : memref<1000000x128xf32, #tpu.memory_space<hbm>> -> memref<1000000x128xf32, #tpu.memory_space<hbm>>
    tpu.wait_indirect_dma semaphore(%arg12 : memref<!tpu.dma_semaphore, #tpu.memory_space<semaphore_mem>>) src(%dma_wait3A_51 : memref<1000000x128xf32, #tpu.memory_space<hbm>>) dst(%arg11 : memref<128x128xf32, #tpu.memory_space<vmem>>)
    %add3A_52 = arith.constant 0 : i32
    %add3A_53 = arith.addi %mul3A_2, %add3A_52 : i32
    "tpu.region"() ({
      %run_scoped3A_144 = tpu.sem_alloc : memref<!tpu.dma_semaphore, #tpu.memory_space<semaphore_mem>>
      %dma_start3A_145 = arith.constant 0 : i32
      %dma_start3A_146 = tpu.memref_slice %arg6[%add3A_53, %dma_start3A_145] : memref<16384x128xf32, #tpu.memory_space<hbm>> -> memref<128x128xf32, #tpu.memory_space<hbm>>
      %dma_start3A_147 = arith.constant 0 : i32
      %dma_start3A_148 = tpu.memref_slice %arg6[%add3A_53, %dma_start3A_147] : memref<16384x128xf32, #tpu.memory_space<hbm>> -> memref<128x128xf32, #tpu.memory_space<hbm>>
      tpu.enqueue_dma source(%arg10 : memref<128x128xf32, #tpu.memory_space<vmem>>) target(%dma_start3A_148 : memref<128x128xf32, #tpu.memory_space<hbm>>) target_semaphore(%run_scoped3A_144 : memref<!tpu.dma_semaphore, #tpu.memory_space<semaphore_mem>>)
      %dma_wait3A_149 = arith.constant 0 : i32
      %dma_wait3A_150 = tpu.memref_slice %arg6[%add3A_53, %dma_wait3A_149] : memref<16384x128xf32, #tpu.memory_space<hbm>> -> memref<128x128xf32, #tpu.memory_space<hbm>>
      %dma_wait3A_151 = arith.constant 0 : i32
      %dma_wait3A_152 = tpu.memref_slice %arg6[%add3A_53, %dma_wait3A_151] : memref<16384x128xf32, #tpu.memory_space<hbm>> -> memref<128x128xf32, #tpu.memory_space<hbm>>
      tpu.wait_dma2 semaphore(%run_scoped3A_144 : memref<!tpu.dma_semaphore, #tpu.memory_space<semaphore_mem>>) src(%arg10 : memref<128x128xf32, #tpu.memory_space<vmem>>) dst(%dma_wait3A_152 : memref<128x128xf32, #tpu.memory_space<hbm>>)
      tpu.yield
    }) : () -> ()
    "tpu.region"() ({
      %run_scoped3A_144 = tpu.sem_alloc : memref<!tpu.dma_semaphore, #tpu.memory_space<semaphore_mem>>
      %dma_start3A_145 = arith.constant 0 : i32
      %dma_start3A_146 = tpu.memref_slice %arg7[%add3A_53, %dma_start3A_145] : memref<16384x128xf32, #tpu.memory_space<hbm>> -> memref<128x128xf32, #tpu.memory_space<hbm>>
      %dma_start3A_147 = arith.constant 0 : i32
      %dma_start3A_148 = tpu.memref_slice %arg7[%add3A_53, %dma_start3A_147] : memref<16384x128xf32, #tpu.memory_space<hbm>> -> memref<128x128xf32, #tpu.memory_space<hbm>>
      tpu.enqueue_dma source(%arg11 : memref<128x128xf32, #tpu.memory_space<vmem>>) target(%dma_start3A_148 : memref<128x128xf32, #tpu.memory_space<hbm>>) target_semaphore(%run_scoped3A_144 : memref<!tpu.dma_semaphore, #tpu.memory_space<semaphore_mem>>)
      %dma_wait3A_149 = arith.constant 0 : i32
      %dma_wait3A_150 = tpu.memref_slice %arg7[%add3A_53, %dma_wait3A_149] : memref<16384x128xf32, #tpu.memory_space<hbm>> -> memref<128x128xf32, #tpu.memory_space<hbm>>
      %dma_wait3A_151 = arith.constant 0 : i32
      %dma_wait3A_152 = tpu.memref_slice %arg7[%add3A_53, %dma_wait3A_151] : memref<16384x128xf32, #tpu.memory_space<hbm>> -> memref<128x128xf32, #tpu.memory_space<hbm>>
      tpu.wait_dma2 semaphore(%run_scoped3A_144 : memref<!tpu.dma_semaphore, #tpu.memory_space<semaphore_mem>>) src(%arg11 : memref<128x128xf32, #tpu.memory_space<vmem>>) dst(%dma_wait3A_152 : memref<128x128xf32, #tpu.memory_space<hbm>>)
      tpu.yield
    }) : () -> ()
    %dma_start3A_54 = arith.constant 1 : i32
    %dma_start3A_55 = arith.constant 0 : i32
    %dma_start3A_56 = tpu.memref_slice %arg8[%dma_start3A_54, %dma_start3A_55] : memref<4x128xi32, #tpu.memory_space<vmem>> -> memref<1x128xi32, #tpu.memory_space<vmem>>
    %dma_start3A_57 = tpu.memref_squeeze %dma_start3A_56 : memref<1x128xi32, #tpu.memory_space<vmem>> -> memref<128xi32, #tpu.memory_space<vmem>>
    %dma_start3A_58 = arith.constant 0 : i32
    %dma_start3A_59 = arith.constant 0 : i32
    %dma_start3A_60 = tpu.memref_slice %arg4[%dma_start3A_58, %dma_start3A_59] : memref<1000000x128xf32, #tpu.memory_space<hbm>> -> memref<1000000x128xf32, #tpu.memory_space<hbm>>
    tpu.enqueue_indirect_dma source(%dma_start3A_60 : memref<1000000x128xf32, #tpu.memory_space<hbm>>) target(%arg10 : memref<128x128xf32, #tpu.memory_space<vmem>>) offsets(%dma_start3A_57 : memref<128xi32, #tpu.memory_space<vmem>>) semaphore(%arg12 : memref<!tpu.dma_semaphore, #tpu.memory_space<semaphore_mem>>)
    %dma_start3A_61 = arith.constant 1 : i32
    %dma_start3A_62 = arith.constant 0 : i32
    %dma_start3A_63 = tpu.memref_slice %arg9[%dma_start3A_61, %dma_start3A_62] : memref<4x128xi32, #tpu.memory_space<vmem>> -> memref<1x128xi32, #tpu.memory_space<vmem>>
    %dma_start3A_64 = tpu.memref_squeeze %dma_start3A_63 : memref<1x128xi32, #tpu.memory_space<vmem>> -> memref<128xi32, #tpu.memory_space<vmem>>
    %dma_start3A_65 = arith.constant 0 : i32
    %dma_start3A_66 = arith.constant 0 : i32
    %dma_start3A_67 = tpu.memref_slice %arg5[%dma_start3A_65, %dma_start3A_66] : memref<1000000x128xf32, #tpu.memory_space<hbm>> -> memref<1000000x128xf32, #tpu.memory_space<hbm>>
    tpu.enqueue_indirect_dma source(%dma_start3A_67 : memref<1000000x128xf32, #tpu.memory_space<hbm>>) target(%arg11 : memref<128x128xf32, #tpu.memory_space<vmem>>) offsets(%dma_start3A_64 : memref<128xi32, #tpu.memory_space<vmem>>) semaphore(%arg12 : memref<!tpu.dma_semaphore, #tpu.memory_space<semaphore_mem>>)
    %dma_wait3A_68 = arith.constant 1 : i32
    %dma_wait3A_69 = arith.constant 0 : i32
    %dma_wait3A_70 = tpu.memref_slice %arg8[%dma_wait3A_68, %dma_wait3A_69] : memref<4x128xi32, #tpu.memory_space<vmem>> -> memref<1x128xi32, #tpu.memory_space<vmem>>
    %dma_wait3A_71 = tpu.memref_squeeze %dma_wait3A_70 : memref<1x128xi32, #tpu.memory_space<vmem>> -> memref<128xi32, #tpu.memory_space<vmem>>
    %dma_wait3A_72 = arith.constant 0 : i32
    %dma_wait3A_73 = arith.constant 0 : i32
    %dma_wait3A_74 = tpu.memref_slice %arg4[%dma_wait3A_72, %dma_wait3A_73] : memref<1000000x128xf32, #tpu.memory_space<hbm>> -> memref<1000000x128xf32, #tpu.memory_space<hbm>>
    tpu.wait_indirect_dma semaphore(%arg12 : memref<!tpu.dma_semaphore, #tpu.memory_space<semaphore_mem>>) src(%dma_wait3A_74 : memref<1000000x128xf32, #tpu.memory_space<hbm>>) dst(%arg10 : memref<128x128xf32, #tpu.memory_space<vmem>>)
    %dma_wait3A_75 = arith.constant 1 : i32
    %dma_wait3A_76 = arith.constant 0 : i32
    %dma_wait3A_77 = tpu.memref_slice %arg9[%dma_wait3A_75, %dma_wait3A_76] : memref<4x128xi32, #tpu.memory_space<vmem>> -> memref<1x128xi32, #tpu.memory_space<vmem>>
    %dma_wait3A_78 = tpu.memref_squeeze %dma_wait3A_77 : memref<1x128xi32, #tpu.memory_space<vmem>> -> memref<128xi32, #tpu.memory_space<vmem>>
    %dma_wait3A_79 = arith.constant 0 : i32
    %dma_wait3A_80 = arith.constant 0 : i32
    %dma_wait3A_81 = tpu.memref_slice %arg5[%dma_wait3A_79, %dma_wait3A_80] : memref<1000000x128xf32, #tpu.memory_space<hbm>> -> memref<1000000x128xf32, #tpu.memory_space<hbm>>
    tpu.wait_indirect_dma semaphore(%arg12 : memref<!tpu.dma_semaphore, #tpu.memory_space<semaphore_mem>>) src(%dma_wait3A_81 : memref<1000000x128xf32, #tpu.memory_space<hbm>>) dst(%arg11 : memref<128x128xf32, #tpu.memory_space<vmem>>)
    %add3A_82 = arith.constant 128 : i32
    %add3A_83 = arith.addi %mul3A_2, %add3A_82 : i32
    "tpu.region"() ({
      %run_scoped3A_144 = tpu.sem_alloc : memref<!tpu.dma_semaphore, #tpu.memory_space<semaphore_mem>>
      %dma_start3A_145 = arith.constant 0 : i32
      %dma_start3A_146 = tpu.memref_slice %arg6[%add3A_83, %dma_start3A_145] : memref<16384x128xf32, #tpu.memory_space<hbm>> -> memref<128x128xf32, #tpu.memory_space<hbm>>
      %dma_start3A_147 = arith.constant 0 : i32
      %dma_start3A_148 = tpu.memref_slice %arg6[%add3A_83, %dma_start3A_147] : memref<16384x128xf32, #tpu.memory_space<hbm>> -> memref<128x128xf32, #tpu.memory_space<hbm>>
      tpu.enqueue_dma source(%arg10 : memref<128x128xf32, #tpu.memory_space<vmem>>) target(%dma_start3A_148 : memref<128x128xf32, #tpu.memory_space<hbm>>) target_semaphore(%run_scoped3A_144 : memref<!tpu.dma_semaphore, #tpu.memory_space<semaphore_mem>>)
      %dma_wait3A_149 = arith.constant 0 : i32
      %dma_wait3A_150 = tpu.memref_slice %arg6[%add3A_83, %dma_wait3A_149] : memref<16384x128xf32, #tpu.memory_space<hbm>> -> memref<128x128xf32, #tpu.memory_space<hbm>>
      %dma_wait3A_151 = arith.constant 0 : i32
      %dma_wait3A_152 = tpu.memref_slice %arg6[%add3A_83, %dma_wait3A_151] : memref<16384x128xf32, #tpu.memory_space<hbm>> -> memref<128x128xf32, #tpu.memory_space<hbm>>
      tpu.wait_dma2 semaphore(%run_scoped3A_144 : memref<!tpu.dma_semaphore, #tpu.memory_space<semaphore_mem>>) src(%arg10 : memref<128x128xf32, #tpu.memory_space<vmem>>) dst(%dma_wait3A_152 : memref<128x128xf32, #tpu.memory_space<hbm>>)
      tpu.yield
    }) : () -> ()
    "tpu.region"() ({
      %run_scoped3A_144 = tpu.sem_alloc : memref<!tpu.dma_semaphore, #tpu.memory_space<semaphore_mem>>
      %dma_start3A_145 = arith.constant 0 : i32
      %dma_start3A_146 = tpu.memref_slice %arg7[%add3A_83, %dma_start3A_145] : memref<16384x128xf32, #tpu.memory_space<hbm>> -> memref<128x128xf32, #tpu.memory_space<hbm>>
      %dma_start3A_147 = arith.constant 0 : i32
      %dma_start3A_148 = tpu.memref_slice %arg7[%add3A_83, %dma_start3A_147] : memref<16384x128xf32, #tpu.memory_space<hbm>> -> memref<128x128xf32, #tpu.memory_space<hbm>>
      tpu.enqueue_dma source(%arg11 : memref<128x128xf32, #tpu.memory_space<vmem>>) target(%dma_start3A_148 : memref<128x128xf32, #tpu.memory_space<hbm>>) target_semaphore(%run_scoped3A_144 : memref<!tpu.dma_semaphore, #tpu.memory_space<semaphore_mem>>)
      %dma_wait3A_149 = arith.constant 0 : i32
      %dma_wait3A_150 = tpu.memref_slice %arg7[%add3A_83, %dma_wait3A_149] : memref<16384x128xf32, #tpu.memory_space<hbm>> -> memref<128x128xf32, #tpu.memory_space<hbm>>
      %dma_wait3A_151 = arith.constant 0 : i32
      %dma_wait3A_152 = tpu.memref_slice %arg7[%add3A_83, %dma_wait3A_151] : memref<16384x128xf32, #tpu.memory_space<hbm>> -> memref<128x128xf32, #tpu.memory_space<hbm>>
      tpu.wait_dma2 semaphore(%run_scoped3A_144 : memref<!tpu.dma_semaphore, #tpu.memory_space<semaphore_mem>>) src(%arg11 : memref<128x128xf32, #tpu.memory_space<vmem>>) dst(%dma_wait3A_152 : memref<128x128xf32, #tpu.memory_space<hbm>>)
      tpu.yield
    }) : () -> ()
    %dma_start3A_84 = arith.constant 2 : i32
    %dma_start3A_85 = arith.constant 0 : i32
    %dma_start3A_86 = tpu.memref_slice %arg8[%dma_start3A_84, %dma_start3A_85] : memref<4x128xi32, #tpu.memory_space<vmem>> -> memref<1x128xi32, #tpu.memory_space<vmem>>
    %dma_start3A_87 = tpu.memref_squeeze %dma_start3A_86 : memref<1x128xi32, #tpu.memory_space<vmem>> -> memref<128xi32, #tpu.memory_space<vmem>>
    %dma_start3A_88 = arith.constant 0 : i32
    %dma_start3A_89 = arith.constant 0 : i32
    %dma_start3A_90 = tpu.memref_slice %arg4[%dma_start3A_88, %dma_start3A_89] : memref<1000000x128xf32, #tpu.memory_space<hbm>> -> memref<1000000x128xf32, #tpu.memory_space<hbm>>
    tpu.enqueue_indirect_dma source(%dma_start3A_90 : memref<1000000x128xf32, #tpu.memory_space<hbm>>) target(%arg10 : memref<128x128xf32, #tpu.memory_space<vmem>>) offsets(%dma_start3A_87 : memref<128xi32, #tpu.memory_space<vmem>>) semaphore(%arg12 : memref<!tpu.dma_semaphore, #tpu.memory_space<semaphore_mem>>)
    %dma_start3A_91 = arith.constant 2 : i32
    %dma_start3A_92 = arith.constant 0 : i32
    %dma_start3A_93 = tpu.memref_slice %arg9[%dma_start3A_91, %dma_start3A_92] : memref<4x128xi32, #tpu.memory_space<vmem>> -> memref<1x128xi32, #tpu.memory_space<vmem>>
    %dma_start3A_94 = tpu.memref_squeeze %dma_start3A_93 : memref<1x128xi32, #tpu.memory_space<vmem>> -> memref<128xi32, #tpu.memory_space<vmem>>
    %dma_start3A_95 = arith.constant 0 : i32
    %dma_start3A_96 = arith.constant 0 : i32
    %dma_start3A_97 = tpu.memref_slice %arg5[%dma_start3A_95, %dma_start3A_96] : memref<1000000x128xf32, #tpu.memory_space<hbm>> -> memref<1000000x128xf32, #tpu.memory_space<hbm>>
    tpu.enqueue_indirect_dma source(%dma_start3A_97 : memref<1000000x128xf32, #tpu.memory_space<hbm>>) target(%arg11 : memref<128x128xf32, #tpu.memory_space<vmem>>) offsets(%dma_start3A_94 : memref<128xi32, #tpu.memory_space<vmem>>) semaphore(%arg12 : memref<!tpu.dma_semaphore, #tpu.memory_space<semaphore_mem>>)
    %dma_wait3A_98 = arith.constant 2 : i32
    %dma_wait3A_99 = arith.constant 0 : i32
    %dma_wait3A_100 = tpu.memref_slice %arg8[%dma_wait3A_98, %dma_wait3A_99] : memref<4x128xi32, #tpu.memory_space<vmem>> -> memref<1x128xi32, #tpu.memory_space<vmem>>
    %dma_wait3A_101 = tpu.memref_squeeze %dma_wait3A_100 : memref<1x128xi32, #tpu.memory_space<vmem>> -> memref<128xi32, #tpu.memory_space<vmem>>
    %dma_wait3A_102 = arith.constant 0 : i32
    %dma_wait3A_103 = arith.constant 0 : i32
    %dma_wait3A_104 = tpu.memref_slice %arg4[%dma_wait3A_102, %dma_wait3A_103] : memref<1000000x128xf32, #tpu.memory_space<hbm>> -> memref<1000000x128xf32, #tpu.memory_space<hbm>>
    tpu.wait_indirect_dma semaphore(%arg12 : memref<!tpu.dma_semaphore, #tpu.memory_space<semaphore_mem>>) src(%dma_wait3A_104 : memref<1000000x128xf32, #tpu.memory_space<hbm>>) dst(%arg10 : memref<128x128xf32, #tpu.memory_space<vmem>>)
    %dma_wait3A_105 = arith.constant 2 : i32
    %dma_wait3A_106 = arith.constant 0 : i32
    %dma_wait3A_107 = tpu.memref_slice %arg9[%dma_wait3A_105, %dma_wait3A_106] : memref<4x128xi32, #tpu.memory_space<vmem>> -> memref<1x128xi32, #tpu.memory_space<vmem>>
    %dma_wait3A_108 = tpu.memref_squeeze %dma_wait3A_107 : memref<1x128xi32, #tpu.memory_space<vmem>> -> memref<128xi32, #tpu.memory_space<vmem>>
    %dma_wait3A_109 = arith.constant 0 : i32
    %dma_wait3A_110 = arith.constant 0 : i32
    %dma_wait3A_111 = tpu.memref_slice %arg5[%dma_wait3A_109, %dma_wait3A_110] : memref<1000000x128xf32, #tpu.memory_space<hbm>> -> memref<1000000x128xf32, #tpu.memory_space<hbm>>
    tpu.wait_indirect_dma semaphore(%arg12 : memref<!tpu.dma_semaphore, #tpu.memory_space<semaphore_mem>>) src(%dma_wait3A_111 : memref<1000000x128xf32, #tpu.memory_space<hbm>>) dst(%arg11 : memref<128x128xf32, #tpu.memory_space<vmem>>)
    %add3A_112 = arith.constant 256 : i32
    %add3A_113 = arith.addi %mul3A_2, %add3A_112 : i32
    "tpu.region"() ({
      %run_scoped3A_144 = tpu.sem_alloc : memref<!tpu.dma_semaphore, #tpu.memory_space<semaphore_mem>>
      %dma_start3A_145 = arith.constant 0 : i32
      %dma_start3A_146 = tpu.memref_slice %arg6[%add3A_113, %dma_start3A_145] : memref<16384x128xf32, #tpu.memory_space<hbm>> -> memref<128x128xf32, #tpu.memory_space<hbm>>
      %dma_start3A_147 = arith.constant 0 : i32
      %dma_start3A_148 = tpu.memref_slice %arg6[%add3A_113, %dma_start3A_147] : memref<16384x128xf32, #tpu.memory_space<hbm>> -> memref<128x128xf32, #tpu.memory_space<hbm>>
      tpu.enqueue_dma source(%arg10 : memref<128x128xf32, #tpu.memory_space<vmem>>) target(%dma_start3A_148 : memref<128x128xf32, #tpu.memory_space<hbm>>) target_semaphore(%run_scoped3A_144 : memref<!tpu.dma_semaphore, #tpu.memory_space<semaphore_mem>>)
      %dma_wait3A_149 = arith.constant 0 : i32
      %dma_wait3A_150 = tpu.memref_slice %arg6[%add3A_113, %dma_wait3A_149] : memref<16384x128xf32, #tpu.memory_space<hbm>> -> memref<128x128xf32, #tpu.memory_space<hbm>>
      %dma_wait3A_151 = arith.constant 0 : i32
      %dma_wait3A_152 = tpu.memref_slice %arg6[%add3A_113, %dma_wait3A_151] : memref<16384x128xf32, #tpu.memory_space<hbm>> -> memref<128x128xf32, #tpu.memory_space<hbm>>
      tpu.wait_dma2 semaphore(%run_scoped3A_144 : memref<!tpu.dma_semaphore, #tpu.memory_space<semaphore_mem>>) src(%arg10 : memref<128x128xf32, #tpu.memory_space<vmem>>) dst(%dma_wait3A_152 : memref<128x128xf32, #tpu.memory_space<hbm>>)
      tpu.yield
    }) : () -> ()
    "tpu.region"() ({
      %run_scoped3A_144 = tpu.sem_alloc : memref<!tpu.dma_semaphore, #tpu.memory_space<semaphore_mem>>
      %dma_start3A_145 = arith.constant 0 : i32
      %dma_start3A_146 = tpu.memref_slice %arg7[%add3A_113, %dma_start3A_145] : memref<16384x128xf32, #tpu.memory_space<hbm>> -> memref<128x128xf32, #tpu.memory_space<hbm>>
      %dma_start3A_147 = arith.constant 0 : i32
      %dma_start3A_148 = tpu.memref_slice %arg7[%add3A_113, %dma_start3A_147] : memref<16384x128xf32, #tpu.memory_space<hbm>> -> memref<128x128xf32, #tpu.memory_space<hbm>>
      tpu.enqueue_dma source(%arg11 : memref<128x128xf32, #tpu.memory_space<vmem>>) target(%dma_start3A_148 : memref<128x128xf32, #tpu.memory_space<hbm>>) target_semaphore(%run_scoped3A_144 : memref<!tpu.dma_semaphore, #tpu.memory_space<semaphore_mem>>)
      %dma_wait3A_149 = arith.constant 0 : i32
      %dma_wait3A_150 = tpu.memref_slice %arg7[%add3A_113, %dma_wait3A_149] : memref<16384x128xf32, #tpu.memory_space<hbm>> -> memref<128x128xf32, #tpu.memory_space<hbm>>
      %dma_wait3A_151 = arith.constant 0 : i32
      %dma_wait3A_152 = tpu.memref_slice %arg7[%add3A_113, %dma_wait3A_151] : memref<16384x128xf32, #tpu.memory_space<hbm>> -> memref<128x128xf32, #tpu.memory_space<hbm>>
      tpu.wait_dma2 semaphore(%run_scoped3A_144 : memref<!tpu.dma_semaphore, #tpu.memory_space<semaphore_mem>>) src(%arg11 : memref<128x128xf32, #tpu.memory_space<vmem>>) dst(%dma_wait3A_152 : memref<128x128xf32, #tpu.memory_space<hbm>>)
      tpu.yield
    }) : () -> ()
    %dma_start3A_114 = arith.constant 3 : i32
    %dma_start3A_115 = arith.constant 0 : i32
    %dma_start3A_116 = tpu.memref_slice %arg8[%dma_start3A_114, %dma_start3A_115] : memref<4x128xi32, #tpu.memory_space<vmem>> -> memref<1x128xi32, #tpu.memory_space<vmem>>
    %dma_start3A_117 = tpu.memref_squeeze %dma_start3A_116 : memref<1x128xi32, #tpu.memory_space<vmem>> -> memref<128xi32, #tpu.memory_space<vmem>>
    %dma_start3A_118 = arith.constant 0 : i32
    %dma_start3A_119 = arith.constant 0 : i32
    %dma_start3A_120 = tpu.memref_slice %arg4[%dma_start3A_118, %dma_start3A_119] : memref<1000000x128xf32, #tpu.memory_space<hbm>> -> memref<1000000x128xf32, #tpu.memory_space<hbm>>
    tpu.enqueue_indirect_dma source(%dma_start3A_120 : memref<1000000x128xf32, #tpu.memory_space<hbm>>) target(%arg10 : memref<128x128xf32, #tpu.memory_space<vmem>>) offsets(%dma_start3A_117 : memref<128xi32, #tpu.memory_space<vmem>>) semaphore(%arg12 : memref<!tpu.dma_semaphore, #tpu.memory_space<semaphore_mem>>)
    %dma_start3A_121 = arith.constant 3 : i32
    %dma_start3A_122 = arith.constant 0 : i32
    %dma_start3A_123 = tpu.memref_slice %arg9[%dma_start3A_121, %dma_start3A_122] : memref<4x128xi32, #tpu.memory_space<vmem>> -> memref<1x128xi32, #tpu.memory_space<vmem>>
    %dma_start3A_124 = tpu.memref_squeeze %dma_start3A_123 : memref<1x128xi32, #tpu.memory_space<vmem>> -> memref<128xi32, #tpu.memory_space<vmem>>
    %dma_start3A_125 = arith.constant 0 : i32
    %dma_start3A_126 = arith.constant 0 : i32
    %dma_start3A_127 = tpu.memref_slice %arg5[%dma_start3A_125, %dma_start3A_126] : memref<1000000x128xf32, #tpu.memory_space<hbm>> -> memref<1000000x128xf32, #tpu.memory_space<hbm>>
    tpu.enqueue_indirect_dma source(%dma_start3A_127 : memref<1000000x128xf32, #tpu.memory_space<hbm>>) target(%arg11 : memref<128x128xf32, #tpu.memory_space<vmem>>) offsets(%dma_start3A_124 : memref<128xi32, #tpu.memory_space<vmem>>) semaphore(%arg12 : memref<!tpu.dma_semaphore, #tpu.memory_space<semaphore_mem>>)
    %dma_wait3A_128 = arith.constant 3 : i32
    %dma_wait3A_129 = arith.constant 0 : i32
    %dma_wait3A_130 = tpu.memref_slice %arg8[%dma_wait3A_128, %dma_wait3A_129] : memref<4x128xi32, #tpu.memory_space<vmem>> -> memref<1x128xi32, #tpu.memory_space<vmem>>
    %dma_wait3A_131 = tpu.memref_squeeze %dma_wait3A_130 : memref<1x128xi32, #tpu.memory_space<vmem>> -> memref<128xi32, #tpu.memory_space<vmem>>
    %dma_wait3A_132 = arith.constant 0 : i32
    %dma_wait3A_133 = arith.constant 0 : i32
    %dma_wait3A_134 = tpu.memref_slice %arg4[%dma_wait3A_132, %dma_wait3A_133] : memref<1000000x128xf32, #tpu.memory_space<hbm>> -> memref<1000000x128xf32, #tpu.memory_space<hbm>>
    tpu.wait_indirect_dma semaphore(%arg12 : memref<!tpu.dma_semaphore, #tpu.memory_space<semaphore_mem>>) src(%dma_wait3A_134 : memref<1000000x128xf32, #tpu.memory_space<hbm>>) dst(%arg10 : memref<128x128xf32, #tpu.memory_space<vmem>>)
    %dma_wait3A_135 = arith.constant 3 : i32
    %dma_wait3A_136 = arith.constant 0 : i32
    %dma_wait3A_137 = tpu.memref_slice %arg9[%dma_wait3A_135, %dma_wait3A_136] : memref<4x128xi32, #tpu.memory_space<vmem>> -> memref<1x128xi32, #tpu.memory_space<vmem>>
    %dma_wait3A_138 = tpu.memref_squeeze %dma_wait3A_137 : memref<1x128xi32, #tpu.memory_space<vmem>> -> memref<128xi32, #tpu.memory_space<vmem>>
    %dma_wait3A_139 = arith.constant 0 : i32
    %dma_wait3A_140 = arith.constant 0 : i32
    %dma_wait3A_141 = tpu.memref_slice %arg5[%dma_wait3A_139, %dma_wait3A_140] : memref<1000000x128xf32, #tpu.memory_space<hbm>> -> memref<1000000x128xf32, #tpu.memory_space<hbm>>
    tpu.wait_indirect_dma semaphore(%arg12 : memref<!tpu.dma_semaphore, #tpu.memory_space<semaphore_mem>>) src(%dma_wait3A_141 : memref<1000000x128xf32, #tpu.memory_space<hbm>>) dst(%arg11 : memref<128x128xf32, #tpu.memory_space<vmem>>)
    %add3A_142 = arith.constant 384 : i32
    %add3A_143 = arith.addi %mul3A_2, %add3A_142 : i32
    "tpu.region"() ({
      %run_scoped3A_144 = tpu.sem_alloc : memref<!tpu.dma_semaphore, #tpu.memory_space<semaphore_mem>>
      %dma_start3A_145 = arith.constant 0 : i32
      %dma_start3A_146 = tpu.memref_slice %arg6[%add3A_143, %dma_start3A_145] : memref<16384x128xf32, #tpu.memory_space<hbm>> -> memref<128x128xf32, #tpu.memory_space<hbm>>
      %dma_start3A_147 = arith.constant 0 : i32
      %dma_start3A_148 = tpu.memref_slice %arg6[%add3A_143, %dma_start3A_147] : memref<16384x128xf32, #tpu.memory_space<hbm>> -> memref<128x128xf32, #tpu.memory_space<hbm>>
      tpu.enqueue_dma source(%arg10 : memref<128x128xf32, #tpu.memory_space<vmem>>) target(%dma_start3A_148 : memref<128x128xf32, #tpu.memory_space<hbm>>) target_semaphore(%run_scoped3A_144 : memref<!tpu.dma_semaphore, #tpu.memory_space<semaphore_mem>>)
      %dma_wait3A_149 = arith.constant 0 : i32
      %dma_wait3A_150 = tpu.memref_slice %arg6[%add3A_143, %dma_wait3A_149] : memref<16384x128xf32, #tpu.memory_space<hbm>> -> memref<128x128xf32, #tpu.memory_space<hbm>>
      %dma_wait3A_151 = arith.constant 0 : i32
      %dma_wait3A_152 = tpu.memref_slice %arg6[%add3A_143, %dma_wait3A_151] : memref<16384x128xf32, #tpu.memory_space<hbm>> -> memref<128x128xf32, #tpu.memory_space<hbm>>
      tpu.wait_dma2 semaphore(%run_scoped3A_144 : memref<!tpu.dma_semaphore, #tpu.memory_space<semaphore_mem>>) src(%arg10 : memref<128x128xf32, #tpu.memory_space<vmem>>) dst(%dma_wait3A_152 : memref<128x128xf32, #tpu.memory_space<hbm>>)
      tpu.yield
    }) : () -> ()
    "tpu.region"() ({
      %run_scoped3A_144 = tpu.sem_alloc : memref<!tpu.dma_semaphore, #tpu.memory_space<semaphore_mem>>
      %dma_start3A_145 = arith.constant 0 : i32
      %dma_start3A_146 = tpu.memref_slice %arg7[%add3A_143, %dma_start3A_145] : memref<16384x128xf32, #tpu.memory_space<hbm>> -> memref<128x128xf32, #tpu.memory_space<hbm>>
      %dma_start3A_147 = arith.constant 0 : i32
      %dma_start3A_148 = tpu.memref_slice %arg7[%add3A_143, %dma_start3A_147] : memref<16384x128xf32, #tpu.memory_space<hbm>> -> memref<128x128xf32, #tpu.memory_space<hbm>>
      tpu.enqueue_dma source(%arg11 : memref<128x128xf32, #tpu.memory_space<vmem>>) target(%dma_start3A_148 : memref<128x128xf32, #tpu.memory_space<hbm>>) target_semaphore(%run_scoped3A_144 : memref<!tpu.dma_semaphore, #tpu.memory_space<semaphore_mem>>)
      %dma_wait3A_149 = arith.constant 0 : i32
      %dma_wait3A_150 = tpu.memref_slice %arg7[%add3A_143, %dma_wait3A_149] : memref<16384x128xf32, #tpu.memory_space<hbm>> -> memref<128x128xf32, #tpu.memory_space<hbm>>
      %dma_wait3A_151 = arith.constant 0 : i32
      %dma_wait3A_152 = tpu.memref_slice %arg7[%add3A_143, %dma_wait3A_151] : memref<16384x128xf32, #tpu.memory_space<hbm>> -> memref<128x128xf32, #tpu.memory_space<hbm>>
      tpu.wait_dma2 semaphore(%run_scoped3A_144 : memref<!tpu.dma_semaphore, #tpu.memory_space<semaphore_mem>>) src(%arg11 : memref<128x128xf32, #tpu.memory_space<vmem>>) dst(%dma_wait3A_152 : memref<128x128xf32, #tpu.memory_space<hbm>>)
      tpu.yield
    }) : () -> ()
    return
  }
}

#map = affine_map<(d0, d1) -> (0)>
#map1 = affine_map<(d0, d1) -> (0, 0)>
module attributes {stable_mosaic.version = 14 : i64} {
  func.func @_gather_gmf_sc(%arg0: i32, %arg1: i32, %arg2: memref<16384xi32, #tpu.memory_space<hbm>>, %arg3: memref<16384xi32, #tpu.memory_space<hbm>>, %arg4: memref<32x1000000xf32, #tpu.memory_space<hbm>>, %arg5: memref<32x1000000xf32, #tpu.memory_space<hbm>>, %arg6: memref<16384x32xf32, #tpu.memory_space<hbm>>, %arg7: memref<16384x32xf32, #tpu.memory_space<hbm>>, %arg8: memref<528xi32, #tpu.memory_space<vmem>>, %arg9: memref<528xi32, #tpu.memory_space<vmem>>, %arg10: memref<4x32x128xf32, #tpu.memory_space<vmem>>, %arg11: memref<4x32x128xf32, #tpu.memory_space<vmem>>, %arg12: memref<4x32x128xf32, #tpu.memory_space<vmem>>, %arg13: memref<4x32x128xf32, #tpu.memory_space<vmem>>, %arg14: memref<8x32xf32, #tpu.memory_space<vmem>>, %arg15: memref<8x32xf32, #tpu.memory_space<vmem>>, %arg16: memref<!tpu.dma_semaphore, #tpu.memory_space<semaphore_mem>>, %arg17: memref<!tpu.dma_semaphore, #tpu.memory_space<semaphore_mem>>) attributes {dimension_semantics = [#tpu.dimension_semantics<core_parallel>, #tpu.dimension_semantics<subcore_parallel>], iteration_bounds = array<i64: 2, 16>, scalar_prefetch = 0 : i64, scratch_operands = 10 : i64, tpu.core_type = #tpu.core_type<sc_vector_subcore>, window_params = [{transform_indices = #map}, {transform_indices = #map}, {transform_indices = #map1}, {transform_indices = #map1}, {transform_indices = #map1}, {transform_indices = #map1}]} {
    %mul3A = arith.constant 2 : i32
    %mul3A_0 = arith.muli %arg1, %mul3A : i32
    %add3A = arith.addi %mul3A_0, %arg0 : i32
    %mul3A_1 = arith.constant 512 : i32
    %mul3A_2 = arith.muli %add3A, %mul3A_1 : i32
    "tpu.region"() ({
      %run_scoped3A = tpu.sem_alloc : memref<!tpu.dma_semaphore, #tpu.memory_space<semaphore_mem>>
      %dma_start3A_1471 = arith.constant 0 : i32
      %dma_start3A_1472 = tpu.memref_slice %arg8[%dma_start3A_1471] : memref<528xi32, #tpu.memory_space<vmem>> -> memref<512xi32, #tpu.memory_space<vmem>>
      %dma_start3A_1473 = tpu.memref_slice %arg2[%mul3A_2] : memref<16384xi32, #tpu.memory_space<hbm>> -> memref<512xi32, #tpu.memory_space<hbm>>
      %dma_start3A_1474 = arith.constant 0 : i32
      %dma_start3A_1475 = tpu.memref_slice %arg8[%dma_start3A_1474] : memref<528xi32, #tpu.memory_space<vmem>> -> memref<512xi32, #tpu.memory_space<vmem>>
      %dma_start3A_1476 = tpu.memref_slice %arg2[%mul3A_2] : memref<16384xi32, #tpu.memory_space<hbm>> -> memref<512xi32, #tpu.memory_space<hbm>>
      tpu.enqueue_dma source(%dma_start3A_1476 : memref<512xi32, #tpu.memory_space<hbm>>) target(%dma_start3A_1475 : memref<512xi32, #tpu.memory_space<vmem>>) target_semaphore(%run_scoped3A : memref<!tpu.dma_semaphore, #tpu.memory_space<semaphore_mem>>)
      %dma_wait3A_1477 = arith.constant 0 : i32
      %dma_wait3A_1478 = tpu.memref_slice %arg8[%dma_wait3A_1477] : memref<528xi32, #tpu.memory_space<vmem>> -> memref<512xi32, #tpu.memory_space<vmem>>
      %dma_wait3A_1479 = tpu.memref_slice %arg2[%mul3A_2] : memref<16384xi32, #tpu.memory_space<hbm>> -> memref<512xi32, #tpu.memory_space<hbm>>
      %dma_wait3A_1480 = arith.constant 0 : i32
      %dma_wait3A_1481 = tpu.memref_slice %arg8[%dma_wait3A_1480] : memref<528xi32, #tpu.memory_space<vmem>> -> memref<512xi32, #tpu.memory_space<vmem>>
      %dma_wait3A_1482 = tpu.memref_slice %arg2[%mul3A_2] : memref<16384xi32, #tpu.memory_space<hbm>> -> memref<512xi32, #tpu.memory_space<hbm>>
      tpu.wait_dma2 semaphore(%run_scoped3A : memref<!tpu.dma_semaphore, #tpu.memory_space<semaphore_mem>>) src(%dma_wait3A_1482 : memref<512xi32, #tpu.memory_space<hbm>>) dst(%dma_wait3A_1481 : memref<512xi32, #tpu.memory_space<vmem>>)
      tpu.yield
    }) : () -> ()
    "tpu.region"() ({
      %run_scoped3A = tpu.sem_alloc : memref<!tpu.dma_semaphore, #tpu.memory_space<semaphore_mem>>
      %dma_start3A_1471 = arith.constant 0 : i32
      %dma_start3A_1472 = tpu.memref_slice %arg9[%dma_start3A_1471] : memref<528xi32, #tpu.memory_space<vmem>> -> memref<512xi32, #tpu.memory_space<vmem>>
      %dma_start3A_1473 = tpu.memref_slice %arg3[%mul3A_2] : memref<16384xi32, #tpu.memory_space<hbm>> -> memref<512xi32, #tpu.memory_space<hbm>>
      %dma_start3A_1474 = arith.constant 0 : i32
      %dma_start3A_1475 = tpu.memref_slice %arg9[%dma_start3A_1474] : memref<528xi32, #tpu.memory_space<vmem>> -> memref<512xi32, #tpu.memory_space<vmem>>
      %dma_start3A_1476 = tpu.memref_slice %arg3[%mul3A_2] : memref<16384xi32, #tpu.memory_space<hbm>> -> memref<512xi32, #tpu.memory_space<hbm>>
      tpu.enqueue_dma source(%dma_start3A_1476 : memref<512xi32, #tpu.memory_space<hbm>>) target(%dma_start3A_1475 : memref<512xi32, #tpu.memory_space<vmem>>) target_semaphore(%run_scoped3A : memref<!tpu.dma_semaphore, #tpu.memory_space<semaphore_mem>>)
      %dma_wait3A_1477 = arith.constant 0 : i32
      %dma_wait3A_1478 = tpu.memref_slice %arg9[%dma_wait3A_1477] : memref<528xi32, #tpu.memory_space<vmem>> -> memref<512xi32, #tpu.memory_space<vmem>>
      %dma_wait3A_1479 = tpu.memref_slice %arg3[%mul3A_2] : memref<16384xi32, #tpu.memory_space<hbm>> -> memref<512xi32, #tpu.memory_space<hbm>>
      %dma_wait3A_1480 = arith.constant 0 : i32
      %dma_wait3A_1481 = tpu.memref_slice %arg9[%dma_wait3A_1480] : memref<528xi32, #tpu.memory_space<vmem>> -> memref<512xi32, #tpu.memory_space<vmem>>
      %dma_wait3A_1482 = tpu.memref_slice %arg3[%mul3A_2] : memref<16384xi32, #tpu.memory_space<hbm>> -> memref<512xi32, #tpu.memory_space<hbm>>
      tpu.wait_dma2 semaphore(%run_scoped3A : memref<!tpu.dma_semaphore, #tpu.memory_space<semaphore_mem>>) src(%dma_wait3A_1482 : memref<512xi32, #tpu.memory_space<hbm>>) dst(%dma_wait3A_1481 : memref<512xi32, #tpu.memory_space<vmem>>)
      tpu.yield
    }) : () -> ()
    %iota3A = tpu.iota {dimensions = array<i32: 0>} : vector<16xi32>
    %get3A = arith.constant 0 : index
    %get3A_3 = tpu.vector_load %arg8[%get3A] {strides = array<i32>} : memref<528xi32, #tpu.memory_space<vmem>>, vector<16xi32>,
    %get3A_4 = arith.constant 0 : index
    %get3A_5 = tpu.vector_load %arg9[%get3A_4] {strides = array<i32>} : memref<528xi32, #tpu.memory_space<vmem>>, vector<16xi32>,
    %slice3A = vector.extract_strided_slice %get3A_3 {offsets = [0], sizes = [1], strides = [1]} : vector<16xi32> to vector<1xi32>
    %squeeze3A = vector.extract %slice3A[0] : i32 from vector<1xi32>
    %slice3A_6 = vector.extract_strided_slice %get3A_5 {offsets = [0], sizes = [1], strides = [1]} : vector<16xi32> to vector<1xi32>
    %squeeze3A_7 = vector.extract %slice3A_6[0] : i32 from vector<1xi32>
    %jit3A = arith.constant 128 : i32
    %div3A = arith.divsi %squeeze3A, %jit3A : i32
    %sign3A = arith.constant 0 : i32
    %sign3A_8 = arith.cmpi sgt, %squeeze3A, %sign3A : i32
    %sign3A_9 = arith.extui %sign3A_8 : i1 to i32
    %sign3A_10 = arith.constant 0 : i32
    %sign3A_11 = arith.cmpi slt, %squeeze3A, %sign3A_10 : i32
    %sign3A_12 = arith.extui %sign3A_11 : i1 to i32
    %sign3A_13 = arith.subi %sign3A_9, %sign3A_12 : i32
    %sign3A_14 = arith.constant 0 : i32
    %sign3A_15 = arith.cmpi sgt, %jit3A, %sign3A_14 : i32
    %sign3A_16 = arith.extui %sign3A_15 : i1 to i32
    %sign3A_17 = arith.constant 0 : i32
    %sign3A_18 = arith.cmpi slt, %jit3A, %sign3A_17 : i32
    %sign3A_19 = arith.extui %sign3A_18 : i1 to i32
    %sign3A_20 = arith.subi %sign3A_16, %sign3A_19 : i32
    %ne3A = arith.cmpi ne, %sign3A_13, %sign3A_20 : i32
    %rem3A = arith.remsi %squeeze3A, %jit3A : i32
    %ne3A_21 = arith.constant 0 : i32
    %ne3A_22 = arith.cmpi ne, %rem3A, %ne3A_21 : i32
    %and3A = arith.andi %ne3A, %ne3A_22 : i1
    %sub3A = arith.constant 1 : i32
    %sub3A_23 = arith.subi %div3A, %sub3A : i32
    %select_n3A = arith.select %and3A, %sub3A_23, %div3A : i32
    %mul3A_24 = arith.constant 128 : i32
    %mul3A_25 = arith.muli %select_n3A, %mul3A_24 : i32
    %multiple_of3A = tpu.assume_multiple %mul3A_25, 128 : i32
    %jit3A_26 = arith.constant 128 : i32
    %div3A_27 = arith.divsi %squeeze3A_7, %jit3A_26 : i32
    %sign3A_28 = arith.constant 0 : i32
    %sign3A_29 = arith.cmpi sgt, %squeeze3A_7, %sign3A_28 : i32
    %sign3A_30 = arith.extui %sign3A_29 : i1 to i32
    %sign3A_31 = arith.constant 0 : i32
    %sign3A_32 = arith.cmpi slt, %squeeze3A_7, %sign3A_31 : i32
    %sign3A_33 = arith.extui %sign3A_32 : i1 to i32
    %sign3A_34 = arith.subi %sign3A_30, %sign3A_33 : i32
    %sign3A_35 = arith.constant 0 : i32
    %sign3A_36 = arith.cmpi sgt, %jit3A_26, %sign3A_35 : i32
    %sign3A_37 = arith.extui %sign3A_36 : i1 to i32
    %sign3A_38 = arith.constant 0 : i32
    %sign3A_39 = arith.cmpi slt, %jit3A_26, %sign3A_38 : i32
    %sign3A_40 = arith.extui %sign3A_39 : i1 to i32
    %sign3A_41 = arith.subi %sign3A_37, %sign3A_40 : i32
    %ne3A_42 = arith.cmpi ne, %sign3A_34, %sign3A_41 : i32
    %rem3A_43 = arith.remsi %squeeze3A_7, %jit3A_26 : i32
    %ne3A_44 = arith.constant 0 : i32
    %ne3A_45 = arith.cmpi ne, %rem3A_43, %ne3A_44 : i32
    %and3A_46 = arith.andi %ne3A_42, %ne3A_45 : i1
    %sub3A_47 = arith.constant 1 : i32
    %sub3A_48 = arith.subi %div3A_27, %sub3A_47 : i32
    %select_n3A_49 = arith.select %and3A_46, %sub3A_48, %div3A_27 : i32
    %mul3A_50 = arith.constant 128 : i32
    %mul3A_51 = arith.muli %select_n3A_49, %mul3A_50 : i32
    %multiple_of3A_52 = tpu.assume_multiple %mul3A_51, 128 : i32
    %dma_start3A = arith.constant 0 : i32
    %dma_start3A_53 = arith.constant 0 : i32
    %dma_start3A_54 = arith.constant 0 : i32
    %dma_start3A_55 = tpu.memref_slice %arg10[%dma_start3A, %dma_start3A_53, %dma_start3A_54] : memref<4x32x128xf32, #tpu.memory_space<vmem>> -> memref<1x32x128xf32, #tpu.memory_space<vmem>>
    %dma_start3A_56 = tpu.memref_squeeze %dma_start3A_55 : memref<1x32x128xf32, #tpu.memory_space<vmem>> -> memref<32x128xf32, #tpu.memory_space<vmem>>
    %dma_start3A_57 = arith.constant 0 : i32
    %dma_start3A_58 = tpu.memref_slice %arg4[%dma_start3A_57, %multiple_of3A] : memref<32x1000000xf32, #tpu.memory_space<hbm>> -> memref<32x128xf32, #tpu.memory_space<hbm>>
    %dma_start3A_59 = arith.constant 0 : i32
    %dma_start3A_60 = arith.constant 0 : i32
    %dma_start3A_61 = tpu.memref_slice %arg10[%dma_start3A, %dma_start3A_59, %dma_start3A_60] : memref<4x32x128xf32, #tpu.memory_space<vmem>> -> memref<1x32x128xf32, #tpu.memory_space<vmem>>
    %dma_start3A_62 = tpu.memref_squeeze %dma_start3A_61 : memref<1x32x128xf32, #tpu.memory_space<vmem>> -> memref<32x128xf32, #tpu.memory_space<vmem>>
    %dma_start3A_63 = arith.constant 0 : i32
    %dma_start3A_64 = tpu.memref_slice %arg4[%dma_start3A_63, %multiple_of3A] : memref<32x1000000xf32, #tpu.memory_space<hbm>> -> memref<32x128xf32, #tpu.memory_space<hbm>>
    tpu.enqueue_dma source(%dma_start3A_64 : memref<32x128xf32, #tpu.memory_space<hbm>>) target(%dma_start3A_62 : memref<32x128xf32, #tpu.memory_space<vmem>>) target_semaphore(%arg16 : memref<!tpu.dma_semaphore, #tpu.memory_space<semaphore_mem>>)
    %dma_start3A_65 = arith.constant 0 : i32
    %dma_start3A_66 = arith.constant 0 : i32
    %dma_start3A_67 = arith.constant 0 : i32
    %dma_start3A_68 = tpu.memref_slice %arg11[%dma_start3A_65, %dma_start3A_66, %dma_start3A_67] : memref<4x32x128xf32, #tpu.memory_space<vmem>> -> memref<1x32x128xf32, #tpu.memory_space<vmem>>
    %dma_start3A_69 = tpu.memref_squeeze %dma_start3A_68 : memref<1x32x128xf32, #tpu.memory_space<vmem>> -> memref<32x128xf32, #tpu.memory_space<vmem>>
    %dma_start3A_70 = arith.constant 0 : i32
    %dma_start3A_71 = tpu.memref_slice %arg5[%dma_start3A_70, %multiple_of3A_52] : memref<32x1000000xf32, #tpu.memory_space<hbm>> -> memref<32x128xf32, #tpu.memory_space<hbm>>
    %dma_start3A_72 = arith.constant 0 : i32
    %dma_start3A_73 = arith.constant 0 : i32
    %dma_start3A_74 = tpu.memref_slice %arg11[%dma_start3A_65, %dma_start3A_72, %dma_start3A_73] : memref<4x32x128xf32, #tpu.memory_space<vmem>> -> memref<1x32x128xf32, #tpu.memory_space<vmem>>
    %dma_start3A_75 = tpu.memref_squeeze %dma_start3A_74 : memref<1x32x128xf32, #tpu.memory_space<vmem>> -> memref<32x128xf32, #tpu.memory_space<vmem>>
    %dma_start3A_76 = arith.constant 0 : i32
    %dma_start3A_77 = tpu.memref_slice %arg5[%dma_start3A_76, %multiple_of3A_52] : memref<32x1000000xf32, #tpu.memory_space<hbm>> -> memref<32x128xf32, #tpu.memory_space<hbm>>
    tpu.enqueue_dma source(%dma_start3A_77 : memref<32x128xf32, #tpu.memory_space<hbm>>) target(%dma_start3A_75 : memref<32x128xf32, #tpu.memory_space<vmem>>) target_semaphore(%arg16 : memref<!tpu.dma_semaphore, #tpu.memory_space<semaphore_mem>>)
    %slice3A_78 = vector.extract_strided_slice %get3A_3 {offsets = [1], sizes = [1], strides = [1]} : vector<16xi32> to vector<1xi32>
    %squeeze3A_79 = vector.extract %slice3A_78[0] : i32 from vector<1xi32>
    %slice3A_80 = vector.extract_strided_slice %get3A_5 {offsets = [1], sizes = [1], strides = [1]} : vector<16xi32> to vector<1xi32>
    %squeeze3A_81 = vector.extract %slice3A_80[0] : i32 from vector<1xi32>
    %jit3A_82 = arith.constant 128 : i32
    %div3A_83 = arith.divsi %squeeze3A_79, %jit3A_82 : i32
    %sign3A_84 = arith.constant 0 : i32
    %sign3A_85 = arith.cmpi sgt, %squeeze3A_79, %sign3A_84 : i32
    %sign3A_86 = arith.extui %sign3A_85 : i1 to i32
    %sign3A_87 = arith.constant 0 : i32
    %sign3A_88 = arith.cmpi slt, %squeeze3A_79, %sign3A_87 : i32
    %sign3A_89 = arith.extui %sign3A_88 : i1 to i32
    %sign3A_90 = arith.subi %sign3A_86, %sign3A_89 : i32
    %sign3A_91 = arith.constant 0 : i32
    %sign3A_92 = arith.cmpi sgt, %jit3A_82, %sign3A_91 : i32
    %sign3A_93 = arith.extui %sign3A_92 : i1 to i32
    %sign3A_94 = arith.constant 0 : i32
    %sign3A_95 = arith.cmpi slt, %jit3A_82, %sign3A_94 : i32
    %sign3A_96 = arith.extui %sign3A_95 : i1 to i32
    %sign3A_97 = arith.subi %sign3A_93, %sign3A_96 : i32
    %ne3A_98 = arith.cmpi ne, %sign3A_90, %sign3A_97 : i32
    %rem3A_99 = arith.remsi %squeeze3A_79, %jit3A_82 : i32
    %ne3A_100 = arith.constant 0 : i32
    %ne3A_101 = arith.cmpi ne, %rem3A_99, %ne3A_100 : i32
    %and3A_102 = arith.andi %ne3A_98, %ne3A_101 : i1
    %sub3A_103 = arith.constant 1 : i32
    %sub3A_104 = arith.subi %div3A_83, %sub3A_103 : i32
    %select_n3A_105 = arith.select %and3A_102, %sub3A_104, %div3A_83 : i32
    %mul3A_106 = arith.constant 128 : i32
    %mul3A_107 = arith.muli %select_n3A_105, %mul3A_106 : i32
    %multiple_of3A_108 = tpu.assume_multiple %mul3A_107, 128 : i32
    %jit3A_109 = arith.constant 128 : i32
    %div3A_110 = arith.divsi %squeeze3A_81, %jit3A_109 : i32
    %sign3A_111 = arith.constant 0 : i32
    %sign3A_112 = arith.cmpi sgt, %squeeze3A_81, %sign3A_111 : i32
    %sign3A_113 = arith.extui %sign3A_112 : i1 to i32
    %sign3A_114 = arith.constant 0 : i32
    %sign3A_115 = arith.cmpi slt, %squeeze3A_81, %sign3A_114 : i32
    %sign3A_116 = arith.extui %sign3A_115 : i1 to i32
    %sign3A_117 = arith.subi %sign3A_113, %sign3A_116 : i32
    %sign3A_118 = arith.constant 0 : i32
    %sign3A_119 = arith.cmpi sgt, %jit3A_109, %sign3A_118 : i32
    %sign3A_120 = arith.extui %sign3A_119 : i1 to i32
    %sign3A_121 = arith.constant 0 : i32
    %sign3A_122 = arith.cmpi slt, %jit3A_109, %sign3A_121 : i32
    %sign3A_123 = arith.extui %sign3A_122 : i1 to i32
    %sign3A_124 = arith.subi %sign3A_120, %sign3A_123 : i32
    %ne3A_125 = arith.cmpi ne, %sign3A_117, %sign3A_124 : i32
    %rem3A_126 = arith.remsi %squeeze3A_81, %jit3A_109 : i32
    %ne3A_127 = arith.constant 0 : i32
    %ne3A_128 = arith.cmpi ne, %rem3A_126, %ne3A_127 : i32
    %and3A_129 = arith.andi %ne3A_125, %ne3A_128 : i1
    %sub3A_130 = arith.constant 1 : i32
    %sub3A_131 = arith.subi %div3A_110, %sub3A_130 : i32
    %select_n3A_132 = arith.select %and3A_129, %sub3A_131, %div3A_110 : i32
    %mul3A_133 = arith.constant 128 : i32
    %mul3A_134 = arith.muli %select_n3A_132, %mul3A_133 : i32
    %multiple_of3A_135 = tpu.assume_multiple %mul3A_134, 128 : i32
    %dma_start3A_136 = arith.constant 1 : i32
    %dma_start3A_137 = arith.constant 0 : i32
    %dma_start3A_138 = arith.constant 0 : i32
    %dma_start3A_139 = tpu.memref_slice %arg10[%dma_start3A_136, %dma_start3A_137, %dma_start3A_138] : memref<4x32x128xf32, #tpu.memory_space<vmem>> -> memref<1x32x128xf32, #tpu.memory_space<vmem>>
    %dma_start3A_140 = tpu.memref_squeeze %dma_start3A_139 : memref<1x32x128xf32, #tpu.memory_space<vmem>> -> memref<32x128xf32, #tpu.memory_space<vmem>>
    %dma_start3A_141 = arith.constant 0 : i32
    %dma_start3A_142 = tpu.memref_slice %arg4[%dma_start3A_141, %multiple_of3A_108] : memref<32x1000000xf32, #tpu.memory_space<hbm>> -> memref<32x128xf32, #tpu.memory_space<hbm>>
    %dma_start3A_143 = arith.constant 0 : i32
    %dma_start3A_144 = arith.constant 0 : i32
    %dma_start3A_145 = tpu.memref_slice %arg10[%dma_start3A_136, %dma_start3A_143, %dma_start3A_144] : memref<4x32x128xf32, #tpu.memory_space<vmem>> -> memref<1x32x128xf32, #tpu.memory_space<vmem>>
    %dma_start3A_146 = tpu.memref_squeeze %dma_start3A_145 : memref<1x32x128xf32, #tpu.memory_space<vmem>> -> memref<32x128xf32, #tpu.memory_space<vmem>>
    %dma_start3A_147 = arith.constant 0 : i32
    %dma_start3A_148 = tpu.memref_slice %arg4[%dma_start3A_147, %multiple_of3A_108] : memref<32x1000000xf32, #tpu.memory_space<hbm>> -> memref<32x128xf32, #tpu.memory_space<hbm>>
    tpu.enqueue_dma source(%dma_start3A_148 : memref<32x128xf32, #tpu.memory_space<hbm>>) target(%dma_start3A_146 : memref<32x128xf32, #tpu.memory_space<vmem>>) target_semaphore(%arg16 : memref<!tpu.dma_semaphore, #tpu.memory_space<semaphore_mem>>)
    %dma_start3A_149 = arith.constant 1 : i32
    %dma_start3A_150 = arith.constant 0 : i32
    %dma_start3A_151 = arith.constant 0 : i32
    %dma_start3A_152 = tpu.memref_slice %arg11[%dma_start3A_149, %dma_start3A_150, %dma_start3A_151] : memref<4x32x128xf32, #tpu.memory_space<vmem>> -> memref<1x32x128xf32, #tpu.memory_space<vmem>>
    %dma_start3A_153 = tpu.memref_squeeze %dma_start3A_152 : memref<1x32x128xf32, #tpu.memory_space<vmem>> -> memref<32x128xf32, #tpu.memory_space<vmem>>
    %dma_start3A_154 = arith.constant 0 : i32
    %dma_start3A_155 = tpu.memref_slice %arg5[%dma_start3A_154, %multiple_of3A_135] : memref<32x1000000xf32, #tpu.memory_space<hbm>> -> memref<32x128xf32, #tpu.memory_space<hbm>>
    %dma_start3A_156 = arith.constant 0 : i32
    %dma_start3A_157 = arith.constant 0 : i32
    %dma_start3A_158 = tpu.memref_slice %arg11[%dma_start3A_149, %dma_start3A_156, %dma_start3A_157] : memref<4x32x128xf32, #tpu.memory_space<vmem>> -> memref<1x32x128xf32, #tpu.memory_space<vmem>>
    %dma_start3A_159 = tpu.memref_squeeze %dma_start3A_158 : memref<1x32x128xf32, #tpu.memory_space<vmem>> -> memref<32x128xf32, #tpu.memory_space<vmem>>
    %dma_start3A_160 = arith.constant 0 : i32
    %dma_start3A_161 = tpu.memref_slice %arg5[%dma_start3A_160, %multiple_of3A_135] : memref<32x1000000xf32, #tpu.memory_space<hbm>> -> memref<32x128xf32, #tpu.memory_space<hbm>>
    tpu.enqueue_dma source(%dma_start3A_161 : memref<32x128xf32, #tpu.memory_space<hbm>>) target(%dma_start3A_159 : memref<32x128xf32, #tpu.memory_space<vmem>>) target_semaphore(%arg16 : memref<!tpu.dma_semaphore, #tpu.memory_space<semaphore_mem>>)
    %slice3A_162 = vector.extract_strided_slice %get3A_3 {offsets = [2], sizes = [1], strides = [1]} : vector<16xi32> to vector<1xi32>
    %squeeze3A_163 = vector.extract %slice3A_162[0] : i32 from vector<1xi32>
    %slice3A_164 = vector.extract_strided_slice %get3A_5 {offsets = [2], sizes = [1], strides = [1]} : vector<16xi32> to vector<1xi32>
    %squeeze3A_165 = vector.extract %slice3A_164[0] : i32 from vector<1xi32>
    %jit3A_166 = arith.constant 128 : i32
    %div3A_167 = arith.divsi %squeeze3A_163, %jit3A_166 : i32
    %sign3A_168 = arith.constant 0 : i32
    %sign3A_169 = arith.cmpi sgt, %squeeze3A_163, %sign3A_168 : i32
    %sign3A_170 = arith.extui %sign3A_169 : i1 to i32
    %sign3A_171 = arith.constant 0 : i32
    %sign3A_172 = arith.cmpi slt, %squeeze3A_163, %sign3A_171 : i32
    %sign3A_173 = arith.extui %sign3A_172 : i1 to i32
    %sign3A_174 = arith.subi %sign3A_170, %sign3A_173 : i32
    %sign3A_175 = arith.constant 0 : i32
    %sign3A_176 = arith.cmpi sgt, %jit3A_166, %sign3A_175 : i32
    %sign3A_177 = arith.extui %sign3A_176 : i1 to i32
    %sign3A_178 = arith.constant 0 : i32
    %sign3A_179 = arith.cmpi slt, %jit3A_166, %sign3A_178 : i32
    %sign3A_180 = arith.extui %sign3A_179 : i1 to i32
    %sign3A_181 = arith.subi %sign3A_177, %sign3A_180 : i32
    %ne3A_182 = arith.cmpi ne, %sign3A_174, %sign3A_181 : i32
    %rem3A_183 = arith.remsi %squeeze3A_163, %jit3A_166 : i32
    %ne3A_184 = arith.constant 0 : i32
    %ne3A_185 = arith.cmpi ne, %rem3A_183, %ne3A_184 : i32
    %and3A_186 = arith.andi %ne3A_182, %ne3A_185 : i1
    %sub3A_187 = arith.constant 1 : i32
    %sub3A_188 = arith.subi %div3A_167, %sub3A_187 : i32
    %select_n3A_189 = arith.select %and3A_186, %sub3A_188, %div3A_167 : i32
    %mul3A_190 = arith.constant 128 : i32
    %mul3A_191 = arith.muli %select_n3A_189, %mul3A_190 : i32
    %multiple_of3A_192 = tpu.assume_multiple %mul3A_191, 128 : i32
    %jit3A_193 = arith.constant 128 : i32
    %div3A_194 = arith.divsi %squeeze3A_165, %jit3A_193 : i32
    %sign3A_195 = arith.constant 0 : i32
    %sign3A_196 = arith.cmpi sgt, %squeeze3A_165, %sign3A_195 : i32
    %sign3A_197 = arith.extui %sign3A_196 : i1 to i32
    %sign3A_198 = arith.constant 0 : i32
    %sign3A_199 = arith.cmpi slt, %squeeze3A_165, %sign3A_198 : i32
    %sign3A_200 = arith.extui %sign3A_199 : i1 to i32
    %sign3A_201 = arith.subi %sign3A_197, %sign3A_200 : i32
    %sign3A_202 = arith.constant 0 : i32
    %sign3A_203 = arith.cmpi sgt, %jit3A_193, %sign3A_202 : i32
    %sign3A_204 = arith.extui %sign3A_203 : i1 to i32
    %sign3A_205 = arith.constant 0 : i32
    %sign3A_206 = arith.cmpi slt, %jit3A_193, %sign3A_205 : i32
    %sign3A_207 = arith.extui %sign3A_206 : i1 to i32
    %sign3A_208 = arith.subi %sign3A_204, %sign3A_207 : i32
    %ne3A_209 = arith.cmpi ne, %sign3A_201, %sign3A_208 : i32
    %rem3A_210 = arith.remsi %squeeze3A_165, %jit3A_193 : i32
    %ne3A_211 = arith.constant 0 : i32
    %ne3A_212 = arith.cmpi ne, %rem3A_210, %ne3A_211 : i32
    %and3A_213 = arith.andi %ne3A_209, %ne3A_212 : i1
    %sub3A_214 = arith.constant 1 : i32
    %sub3A_215 = arith.subi %div3A_194, %sub3A_214 : i32
    %select_n3A_216 = arith.select %and3A_213, %sub3A_215, %div3A_194 : i32
    %mul3A_217 = arith.constant 128 : i32
    %mul3A_218 = arith.muli %select_n3A_216, %mul3A_217 : i32
    %multiple_of3A_219 = tpu.assume_multiple %mul3A_218, 128 : i32
    %dma_start3A_220 = arith.constant 2 : i32
    %dma_start3A_221 = arith.constant 0 : i32
    %dma_start3A_222 = arith.constant 0 : i32
    %dma_start3A_223 = tpu.memref_slice %arg10[%dma_start3A_220, %dma_start3A_221, %dma_start3A_222] : memref<4x32x128xf32, #tpu.memory_space<vmem>> -> memref<1x32x128xf32, #tpu.memory_space<vmem>>
    %dma_start3A_224 = tpu.memref_squeeze %dma_start3A_223 : memref<1x32x128xf32, #tpu.memory_space<vmem>> -> memref<32x128xf32, #tpu.memory_space<vmem>>
    %dma_start3A_225 = arith.constant 0 : i32
    %dma_start3A_226 = tpu.memref_slice %arg4[%dma_start3A_225, %multiple_of3A_192] : memref<32x1000000xf32, #tpu.memory_space<hbm>> -> memref<32x128xf32, #tpu.memory_space<hbm>>
    %dma_start3A_227 = arith.constant 0 : i32
    %dma_start3A_228 = arith.constant 0 : i32
    %dma_start3A_229 = tpu.memref_slice %arg10[%dma_start3A_220, %dma_start3A_227, %dma_start3A_228] : memref<4x32x128xf32, #tpu.memory_space<vmem>> -> memref<1x32x128xf32, #tpu.memory_space<vmem>>
    %dma_start3A_230 = tpu.memref_squeeze %dma_start3A_229 : memref<1x32x128xf32, #tpu.memory_space<vmem>> -> memref<32x128xf32, #tpu.memory_space<vmem>>
    %dma_start3A_231 = arith.constant 0 : i32
    %dma_start3A_232 = tpu.memref_slice %arg4[%dma_start3A_231, %multiple_of3A_192] : memref<32x1000000xf32, #tpu.memory_space<hbm>> -> memref<32x128xf32, #tpu.memory_space<hbm>>
    tpu.enqueue_dma source(%dma_start3A_232 : memref<32x128xf32, #tpu.memory_space<hbm>>) target(%dma_start3A_230 : memref<32x128xf32, #tpu.memory_space<vmem>>) target_semaphore(%arg16 : memref<!tpu.dma_semaphore, #tpu.memory_space<semaphore_mem>>)
    %dma_start3A_233 = arith.constant 2 : i32
    %dma_start3A_234 = arith.constant 0 : i32
    %dma_start3A_235 = arith.constant 0 : i32
    %dma_start3A_236 = tpu.memref_slice %arg11[%dma_start3A_233, %dma_start3A_234, %dma_start3A_235] : memref<4x32x128xf32, #tpu.memory_space<vmem>> -> memref<1x32x128xf32, #tpu.memory_space<vmem>>
    %dma_start3A_237 = tpu.memref_squeeze %dma_start3A_236 : memref<1x32x128xf32, #tpu.memory_space<vmem>> -> memref<32x128xf32, #tpu.memory_space<vmem>>
    %dma_start3A_238 = arith.constant 0 : i32
    %dma_start3A_239 = tpu.memref_slice %arg5[%dma_start3A_238, %multiple_of3A_219] : memref<32x1000000xf32, #tpu.memory_space<hbm>> -> memref<32x128xf32, #tpu.memory_space<hbm>>
    %dma_start3A_240 = arith.constant 0 : i32
    %dma_start3A_241 = arith.constant 0 : i32
    %dma_start3A_242 = tpu.memref_slice %arg11[%dma_start3A_233, %dma_start3A_240, %dma_start3A_241] : memref<4x32x128xf32, #tpu.memory_space<vmem>> -> memref<1x32x128xf32, #tpu.memory_space<vmem>>
    %dma_start3A_243 = tpu.memref_squeeze %dma_start3A_242 : memref<1x32x128xf32, #tpu.memory_space<vmem>> -> memref<32x128xf32, #tpu.memory_space<vmem>>
    %dma_start3A_244 = arith.constant 0 : i32
    %dma_start3A_245 = tpu.memref_slice %arg5[%dma_start3A_244, %multiple_of3A_219] : memref<32x1000000xf32, #tpu.memory_space<hbm>> -> memref<32x128xf32, #tpu.memory_space<hbm>>
    tpu.enqueue_dma source(%dma_start3A_245 : memref<32x128xf32, #tpu.memory_space<hbm>>) target(%dma_start3A_243 : memref<32x128xf32, #tpu.memory_space<vmem>>) target_semaphore(%arg16 : memref<!tpu.dma_semaphore, #tpu.memory_space<semaphore_mem>>)
    %slice3A_246 = vector.extract_strided_slice %get3A_3 {offsets = [3], sizes = [1], strides = [1]} : vector<16xi32> to vector<1xi32>
    %squeeze3A_247 = vector.extract %slice3A_246[0] : i32 from vector<1xi32>
    %slice3A_248 = vector.extract_strided_slice %get3A_5 {offsets = [3], sizes = [1], strides = [1]} : vector<16xi32> to vector<1xi32>
    %squeeze3A_249 = vector.extract %slice3A_248[0] : i32 from vector<1xi32>
    %jit3A_250 = arith.constant 128 : i32
    %div3A_251 = arith.divsi %squeeze3A_247, %jit3A_250 : i32
    %sign3A_252 = arith.constant 0 : i32
    %sign3A_253 = arith.cmpi sgt, %squeeze3A_247, %sign3A_252 : i32
    %sign3A_254 = arith.extui %sign3A_253 : i1 to i32
    %sign3A_255 = arith.constant 0 : i32
    %sign3A_256 = arith.cmpi slt, %squeeze3A_247, %sign3A_255 : i32
    %sign3A_257 = arith.extui %sign3A_256 : i1 to i32
    %sign3A_258 = arith.subi %sign3A_254, %sign3A_257 : i32
    %sign3A_259 = arith.constant 0 : i32
    %sign3A_260 = arith.cmpi sgt, %jit3A_250, %sign3A_259 : i32
    %sign3A_261 = arith.extui %sign3A_260 : i1 to i32
    %sign3A_262 = arith.constant 0 : i32
    %sign3A_263 = arith.cmpi slt, %jit3A_250, %sign3A_262 : i32
    %sign3A_264 = arith.extui %sign3A_263 : i1 to i32
    %sign3A_265 = arith.subi %sign3A_261, %sign3A_264 : i32
    %ne3A_266 = arith.cmpi ne, %sign3A_258, %sign3A_265 : i32
    %rem3A_267 = arith.remsi %squeeze3A_247, %jit3A_250 : i32
    %ne3A_268 = arith.constant 0 : i32
    %ne3A_269 = arith.cmpi ne, %rem3A_267, %ne3A_268 : i32
    %and3A_270 = arith.andi %ne3A_266, %ne3A_269 : i1
    %sub3A_271 = arith.constant 1 : i32
    %sub3A_272 = arith.subi %div3A_251, %sub3A_271 : i32
    %select_n3A_273 = arith.select %and3A_270, %sub3A_272, %div3A_251 : i32
    %mul3A_274 = arith.constant 128 : i32
    %mul3A_275 = arith.muli %select_n3A_273, %mul3A_274 : i32
    %multiple_of3A_276 = tpu.assume_multiple %mul3A_275, 128 : i32
    %jit3A_277 = arith.constant 128 : i32
    %div3A_278 = arith.divsi %squeeze3A_249, %jit3A_277 : i32
    %sign3A_279 = arith.constant 0 : i32
    %sign3A_280 = arith.cmpi sgt, %squeeze3A_249, %sign3A_279 : i32
    %sign3A_281 = arith.extui %sign3A_280 : i1 to i32
    %sign3A_282 = arith.constant 0 : i32
    %sign3A_283 = arith.cmpi slt, %squeeze3A_249, %sign3A_282 : i32
    %sign3A_284 = arith.extui %sign3A_283 : i1 to i32
    %sign3A_285 = arith.subi %sign3A_281, %sign3A_284 : i32
    %sign3A_286 = arith.constant 0 : i32
    %sign3A_287 = arith.cmpi sgt, %jit3A_277, %sign3A_286 : i32
    %sign3A_288 = arith.extui %sign3A_287 : i1 to i32
    %sign3A_289 = arith.constant 0 : i32
    %sign3A_290 = arith.cmpi slt, %jit3A_277, %sign3A_289 : i32
    %sign3A_291 = arith.extui %sign3A_290 : i1 to i32
    %sign3A_292 = arith.subi %sign3A_288, %sign3A_291 : i32
    %ne3A_293 = arith.cmpi ne, %sign3A_285, %sign3A_292 : i32
    %rem3A_294 = arith.remsi %squeeze3A_249, %jit3A_277 : i32
    %ne3A_295 = arith.constant 0 : i32
    %ne3A_296 = arith.cmpi ne, %rem3A_294, %ne3A_295 : i32
    %and3A_297 = arith.andi %ne3A_293, %ne3A_296 : i1
    %sub3A_298 = arith.constant 1 : i32
    %sub3A_299 = arith.subi %div3A_278, %sub3A_298 : i32
    %select_n3A_300 = arith.select %and3A_297, %sub3A_299, %div3A_278 : i32
    %mul3A_301 = arith.constant 128 : i32
    %mul3A_302 = arith.muli %select_n3A_300, %mul3A_301 : i32
    %multiple_of3A_303 = tpu.assume_multiple %mul3A_302, 128 : i32
    %dma_start3A_304 = arith.constant 3 : i32
    %dma_start3A_305 = arith.constant 0 : i32
    %dma_start3A_306 = arith.constant 0 : i32
    %dma_start3A_307 = tpu.memref_slice %arg10[%dma_start3A_304, %dma_start3A_305, %dma_start3A_306] : memref<4x32x128xf32, #tpu.memory_space<vmem>> -> memref<1x32x128xf32, #tpu.memory_space<vmem>>
    %dma_start3A_308 = tpu.memref_squeeze %dma_start3A_307 : memref<1x32x128xf32, #tpu.memory_space<vmem>> -> memref<32x128xf32, #tpu.memory_space<vmem>>
    %dma_start3A_309 = arith.constant 0 : i32
    %dma_start3A_310 = tpu.memref_slice %arg4[%dma_start3A_309, %multiple_of3A_276] : memref<32x1000000xf32, #tpu.memory_space<hbm>> -> memref<32x128xf32, #tpu.memory_space<hbm>>
    %dma_start3A_311 = arith.constant 0 : i32
    %dma_start3A_312 = arith.constant 0 : i32
    %dma_start3A_313 = tpu.memref_slice %arg10[%dma_start3A_304, %dma_start3A_311, %dma_start3A_312] : memref<4x32x128xf32, #tpu.memory_space<vmem>> -> memref<1x32x128xf32, #tpu.memory_space<vmem>>
    %dma_start3A_314 = tpu.memref_squeeze %dma_start3A_313 : memref<1x32x128xf32, #tpu.memory_space<vmem>> -> memref<32x128xf32, #tpu.memory_space<vmem>>
    %dma_start3A_315 = arith.constant 0 : i32
    %dma_start3A_316 = tpu.memref_slice %arg4[%dma_start3A_315, %multiple_of3A_276] : memref<32x1000000xf32, #tpu.memory_space<hbm>> -> memref<32x128xf32, #tpu.memory_space<hbm>>
    tpu.enqueue_dma source(%dma_start3A_316 : memref<32x128xf32, #tpu.memory_space<hbm>>) target(%dma_start3A_314 : memref<32x128xf32, #tpu.memory_space<vmem>>) target_semaphore(%arg16 : memref<!tpu.dma_semaphore, #tpu.memory_space<semaphore_mem>>)
    %dma_start3A_317 = arith.constant 3 : i32
    %dma_start3A_318 = arith.constant 0 : i32
    %dma_start3A_319 = arith.constant 0 : i32
    %dma_start3A_320 = tpu.memref_slice %arg11[%dma_start3A_317, %dma_start3A_318, %dma_start3A_319] : memref<4x32x128xf32, #tpu.memory_space<vmem>> -> memref<1x32x128xf32, #tpu.memory_space<vmem>>
    %dma_start3A_321 = tpu.memref_squeeze %dma_start3A_320 : memref<1x32x128xf32, #tpu.memory_space<vmem>> -> memref<32x128xf32, #tpu.memory_space<vmem>>
    %dma_start3A_322 = arith.constant 0 : i32
    %dma_start3A_323 = tpu.memref_slice %arg5[%dma_start3A_322, %multiple_of3A_303] : memref<32x1000000xf32, #tpu.memory_space<hbm>> -> memref<32x128xf32, #tpu.memory_space<hbm>>
    %dma_start3A_324 = arith.constant 0 : i32
    %dma_start3A_325 = arith.constant 0 : i32
    %dma_start3A_326 = tpu.memref_slice %arg11[%dma_start3A_317, %dma_start3A_324, %dma_start3A_325] : memref<4x32x128xf32, #tpu.memory_space<vmem>> -> memref<1x32x128xf32, #tpu.memory_space<vmem>>
    %dma_start3A_327 = tpu.memref_squeeze %dma_start3A_326 : memref<1x32x128xf32, #tpu.memory_space<vmem>> -> memref<32x128xf32, #tpu.memory_space<vmem>>
    %dma_start3A_328 = arith.constant 0 : i32
    %dma_start3A_329 = tpu.memref_slice %arg5[%dma_start3A_328, %multiple_of3A_303] : memref<32x1000000xf32, #tpu.memory_space<hbm>> -> memref<32x128xf32, #tpu.memory_space<hbm>>
    tpu.enqueue_dma source(%dma_start3A_329 : memref<32x128xf32, #tpu.memory_space<hbm>>) target(%dma_start3A_327 : memref<32x128xf32, #tpu.memory_space<vmem>>) target_semaphore(%arg16 : memref<!tpu.dma_semaphore, #tpu.memory_space<semaphore_mem>>)
    %scan3A = arith.constant 0 : i32
    %scan3A_330 = arith.constant 0 : i32
    %scan3A_331 = arith.constant 63 : i32
    %scan3A_332 = arith.addi %scan3A_330, %scan3A_331 : i32
    %scan3A_333 = arith.constant 1 : i32
    scf.for %scan3A_1471 = %scan3A_330 to %scan3A_332 step %scan3A_333  : i32 {
      %mul3A_1472 = arith.constant 2 : i32
      %mul3A_1473 = arith.muli %scan3A_1471, %mul3A_1472 : i32
      %mul3A_1474 = arith.constant 4 : i32
      %mul3A_1475 = arith.muli %mul3A_1473, %mul3A_1474 : i32
      %get3A_1476 = arith.index_cast %mul3A_1475 : i32 to index
      %get3A_1477 = tpu.vector_load %arg8[%get3A_1476] {strides = array<i32>} : memref<528xi32, #tpu.memory_space<vmem>>, vector<16xi32>,
      %get3A_1478 = arith.index_cast %mul3A_1475 : i32 to index
      %get3A_1479 = tpu.vector_load %arg9[%get3A_1478] {strides = array<i32>} : memref<528xi32, #tpu.memory_space<vmem>>, vector<16xi32>,
      %add3A_1480 = arith.constant 8 : i32
      %add3A_1481 = arith.addi %mul3A_1475, %add3A_1480 : i32
      %get3A_1482 = arith.index_cast %add3A_1481 : i32 to index
      %get3A_1483 = tpu.vector_load %arg8[%get3A_1482] {strides = array<i32>} : memref<528xi32, #tpu.memory_space<vmem>>, vector<16xi32>,
      %add3A_1484 = arith.constant 8 : i32
      %add3A_1485 = arith.addi %mul3A_1475, %add3A_1484 : i32
      %get3A_1486 = arith.index_cast %add3A_1485 : i32 to index
      %get3A_1487 = tpu.vector_load %arg9[%get3A_1486] {strides = array<i32>} : memref<528xi32, #tpu.memory_space<vmem>>, vector<16xi32>,
      %slice3A_1488 = vector.extract_strided_slice %get3A_1477 {offsets = [4], sizes = [1], strides = [1]} : vector<16xi32> to vector<1xi32>
      %squeeze3A_1489 = vector.extract %slice3A_1488[0] : i32 from vector<1xi32>
      %slice3A_1490 = vector.extract_strided_slice %get3A_1479 {offsets = [4], sizes = [1], strides = [1]} : vector<16xi32> to vector<1xi32>
      %squeeze3A_1491 = vector.extract %slice3A_1490[0] : i32 from vector<1xi32>
      %jit3A_1492 = arith.constant 128 : i32
      %div3A_1493 = arith.divsi %squeeze3A_1489, %jit3A_1492 : i32
      %sign3A_1494 = arith.constant 0 : i32
      %sign3A_1495 = arith.cmpi sgt, %squeeze3A_1489, %sign3A_1494 : i32
      %sign3A_1496 = arith.extui %sign3A_1495 : i1 to i32
      %sign3A_1497 = arith.constant 0 : i32
      %sign3A_1498 = arith.cmpi slt, %squeeze3A_1489, %sign3A_1497 : i32
      %sign3A_1499 = arith.extui %sign3A_1498 : i1 to i32
      %sign3A_1500 = arith.subi %sign3A_1496, %sign3A_1499 : i32
      %sign3A_1501 = arith.constant 0 : i32
      %sign3A_1502 = arith.cmpi sgt, %jit3A_1492, %sign3A_1501 : i32
      %sign3A_1503 = arith.extui %sign3A_1502 : i1 to i32
      %sign3A_1504 = arith.constant 0 : i32
      %sign3A_1505 = arith.cmpi slt, %jit3A_1492, %sign3A_1504 : i32
      %sign3A_1506 = arith.extui %sign3A_1505 : i1 to i32
      %sign3A_1507 = arith.subi %sign3A_1503, %sign3A_1506 : i32
      %ne3A_1508 = arith.cmpi ne, %sign3A_1500, %sign3A_1507 : i32
      %rem3A_1509 = arith.remsi %squeeze3A_1489, %jit3A_1492 : i32
      %ne3A_1510 = arith.constant 0 : i32
      %ne3A_1511 = arith.cmpi ne, %rem3A_1509, %ne3A_1510 : i32
      %and3A_1512 = arith.andi %ne3A_1508, %ne3A_1511 : i1
      %sub3A_1513 = arith.constant 1 : i32
      %sub3A_1514 = arith.subi %div3A_1493, %sub3A_1513 : i32
      %select_n3A_1515 = arith.select %and3A_1512, %sub3A_1514, %div3A_1493 : i32
      %mul3A_1516 = arith.constant 128 : i32
      %mul3A_1517 = arith.muli %select_n3A_1515, %mul3A_1516 : i32
      %multiple_of3A_1518 = tpu.assume_multiple %mul3A_1517, 128 : i32
      %jit3A_1519 = arith.constant 128 : i32
      %div3A_1520 = arith.divsi %squeeze3A_1491, %jit3A_1519 : i32
      %sign3A_1521 = arith.constant 0 : i32
      %sign3A_1522 = arith.cmpi sgt, %squeeze3A_1491, %sign3A_1521 : i32
      %sign3A_1523 = arith.extui %sign3A_1522 : i1 to i32
      %sign3A_1524 = arith.constant 0 : i32
      %sign3A_1525 = arith.cmpi slt, %squeeze3A_1491, %sign3A_1524 : i32
      %sign3A_1526 = arith.extui %sign3A_1525 : i1 to i32
      %sign3A_1527 = arith.subi %sign3A_1523, %sign3A_1526 : i32
      %sign3A_1528 = arith.constant 0 : i32
      %sign3A_1529 = arith.cmpi sgt, %jit3A_1519, %sign3A_1528 : i32
      %sign3A_1530 = arith.extui %sign3A_1529 : i1 to i32
      %sign3A_1531 = arith.constant 0 : i32
      %sign3A_1532 = arith.cmpi slt, %jit3A_1519, %sign3A_1531 : i32
      %sign3A_1533 = arith.extui %sign3A_1532 : i1 to i32
      %sign3A_1534 = arith.subi %sign3A_1530, %sign3A_1533 : i32
      %ne3A_1535 = arith.cmpi ne, %sign3A_1527, %sign3A_1534 : i32
      %rem3A_1536 = arith.remsi %squeeze3A_1491, %jit3A_1519 : i32
      %ne3A_1537 = arith.constant 0 : i32
      %ne3A_1538 = arith.cmpi ne, %rem3A_1536, %ne3A_1537 : i32
      %and3A_1539 = arith.andi %ne3A_1535, %ne3A_1538 : i1
      %sub3A_1540 = arith.constant 1 : i32
      %sub3A_1541 = arith.subi %div3A_1520, %sub3A_1540 : i32
      %select_n3A_1542 = arith.select %and3A_1539, %sub3A_1541, %div3A_1520 : i32
      %mul3A_1543 = arith.constant 128 : i32
      %mul3A_1544 = arith.muli %select_n3A_1542, %mul3A_1543 : i32
      %multiple_of3A_1545 = tpu.assume_multiple %mul3A_1544, 128 : i32
      %dma_start3A_1546 = arith.constant 0 : i32
      %dma_start3A_1547 = arith.constant 0 : i32
      %dma_start3A_1548 = arith.constant 0 : i32
      %dma_start3A_1549 = tpu.memref_slice %arg12[%dma_start3A_1546, %dma_start3A_1547, %dma_start3A_1548] : memref<4x32x128xf32, #tpu.memory_space<vmem>> -> memref<1x32x128xf32, #tpu.memory_space<vmem>>
      %dma_start3A_1550 = tpu.memref_squeeze %dma_start3A_1549 : memref<1x32x128xf32, #tpu.memory_space<vmem>> -> memref<32x128xf32, #tpu.memory_space<vmem>>
      %dma_start3A_1551 = arith.constant 0 : i32
      %dma_start3A_1552 = tpu.memref_slice %arg4[%dma_start3A_1551, %multiple_of3A_1518] : memref<32x1000000xf32, #tpu.memory_space<hbm>> -> memref<32x128xf32, #tpu.memory_space<hbm>>
      %dma_start3A_1553 = arith.constant 0 : i32
      %dma_start3A_1554 = arith.constant 0 : i32
      %dma_start3A_1555 = tpu.memref_slice %arg12[%dma_start3A_1546, %dma_start3A_1553, %dma_start3A_1554] : memref<4x32x128xf32, #tpu.memory_space<vmem>> -> memref<1x32x128xf32, #tpu.memory_space<vmem>>
      %dma_start3A_1556 = tpu.memref_squeeze %dma_start3A_1555 : memref<1x32x128xf32, #tpu.memory_space<vmem>> -> memref<32x128xf32, #tpu.memory_space<vmem>>
      %dma_start3A_1557 = arith.constant 0 : i32
      %dma_start3A_1558 = tpu.memref_slice %arg4[%dma_start3A_1557, %multiple_of3A_1518] : memref<32x1000000xf32, #tpu.memory_space<hbm>> -> memref<32x128xf32, #tpu.memory_space<hbm>>
      tpu.enqueue_dma source(%dma_start3A_1558 : memref<32x128xf32, #tpu.memory_space<hbm>>) target(%dma_start3A_1556 : memref<32x128xf32, #tpu.memory_space<vmem>>) target_semaphore(%arg17 : memref<!tpu.dma_semaphore, #tpu.memory_space<semaphore_mem>>)
      %dma_start3A_1559 = arith.constant 0 : i32
      %dma_start3A_1560 = arith.constant 0 : i32
      %dma_start3A_1561 = arith.constant 0 : i32
      %dma_start3A_1562 = tpu.memref_slice %arg13[%dma_start3A_1559, %dma_start3A_1560, %dma_start3A_1561] : memref<4x32x128xf32, #tpu.memory_space<vmem>> -> memref<1x32x128xf32, #tpu.memory_space<vmem>>
      %dma_start3A_1563 = tpu.memref_squeeze %dma_start3A_1562 : memref<1x32x128xf32, #tpu.memory_space<vmem>> -> memref<32x128xf32, #tpu.memory_space<vmem>>
      %dma_start3A_1564 = arith.constant 0 : i32
      %dma_start3A_1565 = tpu.memref_slice %arg5[%dma_start3A_1564, %multiple_of3A_1545] : memref<32x1000000xf32, #tpu.memory_space<hbm>> -> memref<32x128xf32, #tpu.memory_space<hbm>>
      %dma_start3A_1566 = arith.constant 0 : i32
      %dma_start3A_1567 = arith.constant 0 : i32
      %dma_start3A_1568 = tpu.memref_slice %arg13[%dma_start3A_1559, %dma_start3A_1566, %dma_start3A_1567] : memref<4x32x128xf32, #tpu.memory_space<vmem>> -> memref<1x32x128xf32, #tpu.memory_space<vmem>>
      %dma_start3A_1569 = tpu.memref_squeeze %dma_start3A_1568 : memref<1x32x128xf32, #tpu.memory_space<vmem>> -> memref<32x128xf32, #tpu.memory_space<vmem>>
      %dma_start3A_1570 = arith.constant 0 : i32
      %dma_start3A_1571 = tpu.memref_slice %arg5[%dma_start3A_1570, %multiple_of3A_1545] : memref<32x1000000xf32, #tpu.memory_space<hbm>> -> memref<32x128xf32, #tpu.memory_space<hbm>>
      tpu.enqueue_dma source(%dma_start3A_1571 : memref<32x128xf32, #tpu.memory_space<hbm>>) target(%dma_start3A_1569 : memref<32x128xf32, #tpu.memory_space<vmem>>) target_semaphore(%arg17 : memref<!tpu.dma_semaphore, #tpu.memory_space<semaphore_mem>>)
      %slice3A_1572 = vector.extract_strided_slice %get3A_1477 {offsets = [5], sizes = [1], strides = [1]} : vector<16xi32> to vector<1xi32>
      %squeeze3A_1573 = vector.extract %slice3A_1572[0] : i32 from vector<1xi32>
      %slice3A_1574 = vector.extract_strided_slice %get3A_1479 {offsets = [5], sizes = [1], strides = [1]} : vector<16xi32> to vector<1xi32>
      %squeeze3A_1575 = vector.extract %slice3A_1574[0] : i32 from vector<1xi32>
      %jit3A_1576 = arith.constant 128 : i32
      %div3A_1577 = arith.divsi %squeeze3A_1573, %jit3A_1576 : i32
      %sign3A_1578 = arith.constant 0 : i32
      %sign3A_1579 = arith.cmpi sgt, %squeeze3A_1573, %sign3A_1578 : i32
      %sign3A_1580 = arith.extui %sign3A_1579 : i1 to i32
      %sign3A_1581 = arith.constant 0 : i32
      %sign3A_1582 = arith.cmpi slt, %squeeze3A_1573, %sign3A_1581 : i32
      %sign3A_1583 = arith.extui %sign3A_1582 : i1 to i32
      %sign3A_1584 = arith.subi %sign3A_1580, %sign3A_1583 : i32
      %sign3A_1585 = arith.constant 0 : i32
      %sign3A_1586 = arith.cmpi sgt, %jit3A_1576, %sign3A_1585 : i32
      %sign3A_1587 = arith.extui %sign3A_1586 : i1 to i32
      %sign3A_1588 = arith.constant 0 : i32
      %sign3A_1589 = arith.cmpi slt, %jit3A_1576, %sign3A_1588 : i32
      %sign3A_1590 = arith.extui %sign3A_1589 : i1 to i32
      %sign3A_1591 = arith.subi %sign3A_1587, %sign3A_1590 : i32
      %ne3A_1592 = arith.cmpi ne, %sign3A_1584, %sign3A_1591 : i32
      %rem3A_1593 = arith.remsi %squeeze3A_1573, %jit3A_1576 : i32
      %ne3A_1594 = arith.constant 0 : i32
      %ne3A_1595 = arith.cmpi ne, %rem3A_1593, %ne3A_1594 : i32
      %and3A_1596 = arith.andi %ne3A_1592, %ne3A_1595 : i1
      %sub3A_1597 = arith.constant 1 : i32
      %sub3A_1598 = arith.subi %div3A_1577, %sub3A_1597 : i32
      %select_n3A_1599 = arith.select %and3A_1596, %sub3A_1598, %div3A_1577 : i32
      %mul3A_1600 = arith.constant 128 : i32
      %mul3A_1601 = arith.muli %select_n3A_1599, %mul3A_1600 : i32
      %multiple_of3A_1602 = tpu.assume_multiple %mul3A_1601, 128 : i32
      %jit3A_1603 = arith.constant 128 : i32
      %div3A_1604 = arith.divsi %squeeze3A_1575, %jit3A_1603 : i32
      %sign3A_1605 = arith.constant 0 : i32
      %sign3A_1606 = arith.cmpi sgt, %squeeze3A_1575, %sign3A_1605 : i32
      %sign3A_1607 = arith.extui %sign3A_1606 : i1 to i32
      %sign3A_1608 = arith.constant 0 : i32
      %sign3A_1609 = arith.cmpi slt, %squeeze3A_1575, %sign3A_1608 : i32
      %sign3A_1610 = arith.extui %sign3A_1609 : i1 to i32
      %sign3A_1611 = arith.subi %sign3A_1607, %sign3A_1610 : i32
      %sign3A_1612 = arith.constant 0 : i32
      %sign3A_1613 = arith.cmpi sgt, %jit3A_1603, %sign3A_1612 : i32
      %sign3A_1614 = arith.extui %sign3A_1613 : i1 to i32
      %sign3A_1615 = arith.constant 0 : i32
      %sign3A_1616 = arith.cmpi slt, %jit3A_1603, %sign3A_1615 : i32
      %sign3A_1617 = arith.extui %sign3A_1616 : i1 to i32
      %sign3A_1618 = arith.subi %sign3A_1614, %sign3A_1617 : i32
      %ne3A_1619 = arith.cmpi ne, %sign3A_1611, %sign3A_1618 : i32
      %rem3A_1620 = arith.remsi %squeeze3A_1575, %jit3A_1603 : i32
      %ne3A_1621 = arith.constant 0 : i32
      %ne3A_1622 = arith.cmpi ne, %rem3A_1620, %ne3A_1621 : i32
      %and3A_1623 = arith.andi %ne3A_1619, %ne3A_1622 : i1
      %sub3A_1624 = arith.constant 1 : i32
      %sub3A_1625 = arith.subi %div3A_1604, %sub3A_1624 : i32
      %select_n3A_1626 = arith.select %and3A_1623, %sub3A_1625, %div3A_1604 : i32
      %mul3A_1627 = arith.constant 128 : i32
      %mul3A_1628 = arith.muli %select_n3A_1626, %mul3A_1627 : i32
      %multiple_of3A_1629 = tpu.assume_multiple %mul3A_1628, 128 : i32
      %dma_start3A_1630 = arith.constant 1 : i32
      %dma_start3A_1631 = arith.constant 0 : i32
      %dma_start3A_1632 = arith.constant 0 : i32
      %dma_start3A_1633 = tpu.memref_slice %arg12[%dma_start3A_1630, %dma_start3A_1631, %dma_start3A_1632] : memref<4x32x128xf32, #tpu.memory_space<vmem>> -> memref<1x32x128xf32, #tpu.memory_space<vmem>>
      %dma_start3A_1634 = tpu.memref_squeeze %dma_start3A_1633 : memref<1x32x128xf32, #tpu.memory_space<vmem>> -> memref<32x128xf32, #tpu.memory_space<vmem>>
      %dma_start3A_1635 = arith.constant 0 : i32
      %dma_start3A_1636 = tpu.memref_slice %arg4[%dma_start3A_1635, %multiple_of3A_1602] : memref<32x1000000xf32, #tpu.memory_space<hbm>> -> memref<32x128xf32, #tpu.memory_space<hbm>>
      %dma_start3A_1637 = arith.constant 0 : i32
      %dma_start3A_1638 = arith.constant 0 : i32
      %dma_start3A_1639 = tpu.memref_slice %arg12[%dma_start3A_1630, %dma_start3A_1637, %dma_start3A_1638] : memref<4x32x128xf32, #tpu.memory_space<vmem>> -> memref<1x32x128xf32, #tpu.memory_space<vmem>>
      %dma_start3A_1640 = tpu.memref_squeeze %dma_start3A_1639 : memref<1x32x128xf32, #tpu.memory_space<vmem>> -> memref<32x128xf32, #tpu.memory_space<vmem>>
      %dma_start3A_1641 = arith.constant 0 : i32
      %dma_start3A_1642 = tpu.memref_slice %arg4[%dma_start3A_1641, %multiple_of3A_1602] : memref<32x1000000xf32, #tpu.memory_space<hbm>> -> memref<32x128xf32, #tpu.memory_space<hbm>>
      tpu.enqueue_dma source(%dma_start3A_1642 : memref<32x128xf32, #tpu.memory_space<hbm>>) target(%dma_start3A_1640 : memref<32x128xf32, #tpu.memory_space<vmem>>) target_semaphore(%arg17 : memref<!tpu.dma_semaphore, #tpu.memory_space<semaphore_mem>>)
      %dma_start3A_1643 = arith.constant 1 : i32
      %dma_start3A_1644 = arith.constant 0 : i32
      %dma_start3A_1645 = arith.constant 0 : i32
      %dma_start3A_1646 = tpu.memref_slice %arg13[%dma_start3A_1643, %dma_start3A_1644, %dma_start3A_1645] : memref<4x32x128xf32, #tpu.memory_space<vmem>> -> memref<1x32x128xf32, #tpu.memory_space<vmem>>
      %dma_start3A_1647 = tpu.memref_squeeze %dma_start3A_1646 : memref<1x32x128xf32, #tpu.memory_space<vmem>> -> memref<32x128xf32, #tpu.memory_space<vmem>>
      %dma_start3A_1648 = arith.constant 0 : i32
      %dma_start3A_1649 = tpu.memref_slice %arg5[%dma_start3A_1648, %multiple_of3A_1629] : memref<32x1000000xf32, #tpu.memory_space<hbm>> -> memref<32x128xf32, #tpu.memory_space<hbm>>
      %dma_start3A_1650 = arith.constant 0 : i32
      %dma_start3A_1651 = arith.constant 0 : i32
      %dma_start3A_1652 = tpu.memref_slice %arg13[%dma_start3A_1643, %dma_start3A_1650, %dma_start3A_1651] : memref<4x32x128xf32, #tpu.memory_space<vmem>> -> memref<1x32x128xf32, #tpu.memory_space<vmem>>
      %dma_start3A_1653 = tpu.memref_squeeze %dma_start3A_1652 : memref<1x32x128xf32, #tpu.memory_space<vmem>> -> memref<32x128xf32, #tpu.memory_space<vmem>>
      %dma_start3A_1654 = arith.constant 0 : i32
      %dma_start3A_1655 = tpu.memref_slice %arg5[%dma_start3A_1654, %multiple_of3A_1629] : memref<32x1000000xf32, #tpu.memory_space<hbm>> -> memref<32x128xf32, #tpu.memory_space<hbm>>
      tpu.enqueue_dma source(%dma_start3A_1655 : memref<32x128xf32, #tpu.memory_space<hbm>>) target(%dma_start3A_1653 : memref<32x128xf32, #tpu.memory_space<vmem>>) target_semaphore(%arg17 : memref<!tpu.dma_semaphore, #tpu.memory_space<semaphore_mem>>)
      %slice3A_1656 = vector.extract_strided_slice %get3A_1477 {offsets = [6], sizes = [1], strides = [1]} : vector<16xi32> to vector<1xi32>
      %squeeze3A_1657 = vector.extract %slice3A_1656[0] : i32 from vector<1xi32>
      %slice3A_1658 = vector.extract_strided_slice %get3A_1479 {offsets = [6], sizes = [1], strides = [1]} : vector<16xi32> to vector<1xi32>
      %squeeze3A_1659 = vector.extract %slice3A_1658[0] : i32 from vector<1xi32>
      %jit3A_1660 = arith.constant 128 : i32
      %div3A_1661 = arith.divsi %squeeze3A_1657, %jit3A_1660 : i32
      %sign3A_1662 = arith.constant 0 : i32
      %sign3A_1663 = arith.cmpi sgt, %squeeze3A_1657, %sign3A_1662 : i32
      %sign3A_1664 = arith.extui %sign3A_1663 : i1 to i32
      %sign3A_1665 = arith.constant 0 : i32
      %sign3A_1666 = arith.cmpi slt, %squeeze3A_1657, %sign3A_1665 : i32
      %sign3A_1667 = arith.extui %sign3A_1666 : i1 to i32
      %sign3A_1668 = arith.subi %sign3A_1664, %sign3A_1667 : i32
      %sign3A_1669 = arith.constant 0 : i32
      %sign3A_1670 = arith.cmpi sgt, %jit3A_1660, %sign3A_1669 : i32
      %sign3A_1671 = arith.extui %sign3A_1670 : i1 to i32
      %sign3A_1672 = arith.constant 0 : i32
      %sign3A_1673 = arith.cmpi slt, %jit3A_1660, %sign3A_1672 : i32
      %sign3A_1674 = arith.extui %sign3A_1673 : i1 to i32
      %sign3A_1675 = arith.subi %sign3A_1671, %sign3A_1674 : i32
      %ne3A_1676 = arith.cmpi ne, %sign3A_1668, %sign3A_1675 : i32
      %rem3A_1677 = arith.remsi %squeeze3A_1657, %jit3A_1660 : i32
      %ne3A_1678 = arith.constant 0 : i32
      %ne3A_1679 = arith.cmpi ne, %rem3A_1677, %ne3A_1678 : i32
      %and3A_1680 = arith.andi %ne3A_1676, %ne3A_1679 : i1
      %sub3A_1681 = arith.constant 1 : i32
      %sub3A_1682 = arith.subi %div3A_1661, %sub3A_1681 : i32
      %select_n3A_1683 = arith.select %and3A_1680, %sub3A_1682, %div3A_1661 : i32
      %mul3A_1684 = arith.constant 128 : i32
      %mul3A_1685 = arith.muli %select_n3A_1683, %mul3A_1684 : i32
      %multiple_of3A_1686 = tpu.assume_multiple %mul3A_1685, 128 : i32
      %jit3A_1687 = arith.constant 128 : i32
      %div3A_1688 = arith.divsi %squeeze3A_1659, %jit3A_1687 : i32
      %sign3A_1689 = arith.constant 0 : i32
      %sign3A_1690 = arith.cmpi sgt, %squeeze3A_1659, %sign3A_1689 : i32
      %sign3A_1691 = arith.extui %sign3A_1690 : i1 to i32
      %sign3A_1692 = arith.constant 0 : i32
      %sign3A_1693 = arith.cmpi slt, %squeeze3A_1659, %sign3A_1692 : i32
      %sign3A_1694 = arith.extui %sign3A_1693 : i1 to i32
      %sign3A_1695 = arith.subi %sign3A_1691, %sign3A_1694 : i32
      %sign3A_1696 = arith.constant 0 : i32
      %sign3A_1697 = arith.cmpi sgt, %jit3A_1687, %sign3A_1696 : i32
      %sign3A_1698 = arith.extui %sign3A_1697 : i1 to i32
      %sign3A_1699 = arith.constant 0 : i32
      %sign3A_1700 = arith.cmpi slt, %jit3A_1687, %sign3A_1699 : i32
      %sign3A_1701 = arith.extui %sign3A_1700 : i1 to i32
      %sign3A_1702 = arith.subi %sign3A_1698, %sign3A_1701 : i32
      %ne3A_1703 = arith.cmpi ne, %sign3A_1695, %sign3A_1702 : i32
      %rem3A_1704 = arith.remsi %squeeze3A_1659, %jit3A_1687 : i32
      %ne3A_1705 = arith.constant 0 : i32
      %ne3A_1706 = arith.cmpi ne, %rem3A_1704, %ne3A_1705 : i32
      %and3A_1707 = arith.andi %ne3A_1703, %ne3A_1706 : i1
      %sub3A_1708 = arith.constant 1 : i32
      %sub3A_1709 = arith.subi %div3A_1688, %sub3A_1708 : i32
      %select_n3A_1710 = arith.select %and3A_1707, %sub3A_1709, %div3A_1688 : i32
      %mul3A_1711 = arith.constant 128 : i32
      %mul3A_1712 = arith.muli %select_n3A_1710, %mul3A_1711 : i32
      %multiple_of3A_1713 = tpu.assume_multiple %mul3A_1712, 128 : i32
      %dma_start3A_1714 = arith.constant 2 : i32
      %dma_start3A_1715 = arith.constant 0 : i32
      %dma_start3A_1716 = arith.constant 0 : i32
      %dma_start3A_1717 = tpu.memref_slice %arg12[%dma_start3A_1714, %dma_start3A_1715, %dma_start3A_1716] : memref<4x32x128xf32, #tpu.memory_space<vmem>> -> memref<1x32x128xf32, #tpu.memory_space<vmem>>
      %dma_start3A_1718 = tpu.memref_squeeze %dma_start3A_1717 : memref<1x32x128xf32, #tpu.memory_space<vmem>> -> memref<32x128xf32, #tpu.memory_space<vmem>>
      %dma_start3A_1719 = arith.constant 0 : i32
      %dma_start3A_1720 = tpu.memref_slice %arg4[%dma_start3A_1719, %multiple_of3A_1686] : memref<32x1000000xf32, #tpu.memory_space<hbm>> -> memref<32x128xf32, #tpu.memory_space<hbm>>
      %dma_start3A_1721 = arith.constant 0 : i32
      %dma_start3A_1722 = arith.constant 0 : i32
      %dma_start3A_1723 = tpu.memref_slice %arg12[%dma_start3A_1714, %dma_start3A_1721, %dma_start3A_1722] : memref<4x32x128xf32, #tpu.memory_space<vmem>> -> memref<1x32x128xf32, #tpu.memory_space<vmem>>
      %dma_start3A_1724 = tpu.memref_squeeze %dma_start3A_1723 : memref<1x32x128xf32, #tpu.memory_space<vmem>> -> memref<32x128xf32, #tpu.memory_space<vmem>>
      %dma_start3A_1725 = arith.constant 0 : i32
      %dma_start3A_1726 = tpu.memref_slice %arg4[%dma_start3A_1725, %multiple_of3A_1686] : memref<32x1000000xf32, #tpu.memory_space<hbm>> -> memref<32x128xf32, #tpu.memory_space<hbm>>
      tpu.enqueue_dma source(%dma_start3A_1726 : memref<32x128xf32, #tpu.memory_space<hbm>>) target(%dma_start3A_1724 : memref<32x128xf32, #tpu.memory_space<vmem>>) target_semaphore(%arg17 : memref<!tpu.dma_semaphore, #tpu.memory_space<semaphore_mem>>)
      %dma_start3A_1727 = arith.constant 2 : i32
      %dma_start3A_1728 = arith.constant 0 : i32
      %dma_start3A_1729 = arith.constant 0 : i32
      %dma_start3A_1730 = tpu.memref_slice %arg13[%dma_start3A_1727, %dma_start3A_1728, %dma_start3A_1729] : memref<4x32x128xf32, #tpu.memory_space<vmem>> -> memref<1x32x128xf32, #tpu.memory_space<vmem>>
      %dma_start3A_1731 = tpu.memref_squeeze %dma_start3A_1730 : memref<1x32x128xf32, #tpu.memory_space<vmem>> -> memref<32x128xf32, #tpu.memory_space<vmem>>
      %dma_start3A_1732 = arith.constant 0 : i32
      %dma_start3A_1733 = tpu.memref_slice %arg5[%dma_start3A_1732, %multiple_of3A_1713] : memref<32x1000000xf32, #tpu.memory_space<hbm>> -> memref<32x128xf32, #tpu.memory_space<hbm>>
      %dma_start3A_1734 = arith.constant 0 : i32
      %dma_start3A_1735 = arith.constant 0 : i32
      %dma_start3A_1736 = tpu.memref_slice %arg13[%dma_start3A_1727, %dma_start3A_1734, %dma_start3A_1735] : memref<4x32x128xf32, #tpu.memory_space<vmem>> -> memref<1x32x128xf32, #tpu.memory_space<vmem>>
      %dma_start3A_1737 = tpu.memref_squeeze %dma_start3A_1736 : memref<1x32x128xf32, #tpu.memory_space<vmem>> -> memref<32x128xf32, #tpu.memory_space<vmem>>
      %dma_start3A_1738 = arith.constant 0 : i32
      %dma_start3A_1739 = tpu.memref_slice %arg5[%dma_start3A_1738, %multiple_of3A_1713] : memref<32x1000000xf32, #tpu.memory_space<hbm>> -> memref<32x128xf32, #tpu.memory_space<hbm>>
      tpu.enqueue_dma source(%dma_start3A_1739 : memref<32x128xf32, #tpu.memory_space<hbm>>) target(%dma_start3A_1737 : memref<32x128xf32, #tpu.memory_space<vmem>>) target_semaphore(%arg17 : memref<!tpu.dma_semaphore, #tpu.memory_space<semaphore_mem>>)
      %slice3A_1740 = vector.extract_strided_slice %get3A_1477 {offsets = [7], sizes = [1], strides = [1]} : vector<16xi32> to vector<1xi32>
      %squeeze3A_1741 = vector.extract %slice3A_1740[0] : i32 from vector<1xi32>
      %slice3A_1742 = vector.extract_strided_slice %get3A_1479 {offsets = [7], sizes = [1], strides = [1]} : vector<16xi32> to vector<1xi32>
      %squeeze3A_1743 = vector.extract %slice3A_1742[0] : i32 from vector<1xi32>
      %jit3A_1744 = arith.constant 128 : i32
      %div3A_1745 = arith.divsi %squeeze3A_1741, %jit3A_1744 : i32
      %sign3A_1746 = arith.constant 0 : i32
      %sign3A_1747 = arith.cmpi sgt, %squeeze3A_1741, %sign3A_1746 : i32
      %sign3A_1748 = arith.extui %sign3A_1747 : i1 to i32
      %sign3A_1749 = arith.constant 0 : i32
      %sign3A_1750 = arith.cmpi slt, %squeeze3A_1741, %sign3A_1749 : i32
      %sign3A_1751 = arith.extui %sign3A_1750 : i1 to i32
      %sign3A_1752 = arith.subi %sign3A_1748, %sign3A_1751 : i32
      %sign3A_1753 = arith.constant 0 : i32
      %sign3A_1754 = arith.cmpi sgt, %jit3A_1744, %sign3A_1753 : i32
      %sign3A_1755 = arith.extui %sign3A_1754 : i1 to i32
      %sign3A_1756 = arith.constant 0 : i32
      %sign3A_1757 = arith.cmpi slt, %jit3A_1744, %sign3A_1756 : i32
      %sign3A_1758 = arith.extui %sign3A_1757 : i1 to i32
      %sign3A_1759 = arith.subi %sign3A_1755, %sign3A_1758 : i32
      %ne3A_1760 = arith.cmpi ne, %sign3A_1752, %sign3A_1759 : i32
      %rem3A_1761 = arith.remsi %squeeze3A_1741, %jit3A_1744 : i32
      %ne3A_1762 = arith.constant 0 : i32
      %ne3A_1763 = arith.cmpi ne, %rem3A_1761, %ne3A_1762 : i32
      %and3A_1764 = arith.andi %ne3A_1760, %ne3A_1763 : i1
      %sub3A_1765 = arith.constant 1 : i32
      %sub3A_1766 = arith.subi %div3A_1745, %sub3A_1765 : i32
      %select_n3A_1767 = arith.select %and3A_1764, %sub3A_1766, %div3A_1745 : i32
      %mul3A_1768 = arith.constant 128 : i32
      %mul3A_1769 = arith.muli %select_n3A_1767, %mul3A_1768 : i32
      %multiple_of3A_1770 = tpu.assume_multiple %mul3A_1769, 128 : i32
      %jit3A_1771 = arith.constant 128 : i32
      %div3A_1772 = arith.divsi %squeeze3A_1743, %jit3A_1771 : i32
      %sign3A_1773 = arith.constant 0 : i32
      %sign3A_1774 = arith.cmpi sgt, %squeeze3A_1743, %sign3A_1773 : i32
      %sign3A_1775 = arith.extui %sign3A_1774 : i1 to i32
      %sign3A_1776 = arith.constant 0 : i32
      %sign3A_1777 = arith.cmpi slt, %squeeze3A_1743, %sign3A_1776 : i32
      %sign3A_1778 = arith.extui %sign3A_1777 : i1 to i32
      %sign3A_1779 = arith.subi %sign3A_1775, %sign3A_1778 : i32
      %sign3A_1780 = arith.constant 0 : i32
      %sign3A_1781 = arith.cmpi sgt, %jit3A_1771, %sign3A_1780 : i32
      %sign3A_1782 = arith.extui %sign3A_1781 : i1 to i32
      %sign3A_1783 = arith.constant 0 : i32
      %sign3A_1784 = arith.cmpi slt, %jit3A_1771, %sign3A_1783 : i32
      %sign3A_1785 = arith.extui %sign3A_1784 : i1 to i32
      %sign3A_1786 = arith.subi %sign3A_1782, %sign3A_1785 : i32
      %ne3A_1787 = arith.cmpi ne, %sign3A_1779, %sign3A_1786 : i32
      %rem3A_1788 = arith.remsi %squeeze3A_1743, %jit3A_1771 : i32
      %ne3A_1789 = arith.constant 0 : i32
      %ne3A_1790 = arith.cmpi ne, %rem3A_1788, %ne3A_1789 : i32
      %and3A_1791 = arith.andi %ne3A_1787, %ne3A_1790 : i1
      %sub3A_1792 = arith.constant 1 : i32
      %sub3A_1793 = arith.subi %div3A_1772, %sub3A_1792 : i32
      %select_n3A_1794 = arith.select %and3A_1791, %sub3A_1793, %div3A_1772 : i32
      %mul3A_1795 = arith.constant 128 : i32
      %mul3A_1796 = arith.muli %select_n3A_1794, %mul3A_1795 : i32
      %multiple_of3A_1797 = tpu.assume_multiple %mul3A_1796, 128 : i32
      %dma_start3A_1798 = arith.constant 3 : i32
      %dma_start3A_1799 = arith.constant 0 : i32
      %dma_start3A_1800 = arith.constant 0 : i32
      %dma_start3A_1801 = tpu.memref_slice %arg12[%dma_start3A_1798, %dma_start3A_1799, %dma_start3A_1800] : memref<4x32x128xf32, #tpu.memory_space<vmem>> -> memref<1x32x128xf32, #tpu.memory_space<vmem>>
      %dma_start3A_1802 = tpu.memref_squeeze %dma_start3A_1801 : memref<1x32x128xf32, #tpu.memory_space<vmem>> -> memref<32x128xf32, #tpu.memory_space<vmem>>
      %dma_start3A_1803 = arith.constant 0 : i32
      %dma_start3A_1804 = tpu.memref_slice %arg4[%dma_start3A_1803, %multiple_of3A_1770] : memref<32x1000000xf32, #tpu.memory_space<hbm>> -> memref<32x128xf32, #tpu.memory_space<hbm>>
      %dma_start3A_1805 = arith.constant 0 : i32
      %dma_start3A_1806 = arith.constant 0 : i32
      %dma_start3A_1807 = tpu.memref_slice %arg12[%dma_start3A_1798, %dma_start3A_1805, %dma_start3A_1806] : memref<4x32x128xf32, #tpu.memory_space<vmem>> -> memref<1x32x128xf32, #tpu.memory_space<vmem>>
      %dma_start3A_1808 = tpu.memref_squeeze %dma_start3A_1807 : memref<1x32x128xf32, #tpu.memory_space<vmem>> -> memref<32x128xf32, #tpu.memory_space<vmem>>
      %dma_start3A_1809 = arith.constant 0 : i32
      %dma_start3A_1810 = tpu.memref_slice %arg4[%dma_start3A_1809, %multiple_of3A_1770] : memref<32x1000000xf32, #tpu.memory_space<hbm>> -> memref<32x128xf32, #tpu.memory_space<hbm>>
      tpu.enqueue_dma source(%dma_start3A_1810 : memref<32x128xf32, #tpu.memory_space<hbm>>) target(%dma_start3A_1808 : memref<32x128xf32, #tpu.memory_space<vmem>>) target_semaphore(%arg17 : memref<!tpu.dma_semaphore, #tpu.memory_space<semaphore_mem>>)
      %dma_start3A_1811 = arith.constant 3 : i32
      %dma_start3A_1812 = arith.constant 0 : i32
      %dma_start3A_1813 = arith.constant 0 : i32
      %dma_start3A_1814 = tpu.memref_slice %arg13[%dma_start3A_1811, %dma_start3A_1812, %dma_start3A_1813] : memref<4x32x128xf32, #tpu.memory_space<vmem>> -> memref<1x32x128xf32, #tpu.memory_space<vmem>>
      %dma_start3A_1815 = tpu.memref_squeeze %dma_start3A_1814 : memref<1x32x128xf32, #tpu.memory_space<vmem>> -> memref<32x128xf32, #tpu.memory_space<vmem>>
      %dma_start3A_1816 = arith.constant 0 : i32
      %dma_start3A_1817 = tpu.memref_slice %arg5[%dma_start3A_1816, %multiple_of3A_1797] : memref<32x1000000xf32, #tpu.memory_space<hbm>> -> memref<32x128xf32, #tpu.memory_space<hbm>>
      %dma_start3A_1818 = arith.constant 0 : i32
      %dma_start3A_1819 = arith.constant 0 : i32
      %dma_start3A_1820 = tpu.memref_slice %arg13[%dma_start3A_1811, %dma_start3A_1818, %dma_start3A_1819] : memref<4x32x128xf32, #tpu.memory_space<vmem>> -> memref<1x32x128xf32, #tpu.memory_space<vmem>>
      %dma_start3A_1821 = tpu.memref_squeeze %dma_start3A_1820 : memref<1x32x128xf32, #tpu.memory_space<vmem>> -> memref<32x128xf32, #tpu.memory_space<vmem>>
      %dma_start3A_1822 = arith.constant 0 : i32
      %dma_start3A_1823 = tpu.memref_slice %arg5[%dma_start3A_1822, %multiple_of3A_1797] : memref<32x1000000xf32, #tpu.memory_space<hbm>> -> memref<32x128xf32, #tpu.memory_space<hbm>>
      tpu.enqueue_dma source(%dma_start3A_1823 : memref<32x128xf32, #tpu.memory_space<hbm>>) target(%dma_start3A_1821 : memref<32x128xf32, #tpu.memory_space<vmem>>) target_semaphore(%arg17 : memref<!tpu.dma_semaphore, #tpu.memory_space<semaphore_mem>>)
      %dma_wait3A_1824 = arith.constant 0 : i32
      %dma_wait3A_1825 = arith.constant 0 : i32
      %dma_wait3A_1826 = arith.constant 0 : i32
      %dma_wait3A_1827 = tpu.memref_slice %arg10[%dma_wait3A_1824, %dma_wait3A_1825, %dma_wait3A_1826] : memref<4x32x128xf32, #tpu.memory_space<vmem>> -> memref<1x32x128xf32, #tpu.memory_space<vmem>>
      %dma_wait3A_1828 = tpu.memref_squeeze %dma_wait3A_1827 : memref<1x32x128xf32, #tpu.memory_space<vmem>> -> memref<32x128xf32, #tpu.memory_space<vmem>>
      %dma_wait3A_1829 = arith.constant 0 : i32
      %dma_wait3A_1830 = arith.constant 0 : i32
      %dma_wait3A_1831 = tpu.memref_slice %arg4[%dma_wait3A_1829, %dma_wait3A_1830] : memref<32x1000000xf32, #tpu.memory_space<hbm>> -> memref<32x128xf32, #tpu.memory_space<hbm>>
      %dma_wait3A_1832 = arith.constant 0 : i32
      %dma_wait3A_1833 = arith.constant 0 : i32
      %dma_wait3A_1834 = tpu.memref_slice %arg10[%dma_wait3A_1824, %dma_wait3A_1832, %dma_wait3A_1833] : memref<4x32x128xf32, #tpu.memory_space<vmem>> -> memref<1x32x128xf32, #tpu.memory_space<vmem>>
      %dma_wait3A_1835 = tpu.memref_squeeze %dma_wait3A_1834 : memref<1x32x128xf32, #tpu.memory_space<vmem>> -> memref<32x128xf32, #tpu.memory_space<vmem>>
      %dma_wait3A_1836 = arith.constant 0 : i32
      %dma_wait3A_1837 = arith.constant 0 : i32
      %dma_wait3A_1838 = tpu.memref_slice %arg4[%dma_wait3A_1836, %dma_wait3A_1837] : memref<32x1000000xf32, #tpu.memory_space<hbm>> -> memref<32x128xf32, #tpu.memory_space<hbm>>
      tpu.wait_dma2 semaphore(%arg16 : memref<!tpu.dma_semaphore, #tpu.memory_space<semaphore_mem>>) src(%dma_wait3A_1838 : memref<32x128xf32, #tpu.memory_space<hbm>>) dst(%dma_wait3A_1835 : memref<32x128xf32, #tpu.memory_space<vmem>>)
      %dma_wait3A_1839 = arith.constant 0 : i32
      %dma_wait3A_1840 = arith.constant 0 : i32
      %dma_wait3A_1841 = arith.constant 0 : i32
      %dma_wait3A_1842 = tpu.memref_slice %arg11[%dma_wait3A_1839, %dma_wait3A_1840, %dma_wait3A_1841] : memref<4x32x128xf32, #tpu.memory_space<vmem>> -> memref<1x32x128xf32, #tpu.memory_space<vmem>>
      %dma_wait3A_1843 = tpu.memref_squeeze %dma_wait3A_1842 : memref<1x32x128xf32, #tpu.memory_space<vmem>> -> memref<32x128xf32, #tpu.memory_space<vmem>>
      %dma_wait3A_1844 = arith.constant 0 : i32
      %dma_wait3A_1845 = arith.constant 0 : i32
      %dma_wait3A_1846 = tpu.memref_slice %arg5[%dma_wait3A_1844, %dma_wait3A_1845] : memref<32x1000000xf32, #tpu.memory_space<hbm>> -> memref<32x128xf32, #tpu.memory_space<hbm>>
      %dma_wait3A_1847 = arith.constant 0 : i32
      %dma_wait3A_1848 = arith.constant 0 : i32
      %dma_wait3A_1849 = tpu.memref_slice %arg11[%dma_wait3A_1839, %dma_wait3A_1847, %dma_wait3A_1848] : memref<4x32x128xf32, #tpu.memory_space<vmem>> -> memref<1x32x128xf32, #tpu.memory_space<vmem>>
      %dma_wait3A_1850 = tpu.memref_squeeze %dma_wait3A_1849 : memref<1x32x128xf32, #tpu.memory_space<vmem>> -> memref<32x128xf32, #tpu.memory_space<vmem>>
      %dma_wait3A_1851 = arith.constant 0 : i32
      %dma_wait3A_1852 = arith.constant 0 : i32
      %dma_wait3A_1853 = tpu.memref_slice %arg5[%dma_wait3A_1851, %dma_wait3A_1852] : memref<32x1000000xf32, #tpu.memory_space<hbm>> -> memref<32x128xf32, #tpu.memory_space<hbm>>
      tpu.wait_dma2 semaphore(%arg16 : memref<!tpu.dma_semaphore, #tpu.memory_space<semaphore_mem>>) src(%dma_wait3A_1853 : memref<32x128xf32, #tpu.memory_space<hbm>>) dst(%dma_wait3A_1850 : memref<32x128xf32, #tpu.memory_space<vmem>>)
      %dma_wait3A_1854 = arith.constant 1 : i32
      %dma_wait3A_1855 = arith.constant 0 : i32
      %dma_wait3A_1856 = arith.constant 0 : i32
      %dma_wait3A_1857 = tpu.memref_slice %arg10[%dma_wait3A_1854, %dma_wait3A_1855, %dma_wait3A_1856] : memref<4x32x128xf32, #tpu.memory_space<vmem>> -> memref<1x32x128xf32, #tpu.memory_space<vmem>>
      %dma_wait3A_1858 = tpu.memref_squeeze %dma_wait3A_1857 : memref<1x32x128xf32, #tpu.memory_space<vmem>> -> memref<32x128xf32, #tpu.memory_space<vmem>>
      %dma_wait3A_1859 = arith.constant 0 : i32
      %dma_wait3A_1860 = arith.constant 0 : i32
      %dma_wait3A_1861 = tpu.memref_slice %arg4[%dma_wait3A_1859, %dma_wait3A_1860] : memref<32x1000000xf32, #tpu.memory_space<hbm>> -> memref<32x128xf32, #tpu.memory_space<hbm>>
      %dma_wait3A_1862 = arith.constant 0 : i32
      %dma_wait3A_1863 = arith.constant 0 : i32
      %dma_wait3A_1864 = tpu.memref_slice %arg10[%dma_wait3A_1854, %dma_wait3A_1862, %dma_wait3A_1863] : memref<4x32x128xf32, #tpu.memory_space<vmem>> -> memref<1x32x128xf32, #tpu.memory_space<vmem>>
      %dma_wait3A_1865 = tpu.memref_squeeze %dma_wait3A_1864 : memref<1x32x128xf32, #tpu.memory_space<vmem>> -> memref<32x128xf32, #tpu.memory_space<vmem>>
      %dma_wait3A_1866 = arith.constant 0 : i32
      %dma_wait3A_1867 = arith.constant 0 : i32
      %dma_wait3A_1868 = tpu.memref_slice %arg4[%dma_wait3A_1866, %dma_wait3A_1867] : memref<32x1000000xf32, #tpu.memory_space<hbm>> -> memref<32x128xf32, #tpu.memory_space<hbm>>
      tpu.wait_dma2 semaphore(%arg16 : memref<!tpu.dma_semaphore, #tpu.memory_space<semaphore_mem>>) src(%dma_wait3A_1868 : memref<32x128xf32, #tpu.memory_space<hbm>>) dst(%dma_wait3A_1865 : memref<32x128xf32, #tpu.memory_space<vmem>>)
      %dma_wait3A_1869 = arith.constant 1 : i32
      %dma_wait3A_1870 = arith.constant 0 : i32
      %dma_wait3A_1871 = arith.constant 0 : i32
      %dma_wait3A_1872 = tpu.memref_slice %arg11[%dma_wait3A_1869, %dma_wait3A_1870, %dma_wait3A_1871] : memref<4x32x128xf32, #tpu.memory_space<vmem>> -> memref<1x32x128xf32, #tpu.memory_space<vmem>>
      %dma_wait3A_1873 = tpu.memref_squeeze %dma_wait3A_1872 : memref<1x32x128xf32, #tpu.memory_space<vmem>> -> memref<32x128xf32, #tpu.memory_space<vmem>>
      %dma_wait3A_1874 = arith.constant 0 : i32
      %dma_wait3A_1875 = arith.constant 0 : i32
      %dma_wait3A_1876 = tpu.memref_slice %arg5[%dma_wait3A_1874, %dma_wait3A_1875] : memref<32x1000000xf32, #tpu.memory_space<hbm>> -> memref<32x128xf32, #tpu.memory_space<hbm>>
      %dma_wait3A_1877 = arith.constant 0 : i32
      %dma_wait3A_1878 = arith.constant 0 : i32
      %dma_wait3A_1879 = tpu.memref_slice %arg11[%dma_wait3A_1869, %dma_wait3A_1877, %dma_wait3A_1878] : memref<4x32x128xf32, #tpu.memory_space<vmem>> -> memref<1x32x128xf32, #tpu.memory_space<vmem>>
      %dma_wait3A_1880 = tpu.memref_squeeze %dma_wait3A_1879 : memref<1x32x128xf32, #tpu.memory_space<vmem>> -> memref<32x128xf32, #tpu.memory_space<vmem>>
      %dma_wait3A_1881 = arith.constant 0 : i32
      %dma_wait3A_1882 = arith.constant 0 : i32
      %dma_wait3A_1883 = tpu.memref_slice %arg5[%dma_wait3A_1881, %dma_wait3A_1882] : memref<32x1000000xf32, #tpu.memory_space<hbm>> -> memref<32x128xf32, #tpu.memory_space<hbm>>
      tpu.wait_dma2 semaphore(%arg16 : memref<!tpu.dma_semaphore, #tpu.memory_space<semaphore_mem>>) src(%dma_wait3A_1883 : memref<32x128xf32, #tpu.memory_space<hbm>>) dst(%dma_wait3A_1880 : memref<32x128xf32, #tpu.memory_space<vmem>>)
      %dma_wait3A_1884 = arith.constant 2 : i32
      %dma_wait3A_1885 = arith.constant 0 : i32
      %dma_wait3A_1886 = arith.constant 0 : i32
      %dma_wait3A_1887 = tpu.memref_slice %arg10[%dma_wait3A_1884, %dma_wait3A_1885, %dma_wait3A_1886] : memref<4x32x128xf32, #tpu.memory_space<vmem>> -> memref<1x32x128xf32, #tpu.memory_space<vmem>>
      %dma_wait3A_1888 = tpu.memref_squeeze %dma_wait3A_1887 : memref<1x32x128xf32, #tpu.memory_space<vmem>> -> memref<32x128xf32, #tpu.memory_space<vmem>>
      %dma_wait3A_1889 = arith.constant 0 : i32
      %dma_wait3A_1890 = arith.constant 0 : i32
      %dma_wait3A_1891 = tpu.memref_slice %arg4[%dma_wait3A_1889, %dma_wait3A_1890] : memref<32x1000000xf32, #tpu.memory_space<hbm>> -> memref<32x128xf32, #tpu.memory_space<hbm>>
      %dma_wait3A_1892 = arith.constant 0 : i32
      %dma_wait3A_1893 = arith.constant 0 : i32
      %dma_wait3A_1894 = tpu.memref_slice %arg10[%dma_wait3A_1884, %dma_wait3A_1892, %dma_wait3A_1893] : memref<4x32x128xf32, #tpu.memory_space<vmem>> -> memref<1x32x128xf32, #tpu.memory_space<vmem>>
      %dma_wait3A_1895 = tpu.memref_squeeze %dma_wait3A_1894 : memref<1x32x128xf32, #tpu.memory_space<vmem>> -> memref<32x128xf32, #tpu.memory_space<vmem>>
      %dma_wait3A_1896 = arith.constant 0 : i32
      %dma_wait3A_1897 = arith.constant 0 : i32
      %dma_wait3A_1898 = tpu.memref_slice %arg4[%dma_wait3A_1896, %dma_wait3A_1897] : memref<32x1000000xf32, #tpu.memory_space<hbm>> -> memref<32x128xf32, #tpu.memory_space<hbm>>
      tpu.wait_dma2 semaphore(%arg16 : memref<!tpu.dma_semaphore, #tpu.memory_space<semaphore_mem>>) src(%dma_wait3A_1898 : memref<32x128xf32, #tpu.memory_space<hbm>>) dst(%dma_wait3A_1895 : memref<32x128xf32, #tpu.memory_space<vmem>>)
      %dma_wait3A_1899 = arith.constant 2 : i32
      %dma_wait3A_1900 = arith.constant 0 : i32
      %dma_wait3A_1901 = arith.constant 0 : i32
      %dma_wait3A_1902 = tpu.memref_slice %arg11[%dma_wait3A_1899, %dma_wait3A_1900, %dma_wait3A_1901] : memref<4x32x128xf32, #tpu.memory_space<vmem>> -> memref<1x32x128xf32, #tpu.memory_space<vmem>>
      %dma_wait3A_1903 = tpu.memref_squeeze %dma_wait3A_1902 : memref<1x32x128xf32, #tpu.memory_space<vmem>> -> memref<32x128xf32, #tpu.memory_space<vmem>>
      %dma_wait3A_1904 = arith.constant 0 : i32
      %dma_wait3A_1905 = arith.constant 0 : i32
      %dma_wait3A_1906 = tpu.memref_slice %arg5[%dma_wait3A_1904, %dma_wait3A_1905] : memref<32x1000000xf32, #tpu.memory_space<hbm>> -> memref<32x128xf32, #tpu.memory_space<hbm>>
      %dma_wait3A_1907 = arith.constant 0 : i32
      %dma_wait3A_1908 = arith.constant 0 : i32
      %dma_wait3A_1909 = tpu.memref_slice %arg11[%dma_wait3A_1899, %dma_wait3A_1907, %dma_wait3A_1908] : memref<4x32x128xf32, #tpu.memory_space<vmem>> -> memref<1x32x128xf32, #tpu.memory_space<vmem>>
      %dma_wait3A_1910 = tpu.memref_squeeze %dma_wait3A_1909 : memref<1x32x128xf32, #tpu.memory_space<vmem>> -> memref<32x128xf32, #tpu.memory_space<vmem>>
      %dma_wait3A_1911 = arith.constant 0 : i32
      %dma_wait3A_1912 = arith.constant 0 : i32
      %dma_wait3A_1913 = tpu.memref_slice %arg5[%dma_wait3A_1911, %dma_wait3A_1912] : memref<32x1000000xf32, #tpu.memory_space<hbm>> -> memref<32x128xf32, #tpu.memory_space<hbm>>
      tpu.wait_dma2 semaphore(%arg16 : memref<!tpu.dma_semaphore, #tpu.memory_space<semaphore_mem>>) src(%dma_wait3A_1913 : memref<32x128xf32, #tpu.memory_space<hbm>>) dst(%dma_wait3A_1910 : memref<32x128xf32, #tpu.memory_space<vmem>>)
      %dma_wait3A_1914 = arith.constant 3 : i32
      %dma_wait3A_1915 = arith.constant 0 : i32
      %dma_wait3A_1916 = arith.constant 0 : i32
      %dma_wait3A_1917 = tpu.memref_slice %arg10[%dma_wait3A_1914, %dma_wait3A_1915, %dma_wait3A_1916] : memref<4x32x128xf32, #tpu.memory_space<vmem>> -> memref<1x32x128xf32, #tpu.memory_space<vmem>>
      %dma_wait3A_1918 = tpu.memref_squeeze %dma_wait3A_1917 : memref<1x32x128xf32, #tpu.memory_space<vmem>> -> memref<32x128xf32, #tpu.memory_space<vmem>>
      %dma_wait3A_1919 = arith.constant 0 : i32
      %dma_wait3A_1920 = arith.constant 0 : i32
      %dma_wait3A_1921 = tpu.memref_slice %arg4[%dma_wait3A_1919, %dma_wait3A_1920] : memref<32x1000000xf32, #tpu.memory_space<hbm>> -> memref<32x128xf32, #tpu.memory_space<hbm>>
      %dma_wait3A_1922 = arith.constant 0 : i32
      %dma_wait3A_1923 = arith.constant 0 : i32
      %dma_wait3A_1924 = tpu.memref_slice %arg10[%dma_wait3A_1914, %dma_wait3A_1922, %dma_wait3A_1923] : memref<4x32x128xf32, #tpu.memory_space<vmem>> -> memref<1x32x128xf32, #tpu.memory_space<vmem>>
      %dma_wait3A_1925 = tpu.memref_squeeze %dma_wait3A_1924 : memref<1x32x128xf32, #tpu.memory_space<vmem>> -> memref<32x128xf32, #tpu.memory_space<vmem>>
      %dma_wait3A_1926 = arith.constant 0 : i32
      %dma_wait3A_1927 = arith.constant 0 : i32
      %dma_wait3A_1928 = tpu.memref_slice %arg4[%dma_wait3A_1926, %dma_wait3A_1927] : memref<32x1000000xf32, #tpu.memory_space<hbm>> -> memref<32x128xf32, #tpu.memory_space<hbm>>
      tpu.wait_dma2 semaphore(%arg16 : memref<!tpu.dma_semaphore, #tpu.memory_space<semaphore_mem>>) src(%dma_wait3A_1928 : memref<32x128xf32, #tpu.memory_space<hbm>>) dst(%dma_wait3A_1925 : memref<32x128xf32, #tpu.memory_space<vmem>>)
      %dma_wait3A_1929 = arith.constant 3 : i32
      %dma_wait3A_1930 = arith.constant 0 : i32
      %dma_wait3A_1931 = arith.constant 0 : i32
      %dma_wait3A_1932 = tpu.memref_slice %arg11[%dma_wait3A_1929, %dma_wait3A_1930, %dma_wait3A_1931] : memref<4x32x128xf32, #tpu.memory_space<vmem>> -> memref<1x32x128xf32, #tpu.memory_space<vmem>>
      %dma_wait3A_1933 = tpu.memref_squeeze %dma_wait3A_1932 : memref<1x32x128xf32, #tpu.memory_space<vmem>> -> memref<32x128xf32, #tpu.memory_space<vmem>>
      %dma_wait3A_1934 = arith.constant 0 : i32
      %dma_wait3A_1935 = arith.constant 0 : i32
      %dma_wait3A_1936 = tpu.memref_slice %arg5[%dma_wait3A_1934, %dma_wait3A_1935] : memref<32x1000000xf32, #tpu.memory_space<hbm>> -> memref<32x128xf32, #tpu.memory_space<hbm>>
      %dma_wait3A_1937 = arith.constant 0 : i32
      %dma_wait3A_1938 = arith.constant 0 : i32
      %dma_wait3A_1939 = tpu.memref_slice %arg11[%dma_wait3A_1929, %dma_wait3A_1937, %dma_wait3A_1938] : memref<4x32x128xf32, #tpu.memory_space<vmem>> -> memref<1x32x128xf32, #tpu.memory_space<vmem>>
      %dma_wait3A_1940 = tpu.memref_squeeze %dma_wait3A_1939 : memref<1x32x128xf32, #tpu.memory_space<vmem>> -> memref<32x128xf32, #tpu.memory_space<vmem>>
      %dma_wait3A_1941 = arith.constant 0 : i32
      %dma_wait3A_1942 = arith.constant 0 : i32
      %dma_wait3A_1943 = tpu.memref_slice %arg5[%dma_wait3A_1941, %dma_wait3A_1942] : memref<32x1000000xf32, #tpu.memory_space<hbm>> -> memref<32x128xf32, #tpu.memory_space<hbm>>
      tpu.wait_dma2 semaphore(%arg16 : memref<!tpu.dma_semaphore, #tpu.memory_space<semaphore_mem>>) src(%dma_wait3A_1943 : memref<32x128xf32, #tpu.memory_space<hbm>>) dst(%dma_wait3A_1940 : memref<32x128xf32, #tpu.memory_space<vmem>>)
      %jit3A_1944 = arith.constant 128 : i32
      %div3A_1945 = vector.broadcast %jit3A_1944 : i32 to vector<16xi32>
      %div3A_1946 = arith.divsi %get3A_1477, %div3A_1945 : vector<16xi32>
      %sign3A_1947 = arith.constant 0 : i32
      %sign3A_1948 = vector.broadcast %sign3A_1947 : i32 to vector<16xi32>
      %sign3A_1949 = arith.cmpi sgt, %get3A_1477, %sign3A_1948 : vector<16xi32>
      %sign3A_1950 = arith.extui %sign3A_1949 : vector<16xi1> to vector<16xi32>
      %sign3A_1951 = arith.constant 0 : i32
      %sign3A_1952 = vector.broadcast %sign3A_1951 : i32 to vector<16xi32>
      %sign3A_1953 = arith.cmpi slt, %get3A_1477, %sign3A_1952 : vector<16xi32>
      %sign3A_1954 = arith.extui %sign3A_1953 : vector<16xi1> to vector<16xi32>
      %sign3A_1955 = arith.subi %sign3A_1950, %sign3A_1954 : vector<16xi32>
      %sign3A_1956 = arith.constant 0 : i32
      %sign3A_1957 = arith.cmpi sgt, %jit3A_1944, %sign3A_1956 : i32
      %sign3A_1958 = arith.extui %sign3A_1957 : i1 to i32
      %sign3A_1959 = arith.constant 0 : i32
      %sign3A_1960 = arith.cmpi slt, %jit3A_1944, %sign3A_1959 : i32
      %sign3A_1961 = arith.extui %sign3A_1960 : i1 to i32
      %sign3A_1962 = arith.subi %sign3A_1958, %sign3A_1961 : i32
      %ne3A_1963 = vector.broadcast %sign3A_1962 : i32 to vector<16xi32>
      %ne3A_1964 = arith.cmpi ne, %sign3A_1955, %ne3A_1963 : vector<16xi32>
      %rem3A_1965 = vector.broadcast %jit3A_1944 : i32 to vector<16xi32>
      %rem3A_1966 = arith.remsi %get3A_1477, %rem3A_1965 : vector<16xi32>
      %ne3A_1967 = arith.constant 0 : i32
      %ne3A_1968 = vector.broadcast %ne3A_1967 : i32 to vector<16xi32>
      %ne3A_1969 = arith.cmpi ne, %rem3A_1966, %ne3A_1968 : vector<16xi32>
      %and3A_1970 = arith.andi %ne3A_1964, %ne3A_1969 : vector<16xi1>
      %sub3A_1971 = arith.constant 1 : i32
      %sub3A_1972 = vector.broadcast %sub3A_1971 : i32 to vector<16xi32>
      %sub3A_1973 = arith.subi %div3A_1946, %sub3A_1972 : vector<16xi32>
      %select_n3A_1974 = arith.select %and3A_1970, %sub3A_1973, %div3A_1946 : vector<16xi1>, vector<16xi32>
      %mul3A_1975 = arith.constant 128 : i32
      %mul3A_1976 = vector.broadcast %mul3A_1975 : i32 to vector<16xi32>
      %mul3A_1977 = arith.muli %select_n3A_1974, %mul3A_1976 : vector<16xi32>
      %sub3A_1978 = arith.subi %get3A_1477, %mul3A_1977 : vector<16xi32>
      %jit3A_1979 = arith.constant 128 : i32
      %div3A_1980 = vector.broadcast %jit3A_1979 : i32 to vector<16xi32>
      %div3A_1981 = arith.divsi %get3A_1479, %div3A_1980 : vector<16xi32>
      %sign3A_1982 = arith.constant 0 : i32
      %sign3A_1983 = vector.broadcast %sign3A_1982 : i32 to vector<16xi32>
      %sign3A_1984 = arith.cmpi sgt, %get3A_1479, %sign3A_1983 : vector<16xi32>
      %sign3A_1985 = arith.extui %sign3A_1984 : vector<16xi1> to vector<16xi32>
      %sign3A_1986 = arith.constant 0 : i32
      %sign3A_1987 = vector.broadcast %sign3A_1986 : i32 to vector<16xi32>
      %sign3A_1988 = arith.cmpi slt, %get3A_1479, %sign3A_1987 : vector<16xi32>
      %sign3A_1989 = arith.extui %sign3A_1988 : vector<16xi1> to vector<16xi32>
      %sign3A_1990 = arith.subi %sign3A_1985, %sign3A_1989 : vector<16xi32>
      %sign3A_1991 = arith.constant 0 : i32
      %sign3A_1992 = arith.cmpi sgt, %jit3A_1979, %sign3A_1991 : i32
      %sign3A_1993 = arith.extui %sign3A_1992 : i1 to i32
      %sign3A_1994 = arith.constant 0 : i32
      %sign3A_1995 = arith.cmpi slt, %jit3A_1979, %sign3A_1994 : i32
      %sign3A_1996 = arith.extui %sign3A_1995 : i1 to i32
      %sign3A_1997 = arith.subi %sign3A_1993, %sign3A_1996 : i32
      %ne3A_1998 = vector.broadcast %sign3A_1997 : i32 to vector<16xi32>
      %ne3A_1999 = arith.cmpi ne, %sign3A_1990, %ne3A_1998 : vector<16xi32>
      %rem3A_2000 = vector.broadcast %jit3A_1979 : i32 to vector<16xi32>
      %rem3A_2001 = arith.remsi %get3A_1479, %rem3A_2000 : vector<16xi32>
      %ne3A_2002 = arith.constant 0 : i32
      %ne3A_2003 = vector.broadcast %ne3A_2002 : i32 to vector<16xi32>
      %ne3A_2004 = arith.cmpi ne, %rem3A_2001, %ne3A_2003 : vector<16xi32>
      %and3A_2005 = arith.andi %ne3A_1999, %ne3A_2004 : vector<16xi1>
      %sub3A_2006 = arith.constant 1 : i32
      %sub3A_2007 = vector.broadcast %sub3A_2006 : i32 to vector<16xi32>
      %sub3A_2008 = arith.subi %div3A_1981, %sub3A_2007 : vector<16xi32>
      %select_n3A_2009 = arith.select %and3A_2005, %sub3A_2008, %div3A_1981 : vector<16xi1>, vector<16xi32>
      %mul3A_2010 = arith.constant 128 : i32
      %mul3A_2011 = vector.broadcast %mul3A_2010 : i32 to vector<16xi32>
      %mul3A_2012 = arith.muli %select_n3A_2009, %mul3A_2011 : vector<16xi32>
      %sub3A_2013 = arith.subi %get3A_1479, %mul3A_2012 : vector<16xi32>
      %slice3A_2014 = vector.extract_strided_slice %sub3A_1978 {offsets = [0], sizes = [1], strides = [1]} : vector<16xi32> to vector<1xi32>
      %squeeze3A_2015 = vector.extract %slice3A_2014[0] : i32 from vector<1xi32>
      %broadcast_in_dim3A_2016 = vector.broadcast %squeeze3A_2015 : i32 to vector<16xi32>
      %slice3A_2017 = vector.extract_strided_slice %sub3A_2013 {offsets = [0], sizes = [1], strides = [1]} : vector<16xi32> to vector<1xi32>
      %squeeze3A_2018 = vector.extract %slice3A_2017[0] : i32 from vector<1xi32>
      %broadcast_in_dim3A_2019 = vector.broadcast %squeeze3A_2018 : i32 to vector<16xi32>
      %gather3A_2020 = arith.constant 0 : i32
      %gather3A_2021 = arith.constant 0 : i32
      %gather3A_2022 = arith.constant 0 : i32
      %gather3A_2023 = tpu.memref_slice %arg10[%gather3A_2020, %gather3A_2021, %gather3A_2022] : memref<4x32x128xf32, #tpu.memory_space<vmem>> -> memref<1x32x128xf32, #tpu.memory_space<vmem>>
      %gather3A_2024 = tpu.memref_squeeze %gather3A_2023 : memref<1x32x128xf32, #tpu.memory_space<vmem>> -> memref<32x128xf32, #tpu.memory_space<vmem>>
      %gather3A_2025 = tpu.vector_load_idx %gather3A_2024[%iota3A, %broadcast_in_dim3A_2016] : memref<32x128xf32, #tpu.memory_space<vmem>>[vector<16xi32>, vector<16xi32>], vector<16xf32>,
      %swap3A_2026 = arith.constant 0 : i32
      %swap3A_2027 = arith.index_cast %swap3A_2026 : i32 to index
      %swap3A_2028 = arith.constant 0 : index
      %swap3A_2029 = tpu.vector_load %arg14[%swap3A_2027, %swap3A_2028] {strides = array<i32>} : memref<8x32xf32, #tpu.memory_space<vmem>>, vector<16xf32>,
      tpu.vector_store %arg14[%swap3A_2027, %swap3A_2028], %gather3A_2025 {strides = array<i32>} : memref<8x32xf32, #tpu.memory_space<vmem>>, vector<16xf32>,
      %add3A_2030 = arith.constant 16 : i32
      %add3A_2031 = vector.broadcast %add3A_2030 : i32 to vector<16xi32>
      %add3A_2032 = arith.addi %iota3A, %add3A_2031 : vector<16xi32>
      %gather3A_2033 = arith.constant 0 : i32
      %gather3A_2034 = arith.constant 0 : i32
      %gather3A_2035 = arith.constant 0 : i32
      %gather3A_2036 = tpu.memref_slice %arg10[%gather3A_2033, %gather3A_2034, %gather3A_2035] : memref<4x32x128xf32, #tpu.memory_space<vmem>> -> memref<1x32x128xf32, #tpu.memory_space<vmem>>
      %gather3A_2037 = tpu.memref_squeeze %gather3A_2036 : memref<1x32x128xf32, #tpu.memory_space<vmem>> -> memref<32x128xf32, #tpu.memory_space<vmem>>
      %gather3A_2038 = tpu.vector_load_idx %gather3A_2037[%add3A_2032, %broadcast_in_dim3A_2016] : memref<32x128xf32, #tpu.memory_space<vmem>>[vector<16xi32>, vector<16xi32>], vector<16xf32>,
      %swap3A_2039 = arith.constant 0 : i32
      %swap3A_2040 = arith.index_cast %swap3A_2039 : i32 to index
      %swap3A_2041 = arith.constant 16 : index
      %swap3A_2042 = tpu.vector_load %arg14[%swap3A_2040, %swap3A_2041] {strides = array<i32>} : memref<8x32xf32, #tpu.memory_space<vmem>>, vector<16xf32>,
      tpu.vector_store %arg14[%swap3A_2040, %swap3A_2041], %gather3A_2038 {strides = array<i32>} : memref<8x32xf32, #tpu.memory_space<vmem>>, vector<16xf32>,
      %gather3A_2043 = arith.constant 0 : i32
      %gather3A_2044 = arith.constant 0 : i32
      %gather3A_2045 = arith.constant 0 : i32
      %gather3A_2046 = tpu.memref_slice %arg11[%gather3A_2043, %gather3A_2044, %gather3A_2045] : memref<4x32x128xf32, #tpu.memory_space<vmem>> -> memref<1x32x128xf32, #tpu.memory_space<vmem>>
      %gather3A_2047 = tpu.memref_squeeze %gather3A_2046 : memref<1x32x128xf32, #tpu.memory_space<vmem>> -> memref<32x128xf32, #tpu.memory_space<vmem>>
      %gather3A_2048 = tpu.vector_load_idx %gather3A_2047[%iota3A, %broadcast_in_dim3A_2019] : memref<32x128xf32, #tpu.memory_space<vmem>>[vector<16xi32>, vector<16xi32>], vector<16xf32>,
      %swap3A_2049 = arith.constant 0 : i32
      %swap3A_2050 = arith.index_cast %swap3A_2049 : i32 to index
      %swap3A_2051 = arith.constant 0 : index
      %swap3A_2052 = tpu.vector_load %arg15[%swap3A_2050, %swap3A_2051] {strides = array<i32>} : memref<8x32xf32, #tpu.memory_space<vmem>>, vector<16xf32>,
      tpu.vector_store %arg15[%swap3A_2050, %swap3A_2051], %gather3A_2048 {strides = array<i32>} : memref<8x32xf32, #tpu.memory_space<vmem>>, vector<16xf32>,
      %add3A_2053 = arith.constant 16 : i32
      %add3A_2054 = vector.broadcast %add3A_2053 : i32 to vector<16xi32>
      %add3A_2055 = arith.addi %iota3A, %add3A_2054 : vector<16xi32>
      %gather3A_2056 = arith.constant 0 : i32
      %gather3A_2057 = arith.constant 0 : i32
      %gather3A_2058 = arith.constant 0 : i32
      %gather3A_2059 = tpu.memref_slice %arg11[%gather3A_2056, %gather3A_2057, %gather3A_2058] : memref<4x32x128xf32, #tpu.memory_space<vmem>> -> memref<1x32x128xf32, #tpu.memory_space<vmem>>
      %gather3A_2060 = tpu.memref_squeeze %gather3A_2059 : memref<1x32x128xf32, #tpu.memory_space<vmem>> -> memref<32x128xf32, #tpu.memory_space<vmem>>
      %gather3A_2061 = tpu.vector_load_idx %gather3A_2060[%add3A_2055, %broadcast_in_dim3A_2019] : memref<32x128xf32, #tpu.memory_space<vmem>>[vector<16xi32>, vector<16xi32>], vector<16xf32>,
      %swap3A_2062 = arith.constant 0 : i32
      %swap3A_2063 = arith.index_cast %swap3A_2062 : i32 to index
      %swap3A_2064 = arith.constant 16 : index
      %swap3A_2065 = tpu.vector_load %arg15[%swap3A_2063, %swap3A_2064] {strides = array<i32>} : memref<8x32xf32, #tpu.memory_space<vmem>>, vector<16xf32>,
      tpu.vector_store %arg15[%swap3A_2063, %swap3A_2064], %gather3A_2061 {strides = array<i32>} : memref<8x32xf32, #tpu.memory_space<vmem>>, vector<16xf32>,
      %slice3A_2066 = vector.extract_strided_slice %sub3A_1978 {offsets = [1], sizes = [1], strides = [1]} : vector<16xi32> to vector<1xi32>
      %squeeze3A_2067 = vector.extract %slice3A_2066[0] : i32 from vector<1xi32>
      %broadcast_in_dim3A_2068 = vector.broadcast %squeeze3A_2067 : i32 to vector<16xi32>
      %slice3A_2069 = vector.extract_strided_slice %sub3A_2013 {offsets = [1], sizes = [1], strides = [1]} : vector<16xi32> to vector<1xi32>
      %squeeze3A_2070 = vector.extract %slice3A_2069[0] : i32 from vector<1xi32>
      %broadcast_in_dim3A_2071 = vector.broadcast %squeeze3A_2070 : i32 to vector<16xi32>
      %gather3A_2072 = arith.constant 1 : i32
      %gather3A_2073 = arith.constant 0 : i32
      %gather3A_2074 = arith.constant 0 : i32
      %gather3A_2075 = tpu.memref_slice %arg10[%gather3A_2072, %gather3A_2073, %gather3A_2074] : memref<4x32x128xf32, #tpu.memory_space<vmem>> -> memref<1x32x128xf32, #tpu.memory_space<vmem>>
      %gather3A_2076 = tpu.memref_squeeze %gather3A_2075 : memref<1x32x128xf32, #tpu.memory_space<vmem>> -> memref<32x128xf32, #tpu.memory_space<vmem>>
      %gather3A_2077 = tpu.vector_load_idx %gather3A_2076[%iota3A, %broadcast_in_dim3A_2068] : memref<32x128xf32, #tpu.memory_space<vmem>>[vector<16xi32>, vector<16xi32>], vector<16xf32>,
      %swap3A_2078 = arith.constant 1 : i32
      %swap3A_2079 = arith.index_cast %swap3A_2078 : i32 to index
      %swap3A_2080 = arith.constant 0 : index
      %swap3A_2081 = tpu.vector_load %arg14[%swap3A_2079, %swap3A_2080] {strides = array<i32>} : memref<8x32xf32, #tpu.memory_space<vmem>>, vector<16xf32>,
      tpu.vector_store %arg14[%swap3A_2079, %swap3A_2080], %gather3A_2077 {strides = array<i32>} : memref<8x32xf32, #tpu.memory_space<vmem>>, vector<16xf32>,
      %add3A_2082 = arith.constant 16 : i32
      %add3A_2083 = vector.broadcast %add3A_2082 : i32 to vector<16xi32>
      %add3A_2084 = arith.addi %iota3A, %add3A_2083 : vector<16xi32>
      %gather3A_2085 = arith.constant 1 : i32
      %gather3A_2086 = arith.constant 0 : i32
      %gather3A_2087 = arith.constant 0 : i32
      %gather3A_2088 = tpu.memref_slice %arg10[%gather3A_2085, %gather3A_2086, %gather3A_2087] : memref<4x32x128xf32, #tpu.memory_space<vmem>> -> memref<1x32x128xf32, #tpu.memory_space<vmem>>
      %gather3A_2089 = tpu.memref_squeeze %gather3A_2088 : memref<1x32x128xf32, #tpu.memory_space<vmem>> -> memref<32x128xf32, #tpu.memory_space<vmem>>
      %gather3A_2090 = tpu.vector_load_idx %gather3A_2089[%add3A_2084, %broadcast_in_dim3A_2068] : memref<32x128xf32, #tpu.memory_space<vmem>>[vector<16xi32>, vector<16xi32>], vector<16xf32>,
      %swap3A_2091 = arith.constant 1 : i32
      %swap3A_2092 = arith.index_cast %swap3A_2091 : i32 to index
      %swap3A_2093 = arith.constant 16 : index
      %swap3A_2094 = tpu.vector_load %arg14[%swap3A_2092, %swap3A_2093] {strides = array<i32>} : memref<8x32xf32, #tpu.memory_space<vmem>>, vector<16xf32>,
      tpu.vector_store %arg14[%swap3A_2092, %swap3A_2093], %gather3A_2090 {strides = array<i32>} : memref<8x32xf32, #tpu.memory_space<vmem>>, vector<16xf32>,
      %gather3A_2095 = arith.constant 1 : i32
      %gather3A_2096 = arith.constant 0 : i32
      %gather3A_2097 = arith.constant 0 : i32
      %gather3A_2098 = tpu.memref_slice %arg11[%gather3A_2095, %gather3A_2096, %gather3A_2097] : memref<4x32x128xf32, #tpu.memory_space<vmem>> -> memref<1x32x128xf32, #tpu.memory_space<vmem>>
      %gather3A_2099 = tpu.memref_squeeze %gather3A_2098 : memref<1x32x128xf32, #tpu.memory_space<vmem>> -> memref<32x128xf32, #tpu.memory_space<vmem>>
      %gather3A_2100 = tpu.vector_load_idx %gather3A_2099[%iota3A, %broadcast_in_dim3A_2071] : memref<32x128xf32, #tpu.memory_space<vmem>>[vector<16xi32>, vector<16xi32>], vector<16xf32>,
      %swap3A_2101 = arith.constant 1 : i32
      %swap3A_2102 = arith.index_cast %swap3A_2101 : i32 to index
      %swap3A_2103 = arith.constant 0 : index
      %swap3A_2104 = tpu.vector_load %arg15[%swap3A_2102, %swap3A_2103] {strides = array<i32>} : memref<8x32xf32, #tpu.memory_space<vmem>>, vector<16xf32>,
      tpu.vector_store %arg15[%swap3A_2102, %swap3A_2103], %gather3A_2100 {strides = array<i32>} : memref<8x32xf32, #tpu.memory_space<vmem>>, vector<16xf32>,
      %add3A_2105 = arith.constant 16 : i32
      %add3A_2106 = vector.broadcast %add3A_2105 : i32 to vector<16xi32>
      %add3A_2107 = arith.addi %iota3A, %add3A_2106 : vector<16xi32>
      %gather3A_2108 = arith.constant 1 : i32
      %gather3A_2109 = arith.constant 0 : i32
      %gather3A_2110 = arith.constant 0 : i32
      %gather3A_2111 = tpu.memref_slice %arg11[%gather3A_2108, %gather3A_2109, %gather3A_2110] : memref<4x32x128xf32, #tpu.memory_space<vmem>> -> memref<1x32x128xf32, #tpu.memory_space<vmem>>
      %gather3A_2112 = tpu.memref_squeeze %gather3A_2111 : memref<1x32x128xf32, #tpu.memory_space<vmem>> -> memref<32x128xf32, #tpu.memory_space<vmem>>
      %gather3A_2113 = tpu.vector_load_idx %gather3A_2112[%add3A_2107, %broadcast_in_dim3A_2071] : memref<32x128xf32, #tpu.memory_space<vmem>>[vector<16xi32>, vector<16xi32>], vector<16xf32>,
      %swap3A_2114 = arith.constant 1 : i32
      %swap3A_2115 = arith.index_cast %swap3A_2114 : i32 to index
      %swap3A_2116 = arith.constant 16 : index
      %swap3A_2117 = tpu.vector_load %arg15[%swap3A_2115, %swap3A_2116] {strides = array<i32>} : memref<8x32xf32, #tpu.memory_space<vmem>>, vector<16xf32>,
      tpu.vector_store %arg15[%swap3A_2115, %swap3A_2116], %gather3A_2113 {strides = array<i32>} : memref<8x32xf32, #tpu.memory_space<vmem>>, vector<16xf32>,
      %slice3A_2118 = vector.extract_strided_slice %sub3A_1978 {offsets = [2], sizes = [1], strides = [1]} : vector<16xi32> to vector<1xi32>
      %squeeze3A_2119 = vector.extract %slice3A_2118[0] : i32 from vector<1xi32>
      %broadcast_in_dim3A_2120 = vector.broadcast %squeeze3A_2119 : i32 to vector<16xi32>
      %slice3A_2121 = vector.extract_strided_slice %sub3A_2013 {offsets = [2], sizes = [1], strides = [1]} : vector<16xi32> to vector<1xi32>
      %squeeze3A_2122 = vector.extract %slice3A_2121[0] : i32 from vector<1xi32>
      %broadcast_in_dim3A_2123 = vector.broadcast %squeeze3A_2122 : i32 to vector<16xi32>
      %gather3A_2124 = arith.constant 2 : i32
      %gather3A_2125 = arith.constant 0 : i32
      %gather3A_2126 = arith.constant 0 : i32
      %gather3A_2127 = tpu.memref_slice %arg10[%gather3A_2124, %gather3A_2125, %gather3A_2126] : memref<4x32x128xf32, #tpu.memory_space<vmem>> -> memref<1x32x128xf32, #tpu.memory_space<vmem>>
      %gather3A_2128 = tpu.memref_squeeze %gather3A_2127 : memref<1x32x128xf32, #tpu.memory_space<vmem>> -> memref<32x128xf32, #tpu.memory_space<vmem>>
      %gather3A_2129 = tpu.vector_load_idx %gather3A_2128[%iota3A, %broadcast_in_dim3A_2120] : memref<32x128xf32, #tpu.memory_space<vmem>>[vector<16xi32>, vector<16xi32>], vector<16xf32>,
      %swap3A_2130 = arith.constant 2 : i32
      %swap3A_2131 = arith.index_cast %swap3A_2130 : i32 to index
      %swap3A_2132 = arith.constant 0 : index
      %swap3A_2133 = tpu.vector_load %arg14[%swap3A_2131, %swap3A_2132] {strides = array<i32>} : memref<8x32xf32, #tpu.memory_space<vmem>>, vector<16xf32>,
      tpu.vector_store %arg14[%swap3A_2131, %swap3A_2132], %gather3A_2129 {strides = array<i32>} : memref<8x32xf32, #tpu.memory_space<vmem>>, vector<16xf32>,
      %add3A_2134 = arith.constant 16 : i32
      %add3A_2135 = vector.broadcast %add3A_2134 : i32 to vector<16xi32>
      %add3A_2136 = arith.addi %iota3A, %add3A_2135 : vector<16xi32>
      %gather3A_2137 = arith.constant 2 : i32
      %gather3A_2138 = arith.constant 0 : i32
      %gather3A_2139 = arith.constant 0 : i32
      %gather3A_2140 = tpu.memref_slice %arg10[%gather3A_2137, %gather3A_2138, %gather3A_2139] : memref<4x32x128xf32, #tpu.memory_space<vmem>> -> memref<1x32x128xf32, #tpu.memory_space<vmem>>
      %gather3A_2141 = tpu.memref_squeeze %gather3A_2140 : memref<1x32x128xf32, #tpu.memory_space<vmem>> -> memref<32x128xf32, #tpu.memory_space<vmem>>
      %gather3A_2142 = tpu.vector_load_idx %gather3A_2141[%add3A_2136, %broadcast_in_dim3A_2120] : memref<32x128xf32, #tpu.memory_space<vmem>>[vector<16xi32>, vector<16xi32>], vector<16xf32>,
      %swap3A_2143 = arith.constant 2 : i32
      %swap3A_2144 = arith.index_cast %swap3A_2143 : i32 to index
      %swap3A_2145 = arith.constant 16 : index
      %swap3A_2146 = tpu.vector_load %arg14[%swap3A_2144, %swap3A_2145] {strides = array<i32>} : memref<8x32xf32, #tpu.memory_space<vmem>>, vector<16xf32>,
      tpu.vector_store %arg14[%swap3A_2144, %swap3A_2145], %gather3A_2142 {strides = array<i32>} : memref<8x32xf32, #tpu.memory_space<vmem>>, vector<16xf32>,
      %gather3A_2147 = arith.constant 2 : i32
      %gather3A_2148 = arith.constant 0 : i32
      %gather3A_2149 = arith.constant 0 : i32
      %gather3A_2150 = tpu.memref_slice %arg11[%gather3A_2147, %gather3A_2148, %gather3A_2149] : memref<4x32x128xf32, #tpu.memory_space<vmem>> -> memref<1x32x128xf32, #tpu.memory_space<vmem>>
      %gather3A_2151 = tpu.memref_squeeze %gather3A_2150 : memref<1x32x128xf32, #tpu.memory_space<vmem>> -> memref<32x128xf32, #tpu.memory_space<vmem>>
      %gather3A_2152 = tpu.vector_load_idx %gather3A_2151[%iota3A, %broadcast_in_dim3A_2123] : memref<32x128xf32, #tpu.memory_space<vmem>>[vector<16xi32>, vector<16xi32>], vector<16xf32>,
      %swap3A_2153 = arith.constant 2 : i32
      %swap3A_2154 = arith.index_cast %swap3A_2153 : i32 to index
      %swap3A_2155 = arith.constant 0 : index
      %swap3A_2156 = tpu.vector_load %arg15[%swap3A_2154, %swap3A_2155] {strides = array<i32>} : memref<8x32xf32, #tpu.memory_space<vmem>>, vector<16xf32>,
      tpu.vector_store %arg15[%swap3A_2154, %swap3A_2155], %gather3A_2152 {strides = array<i32>} : memref<8x32xf32, #tpu.memory_space<vmem>>, vector<16xf32>,
      %add3A_2157 = arith.constant 16 : i32
      %add3A_2158 = vector.broadcast %add3A_2157 : i32 to vector<16xi32>
      %add3A_2159 = arith.addi %iota3A, %add3A_2158 : vector<16xi32>
      %gather3A_2160 = arith.constant 2 : i32
      %gather3A_2161 = arith.constant 0 : i32
      %gather3A_2162 = arith.constant 0 : i32
      %gather3A_2163 = tpu.memref_slice %arg11[%gather3A_2160, %gather3A_2161, %gather3A_2162] : memref<4x32x128xf32, #tpu.memory_space<vmem>> -> memref<1x32x128xf32, #tpu.memory_space<vmem>>
      %gather3A_2164 = tpu.memref_squeeze %gather3A_2163 : memref<1x32x128xf32, #tpu.memory_space<vmem>> -> memref<32x128xf32, #tpu.memory_space<vmem>>
      %gather3A_2165 = tpu.vector_load_idx %gather3A_2164[%add3A_2159, %broadcast_in_dim3A_2123] : memref<32x128xf32, #tpu.memory_space<vmem>>[vector<16xi32>, vector<16xi32>], vector<16xf32>,
      %swap3A_2166 = arith.constant 2 : i32
      %swap3A_2167 = arith.index_cast %swap3A_2166 : i32 to index
      %swap3A_2168 = arith.constant 16 : index
      %swap3A_2169 = tpu.vector_load %arg15[%swap3A_2167, %swap3A_2168] {strides = array<i32>} : memref<8x32xf32, #tpu.memory_space<vmem>>, vector<16xf32>,
      tpu.vector_store %arg15[%swap3A_2167, %swap3A_2168], %gather3A_2165 {strides = array<i32>} : memref<8x32xf32, #tpu.memory_space<vmem>>, vector<16xf32>,
      %slice3A_2170 = vector.extract_strided_slice %sub3A_1978 {offsets = [3], sizes = [1], strides = [1]} : vector<16xi32> to vector<1xi32>
      %squeeze3A_2171 = vector.extract %slice3A_2170[0] : i32 from vector<1xi32>
      %broadcast_in_dim3A_2172 = vector.broadcast %squeeze3A_2171 : i32 to vector<16xi32>
      %slice3A_2173 = vector.extract_strided_slice %sub3A_2013 {offsets = [3], sizes = [1], strides = [1]} : vector<16xi32> to vector<1xi32>
      %squeeze3A_2174 = vector.extract %slice3A_2173[0] : i32 from vector<1xi32>
      %broadcast_in_dim3A_2175 = vector.broadcast %squeeze3A_2174 : i32 to vector<16xi32>
      %gather3A_2176 = arith.constant 3 : i32
      %gather3A_2177 = arith.constant 0 : i32
      %gather3A_2178 = arith.constant 0 : i32
      %gather3A_2179 = tpu.memref_slice %arg10[%gather3A_2176, %gather3A_2177, %gather3A_2178] : memref<4x32x128xf32, #tpu.memory_space<vmem>> -> memref<1x32x128xf32, #tpu.memory_space<vmem>>
      %gather3A_2180 = tpu.memref_squeeze %gather3A_2179 : memref<1x32x128xf32, #tpu.memory_space<vmem>> -> memref<32x128xf32, #tpu.memory_space<vmem>>
      %gather3A_2181 = tpu.vector_load_idx %gather3A_2180[%iota3A, %broadcast_in_dim3A_2172] : memref<32x128xf32, #tpu.memory_space<vmem>>[vector<16xi32>, vector<16xi32>], vector<16xf32>,
      %swap3A_2182 = arith.constant 3 : i32
      %swap3A_2183 = arith.index_cast %swap3A_2182 : i32 to index
      %swap3A_2184 = arith.constant 0 : index
      %swap3A_2185 = tpu.vector_load %arg14[%swap3A_2183, %swap3A_2184] {strides = array<i32>} : memref<8x32xf32, #tpu.memory_space<vmem>>, vector<16xf32>,
      tpu.vector_store %arg14[%swap3A_2183, %swap3A_2184], %gather3A_2181 {strides = array<i32>} : memref<8x32xf32, #tpu.memory_space<vmem>>, vector<16xf32>,
      %add3A_2186 = arith.constant 16 : i32
      %add3A_2187 = vector.broadcast %add3A_2186 : i32 to vector<16xi32>
      %add3A_2188 = arith.addi %iota3A, %add3A_2187 : vector<16xi32>
      %gather3A_2189 = arith.constant 3 : i32
      %gather3A_2190 = arith.constant 0 : i32
      %gather3A_2191 = arith.constant 0 : i32
      %gather3A_2192 = tpu.memref_slice %arg10[%gather3A_2189, %gather3A_2190, %gather3A_2191] : memref<4x32x128xf32, #tpu.memory_space<vmem>> -> memref<1x32x128xf32, #tpu.memory_space<vmem>>
      %gather3A_2193 = tpu.memref_squeeze %gather3A_2192 : memref<1x32x128xf32, #tpu.memory_space<vmem>> -> memref<32x128xf32, #tpu.memory_space<vmem>>
      %gather3A_2194 = tpu.vector_load_idx %gather3A_2193[%add3A_2188, %broadcast_in_dim3A_2172] : memref<32x128xf32, #tpu.memory_space<vmem>>[vector<16xi32>, vector<16xi32>], vector<16xf32>,
      %swap3A_2195 = arith.constant 3 : i32
      %swap3A_2196 = arith.index_cast %swap3A_2195 : i32 to index
      %swap3A_2197 = arith.constant 16 : index
      %swap3A_2198 = tpu.vector_load %arg14[%swap3A_2196, %swap3A_2197] {strides = array<i32>} : memref<8x32xf32, #tpu.memory_space<vmem>>, vector<16xf32>,
      tpu.vector_store %arg14[%swap3A_2196, %swap3A_2197], %gather3A_2194 {strides = array<i32>} : memref<8x32xf32, #tpu.memory_space<vmem>>, vector<16xf32>,
      %gather3A_2199 = arith.constant 3 : i32
      %gather3A_2200 = arith.constant 0 : i32
      %gather3A_2201 = arith.constant 0 : i32
      %gather3A_2202 = tpu.memref_slice %arg11[%gather3A_2199, %gather3A_2200, %gather3A_2201] : memref<4x32x128xf32, #tpu.memory_space<vmem>> -> memref<1x32x128xf32, #tpu.memory_space<vmem>>
      %gather3A_2203 = tpu.memref_squeeze %gather3A_2202 : memref<1x32x128xf32, #tpu.memory_space<vmem>> -> memref<32x128xf32, #tpu.memory_space<vmem>>
      %gather3A_2204 = tpu.vector_load_idx %gather3A_2203[%iota3A, %broadcast_in_dim3A_2175] : memref<32x128xf32, #tpu.memory_space<vmem>>[vector<16xi32>, vector<16xi32>], vector<16xf32>,
      %swap3A_2205 = arith.constant 3 : i32
      %swap3A_2206 = arith.index_cast %swap3A_2205 : i32 to index
      %swap3A_2207 = arith.constant 0 : index
      %swap3A_2208 = tpu.vector_load %arg15[%swap3A_2206, %swap3A_2207] {strides = array<i32>} : memref<8x32xf32, #tpu.memory_space<vmem>>, vector<16xf32>,
      tpu.vector_store %arg15[%swap3A_2206, %swap3A_2207], %gather3A_2204 {strides = array<i32>} : memref<8x32xf32, #tpu.memory_space<vmem>>, vector<16xf32>,
      %add3A_2209 = arith.constant 16 : i32
      %add3A_2210 = vector.broadcast %add3A_2209 : i32 to vector<16xi32>
      %add3A_2211 = arith.addi %iota3A, %add3A_2210 : vector<16xi32>
      %gather3A_2212 = arith.constant 3 : i32
      %gather3A_2213 = arith.constant 0 : i32
      %gather3A_2214 = arith.constant 0 : i32
      %gather3A_2215 = tpu.memref_slice %arg11[%gather3A_2212, %gather3A_2213, %gather3A_2214] : memref<4x32x128xf32, #tpu.memory_space<vmem>> -> memref<1x32x128xf32, #tpu.memory_space<vmem>>
      %gather3A_2216 = tpu.memref_squeeze %gather3A_2215 : memref<1x32x128xf32, #tpu.memory_space<vmem>> -> memref<32x128xf32, #tpu.memory_space<vmem>>
      %gather3A_2217 = tpu.vector_load_idx %gather3A_2216[%add3A_2211, %broadcast_in_dim3A_2175] : memref<32x128xf32, #tpu.memory_space<vmem>>[vector<16xi32>, vector<16xi32>], vector<16xf32>,
      %swap3A_2218 = arith.constant 3 : i32
      %swap3A_2219 = arith.index_cast %swap3A_2218 : i32 to index
      %swap3A_2220 = arith.constant 16 : index
      %swap3A_2221 = tpu.vector_load %arg15[%swap3A_2219, %swap3A_2220] {strides = array<i32>} : memref<8x32xf32, #tpu.memory_space<vmem>>, vector<16xf32>,
      tpu.vector_store %arg15[%swap3A_2219, %swap3A_2220], %gather3A_2217 {strides = array<i32>} : memref<8x32xf32, #tpu.memory_space<vmem>>, vector<16xf32>,
      %slice3A_2222 = vector.extract_strided_slice %get3A_1483 {offsets = [0], sizes = [1], strides = [1]} : vector<16xi32> to vector<1xi32>
      %squeeze3A_2223 = vector.extract %slice3A_2222[0] : i32 from vector<1xi32>
      %slice3A_2224 = vector.extract_strided_slice %get3A_1487 {offsets = [0], sizes = [1], strides = [1]} : vector<16xi32> to vector<1xi32>
      %squeeze3A_2225 = vector.extract %slice3A_2224[0] : i32 from vector<1xi32>
      %jit3A_2226 = arith.constant 128 : i32
      %div3A_2227 = arith.divsi %squeeze3A_2223, %jit3A_2226 : i32
      %sign3A_2228 = arith.constant 0 : i32
      %sign3A_2229 = arith.cmpi sgt, %squeeze3A_2223, %sign3A_2228 : i32
      %sign3A_2230 = arith.extui %sign3A_2229 : i1 to i32
      %sign3A_2231 = arith.constant 0 : i32
      %sign3A_2232 = arith.cmpi slt, %squeeze3A_2223, %sign3A_2231 : i32
      %sign3A_2233 = arith.extui %sign3A_2232 : i1 to i32
      %sign3A_2234 = arith.subi %sign3A_2230, %sign3A_2233 : i32
      %sign3A_2235 = arith.constant 0 : i32
      %sign3A_2236 = arith.cmpi sgt, %jit3A_2226, %sign3A_2235 : i32
      %sign3A_2237 = arith.extui %sign3A_2236 : i1 to i32
      %sign3A_2238 = arith.constant 0 : i32
      %sign3A_2239 = arith.cmpi slt, %jit3A_2226, %sign3A_2238 : i32
      %sign3A_2240 = arith.extui %sign3A_2239 : i1 to i32
      %sign3A_2241 = arith.subi %sign3A_2237, %sign3A_2240 : i32
      %ne3A_2242 = arith.cmpi ne, %sign3A_2234, %sign3A_2241 : i32
      %rem3A_2243 = arith.remsi %squeeze3A_2223, %jit3A_2226 : i32
      %ne3A_2244 = arith.constant 0 : i32
      %ne3A_2245 = arith.cmpi ne, %rem3A_2243, %ne3A_2244 : i32
      %and3A_2246 = arith.andi %ne3A_2242, %ne3A_2245 : i1
      %sub3A_2247 = arith.constant 1 : i32
      %sub3A_2248 = arith.subi %div3A_2227, %sub3A_2247 : i32
      %select_n3A_2249 = arith.select %and3A_2246, %sub3A_2248, %div3A_2227 : i32
      %mul3A_2250 = arith.constant 128 : i32
      %mul3A_2251 = arith.muli %select_n3A_2249, %mul3A_2250 : i32
      %multiple_of3A_2252 = tpu.assume_multiple %mul3A_2251, 128 : i32
      %jit3A_2253 = arith.constant 128 : i32
      %div3A_2254 = arith.divsi %squeeze3A_2225, %jit3A_2253 : i32
      %sign3A_2255 = arith.constant 0 : i32
      %sign3A_2256 = arith.cmpi sgt, %squeeze3A_2225, %sign3A_2255 : i32
      %sign3A_2257 = arith.extui %sign3A_2256 : i1 to i32
      %sign3A_2258 = arith.constant 0 : i32
      %sign3A_2259 = arith.cmpi slt, %squeeze3A_2225, %sign3A_2258 : i32
      %sign3A_2260 = arith.extui %sign3A_2259 : i1 to i32
      %sign3A_2261 = arith.subi %sign3A_2257, %sign3A_2260 : i32
      %sign3A_2262 = arith.constant 0 : i32
      %sign3A_2263 = arith.cmpi sgt, %jit3A_2253, %sign3A_2262 : i32
      %sign3A_2264 = arith.extui %sign3A_2263 : i1 to i32
      %sign3A_2265 = arith.constant 0 : i32
      %sign3A_2266 = arith.cmpi slt, %jit3A_2253, %sign3A_2265 : i32
      %sign3A_2267 = arith.extui %sign3A_2266 : i1 to i32
      %sign3A_2268 = arith.subi %sign3A_2264, %sign3A_2267 : i32
      %ne3A_2269 = arith.cmpi ne, %sign3A_2261, %sign3A_2268 : i32
      %rem3A_2270 = arith.remsi %squeeze3A_2225, %jit3A_2253 : i32
      %ne3A_2271 = arith.constant 0 : i32
      %ne3A_2272 = arith.cmpi ne, %rem3A_2270, %ne3A_2271 : i32
      %and3A_2273 = arith.andi %ne3A_2269, %ne3A_2272 : i1
      %sub3A_2274 = arith.constant 1 : i32
      %sub3A_2275 = arith.subi %div3A_2254, %sub3A_2274 : i32
      %select_n3A_2276 = arith.select %and3A_2273, %sub3A_2275, %div3A_2254 : i32
      %mul3A_2277 = arith.constant 128 : i32
      %mul3A_2278 = arith.muli %select_n3A_2276, %mul3A_2277 : i32
      %multiple_of3A_2279 = tpu.assume_multiple %mul3A_2278, 128 : i32
      %dma_start3A_2280 = arith.constant 0 : i32
      %dma_start3A_2281 = arith.constant 0 : i32
      %dma_start3A_2282 = arith.constant 0 : i32
      %dma_start3A_2283 = tpu.memref_slice %arg10[%dma_start3A_2280, %dma_start3A_2281, %dma_start3A_2282] : memref<4x32x128xf32, #tpu.memory_space<vmem>> -> memref<1x32x128xf32, #tpu.memory_space<vmem>>
      %dma_start3A_2284 = tpu.memref_squeeze %dma_start3A_2283 : memref<1x32x128xf32, #tpu.memory_space<vmem>> -> memref<32x128xf32, #tpu.memory_space<vmem>>
      %dma_start3A_2285 = arith.constant 0 : i32
      %dma_start3A_2286 = tpu.memref_slice %arg4[%dma_start3A_2285, %multiple_of3A_2252] : memref<32x1000000xf32, #tpu.memory_space<hbm>> -> memref<32x128xf32, #tpu.memory_space<hbm>>
      %dma_start3A_2287 = arith.constant 0 : i32
      %dma_start3A_2288 = arith.constant 0 : i32
      %dma_start3A_2289 = tpu.memref_slice %arg10[%dma_start3A_2280, %dma_start3A_2287, %dma_start3A_2288] : memref<4x32x128xf32, #tpu.memory_space<vmem>> -> memref<1x32x128xf32, #tpu.memory_space<vmem>>
      %dma_start3A_2290 = tpu.memref_squeeze %dma_start3A_2289 : memref<1x32x128xf32, #tpu.memory_space<vmem>> -> memref<32x128xf32, #tpu.memory_space<vmem>>
      %dma_start3A_2291 = arith.constant 0 : i32
      %dma_start3A_2292 = tpu.memref_slice %arg4[%dma_start3A_2291, %multiple_of3A_2252] : memref<32x1000000xf32, #tpu.memory_space<hbm>> -> memref<32x128xf32, #tpu.memory_space<hbm>>
      tpu.enqueue_dma source(%dma_start3A_2292 : memref<32x128xf32, #tpu.memory_space<hbm>>) target(%dma_start3A_2290 : memref<32x128xf32, #tpu.memory_space<vmem>>) target_semaphore(%arg16 : memref<!tpu.dma_semaphore, #tpu.memory_space<semaphore_mem>>)
      %dma_start3A_2293 = arith.constant 0 : i32
      %dma_start3A_2294 = arith.constant 0 : i32
      %dma_start3A_2295 = arith.constant 0 : i32
      %dma_start3A_2296 = tpu.memref_slice %arg11[%dma_start3A_2293, %dma_start3A_2294, %dma_start3A_2295] : memref<4x32x128xf32, #tpu.memory_space<vmem>> -> memref<1x32x128xf32, #tpu.memory_space<vmem>>
      %dma_start3A_2297 = tpu.memref_squeeze %dma_start3A_2296 : memref<1x32x128xf32, #tpu.memory_space<vmem>> -> memref<32x128xf32, #tpu.memory_space<vmem>>
      %dma_start3A_2298 = arith.constant 0 : i32
      %dma_start3A_2299 = tpu.memref_slice %arg5[%dma_start3A_2298, %multiple_of3A_2279] : memref<32x1000000xf32, #tpu.memory_space<hbm>> -> memref<32x128xf32, #tpu.memory_space<hbm>>
      %dma_start3A_2300 = arith.constant 0 : i32
      %dma_start3A_2301 = arith.constant 0 : i32
      %dma_start3A_2302 = tpu.memref_slice %arg11[%dma_start3A_2293, %dma_start3A_2300, %dma_start3A_2301] : memref<4x32x128xf32, #tpu.memory_space<vmem>> -> memref<1x32x128xf32, #tpu.memory_space<vmem>>
      %dma_start3A_2303 = tpu.memref_squeeze %dma_start3A_2302 : memref<1x32x128xf32, #tpu.memory_space<vmem>> -> memref<32x128xf32, #tpu.memory_space<vmem>>
      %dma_start3A_2304 = arith.constant 0 : i32
      %dma_start3A_2305 = tpu.memref_slice %arg5[%dma_start3A_2304, %multiple_of3A_2279] : memref<32x1000000xf32, #tpu.memory_space<hbm>> -> memref<32x128xf32, #tpu.memory_space<hbm>>
      tpu.enqueue_dma source(%dma_start3A_2305 : memref<32x128xf32, #tpu.memory_space<hbm>>) target(%dma_start3A_2303 : memref<32x128xf32, #tpu.memory_space<vmem>>) target_semaphore(%arg16 : memref<!tpu.dma_semaphore, #tpu.memory_space<semaphore_mem>>)
      %slice3A_2306 = vector.extract_strided_slice %get3A_1483 {offsets = [1], sizes = [1], strides = [1]} : vector<16xi32> to vector<1xi32>
      %squeeze3A_2307 = vector.extract %slice3A_2306[0] : i32 from vector<1xi32>
      %slice3A_2308 = vector.extract_strided_slice %get3A_1487 {offsets = [1], sizes = [1], strides = [1]} : vector<16xi32> to vector<1xi32>
      %squeeze3A_2309 = vector.extract %slice3A_2308[0] : i32 from vector<1xi32>
      %jit3A_2310 = arith.constant 128 : i32
      %div3A_2311 = arith.divsi %squeeze3A_2307, %jit3A_2310 : i32
      %sign3A_2312 = arith.constant 0 : i32
      %sign3A_2313 = arith.cmpi sgt, %squeeze3A_2307, %sign3A_2312 : i32
      %sign3A_2314 = arith.extui %sign3A_2313 : i1 to i32
      %sign3A_2315 = arith.constant 0 : i32
      %sign3A_2316 = arith.cmpi slt, %squeeze3A_2307, %sign3A_2315 : i32
      %sign3A_2317 = arith.extui %sign3A_2316 : i1 to i32
      %sign3A_2318 = arith.subi %sign3A_2314, %sign3A_2317 : i32
      %sign3A_2319 = arith.constant 0 : i32
      %sign3A_2320 = arith.cmpi sgt, %jit3A_2310, %sign3A_2319 : i32
      %sign3A_2321 = arith.extui %sign3A_2320 : i1 to i32
      %sign3A_2322 = arith.constant 0 : i32
      %sign3A_2323 = arith.cmpi slt, %jit3A_2310, %sign3A_2322 : i32
      %sign3A_2324 = arith.extui %sign3A_2323 : i1 to i32
      %sign3A_2325 = arith.subi %sign3A_2321, %sign3A_2324 : i32
      %ne3A_2326 = arith.cmpi ne, %sign3A_2318, %sign3A_2325 : i32
      %rem3A_2327 = arith.remsi %squeeze3A_2307, %jit3A_2310 : i32
      %ne3A_2328 = arith.constant 0 : i32
      %ne3A_2329 = arith.cmpi ne, %rem3A_2327, %ne3A_2328 : i32
      %and3A_2330 = arith.andi %ne3A_2326, %ne3A_2329 : i1
      %sub3A_2331 = arith.constant 1 : i32
      %sub3A_2332 = arith.subi %div3A_2311, %sub3A_2331 : i32
      %select_n3A_2333 = arith.select %and3A_2330, %sub3A_2332, %div3A_2311 : i32
      %mul3A_2334 = arith.constant 128 : i32
      %mul3A_2335 = arith.muli %select_n3A_2333, %mul3A_2334 : i32
      %multiple_of3A_2336 = tpu.assume_multiple %mul3A_2335, 128 : i32
      %jit3A_2337 = arith.constant 128 : i32
      %div3A_2338 = arith.divsi %squeeze3A_2309, %jit3A_2337 : i32
      %sign3A_2339 = arith.constant 0 : i32
      %sign3A_2340 = arith.cmpi sgt, %squeeze3A_2309, %sign3A_2339 : i32
      %sign3A_2341 = arith.extui %sign3A_2340 : i1 to i32
      %sign3A_2342 = arith.constant 0 : i32
      %sign3A_2343 = arith.cmpi slt, %squeeze3A_2309, %sign3A_2342 : i32
      %sign3A_2344 = arith.extui %sign3A_2343 : i1 to i32
      %sign3A_2345 = arith.subi %sign3A_2341, %sign3A_2344 : i32
      %sign3A_2346 = arith.constant 0 : i32
      %sign3A_2347 = arith.cmpi sgt, %jit3A_2337, %sign3A_2346 : i32
      %sign3A_2348 = arith.extui %sign3A_2347 : i1 to i32
      %sign3A_2349 = arith.constant 0 : i32
      %sign3A_2350 = arith.cmpi slt, %jit3A_2337, %sign3A_2349 : i32
      %sign3A_2351 = arith.extui %sign3A_2350 : i1 to i32
      %sign3A_2352 = arith.subi %sign3A_2348, %sign3A_2351 : i32
      %ne3A_2353 = arith.cmpi ne, %sign3A_2345, %sign3A_2352 : i32
      %rem3A_2354 = arith.remsi %squeeze3A_2309, %jit3A_2337 : i32
      %ne3A_2355 = arith.constant 0 : i32
      %ne3A_2356 = arith.cmpi ne, %rem3A_2354, %ne3A_2355 : i32
      %and3A_2357 = arith.andi %ne3A_2353, %ne3A_2356 : i1
      %sub3A_2358 = arith.constant 1 : i32
      %sub3A_2359 = arith.subi %div3A_2338, %sub3A_2358 : i32
      %select_n3A_2360 = arith.select %and3A_2357, %sub3A_2359, %div3A_2338 : i32
      %mul3A_2361 = arith.constant 128 : i32
      %mul3A_2362 = arith.muli %select_n3A_2360, %mul3A_2361 : i32
      %multiple_of3A_2363 = tpu.assume_multiple %mul3A_2362, 128 : i32
      %dma_start3A_2364 = arith.constant 1 : i32
      %dma_start3A_2365 = arith.constant 0 : i32
      %dma_start3A_2366 = arith.constant 0 : i32
      %dma_start3A_2367 = tpu.memref_slice %arg10[%dma_start3A_2364, %dma_start3A_2365, %dma_start3A_2366] : memref<4x32x128xf32, #tpu.memory_space<vmem>> -> memref<1x32x128xf32, #tpu.memory_space<vmem>>
      %dma_start3A_2368 = tpu.memref_squeeze %dma_start3A_2367 : memref<1x32x128xf32, #tpu.memory_space<vmem>> -> memref<32x128xf32, #tpu.memory_space<vmem>>
      %dma_start3A_2369 = arith.constant 0 : i32
      %dma_start3A_2370 = tpu.memref_slice %arg4[%dma_start3A_2369, %multiple_of3A_2336] : memref<32x1000000xf32, #tpu.memory_space<hbm>> -> memref<32x128xf32, #tpu.memory_space<hbm>>
      %dma_start3A_2371 = arith.constant 0 : i32
      %dma_start3A_2372 = arith.constant 0 : i32
      %dma_start3A_2373 = tpu.memref_slice %arg10[%dma_start3A_2364, %dma_start3A_2371, %dma_start3A_2372] : memref<4x32x128xf32, #tpu.memory_space<vmem>> -> memref<1x32x128xf32, #tpu.memory_space<vmem>>
      %dma_start3A_2374 = tpu.memref_squeeze %dma_start3A_2373 : memref<1x32x128xf32, #tpu.memory_space<vmem>> -> memref<32x128xf32, #tpu.memory_space<vmem>>
      %dma_start3A_2375 = arith.constant 0 : i32
      %dma_start3A_2376 = tpu.memref_slice %arg4[%dma_start3A_2375, %multiple_of3A_2336] : memref<32x1000000xf32, #tpu.memory_space<hbm>> -> memref<32x128xf32, #tpu.memory_space<hbm>>
      tpu.enqueue_dma source(%dma_start3A_2376 : memref<32x128xf32, #tpu.memory_space<hbm>>) target(%dma_start3A_2374 : memref<32x128xf32, #tpu.memory_space<vmem>>) target_semaphore(%arg16 : memref<!tpu.dma_semaphore, #tpu.memory_space<semaphore_mem>>)
      %dma_start3A_2377 = arith.constant 1 : i32
      %dma_start3A_2378 = arith.constant 0 : i32
      %dma_start3A_2379 = arith.constant 0 : i32
      %dma_start3A_2380 = tpu.memref_slice %arg11[%dma_start3A_2377, %dma_start3A_2378, %dma_start3A_2379] : memref<4x32x128xf32, #tpu.memory_space<vmem>> -> memref<1x32x128xf32, #tpu.memory_space<vmem>>
      %dma_start3A_2381 = tpu.memref_squeeze %dma_start3A_2380 : memref<1x32x128xf32, #tpu.memory_space<vmem>> -> memref<32x128xf32, #tpu.memory_space<vmem>>
      %dma_start3A_2382 = arith.constant 0 : i32
      %dma_start3A_2383 = tpu.memref_slice %arg5[%dma_start3A_2382, %multiple_of3A_2363] : memref<32x1000000xf32, #tpu.memory_space<hbm>> -> memref<32x128xf32, #tpu.memory_space<hbm>>
      %dma_start3A_2384 = arith.constant 0 : i32
      %dma_start3A_2385 = arith.constant 0 : i32
      %dma_start3A_2386 = tpu.memref_slice %arg11[%dma_start3A_2377, %dma_start3A_2384, %dma_start3A_2385] : memref<4x32x128xf32, #tpu.memory_space<vmem>> -> memref<1x32x128xf32, #tpu.memory_space<vmem>>
      %dma_start3A_2387 = tpu.memref_squeeze %dma_start3A_2386 : memref<1x32x128xf32, #tpu.memory_space<vmem>> -> memref<32x128xf32, #tpu.memory_space<vmem>>
      %dma_start3A_2388 = arith.constant 0 : i32
      %dma_start3A_2389 = tpu.memref_slice %arg5[%dma_start3A_2388, %multiple_of3A_2363] : memref<32x1000000xf32, #tpu.memory_space<hbm>> -> memref<32x128xf32, #tpu.memory_space<hbm>>
      tpu.enqueue_dma source(%dma_start3A_2389 : memref<32x128xf32, #tpu.memory_space<hbm>>) target(%dma_start3A_2387 : memref<32x128xf32, #tpu.memory_space<vmem>>) target_semaphore(%arg16 : memref<!tpu.dma_semaphore, #tpu.memory_space<semaphore_mem>>)
      %slice3A_2390 = vector.extract_strided_slice %get3A_1483 {offsets = [2], sizes = [1], strides = [1]} : vector<16xi32> to vector<1xi32>
      %squeeze3A_2391 = vector.extract %slice3A_2390[0] : i32 from vector<1xi32>
      %slice3A_2392 = vector.extract_strided_slice %get3A_1487 {offsets = [2], sizes = [1], strides = [1]} : vector<16xi32> to vector<1xi32>
      %squeeze3A_2393 = vector.extract %slice3A_2392[0] : i32 from vector<1xi32>
      %jit3A_2394 = arith.constant 128 : i32
      %div3A_2395 = arith.divsi %squeeze3A_2391, %jit3A_2394 : i32
      %sign3A_2396 = arith.constant 0 : i32
      %sign3A_2397 = arith.cmpi sgt, %squeeze3A_2391, %sign3A_2396 : i32
      %sign3A_2398 = arith.extui %sign3A_2397 : i1 to i32
      %sign3A_2399 = arith.constant 0 : i32
      %sign3A_2400 = arith.cmpi slt, %squeeze3A_2391, %sign3A_2399 : i32
      %sign3A_2401 = arith.extui %sign3A_2400 : i1 to i32
      %sign3A_2402 = arith.subi %sign3A_2398, %sign3A_2401 : i32
      %sign3A_2403 = arith.constant 0 : i32
      %sign3A_2404 = arith.cmpi sgt, %jit3A_2394, %sign3A_2403 : i32
      %sign3A_2405 = arith.extui %sign3A_2404 : i1 to i32
      %sign3A_2406 = arith.constant 0 : i32
      %sign3A_2407 = arith.cmpi slt, %jit3A_2394, %sign3A_2406 : i32
      %sign3A_2408 = arith.extui %sign3A_2407 : i1 to i32
      %sign3A_2409 = arith.subi %sign3A_2405, %sign3A_2408 : i32
      %ne3A_2410 = arith.cmpi ne, %sign3A_2402, %sign3A_2409 : i32
      %rem3A_2411 = arith.remsi %squeeze3A_2391, %jit3A_2394 : i32
      %ne3A_2412 = arith.constant 0 : i32
      %ne3A_2413 = arith.cmpi ne, %rem3A_2411, %ne3A_2412 : i32
      %and3A_2414 = arith.andi %ne3A_2410, %ne3A_2413 : i1
      %sub3A_2415 = arith.constant 1 : i32
      %sub3A_2416 = arith.subi %div3A_2395, %sub3A_2415 : i32
      %select_n3A_2417 = arith.select %and3A_2414, %sub3A_2416, %div3A_2395 : i32
      %mul3A_2418 = arith.constant 128 : i32
      %mul3A_2419 = arith.muli %select_n3A_2417, %mul3A_2418 : i32
      %multiple_of3A_2420 = tpu.assume_multiple %mul3A_2419, 128 : i32
      %jit3A_2421 = arith.constant 128 : i32
      %div3A_2422 = arith.divsi %squeeze3A_2393, %jit3A_2421 : i32
      %sign3A_2423 = arith.constant 0 : i32
      %sign3A_2424 = arith.cmpi sgt, %squeeze3A_2393, %sign3A_2423 : i32
      %sign3A_2425 = arith.extui %sign3A_2424 : i1 to i32
      %sign3A_2426 = arith.constant 0 : i32
      %sign3A_2427 = arith.cmpi slt, %squeeze3A_2393, %sign3A_2426 : i32
      %sign3A_2428 = arith.extui %sign3A_2427 : i1 to i32
      %sign3A_2429 = arith.subi %sign3A_2425, %sign3A_2428 : i32
      %sign3A_2430 = arith.constant 0 : i32
      %sign3A_2431 = arith.cmpi sgt, %jit3A_2421, %sign3A_2430 : i32
      %sign3A_2432 = arith.extui %sign3A_2431 : i1 to i32
      %sign3A_2433 = arith.constant 0 : i32
      %sign3A_2434 = arith.cmpi slt, %jit3A_2421, %sign3A_2433 : i32
      %sign3A_2435 = arith.extui %sign3A_2434 : i1 to i32
      %sign3A_2436 = arith.subi %sign3A_2432, %sign3A_2435 : i32
      %ne3A_2437 = arith.cmpi ne, %sign3A_2429, %sign3A_2436 : i32
      %rem3A_2438 = arith.remsi %squeeze3A_2393, %jit3A_2421 : i32
      %ne3A_2439 = arith.constant 0 : i32
      %ne3A_2440 = arith.cmpi ne, %rem3A_2438, %ne3A_2439 : i32
      %and3A_2441 = arith.andi %ne3A_2437, %ne3A_2440 : i1
      %sub3A_2442 = arith.constant 1 : i32
      %sub3A_2443 = arith.subi %div3A_2422, %sub3A_2442 : i32
      %select_n3A_2444 = arith.select %and3A_2441, %sub3A_2443, %div3A_2422 : i32
      %mul3A_2445 = arith.constant 128 : i32
      %mul3A_2446 = arith.muli %select_n3A_2444, %mul3A_2445 : i32
      %multiple_of3A_2447 = tpu.assume_multiple %mul3A_2446, 128 : i32
      %dma_start3A_2448 = arith.constant 2 : i32
      %dma_start3A_2449 = arith.constant 0 : i32
      %dma_start3A_2450 = arith.constant 0 : i32
      %dma_start3A_2451 = tpu.memref_slice %arg10[%dma_start3A_2448, %dma_start3A_2449, %dma_start3A_2450] : memref<4x32x128xf32, #tpu.memory_space<vmem>> -> memref<1x32x128xf32, #tpu.memory_space<vmem>>
      %dma_start3A_2452 = tpu.memref_squeeze %dma_start3A_2451 : memref<1x32x128xf32, #tpu.memory_space<vmem>> -> memref<32x128xf32, #tpu.memory_space<vmem>>
      %dma_start3A_2453 = arith.constant 0 : i32
      %dma_start3A_2454 = tpu.memref_slice %arg4[%dma_start3A_2453, %multiple_of3A_2420] : memref<32x1000000xf32, #tpu.memory_space<hbm>> -> memref<32x128xf32, #tpu.memory_space<hbm>>
      %dma_start3A_2455 = arith.constant 0 : i32
      %dma_start3A_2456 = arith.constant 0 : i32
      %dma_start3A_2457 = tpu.memref_slice %arg10[%dma_start3A_2448, %dma_start3A_2455, %dma_start3A_2456] : memref<4x32x128xf32, #tpu.memory_space<vmem>> -> memref<1x32x128xf32, #tpu.memory_space<vmem>>
      %dma_start3A_2458 = tpu.memref_squeeze %dma_start3A_2457 : memref<1x32x128xf32, #tpu.memory_space<vmem>> -> memref<32x128xf32, #tpu.memory_space<vmem>>
      %dma_start3A_2459 = arith.constant 0 : i32
      %dma_start3A_2460 = tpu.memref_slice %arg4[%dma_start3A_2459, %multiple_of3A_2420] : memref<32x1000000xf32, #tpu.memory_space<hbm>> -> memref<32x128xf32, #tpu.memory_space<hbm>>
      tpu.enqueue_dma source(%dma_start3A_2460 : memref<32x128xf32, #tpu.memory_space<hbm>>) target(%dma_start3A_2458 : memref<32x128xf32, #tpu.memory_space<vmem>>) target_semaphore(%arg16 : memref<!tpu.dma_semaphore, #tpu.memory_space<semaphore_mem>>)
      %dma_start3A_2461 = arith.constant 2 : i32
      %dma_start3A_2462 = arith.constant 0 : i32
      %dma_start3A_2463 = arith.constant 0 : i32
      %dma_start3A_2464 = tpu.memref_slice %arg11[%dma_start3A_2461, %dma_start3A_2462, %dma_start3A_2463] : memref<4x32x128xf32, #tpu.memory_space<vmem>> -> memref<1x32x128xf32, #tpu.memory_space<vmem>>
      %dma_start3A_2465 = tpu.memref_squeeze %dma_start3A_2464 : memref<1x32x128xf32, #tpu.memory_space<vmem>> -> memref<32x128xf32, #tpu.memory_space<vmem>>
      %dma_start3A_2466 = arith.constant 0 : i32
      %dma_start3A_2467 = tpu.memref_slice %arg5[%dma_start3A_2466, %multiple_of3A_2447] : memref<32x1000000xf32, #tpu.memory_space<hbm>> -> memref<32x128xf32, #tpu.memory_space<hbm>>
      %dma_start3A_2468 = arith.constant 0 : i32
      %dma_start3A_2469 = arith.constant 0 : i32
      %dma_start3A_2470 = tpu.memref_slice %arg11[%dma_start3A_2461, %dma_start3A_2468, %dma_start3A_2469] : memref<4x32x128xf32, #tpu.memory_space<vmem>> -> memref<1x32x128xf32, #tpu.memory_space<vmem>>
      %dma_start3A_2471 = tpu.memref_squeeze %dma_start3A_2470 : memref<1x32x128xf32, #tpu.memory_space<vmem>> -> memref<32x128xf32, #tpu.memory_space<vmem>>
      %dma_start3A_2472 = arith.constant 0 : i32
      %dma_start3A_2473 = tpu.memref_slice %arg5[%dma_start3A_2472, %multiple_of3A_2447] : memref<32x1000000xf32, #tpu.memory_space<hbm>> -> memref<32x128xf32, #tpu.memory_space<hbm>>
      tpu.enqueue_dma source(%dma_start3A_2473 : memref<32x128xf32, #tpu.memory_space<hbm>>) target(%dma_start3A_2471 : memref<32x128xf32, #tpu.memory_space<vmem>>) target_semaphore(%arg16 : memref<!tpu.dma_semaphore, #tpu.memory_space<semaphore_mem>>)
      %slice3A_2474 = vector.extract_strided_slice %get3A_1483 {offsets = [3], sizes = [1], strides = [1]} : vector<16xi32> to vector<1xi32>
      %squeeze3A_2475 = vector.extract %slice3A_2474[0] : i32 from vector<1xi32>
      %slice3A_2476 = vector.extract_strided_slice %get3A_1487 {offsets = [3], sizes = [1], strides = [1]} : vector<16xi32> to vector<1xi32>
      %squeeze3A_2477 = vector.extract %slice3A_2476[0] : i32 from vector<1xi32>
      %jit3A_2478 = arith.constant 128 : i32
      %div3A_2479 = arith.divsi %squeeze3A_2475, %jit3A_2478 : i32
      %sign3A_2480 = arith.constant 0 : i32
      %sign3A_2481 = arith.cmpi sgt, %squeeze3A_2475, %sign3A_2480 : i32
      %sign3A_2482 = arith.extui %sign3A_2481 : i1 to i32
      %sign3A_2483 = arith.constant 0 : i32
      %sign3A_2484 = arith.cmpi slt, %squeeze3A_2475, %sign3A_2483 : i32
      %sign3A_2485 = arith.extui %sign3A_2484 : i1 to i32
      %sign3A_2486 = arith.subi %sign3A_2482, %sign3A_2485 : i32
      %sign3A_2487 = arith.constant 0 : i32
      %sign3A_2488 = arith.cmpi sgt, %jit3A_2478, %sign3A_2487 : i32
      %sign3A_2489 = arith.extui %sign3A_2488 : i1 to i32
      %sign3A_2490 = arith.constant 0 : i32
      %sign3A_2491 = arith.cmpi slt, %jit3A_2478, %sign3A_2490 : i32
      %sign3A_2492 = arith.extui %sign3A_2491 : i1 to i32
      %sign3A_2493 = arith.subi %sign3A_2489, %sign3A_2492 : i32
      %ne3A_2494 = arith.cmpi ne, %sign3A_2486, %sign3A_2493 : i32
      %rem3A_2495 = arith.remsi %squeeze3A_2475, %jit3A_2478 : i32
      %ne3A_2496 = arith.constant 0 : i32
      %ne3A_2497 = arith.cmpi ne, %rem3A_2495, %ne3A_2496 : i32
      %and3A_2498 = arith.andi %ne3A_2494, %ne3A_2497 : i1
      %sub3A_2499 = arith.constant 1 : i32
      %sub3A_2500 = arith.subi %div3A_2479, %sub3A_2499 : i32
      %select_n3A_2501 = arith.select %and3A_2498, %sub3A_2500, %div3A_2479 : i32
      %mul3A_2502 = arith.constant 128 : i32
      %mul3A_2503 = arith.muli %select_n3A_2501, %mul3A_2502 : i32
      %multiple_of3A_2504 = tpu.assume_multiple %mul3A_2503, 128 : i32
      %jit3A_2505 = arith.constant 128 : i32
      %div3A_2506 = arith.divsi %squeeze3A_2477, %jit3A_2505 : i32
      %sign3A_2507 = arith.constant 0 : i32
      %sign3A_2508 = arith.cmpi sgt, %squeeze3A_2477, %sign3A_2507 : i32
      %sign3A_2509 = arith.extui %sign3A_2508 : i1 to i32
      %sign3A_2510 = arith.constant 0 : i32
      %sign3A_2511 = arith.cmpi slt, %squeeze3A_2477, %sign3A_2510 : i32
      %sign3A_2512 = arith.extui %sign3A_2511 : i1 to i32
      %sign3A_2513 = arith.subi %sign3A_2509, %sign3A_2512 : i32
      %sign3A_2514 = arith.constant 0 : i32
      %sign3A_2515 = arith.cmpi sgt, %jit3A_2505, %sign3A_2514 : i32
      %sign3A_2516 = arith.extui %sign3A_2515 : i1 to i32
      %sign3A_2517 = arith.constant 0 : i32
      %sign3A_2518 = arith.cmpi slt, %jit3A_2505, %sign3A_2517 : i32
      %sign3A_2519 = arith.extui %sign3A_2518 : i1 to i32
      %sign3A_2520 = arith.subi %sign3A_2516, %sign3A_2519 : i32
      %ne3A_2521 = arith.cmpi ne, %sign3A_2513, %sign3A_2520 : i32
      %rem3A_2522 = arith.remsi %squeeze3A_2477, %jit3A_2505 : i32
      %ne3A_2523 = arith.constant 0 : i32
      %ne3A_2524 = arith.cmpi ne, %rem3A_2522, %ne3A_2523 : i32
      %and3A_2525 = arith.andi %ne3A_2521, %ne3A_2524 : i1
      %sub3A_2526 = arith.constant 1 : i32
      %sub3A_2527 = arith.subi %div3A_2506, %sub3A_2526 : i32
      %select_n3A_2528 = arith.select %and3A_2525, %sub3A_2527, %div3A_2506 : i32
      %mul3A_2529 = arith.constant 128 : i32
      %mul3A_2530 = arith.muli %select_n3A_2528, %mul3A_2529 : i32
      %multiple_of3A_2531 = tpu.assume_multiple %mul3A_2530, 128 : i32
      %dma_start3A_2532 = arith.constant 3 : i32
      %dma_start3A_2533 = arith.constant 0 : i32
      %dma_start3A_2534 = arith.constant 0 : i32
      %dma_start3A_2535 = tpu.memref_slice %arg10[%dma_start3A_2532, %dma_start3A_2533, %dma_start3A_2534] : memref<4x32x128xf32, #tpu.memory_space<vmem>> -> memref<1x32x128xf32, #tpu.memory_space<vmem>>
      %dma_start3A_2536 = tpu.memref_squeeze %dma_start3A_2535 : memref<1x32x128xf32, #tpu.memory_space<vmem>> -> memref<32x128xf32, #tpu.memory_space<vmem>>
      %dma_start3A_2537 = arith.constant 0 : i32
      %dma_start3A_2538 = tpu.memref_slice %arg4[%dma_start3A_2537, %multiple_of3A_2504] : memref<32x1000000xf32, #tpu.memory_space<hbm>> -> memref<32x128xf32, #tpu.memory_space<hbm>>
      %dma_start3A_2539 = arith.constant 0 : i32
      %dma_start3A_2540 = arith.constant 0 : i32
      %dma_start3A_2541 = tpu.memref_slice %arg10[%dma_start3A_2532, %dma_start3A_2539, %dma_start3A_2540] : memref<4x32x128xf32, #tpu.memory_space<vmem>> -> memref<1x32x128xf32, #tpu.memory_space<vmem>>
      %dma_start3A_2542 = tpu.memref_squeeze %dma_start3A_2541 : memref<1x32x128xf32, #tpu.memory_space<vmem>> -> memref<32x128xf32, #tpu.memory_space<vmem>>
      %dma_start3A_2543 = arith.constant 0 : i32
      %dma_start3A_2544 = tpu.memref_slice %arg4[%dma_start3A_2543, %multiple_of3A_2504] : memref<32x1000000xf32, #tpu.memory_space<hbm>> -> memref<32x128xf32, #tpu.memory_space<hbm>>
      tpu.enqueue_dma source(%dma_start3A_2544 : memref<32x128xf32, #tpu.memory_space<hbm>>) target(%dma_start3A_2542 : memref<32x128xf32, #tpu.memory_space<vmem>>) target_semaphore(%arg16 : memref<!tpu.dma_semaphore, #tpu.memory_space<semaphore_mem>>)
      %dma_start3A_2545 = arith.constant 3 : i32
      %dma_start3A_2546 = arith.constant 0 : i32
      %dma_start3A_2547 = arith.constant 0 : i32
      %dma_start3A_2548 = tpu.memref_slice %arg11[%dma_start3A_2545, %dma_start3A_2546, %dma_start3A_2547] : memref<4x32x128xf32, #tpu.memory_space<vmem>> -> memref<1x32x128xf32, #tpu.memory_space<vmem>>
      %dma_start3A_2549 = tpu.memref_squeeze %dma_start3A_2548 : memref<1x32x128xf32, #tpu.memory_space<vmem>> -> memref<32x128xf32, #tpu.memory_space<vmem>>
      %dma_start3A_2550 = arith.constant 0 : i32
      %dma_start3A_2551 = tpu.memref_slice %arg5[%dma_start3A_2550, %multiple_of3A_2531] : memref<32x1000000xf32, #tpu.memory_space<hbm>> -> memref<32x128xf32, #tpu.memory_space<hbm>>
      %dma_start3A_2552 = arith.constant 0 : i32
      %dma_start3A_2553 = arith.constant 0 : i32
      %dma_start3A_2554 = tpu.memref_slice %arg11[%dma_start3A_2545, %dma_start3A_2552, %dma_start3A_2553] : memref<4x32x128xf32, #tpu.memory_space<vmem>> -> memref<1x32x128xf32, #tpu.memory_space<vmem>>
      %dma_start3A_2555 = tpu.memref_squeeze %dma_start3A_2554 : memref<1x32x128xf32, #tpu.memory_space<vmem>> -> memref<32x128xf32, #tpu.memory_space<vmem>>
      %dma_start3A_2556 = arith.constant 0 : i32
      %dma_start3A_2557 = tpu.memref_slice %arg5[%dma_start3A_2556, %multiple_of3A_2531] : memref<32x1000000xf32, #tpu.memory_space<hbm>> -> memref<32x128xf32, #tpu.memory_space<hbm>>
      tpu.enqueue_dma source(%dma_start3A_2557 : memref<32x128xf32, #tpu.memory_space<hbm>>) target(%dma_start3A_2555 : memref<32x128xf32, #tpu.memory_space<vmem>>) target_semaphore(%arg16 : memref<!tpu.dma_semaphore, #tpu.memory_space<semaphore_mem>>)
      %dma_wait3A_2558 = arith.constant 0 : i32
      %dma_wait3A_2559 = arith.constant 0 : i32
      %dma_wait3A_2560 = arith.constant 0 : i32
      %dma_wait3A_2561 = tpu.memref_slice %arg12[%dma_wait3A_2558, %dma_wait3A_2559, %dma_wait3A_2560] : memref<4x32x128xf32, #tpu.memory_space<vmem>> -> memref<1x32x128xf32, #tpu.memory_space<vmem>>
      %dma_wait3A_2562 = tpu.memref_squeeze %dma_wait3A_2561 : memref<1x32x128xf32, #tpu.memory_space<vmem>> -> memref<32x128xf32, #tpu.memory_space<vmem>>
      %dma_wait3A_2563 = arith.constant 0 : i32
      %dma_wait3A_2564 = arith.constant 0 : i32
      %dma_wait3A_2565 = tpu.memref_slice %arg4[%dma_wait3A_2563, %dma_wait3A_2564] : memref<32x1000000xf32, #tpu.memory_space<hbm>> -> memref<32x128xf32, #tpu.memory_space<hbm>>
      %dma_wait3A_2566 = arith.constant 0 : i32
      %dma_wait3A_2567 = arith.constant 0 : i32
      %dma_wait3A_2568 = tpu.memref_slice %arg12[%dma_wait3A_2558, %dma_wait3A_2566, %dma_wait3A_2567] : memref<4x32x128xf32, #tpu.memory_space<vmem>> -> memref<1x32x128xf32, #tpu.memory_space<vmem>>
      %dma_wait3A_2569 = tpu.memref_squeeze %dma_wait3A_2568 : memref<1x32x128xf32, #tpu.memory_space<vmem>> -> memref<32x128xf32, #tpu.memory_space<vmem>>
      %dma_wait3A_2570 = arith.constant 0 : i32
      %dma_wait3A_2571 = arith.constant 0 : i32
      %dma_wait3A_2572 = tpu.memref_slice %arg4[%dma_wait3A_2570, %dma_wait3A_2571] : memref<32x1000000xf32, #tpu.memory_space<hbm>> -> memref<32x128xf32, #tpu.memory_space<hbm>>
      tpu.wait_dma2 semaphore(%arg17 : memref<!tpu.dma_semaphore, #tpu.memory_space<semaphore_mem>>) src(%dma_wait3A_2572 : memref<32x128xf32, #tpu.memory_space<hbm>>) dst(%dma_wait3A_2569 : memref<32x128xf32, #tpu.memory_space<vmem>>)
      %dma_wait3A_2573 = arith.constant 0 : i32
      %dma_wait3A_2574 = arith.constant 0 : i32
      %dma_wait3A_2575 = arith.constant 0 : i32
      %dma_wait3A_2576 = tpu.memref_slice %arg13[%dma_wait3A_2573, %dma_wait3A_2574, %dma_wait3A_2575] : memref<4x32x128xf32, #tpu.memory_space<vmem>> -> memref<1x32x128xf32, #tpu.memory_space<vmem>>
      %dma_wait3A_2577 = tpu.memref_squeeze %dma_wait3A_2576 : memref<1x32x128xf32, #tpu.memory_space<vmem>> -> memref<32x128xf32, #tpu.memory_space<vmem>>
      %dma_wait3A_2578 = arith.constant 0 : i32
      %dma_wait3A_2579 = arith.constant 0 : i32
      %dma_wait3A_2580 = tpu.memref_slice %arg5[%dma_wait3A_2578, %dma_wait3A_2579] : memref<32x1000000xf32, #tpu.memory_space<hbm>> -> memref<32x128xf32, #tpu.memory_space<hbm>>
      %dma_wait3A_2581 = arith.constant 0 : i32
      %dma_wait3A_2582 = arith.constant 0 : i32
      %dma_wait3A_2583 = tpu.memref_slice %arg13[%dma_wait3A_2573, %dma_wait3A_2581, %dma_wait3A_2582] : memref<4x32x128xf32, #tpu.memory_space<vmem>> -> memref<1x32x128xf32, #tpu.memory_space<vmem>>
      %dma_wait3A_2584 = tpu.memref_squeeze %dma_wait3A_2583 : memref<1x32x128xf32, #tpu.memory_space<vmem>> -> memref<32x128xf32, #tpu.memory_space<vmem>>
      %dma_wait3A_2585 = arith.constant 0 : i32
      %dma_wait3A_2586 = arith.constant 0 : i32
      %dma_wait3A_2587 = tpu.memref_slice %arg5[%dma_wait3A_2585, %dma_wait3A_2586] : memref<32x1000000xf32, #tpu.memory_space<hbm>> -> memref<32x128xf32, #tpu.memory_space<hbm>>
      tpu.wait_dma2 semaphore(%arg17 : memref<!tpu.dma_semaphore, #tpu.memory_space<semaphore_mem>>) src(%dma_wait3A_2587 : memref<32x128xf32, #tpu.memory_space<hbm>>) dst(%dma_wait3A_2584 : memref<32x128xf32, #tpu.memory_space<vmem>>)
      %dma_wait3A_2588 = arith.constant 1 : i32
      %dma_wait3A_2589 = arith.constant 0 : i32
      %dma_wait3A_2590 = arith.constant 0 : i32
      %dma_wait3A_2591 = tpu.memref_slice %arg12[%dma_wait3A_2588, %dma_wait3A_2589, %dma_wait3A_2590] : memref<4x32x128xf32, #tpu.memory_space<vmem>> -> memref<1x32x128xf32, #tpu.memory_space<vmem>>
      %dma_wait3A_2592 = tpu.memref_squeeze %dma_wait3A_2591 : memref<1x32x128xf32, #tpu.memory_space<vmem>> -> memref<32x128xf32, #tpu.memory_space<vmem>>
      %dma_wait3A_2593 = arith.constant 0 : i32
      %dma_wait3A_2594 = arith.constant 0 : i32
      %dma_wait3A_2595 = tpu.memref_slice %arg4[%dma_wait3A_2593, %dma_wait3A_2594] : memref<32x1000000xf32, #tpu.memory_space<hbm>> -> memref<32x128xf32, #tpu.memory_space<hbm>>
      %dma_wait3A_2596 = arith.constant 0 : i32
      %dma_wait3A_2597 = arith.constant 0 : i32
      %dma_wait3A_2598 = tpu.memref_slice %arg12[%dma_wait3A_2588, %dma_wait3A_2596, %dma_wait3A_2597] : memref<4x32x128xf32, #tpu.memory_space<vmem>> -> memref<1x32x128xf32, #tpu.memory_space<vmem>>
      %dma_wait3A_2599 = tpu.memref_squeeze %dma_wait3A_2598 : memref<1x32x128xf32, #tpu.memory_space<vmem>> -> memref<32x128xf32, #tpu.memory_space<vmem>>
      %dma_wait3A_2600 = arith.constant 0 : i32
      %dma_wait3A_2601 = arith.constant 0 : i32
      %dma_wait3A_2602 = tpu.memref_slice %arg4[%dma_wait3A_2600, %dma_wait3A_2601] : memref<32x1000000xf32, #tpu.memory_space<hbm>> -> memref<32x128xf32, #tpu.memory_space<hbm>>
      tpu.wait_dma2 semaphore(%arg17 : memref<!tpu.dma_semaphore, #tpu.memory_space<semaphore_mem>>) src(%dma_wait3A_2602 : memref<32x128xf32, #tpu.memory_space<hbm>>) dst(%dma_wait3A_2599 : memref<32x128xf32, #tpu.memory_space<vmem>>)
      %dma_wait3A_2603 = arith.constant 1 : i32
      %dma_wait3A_2604 = arith.constant 0 : i32
      %dma_wait3A_2605 = arith.constant 0 : i32
      %dma_wait3A_2606 = tpu.memref_slice %arg13[%dma_wait3A_2603, %dma_wait3A_2604, %dma_wait3A_2605] : memref<4x32x128xf32, #tpu.memory_space<vmem>> -> memref<1x32x128xf32, #tpu.memory_space<vmem>>
      %dma_wait3A_2607 = tpu.memref_squeeze %dma_wait3A_2606 : memref<1x32x128xf32, #tpu.memory_space<vmem>> -> memref<32x128xf32, #tpu.memory_space<vmem>>
      %dma_wait3A_2608 = arith.constant 0 : i32
      %dma_wait3A_2609 = arith.constant 0 : i32
      %dma_wait3A_2610 = tpu.memref_slice %arg5[%dma_wait3A_2608, %dma_wait3A_2609] : memref<32x1000000xf32, #tpu.memory_space<hbm>> -> memref<32x128xf32, #tpu.memory_space<hbm>>
      %dma_wait3A_2611 = arith.constant 0 : i32
      %dma_wait3A_2612 = arith.constant 0 : i32
      %dma_wait3A_2613 = tpu.memref_slice %arg13[%dma_wait3A_2603, %dma_wait3A_2611, %dma_wait3A_2612] : memref<4x32x128xf32, #tpu.memory_space<vmem>> -> memref<1x32x128xf32, #tpu.memory_space<vmem>>
      %dma_wait3A_2614 = tpu.memref_squeeze %dma_wait3A_2613 : memref<1x32x128xf32, #tpu.memory_space<vmem>> -> memref<32x128xf32, #tpu.memory_space<vmem>>
      %dma_wait3A_2615 = arith.constant 0 : i32
      %dma_wait3A_2616 = arith.constant 0 : i32
      %dma_wait3A_2617 = tpu.memref_slice %arg5[%dma_wait3A_2615, %dma_wait3A_2616] : memref<32x1000000xf32, #tpu.memory_space<hbm>> -> memref<32x128xf32, #tpu.memory_space<hbm>>
      tpu.wait_dma2 semaphore(%arg17 : memref<!tpu.dma_semaphore, #tpu.memory_space<semaphore_mem>>) src(%dma_wait3A_2617 : memref<32x128xf32, #tpu.memory_space<hbm>>) dst(%dma_wait3A_2614 : memref<32x128xf32, #tpu.memory_space<vmem>>)
      %dma_wait3A_2618 = arith.constant 2 : i32
      %dma_wait3A_2619 = arith.constant 0 : i32
      %dma_wait3A_2620 = arith.constant 0 : i32
      %dma_wait3A_2621 = tpu.memref_slice %arg12[%dma_wait3A_2618, %dma_wait3A_2619, %dma_wait3A_2620] : memref<4x32x128xf32, #tpu.memory_space<vmem>> -> memref<1x32x128xf32, #tpu.memory_space<vmem>>
      %dma_wait3A_2622 = tpu.memref_squeeze %dma_wait3A_2621 : memref<1x32x128xf32, #tpu.memory_space<vmem>> -> memref<32x128xf32, #tpu.memory_space<vmem>>
      %dma_wait3A_2623 = arith.constant 0 : i32
      %dma_wait3A_2624 = arith.constant 0 : i32
      %dma_wait3A_2625 = tpu.memref_slice %arg4[%dma_wait3A_2623, %dma_wait3A_2624] : memref<32x1000000xf32, #tpu.memory_space<hbm>> -> memref<32x128xf32, #tpu.memory_space<hbm>>
      %dma_wait3A_2626 = arith.constant 0 : i32
      %dma_wait3A_2627 = arith.constant 0 : i32
      %dma_wait3A_2628 = tpu.memref_slice %arg12[%dma_wait3A_2618, %dma_wait3A_2626, %dma_wait3A_2627] : memref<4x32x128xf32, #tpu.memory_space<vmem>> -> memref<1x32x128xf32, #tpu.memory_space<vmem>>
      %dma_wait3A_2629 = tpu.memref_squeeze %dma_wait3A_2628 : memref<1x32x128xf32, #tpu.memory_space<vmem>> -> memref<32x128xf32, #tpu.memory_space<vmem>>
      %dma_wait3A_2630 = arith.constant 0 : i32
      %dma_wait3A_2631 = arith.constant 0 : i32
      %dma_wait3A_2632 = tpu.memref_slice %arg4[%dma_wait3A_2630, %dma_wait3A_2631] : memref<32x1000000xf32, #tpu.memory_space<hbm>> -> memref<32x128xf32, #tpu.memory_space<hbm>>
      tpu.wait_dma2 semaphore(%arg17 : memref<!tpu.dma_semaphore, #tpu.memory_space<semaphore_mem>>) src(%dma_wait3A_2632 : memref<32x128xf32, #tpu.memory_space<hbm>>) dst(%dma_wait3A_2629 : memref<32x128xf32, #tpu.memory_space<vmem>>)
      %dma_wait3A_2633 = arith.constant 2 : i32
      %dma_wait3A_2634 = arith.constant 0 : i32
      %dma_wait3A_2635 = arith.constant 0 : i32
      %dma_wait3A_2636 = tpu.memref_slice %arg13[%dma_wait3A_2633, %dma_wait3A_2634, %dma_wait3A_2635] : memref<4x32x128xf32, #tpu.memory_space<vmem>> -> memref<1x32x128xf32, #tpu.memory_space<vmem>>
      %dma_wait3A_2637 = tpu.memref_squeeze %dma_wait3A_2636 : memref<1x32x128xf32, #tpu.memory_space<vmem>> -> memref<32x128xf32, #tpu.memory_space<vmem>>
      %dma_wait3A_2638 = arith.constant 0 : i32
      %dma_wait3A_2639 = arith.constant 0 : i32
      %dma_wait3A_2640 = tpu.memref_slice %arg5[%dma_wait3A_2638, %dma_wait3A_2639] : memref<32x1000000xf32, #tpu.memory_space<hbm>> -> memref<32x128xf32, #tpu.memory_space<hbm>>
      %dma_wait3A_2641 = arith.constant 0 : i32
      %dma_wait3A_2642 = arith.constant 0 : i32
      %dma_wait3A_2643 = tpu.memref_slice %arg13[%dma_wait3A_2633, %dma_wait3A_2641, %dma_wait3A_2642] : memref<4x32x128xf32, #tpu.memory_space<vmem>> -> memref<1x32x128xf32, #tpu.memory_space<vmem>>
      %dma_wait3A_2644 = tpu.memref_squeeze %dma_wait3A_2643 : memref<1x32x128xf32, #tpu.memory_space<vmem>> -> memref<32x128xf32, #tpu.memory_space<vmem>>
      %dma_wait3A_2645 = arith.constant 0 : i32
      %dma_wait3A_2646 = arith.constant 0 : i32
      %dma_wait3A_2647 = tpu.memref_slice %arg5[%dma_wait3A_2645, %dma_wait3A_2646] : memref<32x1000000xf32, #tpu.memory_space<hbm>> -> memref<32x128xf32, #tpu.memory_space<hbm>>
      tpu.wait_dma2 semaphore(%arg17 : memref<!tpu.dma_semaphore, #tpu.memory_space<semaphore_mem>>) src(%dma_wait3A_2647 : memref<32x128xf32, #tpu.memory_space<hbm>>) dst(%dma_wait3A_2644 : memref<32x128xf32, #tpu.memory_space<vmem>>)
      %dma_wait3A_2648 = arith.constant 3 : i32
      %dma_wait3A_2649 = arith.constant 0 : i32
      %dma_wait3A_2650 = arith.constant 0 : i32
      %dma_wait3A_2651 = tpu.memref_slice %arg12[%dma_wait3A_2648, %dma_wait3A_2649, %dma_wait3A_2650] : memref<4x32x128xf32, #tpu.memory_space<vmem>> -> memref<1x32x128xf32, #tpu.memory_space<vmem>>
      %dma_wait3A_2652 = tpu.memref_squeeze %dma_wait3A_2651 : memref<1x32x128xf32, #tpu.memory_space<vmem>> -> memref<32x128xf32, #tpu.memory_space<vmem>>
      %dma_wait3A_2653 = arith.constant 0 : i32
      %dma_wait3A_2654 = arith.constant 0 : i32
      %dma_wait3A_2655 = tpu.memref_slice %arg4[%dma_wait3A_2653, %dma_wait3A_2654] : memref<32x1000000xf32, #tpu.memory_space<hbm>> -> memref<32x128xf32, #tpu.memory_space<hbm>>
      %dma_wait3A_2656 = arith.constant 0 : i32
      %dma_wait3A_2657 = arith.constant 0 : i32
      %dma_wait3A_2658 = tpu.memref_slice %arg12[%dma_wait3A_2648, %dma_wait3A_2656, %dma_wait3A_2657] : memref<4x32x128xf32, #tpu.memory_space<vmem>> -> memref<1x32x128xf32, #tpu.memory_space<vmem>>
      %dma_wait3A_2659 = tpu.memref_squeeze %dma_wait3A_2658 : memref<1x32x128xf32, #tpu.memory_space<vmem>> -> memref<32x128xf32, #tpu.memory_space<vmem>>
      %dma_wait3A_2660 = arith.constant 0 : i32
      %dma_wait3A_2661 = arith.constant 0 : i32
      %dma_wait3A_2662 = tpu.memref_slice %arg4[%dma_wait3A_2660, %dma_wait3A_2661] : memref<32x1000000xf32, #tpu.memory_space<hbm>> -> memref<32x128xf32, #tpu.memory_space<hbm>>
      tpu.wait_dma2 semaphore(%arg17 : memref<!tpu.dma_semaphore, #tpu.memory_space<semaphore_mem>>) src(%dma_wait3A_2662 : memref<32x128xf32, #tpu.memory_space<hbm>>) dst(%dma_wait3A_2659 : memref<32x128xf32, #tpu.memory_space<vmem>>)
      %dma_wait3A_2663 = arith.constant 3 : i32
      %dma_wait3A_2664 = arith.constant 0 : i32
      %dma_wait3A_2665 = arith.constant 0 : i32
      %dma_wait3A_2666 = tpu.memref_slice %arg13[%dma_wait3A_2663, %dma_wait3A_2664, %dma_wait3A_2665] : memref<4x32x128xf32, #tpu.memory_space<vmem>> -> memref<1x32x128xf32, #tpu.memory_space<vmem>>
      %dma_wait3A_2667 = tpu.memref_squeeze %dma_wait3A_2666 : memref<1x32x128xf32, #tpu.memory_space<vmem>> -> memref<32x128xf32, #tpu.memory_space<vmem>>
      %dma_wait3A_2668 = arith.constant 0 : i32
      %dma_wait3A_2669 = arith.constant 0 : i32
      %dma_wait3A_2670 = tpu.memref_slice %arg5[%dma_wait3A_2668, %dma_wait3A_2669] : memref<32x1000000xf32, #tpu.memory_space<hbm>> -> memref<32x128xf32, #tpu.memory_space<hbm>>
      %dma_wait3A_2671 = arith.constant 0 : i32
      %dma_wait3A_2672 = arith.constant 0 : i32
      %dma_wait3A_2673 = tpu.memref_slice %arg13[%dma_wait3A_2663, %dma_wait3A_2671, %dma_wait3A_2672] : memref<4x32x128xf32, #tpu.memory_space<vmem>> -> memref<1x32x128xf32, #tpu.memory_space<vmem>>
      %dma_wait3A_2674 = tpu.memref_squeeze %dma_wait3A_2673 : memref<1x32x128xf32, #tpu.memory_space<vmem>> -> memref<32x128xf32, #tpu.memory_space<vmem>>
      %dma_wait3A_2675 = arith.constant 0 : i32
      %dma_wait3A_2676 = arith.constant 0 : i32
      %dma_wait3A_2677 = tpu.memref_slice %arg5[%dma_wait3A_2675, %dma_wait3A_2676] : memref<32x1000000xf32, #tpu.memory_space<hbm>> -> memref<32x128xf32, #tpu.memory_space<hbm>>
      tpu.wait_dma2 semaphore(%arg17 : memref<!tpu.dma_semaphore, #tpu.memory_space<semaphore_mem>>) src(%dma_wait3A_2677 : memref<32x128xf32, #tpu.memory_space<hbm>>) dst(%dma_wait3A_2674 : memref<32x128xf32, #tpu.memory_space<vmem>>)
      %jit3A_2678 = arith.constant 128 : i32
      %div3A_2679 = vector.broadcast %jit3A_2678 : i32 to vector<16xi32>
      %div3A_2680 = arith.divsi %get3A_1477, %div3A_2679 : vector<16xi32>
      %sign3A_2681 = arith.constant 0 : i32
      %sign3A_2682 = vector.broadcast %sign3A_2681 : i32 to vector<16xi32>
      %sign3A_2683 = arith.cmpi sgt, %get3A_1477, %sign3A_2682 : vector<16xi32>
      %sign3A_2684 = arith.extui %sign3A_2683 : vector<16xi1> to vector<16xi32>
      %sign3A_2685 = arith.constant 0 : i32
      %sign3A_2686 = vector.broadcast %sign3A_2685 : i32 to vector<16xi32>
      %sign3A_2687 = arith.cmpi slt, %get3A_1477, %sign3A_2686 : vector<16xi32>
      %sign3A_2688 = arith.extui %sign3A_2687 : vector<16xi1> to vector<16xi32>
      %sign3A_2689 = arith.subi %sign3A_2684, %sign3A_2688 : vector<16xi32>
      %sign3A_2690 = arith.constant 0 : i32
      %sign3A_2691 = arith.cmpi sgt, %jit3A_2678, %sign3A_2690 : i32
      %sign3A_2692 = arith.extui %sign3A_2691 : i1 to i32
      %sign3A_2693 = arith.constant 0 : i32
      %sign3A_2694 = arith.cmpi slt, %jit3A_2678, %sign3A_2693 : i32
      %sign3A_2695 = arith.extui %sign3A_2694 : i1 to i32
      %sign3A_2696 = arith.subi %sign3A_2692, %sign3A_2695 : i32
      %ne3A_2697 = vector.broadcast %sign3A_2696 : i32 to vector<16xi32>
      %ne3A_2698 = arith.cmpi ne, %sign3A_2689, %ne3A_2697 : vector<16xi32>
      %rem3A_2699 = vector.broadcast %jit3A_2678 : i32 to vector<16xi32>
      %rem3A_2700 = arith.remsi %get3A_1477, %rem3A_2699 : vector<16xi32>
      %ne3A_2701 = arith.constant 0 : i32
      %ne3A_2702 = vector.broadcast %ne3A_2701 : i32 to vector<16xi32>
      %ne3A_2703 = arith.cmpi ne, %rem3A_2700, %ne3A_2702 : vector<16xi32>
      %and3A_2704 = arith.andi %ne3A_2698, %ne3A_2703 : vector<16xi1>
      %sub3A_2705 = arith.constant 1 : i32
      %sub3A_2706 = vector.broadcast %sub3A_2705 : i32 to vector<16xi32>
      %sub3A_2707 = arith.subi %div3A_2680, %sub3A_2706 : vector<16xi32>
      %select_n3A_2708 = arith.select %and3A_2704, %sub3A_2707, %div3A_2680 : vector<16xi1>, vector<16xi32>
      %mul3A_2709 = arith.constant 128 : i32
      %mul3A_2710 = vector.broadcast %mul3A_2709 : i32 to vector<16xi32>
      %mul3A_2711 = arith.muli %select_n3A_2708, %mul3A_2710 : vector<16xi32>
      %sub3A_2712 = arith.subi %get3A_1477, %mul3A_2711 : vector<16xi32>
      %jit3A_2713 = arith.constant 128 : i32
      %div3A_2714 = vector.broadcast %jit3A_2713 : i32 to vector<16xi32>
      %div3A_2715 = arith.divsi %get3A_1479, %div3A_2714 : vector<16xi32>
      %sign3A_2716 = arith.constant 0 : i32
      %sign3A_2717 = vector.broadcast %sign3A_2716 : i32 to vector<16xi32>
      %sign3A_2718 = arith.cmpi sgt, %get3A_1479, %sign3A_2717 : vector<16xi32>
      %sign3A_2719 = arith.extui %sign3A_2718 : vector<16xi1> to vector<16xi32>
      %sign3A_2720 = arith.constant 0 : i32
      %sign3A_2721 = vector.broadcast %sign3A_2720 : i32 to vector<16xi32>
      %sign3A_2722 = arith.cmpi slt, %get3A_1479, %sign3A_2721 : vector<16xi32>
      %sign3A_2723 = arith.extui %sign3A_2722 : vector<16xi1> to vector<16xi32>
      %sign3A_2724 = arith.subi %sign3A_2719, %sign3A_2723 : vector<16xi32>
      %sign3A_2725 = arith.constant 0 : i32
      %sign3A_2726 = arith.cmpi sgt, %jit3A_2713, %sign3A_2725 : i32
      %sign3A_2727 = arith.extui %sign3A_2726 : i1 to i32
      %sign3A_2728 = arith.constant 0 : i32
      %sign3A_2729 = arith.cmpi slt, %jit3A_2713, %sign3A_2728 : i32
      %sign3A_2730 = arith.extui %sign3A_2729 : i1 to i32
      %sign3A_2731 = arith.subi %sign3A_2727, %sign3A_2730 : i32
      %ne3A_2732 = vector.broadcast %sign3A_2731 : i32 to vector<16xi32>
      %ne3A_2733 = arith.cmpi ne, %sign3A_2724, %ne3A_2732 : vector<16xi32>
      %rem3A_2734 = vector.broadcast %jit3A_2713 : i32 to vector<16xi32>
      %rem3A_2735 = arith.remsi %get3A_1479, %rem3A_2734 : vector<16xi32>
      %ne3A_2736 = arith.constant 0 : i32
      %ne3A_2737 = vector.broadcast %ne3A_2736 : i32 to vector<16xi32>
      %ne3A_2738 = arith.cmpi ne, %rem3A_2735, %ne3A_2737 : vector<16xi32>
      %and3A_2739 = arith.andi %ne3A_2733, %ne3A_2738 : vector<16xi1>
      %sub3A_2740 = arith.constant 1 : i32
      %sub3A_2741 = vector.broadcast %sub3A_2740 : i32 to vector<16xi32>
      %sub3A_2742 = arith.subi %div3A_2715, %sub3A_2741 : vector<16xi32>
      %select_n3A_2743 = arith.select %and3A_2739, %sub3A_2742, %div3A_2715 : vector<16xi1>, vector<16xi32>
      %mul3A_2744 = arith.constant 128 : i32
      %mul3A_2745 = vector.broadcast %mul3A_2744 : i32 to vector<16xi32>
      %mul3A_2746 = arith.muli %select_n3A_2743, %mul3A_2745 : vector<16xi32>
      %sub3A_2747 = arith.subi %get3A_1479, %mul3A_2746 : vector<16xi32>
      %slice3A_2748 = vector.extract_strided_slice %sub3A_2712 {offsets = [4], sizes = [1], strides = [1]} : vector<16xi32> to vector<1xi32>
      %squeeze3A_2749 = vector.extract %slice3A_2748[0] : i32 from vector<1xi32>
      %broadcast_in_dim3A_2750 = vector.broadcast %squeeze3A_2749 : i32 to vector<16xi32>
      %slice3A_2751 = vector.extract_strided_slice %sub3A_2747 {offsets = [4], sizes = [1], strides = [1]} : vector<16xi32> to vector<1xi32>
      %squeeze3A_2752 = vector.extract %slice3A_2751[0] : i32 from vector<1xi32>
      %broadcast_in_dim3A_2753 = vector.broadcast %squeeze3A_2752 : i32 to vector<16xi32>
      %gather3A_2754 = arith.constant 0 : i32
      %gather3A_2755 = arith.constant 0 : i32
      %gather3A_2756 = arith.constant 0 : i32
      %gather3A_2757 = tpu.memref_slice %arg12[%gather3A_2754, %gather3A_2755, %gather3A_2756] : memref<4x32x128xf32, #tpu.memory_space<vmem>> -> memref<1x32x128xf32, #tpu.memory_space<vmem>>
      %gather3A_2758 = tpu.memref_squeeze %gather3A_2757 : memref<1x32x128xf32, #tpu.memory_space<vmem>> -> memref<32x128xf32, #tpu.memory_space<vmem>>
      %gather3A_2759 = tpu.vector_load_idx %gather3A_2758[%iota3A, %broadcast_in_dim3A_2750] : memref<32x128xf32, #tpu.memory_space<vmem>>[vector<16xi32>, vector<16xi32>], vector<16xf32>,
      %swap3A_2760 = arith.constant 4 : i32
      %swap3A_2761 = arith.index_cast %swap3A_2760 : i32 to index
      %swap3A_2762 = arith.constant 0 : index
      %swap3A_2763 = tpu.vector_load %arg14[%swap3A_2761, %swap3A_2762] {strides = array<i32>} : memref<8x32xf32, #tpu.memory_space<vmem>>, vector<16xf32>,
      tpu.vector_store %arg14[%swap3A_2761, %swap3A_2762], %gather3A_2759 {strides = array<i32>} : memref<8x32xf32, #tpu.memory_space<vmem>>, vector<16xf32>,
      %add3A_2764 = arith.constant 16 : i32
      %add3A_2765 = vector.broadcast %add3A_2764 : i32 to vector<16xi32>
      %add3A_2766 = arith.addi %iota3A, %add3A_2765 : vector<16xi32>
      %gather3A_2767 = arith.constant 0 : i32
      %gather3A_2768 = arith.constant 0 : i32
      %gather3A_2769 = arith.constant 0 : i32
      %gather3A_2770 = tpu.memref_slice %arg12[%gather3A_2767, %gather3A_2768, %gather3A_2769] : memref<4x32x128xf32, #tpu.memory_space<vmem>> -> memref<1x32x128xf32, #tpu.memory_space<vmem>>
      %gather3A_2771 = tpu.memref_squeeze %gather3A_2770 : memref<1x32x128xf32, #tpu.memory_space<vmem>> -> memref<32x128xf32, #tpu.memory_space<vmem>>
      %gather3A_2772 = tpu.vector_load_idx %gather3A_2771[%add3A_2766, %broadcast_in_dim3A_2750] : memref<32x128xf32, #tpu.memory_space<vmem>>[vector<16xi32>, vector<16xi32>], vector<16xf32>,
      %swap3A_2773 = arith.constant 4 : i32
      %swap3A_2774 = arith.index_cast %swap3A_2773 : i32 to index
      %swap3A_2775 = arith.constant 16 : index
      %swap3A_2776 = tpu.vector_load %arg14[%swap3A_2774, %swap3A_2775] {strides = array<i32>} : memref<8x32xf32, #tpu.memory_space<vmem>>, vector<16xf32>,
      tpu.vector_store %arg14[%swap3A_2774, %swap3A_2775], %gather3A_2772 {strides = array<i32>} : memref<8x32xf32, #tpu.memory_space<vmem>>, vector<16xf32>,
      %gather3A_2777 = arith.constant 0 : i32
      %gather3A_2778 = arith.constant 0 : i32
      %gather3A_2779 = arith.constant 0 : i32
      %gather3A_2780 = tpu.memref_slice %arg13[%gather3A_2777, %gather3A_2778, %gather3A_2779] : memref<4x32x128xf32, #tpu.memory_space<vmem>> -> memref<1x32x128xf32, #tpu.memory_space<vmem>>
      %gather3A_2781 = tpu.memref_squeeze %gather3A_2780 : memref<1x32x128xf32, #tpu.memory_space<vmem>> -> memref<32x128xf32, #tpu.memory_space<vmem>>
      %gather3A_2782 = tpu.vector_load_idx %gather3A_2781[%iota3A, %broadcast_in_dim3A_2753] : memref<32x128xf32, #tpu.memory_space<vmem>>[vector<16xi32>, vector<16xi32>], vector<16xf32>,
      %swap3A_2783 = arith.constant 4 : i32
      %swap3A_2784 = arith.index_cast %swap3A_2783 : i32 to index
      %swap3A_2785 = arith.constant 0 : index
      %swap3A_2786 = tpu.vector_load %arg15[%swap3A_2784, %swap3A_2785] {strides = array<i32>} : memref<8x32xf32, #tpu.memory_space<vmem>>, vector<16xf32>,
      tpu.vector_store %arg15[%swap3A_2784, %swap3A_2785], %gather3A_2782 {strides = array<i32>} : memref<8x32xf32, #tpu.memory_space<vmem>>, vector<16xf32>,
      %add3A_2787 = arith.constant 16 : i32
      %add3A_2788 = vector.broadcast %add3A_2787 : i32 to vector<16xi32>
      %add3A_2789 = arith.addi %iota3A, %add3A_2788 : vector<16xi32>
      %gather3A_2790 = arith.constant 0 : i32
      %gather3A_2791 = arith.constant 0 : i32
      %gather3A_2792 = arith.constant 0 : i32
      %gather3A_2793 = tpu.memref_slice %arg13[%gather3A_2790, %gather3A_2791, %gather3A_2792] : memref<4x32x128xf32, #tpu.memory_space<vmem>> -> memref<1x32x128xf32, #tpu.memory_space<vmem>>
      %gather3A_2794 = tpu.memref_squeeze %gather3A_2793 : memref<1x32x128xf32, #tpu.memory_space<vmem>> -> memref<32x128xf32, #tpu.memory_space<vmem>>
      %gather3A_2795 = tpu.vector_load_idx %gather3A_2794[%add3A_2789, %broadcast_in_dim3A_2753] : memref<32x128xf32, #tpu.memory_space<vmem>>[vector<16xi32>, vector<16xi32>], vector<16xf32>,
      %swap3A_2796 = arith.constant 4 : i32
      %swap3A_2797 = arith.index_cast %swap3A_2796 : i32 to index
      %swap3A_2798 = arith.constant 16 : index
      %swap3A_2799 = tpu.vector_load %arg15[%swap3A_2797, %swap3A_2798] {strides = array<i32>} : memref<8x32xf32, #tpu.memory_space<vmem>>, vector<16xf32>,
      tpu.vector_store %arg15[%swap3A_2797, %swap3A_2798], %gather3A_2795 {strides = array<i32>} : memref<8x32xf32, #tpu.memory_space<vmem>>, vector<16xf32>,
      %slice3A_2800 = vector.extract_strided_slice %sub3A_2712 {offsets = [5], sizes = [1], strides = [1]} : vector<16xi32> to vector<1xi32>
      %squeeze3A_2801 = vector.extract %slice3A_2800[0] : i32 from vector<1xi32>
      %broadcast_in_dim3A_2802 = vector.broadcast %squeeze3A_2801 : i32 to vector<16xi32>
      %slice3A_2803 = vector.extract_strided_slice %sub3A_2747 {offsets = [5], sizes = [1], strides = [1]} : vector<16xi32> to vector<1xi32>
      %squeeze3A_2804 = vector.extract %slice3A_2803[0] : i32 from vector<1xi32>
      %broadcast_in_dim3A_2805 = vector.broadcast %squeeze3A_2804 : i32 to vector<16xi32>
      %gather3A_2806 = arith.constant 1 : i32
      %gather3A_2807 = arith.constant 0 : i32
      %gather3A_2808 = arith.constant 0 : i32
      %gather3A_2809 = tpu.memref_slice %arg12[%gather3A_2806, %gather3A_2807, %gather3A_2808] : memref<4x32x128xf32, #tpu.memory_space<vmem>> -> memref<1x32x128xf32, #tpu.memory_space<vmem>>
      %gather3A_2810 = tpu.memref_squeeze %gather3A_2809 : memref<1x32x128xf32, #tpu.memory_space<vmem>> -> memref<32x128xf32, #tpu.memory_space<vmem>>
      %gather3A_2811 = tpu.vector_load_idx %gather3A_2810[%iota3A, %broadcast_in_dim3A_2802] : memref<32x128xf32, #tpu.memory_space<vmem>>[vector<16xi32>, vector<16xi32>], vector<16xf32>,
      %swap3A_2812 = arith.constant 5 : i32
      %swap3A_2813 = arith.index_cast %swap3A_2812 : i32 to index
      %swap3A_2814 = arith.constant 0 : index
      %swap3A_2815 = tpu.vector_load %arg14[%swap3A_2813, %swap3A_2814] {strides = array<i32>} : memref<8x32xf32, #tpu.memory_space<vmem>>, vector<16xf32>,
      tpu.vector_store %arg14[%swap3A_2813, %swap3A_2814], %gather3A_2811 {strides = array<i32>} : memref<8x32xf32, #tpu.memory_space<vmem>>, vector<16xf32>,
      %add3A_2816 = arith.constant 16 : i32
      %add3A_2817 = vector.broadcast %add3A_2816 : i32 to vector<16xi32>
      %add3A_2818 = arith.addi %iota3A, %add3A_2817 : vector<16xi32>
      %gather3A_2819 = arith.constant 1 : i32
      %gather3A_2820 = arith.constant 0 : i32
      %gather3A_2821 = arith.constant 0 : i32
      %gather3A_2822 = tpu.memref_slice %arg12[%gather3A_2819, %gather3A_2820, %gather3A_2821] : memref<4x32x128xf32, #tpu.memory_space<vmem>> -> memref<1x32x128xf32, #tpu.memory_space<vmem>>
      %gather3A_2823 = tpu.memref_squeeze %gather3A_2822 : memref<1x32x128xf32, #tpu.memory_space<vmem>> -> memref<32x128xf32, #tpu.memory_space<vmem>>
      %gather3A_2824 = tpu.vector_load_idx %gather3A_2823[%add3A_2818, %broadcast_in_dim3A_2802] : memref<32x128xf32, #tpu.memory_space<vmem>>[vector<16xi32>, vector<16xi32>], vector<16xf32>,
      %swap3A_2825 = arith.constant 5 : i32
      %swap3A_2826 = arith.index_cast %swap3A_2825 : i32 to index
      %swap3A_2827 = arith.constant 16 : index
      %swap3A_2828 = tpu.vector_load %arg14[%swap3A_2826, %swap3A_2827] {strides = array<i32>} : memref<8x32xf32, #tpu.memory_space<vmem>>, vector<16xf32>,
      tpu.vector_store %arg14[%swap3A_2826, %swap3A_2827], %gather3A_2824 {strides = array<i32>} : memref<8x32xf32, #tpu.memory_space<vmem>>, vector<16xf32>,
      %gather3A_2829 = arith.constant 1 : i32
      %gather3A_2830 = arith.constant 0 : i32
      %gather3A_2831 = arith.constant 0 : i32
      %gather3A_2832 = tpu.memref_slice %arg13[%gather3A_2829, %gather3A_2830, %gather3A_2831] : memref<4x32x128xf32, #tpu.memory_space<vmem>> -> memref<1x32x128xf32, #tpu.memory_space<vmem>>
      %gather3A_2833 = tpu.memref_squeeze %gather3A_2832 : memref<1x32x128xf32, #tpu.memory_space<vmem>> -> memref<32x128xf32, #tpu.memory_space<vmem>>
      %gather3A_2834 = tpu.vector_load_idx %gather3A_2833[%iota3A, %broadcast_in_dim3A_2805] : memref<32x128xf32, #tpu.memory_space<vmem>>[vector<16xi32>, vector<16xi32>], vector<16xf32>,
      %swap3A_2835 = arith.constant 5 : i32
      %swap3A_2836 = arith.index_cast %swap3A_2835 : i32 to index
      %swap3A_2837 = arith.constant 0 : index
      %swap3A_2838 = tpu.vector_load %arg15[%swap3A_2836, %swap3A_2837] {strides = array<i32>} : memref<8x32xf32, #tpu.memory_space<vmem>>, vector<16xf32>,
      tpu.vector_store %arg15[%swap3A_2836, %swap3A_2837], %gather3A_2834 {strides = array<i32>} : memref<8x32xf32, #tpu.memory_space<vmem>>, vector<16xf32>,
      %add3A_2839 = arith.constant 16 : i32
      %add3A_2840 = vector.broadcast %add3A_2839 : i32 to vector<16xi32>
      %add3A_2841 = arith.addi %iota3A, %add3A_2840 : vector<16xi32>
      %gather3A_2842 = arith.constant 1 : i32
      %gather3A_2843 = arith.constant 0 : i32
      %gather3A_2844 = arith.constant 0 : i32
      %gather3A_2845 = tpu.memref_slice %arg13[%gather3A_2842, %gather3A_2843, %gather3A_2844] : memref<4x32x128xf32, #tpu.memory_space<vmem>> -> memref<1x32x128xf32, #tpu.memory_space<vmem>>
      %gather3A_2846 = tpu.memref_squeeze %gather3A_2845 : memref<1x32x128xf32, #tpu.memory_space<vmem>> -> memref<32x128xf32, #tpu.memory_space<vmem>>
      %gather3A_2847 = tpu.vector_load_idx %gather3A_2846[%add3A_2841, %broadcast_in_dim3A_2805] : memref<32x128xf32, #tpu.memory_space<vmem>>[vector<16xi32>, vector<16xi32>], vector<16xf32>,
      %swap3A_2848 = arith.constant 5 : i32
      %swap3A_2849 = arith.index_cast %swap3A_2848 : i32 to index
      %swap3A_2850 = arith.constant 16 : index
      %swap3A_2851 = tpu.vector_load %arg15[%swap3A_2849, %swap3A_2850] {strides = array<i32>} : memref<8x32xf32, #tpu.memory_space<vmem>>, vector<16xf32>,
      tpu.vector_store %arg15[%swap3A_2849, %swap3A_2850], %gather3A_2847 {strides = array<i32>} : memref<8x32xf32, #tpu.memory_space<vmem>>, vector<16xf32>,
      %slice3A_2852 = vector.extract_strided_slice %sub3A_2712 {offsets = [6], sizes = [1], strides = [1]} : vector<16xi32> to vector<1xi32>
      %squeeze3A_2853 = vector.extract %slice3A_2852[0] : i32 from vector<1xi32>
      %broadcast_in_dim3A_2854 = vector.broadcast %squeeze3A_2853 : i32 to vector<16xi32>
      %slice3A_2855 = vector.extract_strided_slice %sub3A_2747 {offsets = [6], sizes = [1], strides = [1]} : vector<16xi32> to vector<1xi32>
      %squeeze3A_2856 = vector.extract %slice3A_2855[0] : i32 from vector<1xi32>
      %broadcast_in_dim3A_2857 = vector.broadcast %squeeze3A_2856 : i32 to vector<16xi32>
      %gather3A_2858 = arith.constant 2 : i32
      %gather3A_2859 = arith.constant 0 : i32
      %gather3A_2860 = arith.constant 0 : i32
      %gather3A_2861 = tpu.memref_slice %arg12[%gather3A_2858, %gather3A_2859, %gather3A_2860] : memref<4x32x128xf32, #tpu.memory_space<vmem>> -> memref<1x32x128xf32, #tpu.memory_space<vmem>>
      %gather3A_2862 = tpu.memref_squeeze %gather3A_2861 : memref<1x32x128xf32, #tpu.memory_space<vmem>> -> memref<32x128xf32, #tpu.memory_space<vmem>>
      %gather3A_2863 = tpu.vector_load_idx %gather3A_2862[%iota3A, %broadcast_in_dim3A_2854] : memref<32x128xf32, #tpu.memory_space<vmem>>[vector<16xi32>, vector<16xi32>], vector<16xf32>,
      %swap3A_2864 = arith.constant 6 : i32
      %swap3A_2865 = arith.index_cast %swap3A_2864 : i32 to index
      %swap3A_2866 = arith.constant 0 : index
      %swap3A_2867 = tpu.vector_load %arg14[%swap3A_2865, %swap3A_2866] {strides = array<i32>} : memref<8x32xf32, #tpu.memory_space<vmem>>, vector<16xf32>,
      tpu.vector_store %arg14[%swap3A_2865, %swap3A_2866], %gather3A_2863 {strides = array<i32>} : memref<8x32xf32, #tpu.memory_space<vmem>>, vector<16xf32>,
      %add3A_2868 = arith.constant 16 : i32
      %add3A_2869 = vector.broadcast %add3A_2868 : i32 to vector<16xi32>
      %add3A_2870 = arith.addi %iota3A, %add3A_2869 : vector<16xi32>
      %gather3A_2871 = arith.constant 2 : i32
      %gather3A_2872 = arith.constant 0 : i32
      %gather3A_2873 = arith.constant 0 : i32
      %gather3A_2874 = tpu.memref_slice %arg12[%gather3A_2871, %gather3A_2872, %gather3A_2873] : memref<4x32x128xf32, #tpu.memory_space<vmem>> -> memref<1x32x128xf32, #tpu.memory_space<vmem>>
      %gather3A_2875 = tpu.memref_squeeze %gather3A_2874 : memref<1x32x128xf32, #tpu.memory_space<vmem>> -> memref<32x128xf32, #tpu.memory_space<vmem>>
      %gather3A_2876 = tpu.vector_load_idx %gather3A_2875[%add3A_2870, %broadcast_in_dim3A_2854] : memref<32x128xf32, #tpu.memory_space<vmem>>[vector<16xi32>, vector<16xi32>], vector<16xf32>,
      %swap3A_2877 = arith.constant 6 : i32
      %swap3A_2878 = arith.index_cast %swap3A_2877 : i32 to index
      %swap3A_2879 = arith.constant 16 : index
      %swap3A_2880 = tpu.vector_load %arg14[%swap3A_2878, %swap3A_2879] {strides = array<i32>} : memref<8x32xf32, #tpu.memory_space<vmem>>, vector<16xf32>,
      tpu.vector_store %arg14[%swap3A_2878, %swap3A_2879], %gather3A_2876 {strides = array<i32>} : memref<8x32xf32, #tpu.memory_space<vmem>>, vector<16xf32>,
      %gather3A_2881 = arith.constant 2 : i32
      %gather3A_2882 = arith.constant 0 : i32
      %gather3A_2883 = arith.constant 0 : i32
      %gather3A_2884 = tpu.memref_slice %arg13[%gather3A_2881, %gather3A_2882, %gather3A_2883] : memref<4x32x128xf32, #tpu.memory_space<vmem>> -> memref<1x32x128xf32, #tpu.memory_space<vmem>>
      %gather3A_2885 = tpu.memref_squeeze %gather3A_2884 : memref<1x32x128xf32, #tpu.memory_space<vmem>> -> memref<32x128xf32, #tpu.memory_space<vmem>>
      %gather3A_2886 = tpu.vector_load_idx %gather3A_2885[%iota3A, %broadcast_in_dim3A_2857] : memref<32x128xf32, #tpu.memory_space<vmem>>[vector<16xi32>, vector<16xi32>], vector<16xf32>,
      %swap3A_2887 = arith.constant 6 : i32
      %swap3A_2888 = arith.index_cast %swap3A_2887 : i32 to index
      %swap3A_2889 = arith.constant 0 : index
      %swap3A_2890 = tpu.vector_load %arg15[%swap3A_2888, %swap3A_2889] {strides = array<i32>} : memref<8x32xf32, #tpu.memory_space<vmem>>, vector<16xf32>,
      tpu.vector_store %arg15[%swap3A_2888, %swap3A_2889], %gather3A_2886 {strides = array<i32>} : memref<8x32xf32, #tpu.memory_space<vmem>>, vector<16xf32>,
      %add3A_2891 = arith.constant 16 : i32
      %add3A_2892 = vector.broadcast %add3A_2891 : i32 to vector<16xi32>
      %add3A_2893 = arith.addi %iota3A, %add3A_2892 : vector<16xi32>
      %gather3A_2894 = arith.constant 2 : i32
      %gather3A_2895 = arith.constant 0 : i32
      %gather3A_2896 = arith.constant 0 : i32
      %gather3A_2897 = tpu.memref_slice %arg13[%gather3A_2894, %gather3A_2895, %gather3A_2896] : memref<4x32x128xf32, #tpu.memory_space<vmem>> -> memref<1x32x128xf32, #tpu.memory_space<vmem>>
      %gather3A_2898 = tpu.memref_squeeze %gather3A_2897 : memref<1x32x128xf32, #tpu.memory_space<vmem>> -> memref<32x128xf32, #tpu.memory_space<vmem>>
      %gather3A_2899 = tpu.vector_load_idx %gather3A_2898[%add3A_2893, %broadcast_in_dim3A_2857] : memref<32x128xf32, #tpu.memory_space<vmem>>[vector<16xi32>, vector<16xi32>], vector<16xf32>,
      %swap3A_2900 = arith.constant 6 : i32
      %swap3A_2901 = arith.index_cast %swap3A_2900 : i32 to index
      %swap3A_2902 = arith.constant 16 : index
      %swap3A_2903 = tpu.vector_load %arg15[%swap3A_2901, %swap3A_2902] {strides = array<i32>} : memref<8x32xf32, #tpu.memory_space<vmem>>, vector<16xf32>,
      tpu.vector_store %arg15[%swap3A_2901, %swap3A_2902], %gather3A_2899 {strides = array<i32>} : memref<8x32xf32, #tpu.memory_space<vmem>>, vector<16xf32>,
      %slice3A_2904 = vector.extract_strided_slice %sub3A_2712 {offsets = [7], sizes = [1], strides = [1]} : vector<16xi32> to vector<1xi32>
      %squeeze3A_2905 = vector.extract %slice3A_2904[0] : i32 from vector<1xi32>
      %broadcast_in_dim3A_2906 = vector.broadcast %squeeze3A_2905 : i32 to vector<16xi32>
      %slice3A_2907 = vector.extract_strided_slice %sub3A_2747 {offsets = [7], sizes = [1], strides = [1]} : vector<16xi32> to vector<1xi32>
      %squeeze3A_2908 = vector.extract %slice3A_2907[0] : i32 from vector<1xi32>
      %broadcast_in_dim3A_2909 = vector.broadcast %squeeze3A_2908 : i32 to vector<16xi32>
      %gather3A_2910 = arith.constant 3 : i32
      %gather3A_2911 = arith.constant 0 : i32
      %gather3A_2912 = arith.constant 0 : i32
      %gather3A_2913 = tpu.memref_slice %arg12[%gather3A_2910, %gather3A_2911, %gather3A_2912] : memref<4x32x128xf32, #tpu.memory_space<vmem>> -> memref<1x32x128xf32, #tpu.memory_space<vmem>>
      %gather3A_2914 = tpu.memref_squeeze %gather3A_2913 : memref<1x32x128xf32, #tpu.memory_space<vmem>> -> memref<32x128xf32, #tpu.memory_space<vmem>>
      %gather3A_2915 = tpu.vector_load_idx %gather3A_2914[%iota3A, %broadcast_in_dim3A_2906] : memref<32x128xf32, #tpu.memory_space<vmem>>[vector<16xi32>, vector<16xi32>], vector<16xf32>,
      %swap3A_2916 = arith.constant 7 : i32
      %swap3A_2917 = arith.index_cast %swap3A_2916 : i32 to index
      %swap3A_2918 = arith.constant 0 : index
      %swap3A_2919 = tpu.vector_load %arg14[%swap3A_2917, %swap3A_2918] {strides = array<i32>} : memref<8x32xf32, #tpu.memory_space<vmem>>, vector<16xf32>,
      tpu.vector_store %arg14[%swap3A_2917, %swap3A_2918], %gather3A_2915 {strides = array<i32>} : memref<8x32xf32, #tpu.memory_space<vmem>>, vector<16xf32>,
      %add3A_2920 = arith.constant 16 : i32
      %add3A_2921 = vector.broadcast %add3A_2920 : i32 to vector<16xi32>
      %add3A_2922 = arith.addi %iota3A, %add3A_2921 : vector<16xi32>
      %gather3A_2923 = arith.constant 3 : i32
      %gather3A_2924 = arith.constant 0 : i32
      %gather3A_2925 = arith.constant 0 : i32
      %gather3A_2926 = tpu.memref_slice %arg12[%gather3A_2923, %gather3A_2924, %gather3A_2925] : memref<4x32x128xf32, #tpu.memory_space<vmem>> -> memref<1x32x128xf32, #tpu.memory_space<vmem>>
      %gather3A_2927 = tpu.memref_squeeze %gather3A_2926 : memref<1x32x128xf32, #tpu.memory_space<vmem>> -> memref<32x128xf32, #tpu.memory_space<vmem>>
      %gather3A_2928 = tpu.vector_load_idx %gather3A_2927[%add3A_2922, %broadcast_in_dim3A_2906] : memref<32x128xf32, #tpu.memory_space<vmem>>[vector<16xi32>, vector<16xi32>], vector<16xf32>,
      %swap3A_2929 = arith.constant 7 : i32
      %swap3A_2930 = arith.index_cast %swap3A_2929 : i32 to index
      %swap3A_2931 = arith.constant 16 : index
      %swap3A_2932 = tpu.vector_load %arg14[%swap3A_2930, %swap3A_2931] {strides = array<i32>} : memref<8x32xf32, #tpu.memory_space<vmem>>, vector<16xf32>,
      tpu.vector_store %arg14[%swap3A_2930, %swap3A_2931], %gather3A_2928 {strides = array<i32>} : memref<8x32xf32, #tpu.memory_space<vmem>>, vector<16xf32>,
      %gather3A_2933 = arith.constant 3 : i32
      %gather3A_2934 = arith.constant 0 : i32
      %gather3A_2935 = arith.constant 0 : i32
      %gather3A_2936 = tpu.memref_slice %arg13[%gather3A_2933, %gather3A_2934, %gather3A_2935] : memref<4x32x128xf32, #tpu.memory_space<vmem>> -> memref<1x32x128xf32, #tpu.memory_space<vmem>>
      %gather3A_2937 = tpu.memref_squeeze %gather3A_2936 : memref<1x32x128xf32, #tpu.memory_space<vmem>> -> memref<32x128xf32, #tpu.memory_space<vmem>>
      %gather3A_2938 = tpu.vector_load_idx %gather3A_2937[%iota3A, %broadcast_in_dim3A_2909] : memref<32x128xf32, #tpu.memory_space<vmem>>[vector<16xi32>, vector<16xi32>], vector<16xf32>,
      %swap3A_2939 = arith.constant 7 : i32
      %swap3A_2940 = arith.index_cast %swap3A_2939 : i32 to index
      %swap3A_2941 = arith.constant 0 : index
      %swap3A_2942 = tpu.vector_load %arg15[%swap3A_2940, %swap3A_2941] {strides = array<i32>} : memref<8x32xf32, #tpu.memory_space<vmem>>, vector<16xf32>,
      tpu.vector_store %arg15[%swap3A_2940, %swap3A_2941], %gather3A_2938 {strides = array<i32>} : memref<8x32xf32, #tpu.memory_space<vmem>>, vector<16xf32>,
      %add3A_2943 = arith.constant 16 : i32
      %add3A_2944 = vector.broadcast %add3A_2943 : i32 to vector<16xi32>
      %add3A_2945 = arith.addi %iota3A, %add3A_2944 : vector<16xi32>
      %gather3A_2946 = arith.constant 3 : i32
      %gather3A_2947 = arith.constant 0 : i32
      %gather3A_2948 = arith.constant 0 : i32
      %gather3A_2949 = tpu.memref_slice %arg13[%gather3A_2946, %gather3A_2947, %gather3A_2948] : memref<4x32x128xf32, #tpu.memory_space<vmem>> -> memref<1x32x128xf32, #tpu.memory_space<vmem>>
      %gather3A_2950 = tpu.memref_squeeze %gather3A_2949 : memref<1x32x128xf32, #tpu.memory_space<vmem>> -> memref<32x128xf32, #tpu.memory_space<vmem>>
      %gather3A_2951 = tpu.vector_load_idx %gather3A_2950[%add3A_2945, %broadcast_in_dim3A_2909] : memref<32x128xf32, #tpu.memory_space<vmem>>[vector<16xi32>, vector<16xi32>], vector<16xf32>,
      %swap3A_2952 = arith.constant 7 : i32
      %swap3A_2953 = arith.index_cast %swap3A_2952 : i32 to index
      %swap3A_2954 = arith.constant 16 : index
      %swap3A_2955 = tpu.vector_load %arg15[%swap3A_2953, %swap3A_2954] {strides = array<i32>} : memref<8x32xf32, #tpu.memory_space<vmem>>, vector<16xf32>,
      tpu.vector_store %arg15[%swap3A_2953, %swap3A_2954], %gather3A_2951 {strides = array<i32>} : memref<8x32xf32, #tpu.memory_space<vmem>>, vector<16xf32>,
      %add3A_2956 = arith.addi %mul3A_2, %mul3A_1475 : i32
      "tpu.region"() ({
        %run_scoped3A = tpu.sem_alloc : memref<!tpu.dma_semaphore, #tpu.memory_space<semaphore_mem>>
        %dma_start3A_2958 = arith.constant 0 : i32
        %dma_start3A_2959 = tpu.memref_slice %arg6[%add3A_2956, %dma_start3A_2958] : memref<16384x32xf32, #tpu.memory_space<hbm>> -> memref<8x32xf32, #tpu.memory_space<hbm>>
        %dma_start3A_2960 = arith.constant 0 : i32
        %dma_start3A_2961 = tpu.memref_slice %arg6[%add3A_2956, %dma_start3A_2960] : memref<16384x32xf32, #tpu.memory_space<hbm>> -> memref<8x32xf32, #tpu.memory_space<hbm>>
        tpu.enqueue_dma source(%arg14 : memref<8x32xf32, #tpu.memory_space<vmem>>) target(%dma_start3A_2961 : memref<8x32xf32, #tpu.memory_space<hbm>>) target_semaphore(%run_scoped3A : memref<!tpu.dma_semaphore, #tpu.memory_space<semaphore_mem>>)
        %dma_wait3A_2962 = arith.constant 0 : i32
        %dma_wait3A_2963 = tpu.memref_slice %arg6[%add3A_2956, %dma_wait3A_2962] : memref<16384x32xf32, #tpu.memory_space<hbm>> -> memref<8x32xf32, #tpu.memory_space<hbm>>
        %dma_wait3A_2964 = arith.constant 0 : i32
        %dma_wait3A_2965 = tpu.memref_slice %arg6[%add3A_2956, %dma_wait3A_2964] : memref<16384x32xf32, #tpu.memory_space<hbm>> -> memref<8x32xf32, #tpu.memory_space<hbm>>
        tpu.wait_dma2 semaphore(%run_scoped3A : memref<!tpu.dma_semaphore, #tpu.memory_space<semaphore_mem>>) src(%arg14 : memref<8x32xf32, #tpu.memory_space<vmem>>) dst(%dma_wait3A_2965 : memref<8x32xf32, #tpu.memory_space<hbm>>)
        tpu.yield
      }) : () -> ()
      %add3A_2957 = arith.addi %mul3A_2, %mul3A_1475 : i32
      "tpu.region"() ({
        %run_scoped3A = tpu.sem_alloc : memref<!tpu.dma_semaphore, #tpu.memory_space<semaphore_mem>>
        %dma_start3A_2958 = arith.constant 0 : i32
        %dma_start3A_2959 = tpu.memref_slice %arg7[%add3A_2957, %dma_start3A_2958] : memref<16384x32xf32, #tpu.memory_space<hbm>> -> memref<8x32xf32, #tpu.memory_space<hbm>>
        %dma_start3A_2960 = arith.constant 0 : i32
        %dma_start3A_2961 = tpu.memref_slice %arg7[%add3A_2957, %dma_start3A_2960] : memref<16384x32xf32, #tpu.memory_space<hbm>> -> memref<8x32xf32, #tpu.memory_space<hbm>>
        tpu.enqueue_dma source(%arg15 : memref<8x32xf32, #tpu.memory_space<vmem>>) target(%dma_start3A_2961 : memref<8x32xf32, #tpu.memory_space<hbm>>) target_semaphore(%run_scoped3A : memref<!tpu.dma_semaphore, #tpu.memory_space<semaphore_mem>>)
        %dma_wait3A_2962 = arith.constant 0 : i32
        %dma_wait3A_2963 = tpu.memref_slice %arg7[%add3A_2957, %dma_wait3A_2962] : memref<16384x32xf32, #tpu.memory_space<hbm>> -> memref<8x32xf32, #tpu.memory_space<hbm>>
        %dma_wait3A_2964 = arith.constant 0 : i32
        %dma_wait3A_2965 = tpu.memref_slice %arg7[%add3A_2957, %dma_wait3A_2964] : memref<16384x32xf32, #tpu.memory_space<hbm>> -> memref<8x32xf32, #tpu.memory_space<hbm>>
        tpu.wait_dma2 semaphore(%run_scoped3A : memref<!tpu.dma_semaphore, #tpu.memory_space<semaphore_mem>>) src(%arg15 : memref<8x32xf32, #tpu.memory_space<vmem>>) dst(%dma_wait3A_2965 : memref<8x32xf32, #tpu.memory_space<hbm>>)
        tpu.yield
      }) : () -> ()
    }
    %scan3A_334 = arith.constant 63 : i32
    %get3A_335 = arith.constant 504 : index
    %get3A_336 = tpu.vector_load %arg8[%get3A_335] {strides = array<i32>} : memref<528xi32, #tpu.memory_space<vmem>>, vector<16xi32>,
    %get3A_337 = arith.constant 504 : index
    %get3A_338 = tpu.vector_load %arg9[%get3A_337] {strides = array<i32>} : memref<528xi32, #tpu.memory_space<vmem>>, vector<16xi32>,
    %slice3A_339 = vector.extract_strided_slice %get3A_336 {offsets = [4], sizes = [1], strides = [1]} : vector<16xi32> to vector<1xi32>
    %squeeze3A_340 = vector.extract %slice3A_339[0] : i32 from vector<1xi32>
    %slice3A_341 = vector.extract_strided_slice %get3A_338 {offsets = [4], sizes = [1], strides = [1]} : vector<16xi32> to vector<1xi32>
    %squeeze3A_342 = vector.extract %slice3A_341[0] : i32 from vector<1xi32>
    %jit3A_343 = arith.constant 128 : i32
    %div3A_344 = arith.divsi %squeeze3A_340, %jit3A_343 : i32
    %sign3A_345 = arith.constant 0 : i32
    %sign3A_346 = arith.cmpi sgt, %squeeze3A_340, %sign3A_345 : i32
    %sign3A_347 = arith.extui %sign3A_346 : i1 to i32
    %sign3A_348 = arith.constant 0 : i32
    %sign3A_349 = arith.cmpi slt, %squeeze3A_340, %sign3A_348 : i32
    %sign3A_350 = arith.extui %sign3A_349 : i1 to i32
    %sign3A_351 = arith.subi %sign3A_347, %sign3A_350 : i32
    %sign3A_352 = arith.constant 0 : i32
    %sign3A_353 = arith.cmpi sgt, %jit3A_343, %sign3A_352 : i32
    %sign3A_354 = arith.extui %sign3A_353 : i1 to i32
    %sign3A_355 = arith.constant 0 : i32
    %sign3A_356 = arith.cmpi slt, %jit3A_343, %sign3A_355 : i32
    %sign3A_357 = arith.extui %sign3A_356 : i1 to i32
    %sign3A_358 = arith.subi %sign3A_354, %sign3A_357 : i32
    %ne3A_359 = arith.cmpi ne, %sign3A_351, %sign3A_358 : i32
    %rem3A_360 = arith.remsi %squeeze3A_340, %jit3A_343 : i32
    %ne3A_361 = arith.constant 0 : i32
    %ne3A_362 = arith.cmpi ne, %rem3A_360, %ne3A_361 : i32
    %and3A_363 = arith.andi %ne3A_359, %ne3A_362 : i1
    %sub3A_364 = arith.constant 1 : i32
    %sub3A_365 = arith.subi %div3A_344, %sub3A_364 : i32
    %select_n3A_366 = arith.select %and3A_363, %sub3A_365, %div3A_344 : i32
    %mul3A_367 = arith.constant 128 : i32
    %mul3A_368 = arith.muli %select_n3A_366, %mul3A_367 : i32
    %multiple_of3A_369 = tpu.assume_multiple %mul3A_368, 128 : i32
    %jit3A_370 = arith.constant 128 : i32
    %div3A_371 = arith.divsi %squeeze3A_342, %jit3A_370 : i32
    %sign3A_372 = arith.constant 0 : i32
    %sign3A_373 = arith.cmpi sgt, %squeeze3A_342, %sign3A_372 : i32
    %sign3A_374 = arith.extui %sign3A_373 : i1 to i32
    %sign3A_375 = arith.constant 0 : i32
    %sign3A_376 = arith.cmpi slt, %squeeze3A_342, %sign3A_375 : i32
    %sign3A_377 = arith.extui %sign3A_376 : i1 to i32
    %sign3A_378 = arith.subi %sign3A_374, %sign3A_377 : i32
    %sign3A_379 = arith.constant 0 : i32
    %sign3A_380 = arith.cmpi sgt, %jit3A_370, %sign3A_379 : i32
    %sign3A_381 = arith.extui %sign3A_380 : i1 to i32
    %sign3A_382 = arith.constant 0 : i32
    %sign3A_383 = arith.cmpi slt, %jit3A_370, %sign3A_382 : i32
    %sign3A_384 = arith.extui %sign3A_383 : i1 to i32
    %sign3A_385 = arith.subi %sign3A_381, %sign3A_384 : i32
    %ne3A_386 = arith.cmpi ne, %sign3A_378, %sign3A_385 : i32
    %rem3A_387 = arith.remsi %squeeze3A_342, %jit3A_370 : i32
    %ne3A_388 = arith.constant 0 : i32
    %ne3A_389 = arith.cmpi ne, %rem3A_387, %ne3A_388 : i32
    %and3A_390 = arith.andi %ne3A_386, %ne3A_389 : i1
    %sub3A_391 = arith.constant 1 : i32
    %sub3A_392 = arith.subi %div3A_371, %sub3A_391 : i32
    %select_n3A_393 = arith.select %and3A_390, %sub3A_392, %div3A_371 : i32
    %mul3A_394 = arith.constant 128 : i32
    %mul3A_395 = arith.muli %select_n3A_393, %mul3A_394 : i32
    %multiple_of3A_396 = tpu.assume_multiple %mul3A_395, 128 : i32
    %dma_start3A_397 = arith.constant 0 : i32
    %dma_start3A_398 = arith.constant 0 : i32
    %dma_start3A_399 = arith.constant 0 : i32
    %dma_start3A_400 = tpu.memref_slice %arg12[%dma_start3A_397, %dma_start3A_398, %dma_start3A_399] : memref<4x32x128xf32, #tpu.memory_space<vmem>> -> memref<1x32x128xf32, #tpu.memory_space<vmem>>
    %dma_start3A_401 = tpu.memref_squeeze %dma_start3A_400 : memref<1x32x128xf32, #tpu.memory_space<vmem>> -> memref<32x128xf32, #tpu.memory_space<vmem>>
    %dma_start3A_402 = arith.constant 0 : i32
    %dma_start3A_403 = tpu.memref_slice %arg4[%dma_start3A_402, %multiple_of3A_369] : memref<32x1000000xf32, #tpu.memory_space<hbm>> -> memref<32x128xf32, #tpu.memory_space<hbm>>
    %dma_start3A_404 = arith.constant 0 : i32
    %dma_start3A_405 = arith.constant 0 : i32
    %dma_start3A_406 = tpu.memref_slice %arg12[%dma_start3A_397, %dma_start3A_404, %dma_start3A_405] : memref<4x32x128xf32, #tpu.memory_space<vmem>> -> memref<1x32x128xf32, #tpu.memory_space<vmem>>
    %dma_start3A_407 = tpu.memref_squeeze %dma_start3A_406 : memref<1x32x128xf32, #tpu.memory_space<vmem>> -> memref<32x128xf32, #tpu.memory_space<vmem>>
    %dma_start3A_408 = arith.constant 0 : i32
    %dma_start3A_409 = tpu.memref_slice %arg4[%dma_start3A_408, %multiple_of3A_369] : memref<32x1000000xf32, #tpu.memory_space<hbm>> -> memref<32x128xf32, #tpu.memory_space<hbm>>
    tpu.enqueue_dma source(%dma_start3A_409 : memref<32x128xf32, #tpu.memory_space<hbm>>) target(%dma_start3A_407 : memref<32x128xf32, #tpu.memory_space<vmem>>) target_semaphore(%arg17 : memref<!tpu.dma_semaphore, #tpu.memory_space<semaphore_mem>>)
    %dma_start3A_410 = arith.constant 0 : i32
    %dma_start3A_411 = arith.constant 0 : i32
    %dma_start3A_412 = arith.constant 0 : i32
    %dma_start3A_413 = tpu.memref_slice %arg13[%dma_start3A_410, %dma_start3A_411, %dma_start3A_412] : memref<4x32x128xf32, #tpu.memory_space<vmem>> -> memref<1x32x128xf32, #tpu.memory_space<vmem>>
    %dma_start3A_414 = tpu.memref_squeeze %dma_start3A_413 : memref<1x32x128xf32, #tpu.memory_space<vmem>> -> memref<32x128xf32, #tpu.memory_space<vmem>>
    %dma_start3A_415 = arith.constant 0 : i32
    %dma_start3A_416 = tpu.memref_slice %arg5[%dma_start3A_415, %multiple_of3A_396] : memref<32x1000000xf32, #tpu.memory_space<hbm>> -> memref<32x128xf32, #tpu.memory_space<hbm>>
    %dma_start3A_417 = arith.constant 0 : i32
    %dma_start3A_418 = arith.constant 0 : i32
    %dma_start3A_419 = tpu.memref_slice %arg13[%dma_start3A_410, %dma_start3A_417, %dma_start3A_418] : memref<4x32x128xf32, #tpu.memory_space<vmem>> -> memref<1x32x128xf32, #tpu.memory_space<vmem>>
    %dma_start3A_420 = tpu.memref_squeeze %dma_start3A_419 : memref<1x32x128xf32, #tpu.memory_space<vmem>> -> memref<32x128xf32, #tpu.memory_space<vmem>>
    %dma_start3A_421 = arith.constant 0 : i32
    %dma_start3A_422 = tpu.memref_slice %arg5[%dma_start3A_421, %multiple_of3A_396] : memref<32x1000000xf32, #tpu.memory_space<hbm>> -> memref<32x128xf32, #tpu.memory_space<hbm>>
    tpu.enqueue_dma source(%dma_start3A_422 : memref<32x128xf32, #tpu.memory_space<hbm>>) target(%dma_start3A_420 : memref<32x128xf32, #tpu.memory_space<vmem>>) target_semaphore(%arg17 : memref<!tpu.dma_semaphore, #tpu.memory_space<semaphore_mem>>)
    %slice3A_423 = vector.extract_strided_slice %get3A_336 {offsets = [5], sizes = [1], strides = [1]} : vector<16xi32> to vector<1xi32>
    %squeeze3A_424 = vector.extract %slice3A_423[0] : i32 from vector<1xi32>
    %slice3A_425 = vector.extract_strided_slice %get3A_338 {offsets = [5], sizes = [1], strides = [1]} : vector<16xi32> to vector<1xi32>
    %squeeze3A_426 = vector.extract %slice3A_425[0] : i32 from vector<1xi32>
    %jit3A_427 = arith.constant 128 : i32
    %div3A_428 = arith.divsi %squeeze3A_424, %jit3A_427 : i32
    %sign3A_429 = arith.constant 0 : i32
    %sign3A_430 = arith.cmpi sgt, %squeeze3A_424, %sign3A_429 : i32
    %sign3A_431 = arith.extui %sign3A_430 : i1 to i32
    %sign3A_432 = arith.constant 0 : i32
    %sign3A_433 = arith.cmpi slt, %squeeze3A_424, %sign3A_432 : i32
    %sign3A_434 = arith.extui %sign3A_433 : i1 to i32
    %sign3A_435 = arith.subi %sign3A_431, %sign3A_434 : i32
    %sign3A_436 = arith.constant 0 : i32
    %sign3A_437 = arith.cmpi sgt, %jit3A_427, %sign3A_436 : i32
    %sign3A_438 = arith.extui %sign3A_437 : i1 to i32
    %sign3A_439 = arith.constant 0 : i32
    %sign3A_440 = arith.cmpi slt, %jit3A_427, %sign3A_439 : i32
    %sign3A_441 = arith.extui %sign3A_440 : i1 to i32
    %sign3A_442 = arith.subi %sign3A_438, %sign3A_441 : i32
    %ne3A_443 = arith.cmpi ne, %sign3A_435, %sign3A_442 : i32
    %rem3A_444 = arith.remsi %squeeze3A_424, %jit3A_427 : i32
    %ne3A_445 = arith.constant 0 : i32
    %ne3A_446 = arith.cmpi ne, %rem3A_444, %ne3A_445 : i32
    %and3A_447 = arith.andi %ne3A_443, %ne3A_446 : i1
    %sub3A_448 = arith.constant 1 : i32
    %sub3A_449 = arith.subi %div3A_428, %sub3A_448 : i32
    %select_n3A_450 = arith.select %and3A_447, %sub3A_449, %div3A_428 : i32
    %mul3A_451 = arith.constant 128 : i32
    %mul3A_452 = arith.muli %select_n3A_450, %mul3A_451 : i32
    %multiple_of3A_453 = tpu.assume_multiple %mul3A_452, 128 : i32
    %jit3A_454 = arith.constant 128 : i32
    %div3A_455 = arith.divsi %squeeze3A_426, %jit3A_454 : i32
    %sign3A_456 = arith.constant 0 : i32
    %sign3A_457 = arith.cmpi sgt, %squeeze3A_426, %sign3A_456 : i32
    %sign3A_458 = arith.extui %sign3A_457 : i1 to i32
    %sign3A_459 = arith.constant 0 : i32
    %sign3A_460 = arith.cmpi slt, %squeeze3A_426, %sign3A_459 : i32
    %sign3A_461 = arith.extui %sign3A_460 : i1 to i32
    %sign3A_462 = arith.subi %sign3A_458, %sign3A_461 : i32
    %sign3A_463 = arith.constant 0 : i32
    %sign3A_464 = arith.cmpi sgt, %jit3A_454, %sign3A_463 : i32
    %sign3A_465 = arith.extui %sign3A_464 : i1 to i32
    %sign3A_466 = arith.constant 0 : i32
    %sign3A_467 = arith.cmpi slt, %jit3A_454, %sign3A_466 : i32
    %sign3A_468 = arith.extui %sign3A_467 : i1 to i32
    %sign3A_469 = arith.subi %sign3A_465, %sign3A_468 : i32
    %ne3A_470 = arith.cmpi ne, %sign3A_462, %sign3A_469 : i32
    %rem3A_471 = arith.remsi %squeeze3A_426, %jit3A_454 : i32
    %ne3A_472 = arith.constant 0 : i32
    %ne3A_473 = arith.cmpi ne, %rem3A_471, %ne3A_472 : i32
    %and3A_474 = arith.andi %ne3A_470, %ne3A_473 : i1
    %sub3A_475 = arith.constant 1 : i32
    %sub3A_476 = arith.subi %div3A_455, %sub3A_475 : i32
    %select_n3A_477 = arith.select %and3A_474, %sub3A_476, %div3A_455 : i32
    %mul3A_478 = arith.constant 128 : i32
    %mul3A_479 = arith.muli %select_n3A_477, %mul3A_478 : i32
    %multiple_of3A_480 = tpu.assume_multiple %mul3A_479, 128 : i32
    %dma_start3A_481 = arith.constant 1 : i32
    %dma_start3A_482 = arith.constant 0 : i32
    %dma_start3A_483 = arith.constant 0 : i32
    %dma_start3A_484 = tpu.memref_slice %arg12[%dma_start3A_481, %dma_start3A_482, %dma_start3A_483] : memref<4x32x128xf32, #tpu.memory_space<vmem>> -> memref<1x32x128xf32, #tpu.memory_space<vmem>>
    %dma_start3A_485 = tpu.memref_squeeze %dma_start3A_484 : memref<1x32x128xf32, #tpu.memory_space<vmem>> -> memref<32x128xf32, #tpu.memory_space<vmem>>
    %dma_start3A_486 = arith.constant 0 : i32
    %dma_start3A_487 = tpu.memref_slice %arg4[%dma_start3A_486, %multiple_of3A_453] : memref<32x1000000xf32, #tpu.memory_space<hbm>> -> memref<32x128xf32, #tpu.memory_space<hbm>>
    %dma_start3A_488 = arith.constant 0 : i32
    %dma_start3A_489 = arith.constant 0 : i32
    %dma_start3A_490 = tpu.memref_slice %arg12[%dma_start3A_481, %dma_start3A_488, %dma_start3A_489] : memref<4x32x128xf32, #tpu.memory_space<vmem>> -> memref<1x32x128xf32, #tpu.memory_space<vmem>>
    %dma_start3A_491 = tpu.memref_squeeze %dma_start3A_490 : memref<1x32x128xf32, #tpu.memory_space<vmem>> -> memref<32x128xf32, #tpu.memory_space<vmem>>
    %dma_start3A_492 = arith.constant 0 : i32
    %dma_start3A_493 = tpu.memref_slice %arg4[%dma_start3A_492, %multiple_of3A_453] : memref<32x1000000xf32, #tpu.memory_space<hbm>> -> memref<32x128xf32, #tpu.memory_space<hbm>>
    tpu.enqueue_dma source(%dma_start3A_493 : memref<32x128xf32, #tpu.memory_space<hbm>>) target(%dma_start3A_491 : memref<32x128xf32, #tpu.memory_space<vmem>>) target_semaphore(%arg17 : memref<!tpu.dma_semaphore, #tpu.memory_space<semaphore_mem>>)
    %dma_start3A_494 = arith.constant 1 : i32
    %dma_start3A_495 = arith.constant 0 : i32
    %dma_start3A_496 = arith.constant 0 : i32
    %dma_start3A_497 = tpu.memref_slice %arg13[%dma_start3A_494, %dma_start3A_495, %dma_start3A_496] : memref<4x32x128xf32, #tpu.memory_space<vmem>> -> memref<1x32x128xf32, #tpu.memory_space<vmem>>
    %dma_start3A_498 = tpu.memref_squeeze %dma_start3A_497 : memref<1x32x128xf32, #tpu.memory_space<vmem>> -> memref<32x128xf32, #tpu.memory_space<vmem>>
    %dma_start3A_499 = arith.constant 0 : i32
    %dma_start3A_500 = tpu.memref_slice %arg5[%dma_start3A_499, %multiple_of3A_480] : memref<32x1000000xf32, #tpu.memory_space<hbm>> -> memref<32x128xf32, #tpu.memory_space<hbm>>
    %dma_start3A_501 = arith.constant 0 : i32
    %dma_start3A_502 = arith.constant 0 : i32
    %dma_start3A_503 = tpu.memref_slice %arg13[%dma_start3A_494, %dma_start3A_501, %dma_start3A_502] : memref<4x32x128xf32, #tpu.memory_space<vmem>> -> memref<1x32x128xf32, #tpu.memory_space<vmem>>
    %dma_start3A_504 = tpu.memref_squeeze %dma_start3A_503 : memref<1x32x128xf32, #tpu.memory_space<vmem>> -> memref<32x128xf32, #tpu.memory_space<vmem>>
    %dma_start3A_505 = arith.constant 0 : i32
    %dma_start3A_506 = tpu.memref_slice %arg5[%dma_start3A_505, %multiple_of3A_480] : memref<32x1000000xf32, #tpu.memory_space<hbm>> -> memref<32x128xf32, #tpu.memory_space<hbm>>
    tpu.enqueue_dma source(%dma_start3A_506 : memref<32x128xf32, #tpu.memory_space<hbm>>) target(%dma_start3A_504 : memref<32x128xf32, #tpu.memory_space<vmem>>) target_semaphore(%arg17 : memref<!tpu.dma_semaphore, #tpu.memory_space<semaphore_mem>>)
    %slice3A_507 = vector.extract_strided_slice %get3A_336 {offsets = [6], sizes = [1], strides = [1]} : vector<16xi32> to vector<1xi32>
    %squeeze3A_508 = vector.extract %slice3A_507[0] : i32 from vector<1xi32>
    %slice3A_509 = vector.extract_strided_slice %get3A_338 {offsets = [6], sizes = [1], strides = [1]} : vector<16xi32> to vector<1xi32>
    %squeeze3A_510 = vector.extract %slice3A_509[0] : i32 from vector<1xi32>
    %jit3A_511 = arith.constant 128 : i32
    %div3A_512 = arith.divsi %squeeze3A_508, %jit3A_511 : i32
    %sign3A_513 = arith.constant 0 : i32
    %sign3A_514 = arith.cmpi sgt, %squeeze3A_508, %sign3A_513 : i32
    %sign3A_515 = arith.extui %sign3A_514 : i1 to i32
    %sign3A_516 = arith.constant 0 : i32
    %sign3A_517 = arith.cmpi slt, %squeeze3A_508, %sign3A_516 : i32
    %sign3A_518 = arith.extui %sign3A_517 : i1 to i32
    %sign3A_519 = arith.subi %sign3A_515, %sign3A_518 : i32
    %sign3A_520 = arith.constant 0 : i32
    %sign3A_521 = arith.cmpi sgt, %jit3A_511, %sign3A_520 : i32
    %sign3A_522 = arith.extui %sign3A_521 : i1 to i32
    %sign3A_523 = arith.constant 0 : i32
    %sign3A_524 = arith.cmpi slt, %jit3A_511, %sign3A_523 : i32
    %sign3A_525 = arith.extui %sign3A_524 : i1 to i32
    %sign3A_526 = arith.subi %sign3A_522, %sign3A_525 : i32
    %ne3A_527 = arith.cmpi ne, %sign3A_519, %sign3A_526 : i32
    %rem3A_528 = arith.remsi %squeeze3A_508, %jit3A_511 : i32
    %ne3A_529 = arith.constant 0 : i32
    %ne3A_530 = arith.cmpi ne, %rem3A_528, %ne3A_529 : i32
    %and3A_531 = arith.andi %ne3A_527, %ne3A_530 : i1
    %sub3A_532 = arith.constant 1 : i32
    %sub3A_533 = arith.subi %div3A_512, %sub3A_532 : i32
    %select_n3A_534 = arith.select %and3A_531, %sub3A_533, %div3A_512 : i32
    %mul3A_535 = arith.constant 128 : i32
    %mul3A_536 = arith.muli %select_n3A_534, %mul3A_535 : i32
    %multiple_of3A_537 = tpu.assume_multiple %mul3A_536, 128 : i32
    %jit3A_538 = arith.constant 128 : i32
    %div3A_539 = arith.divsi %squeeze3A_510, %jit3A_538 : i32
    %sign3A_540 = arith.constant 0 : i32
    %sign3A_541 = arith.cmpi sgt, %squeeze3A_510, %sign3A_540 : i32
    %sign3A_542 = arith.extui %sign3A_541 : i1 to i32
    %sign3A_543 = arith.constant 0 : i32
    %sign3A_544 = arith.cmpi slt, %squeeze3A_510, %sign3A_543 : i32
    %sign3A_545 = arith.extui %sign3A_544 : i1 to i32
    %sign3A_546 = arith.subi %sign3A_542, %sign3A_545 : i32
    %sign3A_547 = arith.constant 0 : i32
    %sign3A_548 = arith.cmpi sgt, %jit3A_538, %sign3A_547 : i32
    %sign3A_549 = arith.extui %sign3A_548 : i1 to i32
    %sign3A_550 = arith.constant 0 : i32
    %sign3A_551 = arith.cmpi slt, %jit3A_538, %sign3A_550 : i32
    %sign3A_552 = arith.extui %sign3A_551 : i1 to i32
    %sign3A_553 = arith.subi %sign3A_549, %sign3A_552 : i32
    %ne3A_554 = arith.cmpi ne, %sign3A_546, %sign3A_553 : i32
    %rem3A_555 = arith.remsi %squeeze3A_510, %jit3A_538 : i32
    %ne3A_556 = arith.constant 0 : i32
    %ne3A_557 = arith.cmpi ne, %rem3A_555, %ne3A_556 : i32
    %and3A_558 = arith.andi %ne3A_554, %ne3A_557 : i1
    %sub3A_559 = arith.constant 1 : i32
    %sub3A_560 = arith.subi %div3A_539, %sub3A_559 : i32
    %select_n3A_561 = arith.select %and3A_558, %sub3A_560, %div3A_539 : i32
    %mul3A_562 = arith.constant 128 : i32
    %mul3A_563 = arith.muli %select_n3A_561, %mul3A_562 : i32
    %multiple_of3A_564 = tpu.assume_multiple %mul3A_563, 128 : i32
    %dma_start3A_565 = arith.constant 2 : i32
    %dma_start3A_566 = arith.constant 0 : i32
    %dma_start3A_567 = arith.constant 0 : i32
    %dma_start3A_568 = tpu.memref_slice %arg12[%dma_start3A_565, %dma_start3A_566, %dma_start3A_567] : memref<4x32x128xf32, #tpu.memory_space<vmem>> -> memref<1x32x128xf32, #tpu.memory_space<vmem>>
    %dma_start3A_569 = tpu.memref_squeeze %dma_start3A_568 : memref<1x32x128xf32, #tpu.memory_space<vmem>> -> memref<32x128xf32, #tpu.memory_space<vmem>>
    %dma_start3A_570 = arith.constant 0 : i32
    %dma_start3A_571 = tpu.memref_slice %arg4[%dma_start3A_570, %multiple_of3A_537] : memref<32x1000000xf32, #tpu.memory_space<hbm>> -> memref<32x128xf32, #tpu.memory_space<hbm>>
    %dma_start3A_572 = arith.constant 0 : i32
    %dma_start3A_573 = arith.constant 0 : i32
    %dma_start3A_574 = tpu.memref_slice %arg12[%dma_start3A_565, %dma_start3A_572, %dma_start3A_573] : memref<4x32x128xf32, #tpu.memory_space<vmem>> -> memref<1x32x128xf32, #tpu.memory_space<vmem>>
    %dma_start3A_575 = tpu.memref_squeeze %dma_start3A_574 : memref<1x32x128xf32, #tpu.memory_space<vmem>> -> memref<32x128xf32, #tpu.memory_space<vmem>>
    %dma_start3A_576 = arith.constant 0 : i32
    %dma_start3A_577 = tpu.memref_slice %arg4[%dma_start3A_576, %multiple_of3A_537] : memref<32x1000000xf32, #tpu.memory_space<hbm>> -> memref<32x128xf32, #tpu.memory_space<hbm>>
    tpu.enqueue_dma source(%dma_start3A_577 : memref<32x128xf32, #tpu.memory_space<hbm>>) target(%dma_start3A_575 : memref<32x128xf32, #tpu.memory_space<vmem>>) target_semaphore(%arg17 : memref<!tpu.dma_semaphore, #tpu.memory_space<semaphore_mem>>)
    %dma_start3A_578 = arith.constant 2 : i32
    %dma_start3A_579 = arith.constant 0 : i32
    %dma_start3A_580 = arith.constant 0 : i32
    %dma_start3A_581 = tpu.memref_slice %arg13[%dma_start3A_578, %dma_start3A_579, %dma_start3A_580] : memref<4x32x128xf32, #tpu.memory_space<vmem>> -> memref<1x32x128xf32, #tpu.memory_space<vmem>>
    %dma_start3A_582 = tpu.memref_squeeze %dma_start3A_581 : memref<1x32x128xf32, #tpu.memory_space<vmem>> -> memref<32x128xf32, #tpu.memory_space<vmem>>
    %dma_start3A_583 = arith.constant 0 : i32
    %dma_start3A_584 = tpu.memref_slice %arg5[%dma_start3A_583, %multiple_of3A_564] : memref<32x1000000xf32, #tpu.memory_space<hbm>> -> memref<32x128xf32, #tpu.memory_space<hbm>>
    %dma_start3A_585 = arith.constant 0 : i32
    %dma_start3A_586 = arith.constant 0 : i32
    %dma_start3A_587 = tpu.memref_slice %arg13[%dma_start3A_578, %dma_start3A_585, %dma_start3A_586] : memref<4x32x128xf32, #tpu.memory_space<vmem>> -> memref<1x32x128xf32, #tpu.memory_space<vmem>>
    %dma_start3A_588 = tpu.memref_squeeze %dma_start3A_587 : memref<1x32x128xf32, #tpu.memory_space<vmem>> -> memref<32x128xf32, #tpu.memory_space<vmem>>
    %dma_start3A_589 = arith.constant 0 : i32
    %dma_start3A_590 = tpu.memref_slice %arg5[%dma_start3A_589, %multiple_of3A_564] : memref<32x1000000xf32, #tpu.memory_space<hbm>> -> memref<32x128xf32, #tpu.memory_space<hbm>>
    tpu.enqueue_dma source(%dma_start3A_590 : memref<32x128xf32, #tpu.memory_space<hbm>>) target(%dma_start3A_588 : memref<32x128xf32, #tpu.memory_space<vmem>>) target_semaphore(%arg17 : memref<!tpu.dma_semaphore, #tpu.memory_space<semaphore_mem>>)
    %slice3A_591 = vector.extract_strided_slice %get3A_336 {offsets = [7], sizes = [1], strides = [1]} : vector<16xi32> to vector<1xi32>
    %squeeze3A_592 = vector.extract %slice3A_591[0] : i32 from vector<1xi32>
    %slice3A_593 = vector.extract_strided_slice %get3A_338 {offsets = [7], sizes = [1], strides = [1]} : vector<16xi32> to vector<1xi32>
    %squeeze3A_594 = vector.extract %slice3A_593[0] : i32 from vector<1xi32>
    %jit3A_595 = arith.constant 128 : i32
    %div3A_596 = arith.divsi %squeeze3A_592, %jit3A_595 : i32
    %sign3A_597 = arith.constant 0 : i32
    %sign3A_598 = arith.cmpi sgt, %squeeze3A_592, %sign3A_597 : i32
    %sign3A_599 = arith.extui %sign3A_598 : i1 to i32
    %sign3A_600 = arith.constant 0 : i32
    %sign3A_601 = arith.cmpi slt, %squeeze3A_592, %sign3A_600 : i32
    %sign3A_602 = arith.extui %sign3A_601 : i1 to i32
    %sign3A_603 = arith.subi %sign3A_599, %sign3A_602 : i32
    %sign3A_604 = arith.constant 0 : i32
    %sign3A_605 = arith.cmpi sgt, %jit3A_595, %sign3A_604 : i32
    %sign3A_606 = arith.extui %sign3A_605 : i1 to i32
    %sign3A_607 = arith.constant 0 : i32
    %sign3A_608 = arith.cmpi slt, %jit3A_595, %sign3A_607 : i32
    %sign3A_609 = arith.extui %sign3A_608 : i1 to i32
    %sign3A_610 = arith.subi %sign3A_606, %sign3A_609 : i32
    %ne3A_611 = arith.cmpi ne, %sign3A_603, %sign3A_610 : i32
    %rem3A_612 = arith.remsi %squeeze3A_592, %jit3A_595 : i32
    %ne3A_613 = arith.constant 0 : i32
    %ne3A_614 = arith.cmpi ne, %rem3A_612, %ne3A_613 : i32
    %and3A_615 = arith.andi %ne3A_611, %ne3A_614 : i1
    %sub3A_616 = arith.constant 1 : i32
    %sub3A_617 = arith.subi %div3A_596, %sub3A_616 : i32
    %select_n3A_618 = arith.select %and3A_615, %sub3A_617, %div3A_596 : i32
    %mul3A_619 = arith.constant 128 : i32
    %mul3A_620 = arith.muli %select_n3A_618, %mul3A_619 : i32
    %multiple_of3A_621 = tpu.assume_multiple %mul3A_620, 128 : i32
    %jit3A_622 = arith.constant 128 : i32
    %div3A_623 = arith.divsi %squeeze3A_594, %jit3A_622 : i32
    %sign3A_624 = arith.constant 0 : i32
    %sign3A_625 = arith.cmpi sgt, %squeeze3A_594, %sign3A_624 : i32
    %sign3A_626 = arith.extui %sign3A_625 : i1 to i32
    %sign3A_627 = arith.constant 0 : i32
    %sign3A_628 = arith.cmpi slt, %squeeze3A_594, %sign3A_627 : i32
    %sign3A_629 = arith.extui %sign3A_628 : i1 to i32
    %sign3A_630 = arith.subi %sign3A_626, %sign3A_629 : i32
    %sign3A_631 = arith.constant 0 : i32
    %sign3A_632 = arith.cmpi sgt, %jit3A_622, %sign3A_631 : i32
    %sign3A_633 = arith.extui %sign3A_632 : i1 to i32
    %sign3A_634 = arith.constant 0 : i32
    %sign3A_635 = arith.cmpi slt, %jit3A_622, %sign3A_634 : i32
    %sign3A_636 = arith.extui %sign3A_635 : i1 to i32
    %sign3A_637 = arith.subi %sign3A_633, %sign3A_636 : i32
    %ne3A_638 = arith.cmpi ne, %sign3A_630, %sign3A_637 : i32
    %rem3A_639 = arith.remsi %squeeze3A_594, %jit3A_622 : i32
    %ne3A_640 = arith.constant 0 : i32
    %ne3A_641 = arith.cmpi ne, %rem3A_639, %ne3A_640 : i32
    %and3A_642 = arith.andi %ne3A_638, %ne3A_641 : i1
    %sub3A_643 = arith.constant 1 : i32
    %sub3A_644 = arith.subi %div3A_623, %sub3A_643 : i32
    %select_n3A_645 = arith.select %and3A_642, %sub3A_644, %div3A_623 : i32
    %mul3A_646 = arith.constant 128 : i32
    %mul3A_647 = arith.muli %select_n3A_645, %mul3A_646 : i32
    %multiple_of3A_648 = tpu.assume_multiple %mul3A_647, 128 : i32
    %dma_start3A_649 = arith.constant 3 : i32
    %dma_start3A_650 = arith.constant 0 : i32
    %dma_start3A_651 = arith.constant 0 : i32
    %dma_start3A_652 = tpu.memref_slice %arg12[%dma_start3A_649, %dma_start3A_650, %dma_start3A_651] : memref<4x32x128xf32, #tpu.memory_space<vmem>> -> memref<1x32x128xf32, #tpu.memory_space<vmem>>
    %dma_start3A_653 = tpu.memref_squeeze %dma_start3A_652 : memref<1x32x128xf32, #tpu.memory_space<vmem>> -> memref<32x128xf32, #tpu.memory_space<vmem>>
    %dma_start3A_654 = arith.constant 0 : i32
    %dma_start3A_655 = tpu.memref_slice %arg4[%dma_start3A_654, %multiple_of3A_621] : memref<32x1000000xf32, #tpu.memory_space<hbm>> -> memref<32x128xf32, #tpu.memory_space<hbm>>
    %dma_start3A_656 = arith.constant 0 : i32
    %dma_start3A_657 = arith.constant 0 : i32
    %dma_start3A_658 = tpu.memref_slice %arg12[%dma_start3A_649, %dma_start3A_656, %dma_start3A_657] : memref<4x32x128xf32, #tpu.memory_space<vmem>> -> memref<1x32x128xf32, #tpu.memory_space<vmem>>
    %dma_start3A_659 = tpu.memref_squeeze %dma_start3A_658 : memref<1x32x128xf32, #tpu.memory_space<vmem>> -> memref<32x128xf32, #tpu.memory_space<vmem>>
    %dma_start3A_660 = arith.constant 0 : i32
    %dma_start3A_661 = tpu.memref_slice %arg4[%dma_start3A_660, %multiple_of3A_621] : memref<32x1000000xf32, #tpu.memory_space<hbm>> -> memref<32x128xf32, #tpu.memory_space<hbm>>
    tpu.enqueue_dma source(%dma_start3A_661 : memref<32x128xf32, #tpu.memory_space<hbm>>) target(%dma_start3A_659 : memref<32x128xf32, #tpu.memory_space<vmem>>) target_semaphore(%arg17 : memref<!tpu.dma_semaphore, #tpu.memory_space<semaphore_mem>>)
    %dma_start3A_662 = arith.constant 3 : i32
    %dma_start3A_663 = arith.constant 0 : i32
    %dma_start3A_664 = arith.constant 0 : i32
    %dma_start3A_665 = tpu.memref_slice %arg13[%dma_start3A_662, %dma_start3A_663, %dma_start3A_664] : memref<4x32x128xf32, #tpu.memory_space<vmem>> -> memref<1x32x128xf32, #tpu.memory_space<vmem>>
    %dma_start3A_666 = tpu.memref_squeeze %dma_start3A_665 : memref<1x32x128xf32, #tpu.memory_space<vmem>> -> memref<32x128xf32, #tpu.memory_space<vmem>>
    %dma_start3A_667 = arith.constant 0 : i32
    %dma_start3A_668 = tpu.memref_slice %arg5[%dma_start3A_667, %multiple_of3A_648] : memref<32x1000000xf32, #tpu.memory_space<hbm>> -> memref<32x128xf32, #tpu.memory_space<hbm>>
    %dma_start3A_669 = arith.constant 0 : i32
    %dma_start3A_670 = arith.constant 0 : i32
    %dma_start3A_671 = tpu.memref_slice %arg13[%dma_start3A_662, %dma_start3A_669, %dma_start3A_670] : memref<4x32x128xf32, #tpu.memory_space<vmem>> -> memref<1x32x128xf32, #tpu.memory_space<vmem>>
    %dma_start3A_672 = tpu.memref_squeeze %dma_start3A_671 : memref<1x32x128xf32, #tpu.memory_space<vmem>> -> memref<32x128xf32, #tpu.memory_space<vmem>>
    %dma_start3A_673 = arith.constant 0 : i32
    %dma_start3A_674 = tpu.memref_slice %arg5[%dma_start3A_673, %multiple_of3A_648] : memref<32x1000000xf32, #tpu.memory_space<hbm>> -> memref<32x128xf32, #tpu.memory_space<hbm>>
    tpu.enqueue_dma source(%dma_start3A_674 : memref<32x128xf32, #tpu.memory_space<hbm>>) target(%dma_start3A_672 : memref<32x128xf32, #tpu.memory_space<vmem>>) target_semaphore(%arg17 : memref<!tpu.dma_semaphore, #tpu.memory_space<semaphore_mem>>)
    %dma_wait3A = arith.constant 0 : i32
    %dma_wait3A_675 = arith.constant 0 : i32
    %dma_wait3A_676 = arith.constant 0 : i32
    %dma_wait3A_677 = tpu.memref_slice %arg10[%dma_wait3A, %dma_wait3A_675, %dma_wait3A_676] : memref<4x32x128xf32, #tpu.memory_space<vmem>> -> memref<1x32x128xf32, #tpu.memory_space<vmem>>
    %dma_wait3A_678 = tpu.memref_squeeze %dma_wait3A_677 : memref<1x32x128xf32, #tpu.memory_space<vmem>> -> memref<32x128xf32, #tpu.memory_space<vmem>>
    %dma_wait3A_679 = arith.constant 0 : i32
    %dma_wait3A_680 = arith.constant 0 : i32
    %dma_wait3A_681 = tpu.memref_slice %arg4[%dma_wait3A_679, %dma_wait3A_680] : memref<32x1000000xf32, #tpu.memory_space<hbm>> -> memref<32x128xf32, #tpu.memory_space<hbm>>
    %dma_wait3A_682 = arith.constant 0 : i32
    %dma_wait3A_683 = arith.constant 0 : i32
    %dma_wait3A_684 = tpu.memref_slice %arg10[%dma_wait3A, %dma_wait3A_682, %dma_wait3A_683] : memref<4x32x128xf32, #tpu.memory_space<vmem>> -> memref<1x32x128xf32, #tpu.memory_space<vmem>>
    %dma_wait3A_685 = tpu.memref_squeeze %dma_wait3A_684 : memref<1x32x128xf32, #tpu.memory_space<vmem>> -> memref<32x128xf32, #tpu.memory_space<vmem>>
    %dma_wait3A_686 = arith.constant 0 : i32
    %dma_wait3A_687 = arith.constant 0 : i32
    %dma_wait3A_688 = tpu.memref_slice %arg4[%dma_wait3A_686, %dma_wait3A_687] : memref<32x1000000xf32, #tpu.memory_space<hbm>> -> memref<32x128xf32, #tpu.memory_space<hbm>>
    tpu.wait_dma2 semaphore(%arg16 : memref<!tpu.dma_semaphore, #tpu.memory_space<semaphore_mem>>) src(%dma_wait3A_688 : memref<32x128xf32, #tpu.memory_space<hbm>>) dst(%dma_wait3A_685 : memref<32x128xf32, #tpu.memory_space<vmem>>)
    %dma_wait3A_689 = arith.constant 0 : i32
    %dma_wait3A_690 = arith.constant 0 : i32
    %dma_wait3A_691 = arith.constant 0 : i32
    %dma_wait3A_692 = tpu.memref_slice %arg11[%dma_wait3A_689, %dma_wait3A_690, %dma_wait3A_691] : memref<4x32x128xf32, #tpu.memory_space<vmem>> -> memref<1x32x128xf32, #tpu.memory_space<vmem>>
    %dma_wait3A_693 = tpu.memref_squeeze %dma_wait3A_692 : memref<1x32x128xf32, #tpu.memory_space<vmem>> -> memref<32x128xf32, #tpu.memory_space<vmem>>
    %dma_wait3A_694 = arith.constant 0 : i32
    %dma_wait3A_695 = arith.constant 0 : i32
    %dma_wait3A_696 = tpu.memref_slice %arg5[%dma_wait3A_694, %dma_wait3A_695] : memref<32x1000000xf32, #tpu.memory_space<hbm>> -> memref<32x128xf32, #tpu.memory_space<hbm>>
    %dma_wait3A_697 = arith.constant 0 : i32
    %dma_wait3A_698 = arith.constant 0 : i32
    %dma_wait3A_699 = tpu.memref_slice %arg11[%dma_wait3A_689, %dma_wait3A_697, %dma_wait3A_698] : memref<4x32x128xf32, #tpu.memory_space<vmem>> -> memref<1x32x128xf32, #tpu.memory_space<vmem>>
    %dma_wait3A_700 = tpu.memref_squeeze %dma_wait3A_699 : memref<1x32x128xf32, #tpu.memory_space<vmem>> -> memref<32x128xf32, #tpu.memory_space<vmem>>
    %dma_wait3A_701 = arith.constant 0 : i32
    %dma_wait3A_702 = arith.constant 0 : i32
    %dma_wait3A_703 = tpu.memref_slice %arg5[%dma_wait3A_701, %dma_wait3A_702] : memref<32x1000000xf32, #tpu.memory_space<hbm>> -> memref<32x128xf32, #tpu.memory_space<hbm>>
    tpu.wait_dma2 semaphore(%arg16 : memref<!tpu.dma_semaphore, #tpu.memory_space<semaphore_mem>>) src(%dma_wait3A_703 : memref<32x128xf32, #tpu.memory_space<hbm>>) dst(%dma_wait3A_700 : memref<32x128xf32, #tpu.memory_space<vmem>>)
    %dma_wait3A_704 = arith.constant 1 : i32
    %dma_wait3A_705 = arith.constant 0 : i32
    %dma_wait3A_706 = arith.constant 0 : i32
    %dma_wait3A_707 = tpu.memref_slice %arg10[%dma_wait3A_704, %dma_wait3A_705, %dma_wait3A_706] : memref<4x32x128xf32, #tpu.memory_space<vmem>> -> memref<1x32x128xf32, #tpu.memory_space<vmem>>
    %dma_wait3A_708 = tpu.memref_squeeze %dma_wait3A_707 : memref<1x32x128xf32, #tpu.memory_space<vmem>> -> memref<32x128xf32, #tpu.memory_space<vmem>>
    %dma_wait3A_709 = arith.constant 0 : i32
    %dma_wait3A_710 = arith.constant 0 : i32
    %dma_wait3A_711 = tpu.memref_slice %arg4[%dma_wait3A_709, %dma_wait3A_710] : memref<32x1000000xf32, #tpu.memory_space<hbm>> -> memref<32x128xf32, #tpu.memory_space<hbm>>
    %dma_wait3A_712 = arith.constant 0 : i32
    %dma_wait3A_713 = arith.constant 0 : i32
    %dma_wait3A_714 = tpu.memref_slice %arg10[%dma_wait3A_704, %dma_wait3A_712, %dma_wait3A_713] : memref<4x32x128xf32, #tpu.memory_space<vmem>> -> memref<1x32x128xf32, #tpu.memory_space<vmem>>
    %dma_wait3A_715 = tpu.memref_squeeze %dma_wait3A_714 : memref<1x32x128xf32, #tpu.memory_space<vmem>> -> memref<32x128xf32, #tpu.memory_space<vmem>>
    %dma_wait3A_716 = arith.constant 0 : i32
    %dma_wait3A_717 = arith.constant 0 : i32
    %dma_wait3A_718 = tpu.memref_slice %arg4[%dma_wait3A_716, %dma_wait3A_717] : memref<32x1000000xf32, #tpu.memory_space<hbm>> -> memref<32x128xf32, #tpu.memory_space<hbm>>
    tpu.wait_dma2 semaphore(%arg16 : memref<!tpu.dma_semaphore, #tpu.memory_space<semaphore_mem>>) src(%dma_wait3A_718 : memref<32x128xf32, #tpu.memory_space<hbm>>) dst(%dma_wait3A_715 : memref<32x128xf32, #tpu.memory_space<vmem>>)
    %dma_wait3A_719 = arith.constant 1 : i32
    %dma_wait3A_720 = arith.constant 0 : i32
    %dma_wait3A_721 = arith.constant 0 : i32
    %dma_wait3A_722 = tpu.memref_slice %arg11[%dma_wait3A_719, %dma_wait3A_720, %dma_wait3A_721] : memref<4x32x128xf32, #tpu.memory_space<vmem>> -> memref<1x32x128xf32, #tpu.memory_space<vmem>>
    %dma_wait3A_723 = tpu.memref_squeeze %dma_wait3A_722 : memref<1x32x128xf32, #tpu.memory_space<vmem>> -> memref<32x128xf32, #tpu.memory_space<vmem>>
    %dma_wait3A_724 = arith.constant 0 : i32
    %dma_wait3A_725 = arith.constant 0 : i32
    %dma_wait3A_726 = tpu.memref_slice %arg5[%dma_wait3A_724, %dma_wait3A_725] : memref<32x1000000xf32, #tpu.memory_space<hbm>> -> memref<32x128xf32, #tpu.memory_space<hbm>>
    %dma_wait3A_727 = arith.constant 0 : i32
    %dma_wait3A_728 = arith.constant 0 : i32
    %dma_wait3A_729 = tpu.memref_slice %arg11[%dma_wait3A_719, %dma_wait3A_727, %dma_wait3A_728] : memref<4x32x128xf32, #tpu.memory_space<vmem>> -> memref<1x32x128xf32, #tpu.memory_space<vmem>>
    %dma_wait3A_730 = tpu.memref_squeeze %dma_wait3A_729 : memref<1x32x128xf32, #tpu.memory_space<vmem>> -> memref<32x128xf32, #tpu.memory_space<vmem>>
    %dma_wait3A_731 = arith.constant 0 : i32
    %dma_wait3A_732 = arith.constant 0 : i32
    %dma_wait3A_733 = tpu.memref_slice %arg5[%dma_wait3A_731, %dma_wait3A_732] : memref<32x1000000xf32, #tpu.memory_space<hbm>> -> memref<32x128xf32, #tpu.memory_space<hbm>>
    tpu.wait_dma2 semaphore(%arg16 : memref<!tpu.dma_semaphore, #tpu.memory_space<semaphore_mem>>) src(%dma_wait3A_733 : memref<32x128xf32, #tpu.memory_space<hbm>>) dst(%dma_wait3A_730 : memref<32x128xf32, #tpu.memory_space<vmem>>)
    %dma_wait3A_734 = arith.constant 2 : i32
    %dma_wait3A_735 = arith.constant 0 : i32
    %dma_wait3A_736 = arith.constant 0 : i32
    %dma_wait3A_737 = tpu.memref_slice %arg10[%dma_wait3A_734, %dma_wait3A_735, %dma_wait3A_736] : memref<4x32x128xf32, #tpu.memory_space<vmem>> -> memref<1x32x128xf32, #tpu.memory_space<vmem>>
    %dma_wait3A_738 = tpu.memref_squeeze %dma_wait3A_737 : memref<1x32x128xf32, #tpu.memory_space<vmem>> -> memref<32x128xf32, #tpu.memory_space<vmem>>
    %dma_wait3A_739 = arith.constant 0 : i32
    %dma_wait3A_740 = arith.constant 0 : i32
    %dma_wait3A_741 = tpu.memref_slice %arg4[%dma_wait3A_739, %dma_wait3A_740] : memref<32x1000000xf32, #tpu.memory_space<hbm>> -> memref<32x128xf32, #tpu.memory_space<hbm>>
    %dma_wait3A_742 = arith.constant 0 : i32
    %dma_wait3A_743 = arith.constant 0 : i32
    %dma_wait3A_744 = tpu.memref_slice %arg10[%dma_wait3A_734, %dma_wait3A_742, %dma_wait3A_743] : memref<4x32x128xf32, #tpu.memory_space<vmem>> -> memref<1x32x128xf32, #tpu.memory_space<vmem>>
    %dma_wait3A_745 = tpu.memref_squeeze %dma_wait3A_744 : memref<1x32x128xf32, #tpu.memory_space<vmem>> -> memref<32x128xf32, #tpu.memory_space<vmem>>
    %dma_wait3A_746 = arith.constant 0 : i32
    %dma_wait3A_747 = arith.constant 0 : i32
    %dma_wait3A_748 = tpu.memref_slice %arg4[%dma_wait3A_746, %dma_wait3A_747] : memref<32x1000000xf32, #tpu.memory_space<hbm>> -> memref<32x128xf32, #tpu.memory_space<hbm>>
    tpu.wait_dma2 semaphore(%arg16 : memref<!tpu.dma_semaphore, #tpu.memory_space<semaphore_mem>>) src(%dma_wait3A_748 : memref<32x128xf32, #tpu.memory_space<hbm>>) dst(%dma_wait3A_745 : memref<32x128xf32, #tpu.memory_space<vmem>>)
    %dma_wait3A_749 = arith.constant 2 : i32
    %dma_wait3A_750 = arith.constant 0 : i32
    %dma_wait3A_751 = arith.constant 0 : i32
    %dma_wait3A_752 = tpu.memref_slice %arg11[%dma_wait3A_749, %dma_wait3A_750, %dma_wait3A_751] : memref<4x32x128xf32, #tpu.memory_space<vmem>> -> memref<1x32x128xf32, #tpu.memory_space<vmem>>
    %dma_wait3A_753 = tpu.memref_squeeze %dma_wait3A_752 : memref<1x32x128xf32, #tpu.memory_space<vmem>> -> memref<32x128xf32, #tpu.memory_space<vmem>>
    %dma_wait3A_754 = arith.constant 0 : i32
    %dma_wait3A_755 = arith.constant 0 : i32
    %dma_wait3A_756 = tpu.memref_slice %arg5[%dma_wait3A_754, %dma_wait3A_755] : memref<32x1000000xf32, #tpu.memory_space<hbm>> -> memref<32x128xf32, #tpu.memory_space<hbm>>
    %dma_wait3A_757 = arith.constant 0 : i32
    %dma_wait3A_758 = arith.constant 0 : i32
    %dma_wait3A_759 = tpu.memref_slice %arg11[%dma_wait3A_749, %dma_wait3A_757, %dma_wait3A_758] : memref<4x32x128xf32, #tpu.memory_space<vmem>> -> memref<1x32x128xf32, #tpu.memory_space<vmem>>
    %dma_wait3A_760 = tpu.memref_squeeze %dma_wait3A_759 : memref<1x32x128xf32, #tpu.memory_space<vmem>> -> memref<32x128xf32, #tpu.memory_space<vmem>>
    %dma_wait3A_761 = arith.constant 0 : i32
    %dma_wait3A_762 = arith.constant 0 : i32
    %dma_wait3A_763 = tpu.memref_slice %arg5[%dma_wait3A_761, %dma_wait3A_762] : memref<32x1000000xf32, #tpu.memory_space<hbm>> -> memref<32x128xf32, #tpu.memory_space<hbm>>
    tpu.wait_dma2 semaphore(%arg16 : memref<!tpu.dma_semaphore, #tpu.memory_space<semaphore_mem>>) src(%dma_wait3A_763 : memref<32x128xf32, #tpu.memory_space<hbm>>) dst(%dma_wait3A_760 : memref<32x128xf32, #tpu.memory_space<vmem>>)
    %dma_wait3A_764 = arith.constant 3 : i32
    %dma_wait3A_765 = arith.constant 0 : i32
    %dma_wait3A_766 = arith.constant 0 : i32
    %dma_wait3A_767 = tpu.memref_slice %arg10[%dma_wait3A_764, %dma_wait3A_765, %dma_wait3A_766] : memref<4x32x128xf32, #tpu.memory_space<vmem>> -> memref<1x32x128xf32, #tpu.memory_space<vmem>>
    %dma_wait3A_768 = tpu.memref_squeeze %dma_wait3A_767 : memref<1x32x128xf32, #tpu.memory_space<vmem>> -> memref<32x128xf32, #tpu.memory_space<vmem>>
    %dma_wait3A_769 = arith.constant 0 : i32
    %dma_wait3A_770 = arith.constant 0 : i32
    %dma_wait3A_771 = tpu.memref_slice %arg4[%dma_wait3A_769, %dma_wait3A_770] : memref<32x1000000xf32, #tpu.memory_space<hbm>> -> memref<32x128xf32, #tpu.memory_space<hbm>>
    %dma_wait3A_772 = arith.constant 0 : i32
    %dma_wait3A_773 = arith.constant 0 : i32
    %dma_wait3A_774 = tpu.memref_slice %arg10[%dma_wait3A_764, %dma_wait3A_772, %dma_wait3A_773] : memref<4x32x128xf32, #tpu.memory_space<vmem>> -> memref<1x32x128xf32, #tpu.memory_space<vmem>>
    %dma_wait3A_775 = tpu.memref_squeeze %dma_wait3A_774 : memref<1x32x128xf32, #tpu.memory_space<vmem>> -> memref<32x128xf32, #tpu.memory_space<vmem>>
    %dma_wait3A_776 = arith.constant 0 : i32
    %dma_wait3A_777 = arith.constant 0 : i32
    %dma_wait3A_778 = tpu.memref_slice %arg4[%dma_wait3A_776, %dma_wait3A_777] : memref<32x1000000xf32, #tpu.memory_space<hbm>> -> memref<32x128xf32, #tpu.memory_space<hbm>>
    tpu.wait_dma2 semaphore(%arg16 : memref<!tpu.dma_semaphore, #tpu.memory_space<semaphore_mem>>) src(%dma_wait3A_778 : memref<32x128xf32, #tpu.memory_space<hbm>>) dst(%dma_wait3A_775 : memref<32x128xf32, #tpu.memory_space<vmem>>)
    %dma_wait3A_779 = arith.constant 3 : i32
    %dma_wait3A_780 = arith.constant 0 : i32
    %dma_wait3A_781 = arith.constant 0 : i32
    %dma_wait3A_782 = tpu.memref_slice %arg11[%dma_wait3A_779, %dma_wait3A_780, %dma_wait3A_781] : memref<4x32x128xf32, #tpu.memory_space<vmem>> -> memref<1x32x128xf32, #tpu.memory_space<vmem>>
    %dma_wait3A_783 = tpu.memref_squeeze %dma_wait3A_782 : memref<1x32x128xf32, #tpu.memory_space<vmem>> -> memref<32x128xf32, #tpu.memory_space<vmem>>
    %dma_wait3A_784 = arith.constant 0 : i32
    %dma_wait3A_785 = arith.constant 0 : i32
    %dma_wait3A_786 = tpu.memref_slice %arg5[%dma_wait3A_784, %dma_wait3A_785] : memref<32x1000000xf32, #tpu.memory_space<hbm>> -> memref<32x128xf32, #tpu.memory_space<hbm>>
    %dma_wait3A_787 = arith.constant 0 : i32
    %dma_wait3A_788 = arith.constant 0 : i32
    %dma_wait3A_789 = tpu.memref_slice %arg11[%dma_wait3A_779, %dma_wait3A_787, %dma_wait3A_788] : memref<4x32x128xf32, #tpu.memory_space<vmem>> -> memref<1x32x128xf32, #tpu.memory_space<vmem>>
    %dma_wait3A_790 = tpu.memref_squeeze %dma_wait3A_789 : memref<1x32x128xf32, #tpu.memory_space<vmem>> -> memref<32x128xf32, #tpu.memory_space<vmem>>
    %dma_wait3A_791 = arith.constant 0 : i32
    %dma_wait3A_792 = arith.constant 0 : i32
    %dma_wait3A_793 = tpu.memref_slice %arg5[%dma_wait3A_791, %dma_wait3A_792] : memref<32x1000000xf32, #tpu.memory_space<hbm>> -> memref<32x128xf32, #tpu.memory_space<hbm>>
    tpu.wait_dma2 semaphore(%arg16 : memref<!tpu.dma_semaphore, #tpu.memory_space<semaphore_mem>>) src(%dma_wait3A_793 : memref<32x128xf32, #tpu.memory_space<hbm>>) dst(%dma_wait3A_790 : memref<32x128xf32, #tpu.memory_space<vmem>>)
    %jit3A_794 = arith.constant 128 : i32
    %div3A_795 = vector.broadcast %jit3A_794 : i32 to vector<16xi32>
    %div3A_796 = arith.divsi %get3A_336, %div3A_795 : vector<16xi32>
    %sign3A_797 = arith.constant 0 : i32
    %sign3A_798 = vector.broadcast %sign3A_797 : i32 to vector<16xi32>
    %sign3A_799 = arith.cmpi sgt, %get3A_336, %sign3A_798 : vector<16xi32>
    %sign3A_800 = arith.extui %sign3A_799 : vector<16xi1> to vector<16xi32>
    %sign3A_801 = arith.constant 0 : i32
    %sign3A_802 = vector.broadcast %sign3A_801 : i32 to vector<16xi32>
    %sign3A_803 = arith.cmpi slt, %get3A_336, %sign3A_802 : vector<16xi32>
    %sign3A_804 = arith.extui %sign3A_803 : vector<16xi1> to vector<16xi32>
    %sign3A_805 = arith.subi %sign3A_800, %sign3A_804 : vector<16xi32>
    %sign3A_806 = arith.constant 0 : i32
    %sign3A_807 = arith.cmpi sgt, %jit3A_794, %sign3A_806 : i32
    %sign3A_808 = arith.extui %sign3A_807 : i1 to i32
    %sign3A_809 = arith.constant 0 : i32
    %sign3A_810 = arith.cmpi slt, %jit3A_794, %sign3A_809 : i32
    %sign3A_811 = arith.extui %sign3A_810 : i1 to i32
    %sign3A_812 = arith.subi %sign3A_808, %sign3A_811 : i32
    %ne3A_813 = vector.broadcast %sign3A_812 : i32 to vector<16xi32>
    %ne3A_814 = arith.cmpi ne, %sign3A_805, %ne3A_813 : vector<16xi32>
    %rem3A_815 = vector.broadcast %jit3A_794 : i32 to vector<16xi32>
    %rem3A_816 = arith.remsi %get3A_336, %rem3A_815 : vector<16xi32>
    %ne3A_817 = arith.constant 0 : i32
    %ne3A_818 = vector.broadcast %ne3A_817 : i32 to vector<16xi32>
    %ne3A_819 = arith.cmpi ne, %rem3A_816, %ne3A_818 : vector<16xi32>
    %and3A_820 = arith.andi %ne3A_814, %ne3A_819 : vector<16xi1>
    %sub3A_821 = arith.constant 1 : i32
    %sub3A_822 = vector.broadcast %sub3A_821 : i32 to vector<16xi32>
    %sub3A_823 = arith.subi %div3A_796, %sub3A_822 : vector<16xi32>
    %select_n3A_824 = arith.select %and3A_820, %sub3A_823, %div3A_796 : vector<16xi1>, vector<16xi32>
    %mul3A_825 = arith.constant 128 : i32
    %mul3A_826 = vector.broadcast %mul3A_825 : i32 to vector<16xi32>
    %mul3A_827 = arith.muli %select_n3A_824, %mul3A_826 : vector<16xi32>
    %sub3A_828 = arith.subi %get3A_336, %mul3A_827 : vector<16xi32>
    %jit3A_829 = arith.constant 128 : i32
    %div3A_830 = vector.broadcast %jit3A_829 : i32 to vector<16xi32>
    %div3A_831 = arith.divsi %get3A_338, %div3A_830 : vector<16xi32>
    %sign3A_832 = arith.constant 0 : i32
    %sign3A_833 = vector.broadcast %sign3A_832 : i32 to vector<16xi32>
    %sign3A_834 = arith.cmpi sgt, %get3A_338, %sign3A_833 : vector<16xi32>
    %sign3A_835 = arith.extui %sign3A_834 : vector<16xi1> to vector<16xi32>
    %sign3A_836 = arith.constant 0 : i32
    %sign3A_837 = vector.broadcast %sign3A_836 : i32 to vector<16xi32>
    %sign3A_838 = arith.cmpi slt, %get3A_338, %sign3A_837 : vector<16xi32>
    %sign3A_839 = arith.extui %sign3A_838 : vector<16xi1> to vector<16xi32>
    %sign3A_840 = arith.subi %sign3A_835, %sign3A_839 : vector<16xi32>
    %sign3A_841 = arith.constant 0 : i32
    %sign3A_842 = arith.cmpi sgt, %jit3A_829, %sign3A_841 : i32
    %sign3A_843 = arith.extui %sign3A_842 : i1 to i32
    %sign3A_844 = arith.constant 0 : i32
    %sign3A_845 = arith.cmpi slt, %jit3A_829, %sign3A_844 : i32
    %sign3A_846 = arith.extui %sign3A_845 : i1 to i32
    %sign3A_847 = arith.subi %sign3A_843, %sign3A_846 : i32
    %ne3A_848 = vector.broadcast %sign3A_847 : i32 to vector<16xi32>
    %ne3A_849 = arith.cmpi ne, %sign3A_840, %ne3A_848 : vector<16xi32>
    %rem3A_850 = vector.broadcast %jit3A_829 : i32 to vector<16xi32>
    %rem3A_851 = arith.remsi %get3A_338, %rem3A_850 : vector<16xi32>
    %ne3A_852 = arith.constant 0 : i32
    %ne3A_853 = vector.broadcast %ne3A_852 : i32 to vector<16xi32>
    %ne3A_854 = arith.cmpi ne, %rem3A_851, %ne3A_853 : vector<16xi32>
    %and3A_855 = arith.andi %ne3A_849, %ne3A_854 : vector<16xi1>
    %sub3A_856 = arith.constant 1 : i32
    %sub3A_857 = vector.broadcast %sub3A_856 : i32 to vector<16xi32>
    %sub3A_858 = arith.subi %div3A_831, %sub3A_857 : vector<16xi32>
    %select_n3A_859 = arith.select %and3A_855, %sub3A_858, %div3A_831 : vector<16xi1>, vector<16xi32>
    %mul3A_860 = arith.constant 128 : i32
    %mul3A_861 = vector.broadcast %mul3A_860 : i32 to vector<16xi32>
    %mul3A_862 = arith.muli %select_n3A_859, %mul3A_861 : vector<16xi32>
    %sub3A_863 = arith.subi %get3A_338, %mul3A_862 : vector<16xi32>
    %slice3A_864 = vector.extract_strided_slice %sub3A_828 {offsets = [0], sizes = [1], strides = [1]} : vector<16xi32> to vector<1xi32>
    %squeeze3A_865 = vector.extract %slice3A_864[0] : i32 from vector<1xi32>
    %broadcast_in_dim3A = vector.broadcast %squeeze3A_865 : i32 to vector<16xi32>
    %slice3A_866 = vector.extract_strided_slice %sub3A_863 {offsets = [0], sizes = [1], strides = [1]} : vector<16xi32> to vector<1xi32>
    %squeeze3A_867 = vector.extract %slice3A_866[0] : i32 from vector<1xi32>
    %broadcast_in_dim3A_868 = vector.broadcast %squeeze3A_867 : i32 to vector<16xi32>
    %gather3A = arith.constant 0 : i32
    %gather3A_869 = arith.constant 0 : i32
    %gather3A_870 = arith.constant 0 : i32
    %gather3A_871 = tpu.memref_slice %arg10[%gather3A, %gather3A_869, %gather3A_870] : memref<4x32x128xf32, #tpu.memory_space<vmem>> -> memref<1x32x128xf32, #tpu.memory_space<vmem>>
    %gather3A_872 = tpu.memref_squeeze %gather3A_871 : memref<1x32x128xf32, #tpu.memory_space<vmem>> -> memref<32x128xf32, #tpu.memory_space<vmem>>
    %gather3A_873 = tpu.vector_load_idx %gather3A_872[%iota3A, %broadcast_in_dim3A] : memref<32x128xf32, #tpu.memory_space<vmem>>[vector<16xi32>, vector<16xi32>], vector<16xf32>,
    %swap3A = arith.constant 0 : i32
    %swap3A_874 = arith.index_cast %swap3A : i32 to index
    %swap3A_875 = arith.constant 0 : index
    %swap3A_876 = tpu.vector_load %arg14[%swap3A_874, %swap3A_875] {strides = array<i32>} : memref<8x32xf32, #tpu.memory_space<vmem>>, vector<16xf32>,
    tpu.vector_store %arg14[%swap3A_874, %swap3A_875], %gather3A_873 {strides = array<i32>} : memref<8x32xf32, #tpu.memory_space<vmem>>, vector<16xf32>,
    %add3A_877 = arith.constant 16 : i32
    %add3A_878 = vector.broadcast %add3A_877 : i32 to vector<16xi32>
    %add3A_879 = arith.addi %iota3A, %add3A_878 : vector<16xi32>
    %gather3A_880 = arith.constant 0 : i32
    %gather3A_881 = arith.constant 0 : i32
    %gather3A_882 = arith.constant 0 : i32
    %gather3A_883 = tpu.memref_slice %arg10[%gather3A_880, %gather3A_881, %gather3A_882] : memref<4x32x128xf32, #tpu.memory_space<vmem>> -> memref<1x32x128xf32, #tpu.memory_space<vmem>>
    %gather3A_884 = tpu.memref_squeeze %gather3A_883 : memref<1x32x128xf32, #tpu.memory_space<vmem>> -> memref<32x128xf32, #tpu.memory_space<vmem>>
    %gather3A_885 = tpu.vector_load_idx %gather3A_884[%add3A_879, %broadcast_in_dim3A] : memref<32x128xf32, #tpu.memory_space<vmem>>[vector<16xi32>, vector<16xi32>], vector<16xf32>,
    %swap3A_886 = arith.constant 0 : i32
    %swap3A_887 = arith.index_cast %swap3A_886 : i32 to index
    %swap3A_888 = arith.constant 16 : index
    %swap3A_889 = tpu.vector_load %arg14[%swap3A_887, %swap3A_888] {strides = array<i32>} : memref<8x32xf32, #tpu.memory_space<vmem>>, vector<16xf32>,
    tpu.vector_store %arg14[%swap3A_887, %swap3A_888], %gather3A_885 {strides = array<i32>} : memref<8x32xf32, #tpu.memory_space<vmem>>, vector<16xf32>,
    %gather3A_890 = arith.constant 0 : i32
    %gather3A_891 = arith.constant 0 : i32
    %gather3A_892 = arith.constant 0 : i32
    %gather3A_893 = tpu.memref_slice %arg11[%gather3A_890, %gather3A_891, %gather3A_892] : memref<4x32x128xf32, #tpu.memory_space<vmem>> -> memref<1x32x128xf32, #tpu.memory_space<vmem>>
    %gather3A_894 = tpu.memref_squeeze %gather3A_893 : memref<1x32x128xf32, #tpu.memory_space<vmem>> -> memref<32x128xf32, #tpu.memory_space<vmem>>
    %gather3A_895 = tpu.vector_load_idx %gather3A_894[%iota3A, %broadcast_in_dim3A_868] : memref<32x128xf32, #tpu.memory_space<vmem>>[vector<16xi32>, vector<16xi32>], vector<16xf32>,
    %swap3A_896 = arith.constant 0 : i32
    %swap3A_897 = arith.index_cast %swap3A_896 : i32 to index
    %swap3A_898 = arith.constant 0 : index
    %swap3A_899 = tpu.vector_load %arg15[%swap3A_897, %swap3A_898] {strides = array<i32>} : memref<8x32xf32, #tpu.memory_space<vmem>>, vector<16xf32>,
    tpu.vector_store %arg15[%swap3A_897, %swap3A_898], %gather3A_895 {strides = array<i32>} : memref<8x32xf32, #tpu.memory_space<vmem>>, vector<16xf32>,
    %add3A_900 = arith.constant 16 : i32
    %add3A_901 = vector.broadcast %add3A_900 : i32 to vector<16xi32>
    %add3A_902 = arith.addi %iota3A, %add3A_901 : vector<16xi32>
    %gather3A_903 = arith.constant 0 : i32
    %gather3A_904 = arith.constant 0 : i32
    %gather3A_905 = arith.constant 0 : i32
    %gather3A_906 = tpu.memref_slice %arg11[%gather3A_903, %gather3A_904, %gather3A_905] : memref<4x32x128xf32, #tpu.memory_space<vmem>> -> memref<1x32x128xf32, #tpu.memory_space<vmem>>
    %gather3A_907 = tpu.memref_squeeze %gather3A_906 : memref<1x32x128xf32, #tpu.memory_space<vmem>> -> memref<32x128xf32, #tpu.memory_space<vmem>>
    %gather3A_908 = tpu.vector_load_idx %gather3A_907[%add3A_902, %broadcast_in_dim3A_868] : memref<32x128xf32, #tpu.memory_space<vmem>>[vector<16xi32>, vector<16xi32>], vector<16xf32>,
    %swap3A_909 = arith.constant 0 : i32
    %swap3A_910 = arith.index_cast %swap3A_909 : i32 to index
    %swap3A_911 = arith.constant 16 : index
    %swap3A_912 = tpu.vector_load %arg15[%swap3A_910, %swap3A_911] {strides = array<i32>} : memref<8x32xf32, #tpu.memory_space<vmem>>, vector<16xf32>,
    tpu.vector_store %arg15[%swap3A_910, %swap3A_911], %gather3A_908 {strides = array<i32>} : memref<8x32xf32, #tpu.memory_space<vmem>>, vector<16xf32>,
    %slice3A_913 = vector.extract_strided_slice %sub3A_828 {offsets = [1], sizes = [1], strides = [1]} : vector<16xi32> to vector<1xi32>
    %squeeze3A_914 = vector.extract %slice3A_913[0] : i32 from vector<1xi32>
    %broadcast_in_dim3A_915 = vector.broadcast %squeeze3A_914 : i32 to vector<16xi32>
    %slice3A_916 = vector.extract_strided_slice %sub3A_863 {offsets = [1], sizes = [1], strides = [1]} : vector<16xi32> to vector<1xi32>
    %squeeze3A_917 = vector.extract %slice3A_916[0] : i32 from vector<1xi32>
    %broadcast_in_dim3A_918 = vector.broadcast %squeeze3A_917 : i32 to vector<16xi32>
    %gather3A_919 = arith.constant 1 : i32
    %gather3A_920 = arith.constant 0 : i32
    %gather3A_921 = arith.constant 0 : i32
    %gather3A_922 = tpu.memref_slice %arg10[%gather3A_919, %gather3A_920, %gather3A_921] : memref<4x32x128xf32, #tpu.memory_space<vmem>> -> memref<1x32x128xf32, #tpu.memory_space<vmem>>
    %gather3A_923 = tpu.memref_squeeze %gather3A_922 : memref<1x32x128xf32, #tpu.memory_space<vmem>> -> memref<32x128xf32, #tpu.memory_space<vmem>>
    %gather3A_924 = tpu.vector_load_idx %gather3A_923[%iota3A, %broadcast_in_dim3A_915] : memref<32x128xf32, #tpu.memory_space<vmem>>[vector<16xi32>, vector<16xi32>], vector<16xf32>,
    %swap3A_925 = arith.constant 1 : i32
    %swap3A_926 = arith.index_cast %swap3A_925 : i32 to index
    %swap3A_927 = arith.constant 0 : index
    %swap3A_928 = tpu.vector_load %arg14[%swap3A_926, %swap3A_927] {strides = array<i32>} : memref<8x32xf32, #tpu.memory_space<vmem>>, vector<16xf32>,
    tpu.vector_store %arg14[%swap3A_926, %swap3A_927], %gather3A_924 {strides = array<i32>} : memref<8x32xf32, #tpu.memory_space<vmem>>, vector<16xf32>,
    %add3A_929 = arith.constant 16 : i32
    %add3A_930 = vector.broadcast %add3A_929 : i32 to vector<16xi32>
    %add3A_931 = arith.addi %iota3A, %add3A_930 : vector<16xi32>
    %gather3A_932 = arith.constant 1 : i32
    %gather3A_933 = arith.constant 0 : i32
    %gather3A_934 = arith.constant 0 : i32
    %gather3A_935 = tpu.memref_slice %arg10[%gather3A_932, %gather3A_933, %gather3A_934] : memref<4x32x128xf32, #tpu.memory_space<vmem>> -> memref<1x32x128xf32, #tpu.memory_space<vmem>>
    %gather3A_936 = tpu.memref_squeeze %gather3A_935 : memref<1x32x128xf32, #tpu.memory_space<vmem>> -> memref<32x128xf32, #tpu.memory_space<vmem>>
    %gather3A_937 = tpu.vector_load_idx %gather3A_936[%add3A_931, %broadcast_in_dim3A_915] : memref<32x128xf32, #tpu.memory_space<vmem>>[vector<16xi32>, vector<16xi32>], vector<16xf32>,
    %swap3A_938 = arith.constant 1 : i32
    %swap3A_939 = arith.index_cast %swap3A_938 : i32 to index
    %swap3A_940 = arith.constant 16 : index
    %swap3A_941 = tpu.vector_load %arg14[%swap3A_939, %swap3A_940] {strides = array<i32>} : memref<8x32xf32, #tpu.memory_space<vmem>>, vector<16xf32>,
    tpu.vector_store %arg14[%swap3A_939, %swap3A_940], %gather3A_937 {strides = array<i32>} : memref<8x32xf32, #tpu.memory_space<vmem>>, vector<16xf32>,
    %gather3A_942 = arith.constant 1 : i32
    %gather3A_943 = arith.constant 0 : i32
    %gather3A_944 = arith.constant 0 : i32
    %gather3A_945 = tpu.memref_slice %arg11[%gather3A_942, %gather3A_943, %gather3A_944] : memref<4x32x128xf32, #tpu.memory_space<vmem>> -> memref<1x32x128xf32, #tpu.memory_space<vmem>>
    %gather3A_946 = tpu.memref_squeeze %gather3A_945 : memref<1x32x128xf32, #tpu.memory_space<vmem>> -> memref<32x128xf32, #tpu.memory_space<vmem>>
    %gather3A_947 = tpu.vector_load_idx %gather3A_946[%iota3A, %broadcast_in_dim3A_918] : memref<32x128xf32, #tpu.memory_space<vmem>>[vector<16xi32>, vector<16xi32>], vector<16xf32>,
    %swap3A_948 = arith.constant 1 : i32
    %swap3A_949 = arith.index_cast %swap3A_948 : i32 to index
    %swap3A_950 = arith.constant 0 : index
    %swap3A_951 = tpu.vector_load %arg15[%swap3A_949, %swap3A_950] {strides = array<i32>} : memref<8x32xf32, #tpu.memory_space<vmem>>, vector<16xf32>,
    tpu.vector_store %arg15[%swap3A_949, %swap3A_950], %gather3A_947 {strides = array<i32>} : memref<8x32xf32, #tpu.memory_space<vmem>>, vector<16xf32>,
    %add3A_952 = arith.constant 16 : i32
    %add3A_953 = vector.broadcast %add3A_952 : i32 to vector<16xi32>
    %add3A_954 = arith.addi %iota3A, %add3A_953 : vector<16xi32>
    %gather3A_955 = arith.constant 1 : i32
    %gather3A_956 = arith.constant 0 : i32
    %gather3A_957 = arith.constant 0 : i32
    %gather3A_958 = tpu.memref_slice %arg11[%gather3A_955, %gather3A_956, %gather3A_957] : memref<4x32x128xf32, #tpu.memory_space<vmem>> -> memref<1x32x128xf32, #tpu.memory_space<vmem>>
    %gather3A_959 = tpu.memref_squeeze %gather3A_958 : memref<1x32x128xf32, #tpu.memory_space<vmem>> -> memref<32x128xf32, #tpu.memory_space<vmem>>
    %gather3A_960 = tpu.vector_load_idx %gather3A_959[%add3A_954, %broadcast_in_dim3A_918] : memref<32x128xf32, #tpu.memory_space<vmem>>[vector<16xi32>, vector<16xi32>], vector<16xf32>,
    %swap3A_961 = arith.constant 1 : i32
    %swap3A_962 = arith.index_cast %swap3A_961 : i32 to index
    %swap3A_963 = arith.constant 16 : index
    %swap3A_964 = tpu.vector_load %arg15[%swap3A_962, %swap3A_963] {strides = array<i32>} : memref<8x32xf32, #tpu.memory_space<vmem>>, vector<16xf32>,
    tpu.vector_store %arg15[%swap3A_962, %swap3A_963], %gather3A_960 {strides = array<i32>} : memref<8x32xf32, #tpu.memory_space<vmem>>, vector<16xf32>,
    %slice3A_965 = vector.extract_strided_slice %sub3A_828 {offsets = [2], sizes = [1], strides = [1]} : vector<16xi32> to vector<1xi32>
    %squeeze3A_966 = vector.extract %slice3A_965[0] : i32 from vector<1xi32>
    %broadcast_in_dim3A_967 = vector.broadcast %squeeze3A_966 : i32 to vector<16xi32>
    %slice3A_968 = vector.extract_strided_slice %sub3A_863 {offsets = [2], sizes = [1], strides = [1]} : vector<16xi32> to vector<1xi32>
    %squeeze3A_969 = vector.extract %slice3A_968[0] : i32 from vector<1xi32>
    %broadcast_in_dim3A_970 = vector.broadcast %squeeze3A_969 : i32 to vector<16xi32>
    %gather3A_971 = arith.constant 2 : i32
    %gather3A_972 = arith.constant 0 : i32
    %gather3A_973 = arith.constant 0 : i32
    %gather3A_974 = tpu.memref_slice %arg10[%gather3A_971, %gather3A_972, %gather3A_973] : memref<4x32x128xf32, #tpu.memory_space<vmem>> -> memref<1x32x128xf32, #tpu.memory_space<vmem>>
    %gather3A_975 = tpu.memref_squeeze %gather3A_974 : memref<1x32x128xf32, #tpu.memory_space<vmem>> -> memref<32x128xf32, #tpu.memory_space<vmem>>
    %gather3A_976 = tpu.vector_load_idx %gather3A_975[%iota3A, %broadcast_in_dim3A_967] : memref<32x128xf32, #tpu.memory_space<vmem>>[vector<16xi32>, vector<16xi32>], vector<16xf32>,
    %swap3A_977 = arith.constant 2 : i32
    %swap3A_978 = arith.index_cast %swap3A_977 : i32 to index
    %swap3A_979 = arith.constant 0 : index
    %swap3A_980 = tpu.vector_load %arg14[%swap3A_978, %swap3A_979] {strides = array<i32>} : memref<8x32xf32, #tpu.memory_space<vmem>>, vector<16xf32>,
    tpu.vector_store %arg14[%swap3A_978, %swap3A_979], %gather3A_976 {strides = array<i32>} : memref<8x32xf32, #tpu.memory_space<vmem>>, vector<16xf32>,
    %add3A_981 = arith.constant 16 : i32
    %add3A_982 = vector.broadcast %add3A_981 : i32 to vector<16xi32>
    %add3A_983 = arith.addi %iota3A, %add3A_982 : vector<16xi32>
    %gather3A_984 = arith.constant 2 : i32
    %gather3A_985 = arith.constant 0 : i32
    %gather3A_986 = arith.constant 0 : i32
    %gather3A_987 = tpu.memref_slice %arg10[%gather3A_984, %gather3A_985, %gather3A_986] : memref<4x32x128xf32, #tpu.memory_space<vmem>> -> memref<1x32x128xf32, #tpu.memory_space<vmem>>
    %gather3A_988 = tpu.memref_squeeze %gather3A_987 : memref<1x32x128xf32, #tpu.memory_space<vmem>> -> memref<32x128xf32, #tpu.memory_space<vmem>>
    %gather3A_989 = tpu.vector_load_idx %gather3A_988[%add3A_983, %broadcast_in_dim3A_967] : memref<32x128xf32, #tpu.memory_space<vmem>>[vector<16xi32>, vector<16xi32>], vector<16xf32>,
    %swap3A_990 = arith.constant 2 : i32
    %swap3A_991 = arith.index_cast %swap3A_990 : i32 to index
    %swap3A_992 = arith.constant 16 : index
    %swap3A_993 = tpu.vector_load %arg14[%swap3A_991, %swap3A_992] {strides = array<i32>} : memref<8x32xf32, #tpu.memory_space<vmem>>, vector<16xf32>,
    tpu.vector_store %arg14[%swap3A_991, %swap3A_992], %gather3A_989 {strides = array<i32>} : memref<8x32xf32, #tpu.memory_space<vmem>>, vector<16xf32>,
    %gather3A_994 = arith.constant 2 : i32
    %gather3A_995 = arith.constant 0 : i32
    %gather3A_996 = arith.constant 0 : i32
    %gather3A_997 = tpu.memref_slice %arg11[%gather3A_994, %gather3A_995, %gather3A_996] : memref<4x32x128xf32, #tpu.memory_space<vmem>> -> memref<1x32x128xf32, #tpu.memory_space<vmem>>
    %gather3A_998 = tpu.memref_squeeze %gather3A_997 : memref<1x32x128xf32, #tpu.memory_space<vmem>> -> memref<32x128xf32, #tpu.memory_space<vmem>>
    %gather3A_999 = tpu.vector_load_idx %gather3A_998[%iota3A, %broadcast_in_dim3A_970] : memref<32x128xf32, #tpu.memory_space<vmem>>[vector<16xi32>, vector<16xi32>], vector<16xf32>,
    %swap3A_1000 = arith.constant 2 : i32
    %swap3A_1001 = arith.index_cast %swap3A_1000 : i32 to index
    %swap3A_1002 = arith.constant 0 : index
    %swap3A_1003 = tpu.vector_load %arg15[%swap3A_1001, %swap3A_1002] {strides = array<i32>} : memref<8x32xf32, #tpu.memory_space<vmem>>, vector<16xf32>,
    tpu.vector_store %arg15[%swap3A_1001, %swap3A_1002], %gather3A_999 {strides = array<i32>} : memref<8x32xf32, #tpu.memory_space<vmem>>, vector<16xf32>,
    %add3A_1004 = arith.constant 16 : i32
    %add3A_1005 = vector.broadcast %add3A_1004 : i32 to vector<16xi32>
    %add3A_1006 = arith.addi %iota3A, %add3A_1005 : vector<16xi32>
    %gather3A_1007 = arith.constant 2 : i32
    %gather3A_1008 = arith.constant 0 : i32
    %gather3A_1009 = arith.constant 0 : i32
    %gather3A_1010 = tpu.memref_slice %arg11[%gather3A_1007, %gather3A_1008, %gather3A_1009] : memref<4x32x128xf32, #tpu.memory_space<vmem>> -> memref<1x32x128xf32, #tpu.memory_space<vmem>>
    %gather3A_1011 = tpu.memref_squeeze %gather3A_1010 : memref<1x32x128xf32, #tpu.memory_space<vmem>> -> memref<32x128xf32, #tpu.memory_space<vmem>>
    %gather3A_1012 = tpu.vector_load_idx %gather3A_1011[%add3A_1006, %broadcast_in_dim3A_970] : memref<32x128xf32, #tpu.memory_space<vmem>>[vector<16xi32>, vector<16xi32>], vector<16xf32>,
    %swap3A_1013 = arith.constant 2 : i32
    %swap3A_1014 = arith.index_cast %swap3A_1013 : i32 to index
    %swap3A_1015 = arith.constant 16 : index
    %swap3A_1016 = tpu.vector_load %arg15[%swap3A_1014, %swap3A_1015] {strides = array<i32>} : memref<8x32xf32, #tpu.memory_space<vmem>>, vector<16xf32>,
    tpu.vector_store %arg15[%swap3A_1014, %swap3A_1015], %gather3A_1012 {strides = array<i32>} : memref<8x32xf32, #tpu.memory_space<vmem>>, vector<16xf32>,
    %slice3A_1017 = vector.extract_strided_slice %sub3A_828 {offsets = [3], sizes = [1], strides = [1]} : vector<16xi32> to vector<1xi32>
    %squeeze3A_1018 = vector.extract %slice3A_1017[0] : i32 from vector<1xi32>
    %broadcast_in_dim3A_1019 = vector.broadcast %squeeze3A_1018 : i32 to vector<16xi32>
    %slice3A_1020 = vector.extract_strided_slice %sub3A_863 {offsets = [3], sizes = [1], strides = [1]} : vector<16xi32> to vector<1xi32>
    %squeeze3A_1021 = vector.extract %slice3A_1020[0] : i32 from vector<1xi32>
    %broadcast_in_dim3A_1022 = vector.broadcast %squeeze3A_1021 : i32 to vector<16xi32>
    %gather3A_1023 = arith.constant 3 : i32
    %gather3A_1024 = arith.constant 0 : i32
    %gather3A_1025 = arith.constant 0 : i32
    %gather3A_1026 = tpu.memref_slice %arg10[%gather3A_1023, %gather3A_1024, %gather3A_1025] : memref<4x32x128xf32, #tpu.memory_space<vmem>> -> memref<1x32x128xf32, #tpu.memory_space<vmem>>
    %gather3A_1027 = tpu.memref_squeeze %gather3A_1026 : memref<1x32x128xf32, #tpu.memory_space<vmem>> -> memref<32x128xf32, #tpu.memory_space<vmem>>
    %gather3A_1028 = tpu.vector_load_idx %gather3A_1027[%iota3A, %broadcast_in_dim3A_1019] : memref<32x128xf32, #tpu.memory_space<vmem>>[vector<16xi32>, vector<16xi32>], vector<16xf32>,
    %swap3A_1029 = arith.constant 3 : i32
    %swap3A_1030 = arith.index_cast %swap3A_1029 : i32 to index
    %swap3A_1031 = arith.constant 0 : index
    %swap3A_1032 = tpu.vector_load %arg14[%swap3A_1030, %swap3A_1031] {strides = array<i32>} : memref<8x32xf32, #tpu.memory_space<vmem>>, vector<16xf32>,
    tpu.vector_store %arg14[%swap3A_1030, %swap3A_1031], %gather3A_1028 {strides = array<i32>} : memref<8x32xf32, #tpu.memory_space<vmem>>, vector<16xf32>,
    %add3A_1033 = arith.constant 16 : i32
    %add3A_1034 = vector.broadcast %add3A_1033 : i32 to vector<16xi32>
    %add3A_1035 = arith.addi %iota3A, %add3A_1034 : vector<16xi32>
    %gather3A_1036 = arith.constant 3 : i32
    %gather3A_1037 = arith.constant 0 : i32
    %gather3A_1038 = arith.constant 0 : i32
    %gather3A_1039 = tpu.memref_slice %arg10[%gather3A_1036, %gather3A_1037, %gather3A_1038] : memref<4x32x128xf32, #tpu.memory_space<vmem>> -> memref<1x32x128xf32, #tpu.memory_space<vmem>>
    %gather3A_1040 = tpu.memref_squeeze %gather3A_1039 : memref<1x32x128xf32, #tpu.memory_space<vmem>> -> memref<32x128xf32, #tpu.memory_space<vmem>>
    %gather3A_1041 = tpu.vector_load_idx %gather3A_1040[%add3A_1035, %broadcast_in_dim3A_1019] : memref<32x128xf32, #tpu.memory_space<vmem>>[vector<16xi32>, vector<16xi32>], vector<16xf32>,
    %swap3A_1042 = arith.constant 3 : i32
    %swap3A_1043 = arith.index_cast %swap3A_1042 : i32 to index
    %swap3A_1044 = arith.constant 16 : index
    %swap3A_1045 = tpu.vector_load %arg14[%swap3A_1043, %swap3A_1044] {strides = array<i32>} : memref<8x32xf32, #tpu.memory_space<vmem>>, vector<16xf32>,
    tpu.vector_store %arg14[%swap3A_1043, %swap3A_1044], %gather3A_1041 {strides = array<i32>} : memref<8x32xf32, #tpu.memory_space<vmem>>, vector<16xf32>,
    %gather3A_1046 = arith.constant 3 : i32
    %gather3A_1047 = arith.constant 0 : i32
    %gather3A_1048 = arith.constant 0 : i32
    %gather3A_1049 = tpu.memref_slice %arg11[%gather3A_1046, %gather3A_1047, %gather3A_1048] : memref<4x32x128xf32, #tpu.memory_space<vmem>> -> memref<1x32x128xf32, #tpu.memory_space<vmem>>
    %gather3A_1050 = tpu.memref_squeeze %gather3A_1049 : memref<1x32x128xf32, #tpu.memory_space<vmem>> -> memref<32x128xf32, #tpu.memory_space<vmem>>
    %gather3A_1051 = tpu.vector_load_idx %gather3A_1050[%iota3A, %broadcast_in_dim3A_1022] : memref<32x128xf32, #tpu.memory_space<vmem>>[vector<16xi32>, vector<16xi32>], vector<16xf32>,
    %swap3A_1052 = arith.constant 3 : i32
    %swap3A_1053 = arith.index_cast %swap3A_1052 : i32 to index
    %swap3A_1054 = arith.constant 0 : index
    %swap3A_1055 = tpu.vector_load %arg15[%swap3A_1053, %swap3A_1054] {strides = array<i32>} : memref<8x32xf32, #tpu.memory_space<vmem>>, vector<16xf32>,
    tpu.vector_store %arg15[%swap3A_1053, %swap3A_1054], %gather3A_1051 {strides = array<i32>} : memref<8x32xf32, #tpu.memory_space<vmem>>, vector<16xf32>,
    %add3A_1056 = arith.constant 16 : i32
    %add3A_1057 = vector.broadcast %add3A_1056 : i32 to vector<16xi32>
    %add3A_1058 = arith.addi %iota3A, %add3A_1057 : vector<16xi32>
    %gather3A_1059 = arith.constant 3 : i32
    %gather3A_1060 = arith.constant 0 : i32
    %gather3A_1061 = arith.constant 0 : i32
    %gather3A_1062 = tpu.memref_slice %arg11[%gather3A_1059, %gather3A_1060, %gather3A_1061] : memref<4x32x128xf32, #tpu.memory_space<vmem>> -> memref<1x32x128xf32, #tpu.memory_space<vmem>>
    %gather3A_1063 = tpu.memref_squeeze %gather3A_1062 : memref<1x32x128xf32, #tpu.memory_space<vmem>> -> memref<32x128xf32, #tpu.memory_space<vmem>>
    %gather3A_1064 = tpu.vector_load_idx %gather3A_1063[%add3A_1058, %broadcast_in_dim3A_1022] : memref<32x128xf32, #tpu.memory_space<vmem>>[vector<16xi32>, vector<16xi32>], vector<16xf32>,
    %swap3A_1065 = arith.constant 3 : i32
    %swap3A_1066 = arith.index_cast %swap3A_1065 : i32 to index
    %swap3A_1067 = arith.constant 16 : index
    %swap3A_1068 = tpu.vector_load %arg15[%swap3A_1066, %swap3A_1067] {strides = array<i32>} : memref<8x32xf32, #tpu.memory_space<vmem>>, vector<16xf32>,
    tpu.vector_store %arg15[%swap3A_1066, %swap3A_1067], %gather3A_1064 {strides = array<i32>} : memref<8x32xf32, #tpu.memory_space<vmem>>, vector<16xf32>,
    %dma_wait3A_1069 = arith.constant 0 : i32
    %dma_wait3A_1070 = arith.constant 0 : i32
    %dma_wait3A_1071 = arith.constant 0 : i32
    %dma_wait3A_1072 = tpu.memref_slice %arg12[%dma_wait3A_1069, %dma_wait3A_1070, %dma_wait3A_1071] : memref<4x32x128xf32, #tpu.memory_space<vmem>> -> memref<1x32x128xf32, #tpu.memory_space<vmem>>
    %dma_wait3A_1073 = tpu.memref_squeeze %dma_wait3A_1072 : memref<1x32x128xf32, #tpu.memory_space<vmem>> -> memref<32x128xf32, #tpu.memory_space<vmem>>
    %dma_wait3A_1074 = arith.constant 0 : i32
    %dma_wait3A_1075 = arith.constant 0 : i32
    %dma_wait3A_1076 = tpu.memref_slice %arg4[%dma_wait3A_1074, %dma_wait3A_1075] : memref<32x1000000xf32, #tpu.memory_space<hbm>> -> memref<32x128xf32, #tpu.memory_space<hbm>>
    %dma_wait3A_1077 = arith.constant 0 : i32
    %dma_wait3A_1078 = arith.constant 0 : i32
    %dma_wait3A_1079 = tpu.memref_slice %arg12[%dma_wait3A_1069, %dma_wait3A_1077, %dma_wait3A_1078] : memref<4x32x128xf32, #tpu.memory_space<vmem>> -> memref<1x32x128xf32, #tpu.memory_space<vmem>>
    %dma_wait3A_1080 = tpu.memref_squeeze %dma_wait3A_1079 : memref<1x32x128xf32, #tpu.memory_space<vmem>> -> memref<32x128xf32, #tpu.memory_space<vmem>>
    %dma_wait3A_1081 = arith.constant 0 : i32
    %dma_wait3A_1082 = arith.constant 0 : i32
    %dma_wait3A_1083 = tpu.memref_slice %arg4[%dma_wait3A_1081, %dma_wait3A_1082] : memref<32x1000000xf32, #tpu.memory_space<hbm>> -> memref<32x128xf32, #tpu.memory_space<hbm>>
    tpu.wait_dma2 semaphore(%arg17 : memref<!tpu.dma_semaphore, #tpu.memory_space<semaphore_mem>>) src(%dma_wait3A_1083 : memref<32x128xf32, #tpu.memory_space<hbm>>) dst(%dma_wait3A_1080 : memref<32x128xf32, #tpu.memory_space<vmem>>)
    %dma_wait3A_1084 = arith.constant 0 : i32
    %dma_wait3A_1085 = arith.constant 0 : i32
    %dma_wait3A_1086 = arith.constant 0 : i32
    %dma_wait3A_1087 = tpu.memref_slice %arg13[%dma_wait3A_1084, %dma_wait3A_1085, %dma_wait3A_1086] : memref<4x32x128xf32, #tpu.memory_space<vmem>> -> memref<1x32x128xf32, #tpu.memory_space<vmem>>
    %dma_wait3A_1088 = tpu.memref_squeeze %dma_wait3A_1087 : memref<1x32x128xf32, #tpu.memory_space<vmem>> -> memref<32x128xf32, #tpu.memory_space<vmem>>
    %dma_wait3A_1089 = arith.constant 0 : i32
    %dma_wait3A_1090 = arith.constant 0 : i32
    %dma_wait3A_1091 = tpu.memref_slice %arg5[%dma_wait3A_1089, %dma_wait3A_1090] : memref<32x1000000xf32, #tpu.memory_space<hbm>> -> memref<32x128xf32, #tpu.memory_space<hbm>>
    %dma_wait3A_1092 = arith.constant 0 : i32
    %dma_wait3A_1093 = arith.constant 0 : i32
    %dma_wait3A_1094 = tpu.memref_slice %arg13[%dma_wait3A_1084, %dma_wait3A_1092, %dma_wait3A_1093] : memref<4x32x128xf32, #tpu.memory_space<vmem>> -> memref<1x32x128xf32, #tpu.memory_space<vmem>>
    %dma_wait3A_1095 = tpu.memref_squeeze %dma_wait3A_1094 : memref<1x32x128xf32, #tpu.memory_space<vmem>> -> memref<32x128xf32, #tpu.memory_space<vmem>>
    %dma_wait3A_1096 = arith.constant 0 : i32
    %dma_wait3A_1097 = arith.constant 0 : i32
    %dma_wait3A_1098 = tpu.memref_slice %arg5[%dma_wait3A_1096, %dma_wait3A_1097] : memref<32x1000000xf32, #tpu.memory_space<hbm>> -> memref<32x128xf32, #tpu.memory_space<hbm>>
    tpu.wait_dma2 semaphore(%arg17 : memref<!tpu.dma_semaphore, #tpu.memory_space<semaphore_mem>>) src(%dma_wait3A_1098 : memref<32x128xf32, #tpu.memory_space<hbm>>) dst(%dma_wait3A_1095 : memref<32x128xf32, #tpu.memory_space<vmem>>)
    %dma_wait3A_1099 = arith.constant 1 : i32
    %dma_wait3A_1100 = arith.constant 0 : i32
    %dma_wait3A_1101 = arith.constant 0 : i32
    %dma_wait3A_1102 = tpu.memref_slice %arg12[%dma_wait3A_1099, %dma_wait3A_1100, %dma_wait3A_1101] : memref<4x32x128xf32, #tpu.memory_space<vmem>> -> memref<1x32x128xf32, #tpu.memory_space<vmem>>
    %dma_wait3A_1103 = tpu.memref_squeeze %dma_wait3A_1102 : memref<1x32x128xf32, #tpu.memory_space<vmem>> -> memref<32x128xf32, #tpu.memory_space<vmem>>
    %dma_wait3A_1104 = arith.constant 0 : i32
    %dma_wait3A_1105 = arith.constant 0 : i32
    %dma_wait3A_1106 = tpu.memref_slice %arg4[%dma_wait3A_1104, %dma_wait3A_1105] : memref<32x1000000xf32, #tpu.memory_space<hbm>> -> memref<32x128xf32, #tpu.memory_space<hbm>>
    %dma_wait3A_1107 = arith.constant 0 : i32
    %dma_wait3A_1108 = arith.constant 0 : i32
    %dma_wait3A_1109 = tpu.memref_slice %arg12[%dma_wait3A_1099, %dma_wait3A_1107, %dma_wait3A_1108] : memref<4x32x128xf32, #tpu.memory_space<vmem>> -> memref<1x32x128xf32, #tpu.memory_space<vmem>>
    %dma_wait3A_1110 = tpu.memref_squeeze %dma_wait3A_1109 : memref<1x32x128xf32, #tpu.memory_space<vmem>> -> memref<32x128xf32, #tpu.memory_space<vmem>>
    %dma_wait3A_1111 = arith.constant 0 : i32
    %dma_wait3A_1112 = arith.constant 0 : i32
    %dma_wait3A_1113 = tpu.memref_slice %arg4[%dma_wait3A_1111, %dma_wait3A_1112] : memref<32x1000000xf32, #tpu.memory_space<hbm>> -> memref<32x128xf32, #tpu.memory_space<hbm>>
    tpu.wait_dma2 semaphore(%arg17 : memref<!tpu.dma_semaphore, #tpu.memory_space<semaphore_mem>>) src(%dma_wait3A_1113 : memref<32x128xf32, #tpu.memory_space<hbm>>) dst(%dma_wait3A_1110 : memref<32x128xf32, #tpu.memory_space<vmem>>)
    %dma_wait3A_1114 = arith.constant 1 : i32
    %dma_wait3A_1115 = arith.constant 0 : i32
    %dma_wait3A_1116 = arith.constant 0 : i32
    %dma_wait3A_1117 = tpu.memref_slice %arg13[%dma_wait3A_1114, %dma_wait3A_1115, %dma_wait3A_1116] : memref<4x32x128xf32, #tpu.memory_space<vmem>> -> memref<1x32x128xf32, #tpu.memory_space<vmem>>
    %dma_wait3A_1118 = tpu.memref_squeeze %dma_wait3A_1117 : memref<1x32x128xf32, #tpu.memory_space<vmem>> -> memref<32x128xf32, #tpu.memory_space<vmem>>
    %dma_wait3A_1119 = arith.constant 0 : i32
    %dma_wait3A_1120 = arith.constant 0 : i32
    %dma_wait3A_1121 = tpu.memref_slice %arg5[%dma_wait3A_1119, %dma_wait3A_1120] : memref<32x1000000xf32, #tpu.memory_space<hbm>> -> memref<32x128xf32, #tpu.memory_space<hbm>>
    %dma_wait3A_1122 = arith.constant 0 : i32
    %dma_wait3A_1123 = arith.constant 0 : i32
    %dma_wait3A_1124 = tpu.memref_slice %arg13[%dma_wait3A_1114, %dma_wait3A_1122, %dma_wait3A_1123] : memref<4x32x128xf32, #tpu.memory_space<vmem>> -> memref<1x32x128xf32, #tpu.memory_space<vmem>>
    %dma_wait3A_1125 = tpu.memref_squeeze %dma_wait3A_1124 : memref<1x32x128xf32, #tpu.memory_space<vmem>> -> memref<32x128xf32, #tpu.memory_space<vmem>>
    %dma_wait3A_1126 = arith.constant 0 : i32
    %dma_wait3A_1127 = arith.constant 0 : i32
    %dma_wait3A_1128 = tpu.memref_slice %arg5[%dma_wait3A_1126, %dma_wait3A_1127] : memref<32x1000000xf32, #tpu.memory_space<hbm>> -> memref<32x128xf32, #tpu.memory_space<hbm>>
    tpu.wait_dma2 semaphore(%arg17 : memref<!tpu.dma_semaphore, #tpu.memory_space<semaphore_mem>>) src(%dma_wait3A_1128 : memref<32x128xf32, #tpu.memory_space<hbm>>) dst(%dma_wait3A_1125 : memref<32x128xf32, #tpu.memory_space<vmem>>)
    %dma_wait3A_1129 = arith.constant 2 : i32
    %dma_wait3A_1130 = arith.constant 0 : i32
    %dma_wait3A_1131 = arith.constant 0 : i32
    %dma_wait3A_1132 = tpu.memref_slice %arg12[%dma_wait3A_1129, %dma_wait3A_1130, %dma_wait3A_1131] : memref<4x32x128xf32, #tpu.memory_space<vmem>> -> memref<1x32x128xf32, #tpu.memory_space<vmem>>
    %dma_wait3A_1133 = tpu.memref_squeeze %dma_wait3A_1132 : memref<1x32x128xf32, #tpu.memory_space<vmem>> -> memref<32x128xf32, #tpu.memory_space<vmem>>
    %dma_wait3A_1134 = arith.constant 0 : i32
    %dma_wait3A_1135 = arith.constant 0 : i32
    %dma_wait3A_1136 = tpu.memref_slice %arg4[%dma_wait3A_1134, %dma_wait3A_1135] : memref<32x1000000xf32, #tpu.memory_space<hbm>> -> memref<32x128xf32, #tpu.memory_space<hbm>>
    %dma_wait3A_1137 = arith.constant 0 : i32
    %dma_wait3A_1138 = arith.constant 0 : i32
    %dma_wait3A_1139 = tpu.memref_slice %arg12[%dma_wait3A_1129, %dma_wait3A_1137, %dma_wait3A_1138] : memref<4x32x128xf32, #tpu.memory_space<vmem>> -> memref<1x32x128xf32, #tpu.memory_space<vmem>>
    %dma_wait3A_1140 = tpu.memref_squeeze %dma_wait3A_1139 : memref<1x32x128xf32, #tpu.memory_space<vmem>> -> memref<32x128xf32, #tpu.memory_space<vmem>>
    %dma_wait3A_1141 = arith.constant 0 : i32
    %dma_wait3A_1142 = arith.constant 0 : i32
    %dma_wait3A_1143 = tpu.memref_slice %arg4[%dma_wait3A_1141, %dma_wait3A_1142] : memref<32x1000000xf32, #tpu.memory_space<hbm>> -> memref<32x128xf32, #tpu.memory_space<hbm>>
    tpu.wait_dma2 semaphore(%arg17 : memref<!tpu.dma_semaphore, #tpu.memory_space<semaphore_mem>>) src(%dma_wait3A_1143 : memref<32x128xf32, #tpu.memory_space<hbm>>) dst(%dma_wait3A_1140 : memref<32x128xf32, #tpu.memory_space<vmem>>)
    %dma_wait3A_1144 = arith.constant 2 : i32
    %dma_wait3A_1145 = arith.constant 0 : i32
    %dma_wait3A_1146 = arith.constant 0 : i32
    %dma_wait3A_1147 = tpu.memref_slice %arg13[%dma_wait3A_1144, %dma_wait3A_1145, %dma_wait3A_1146] : memref<4x32x128xf32, #tpu.memory_space<vmem>> -> memref<1x32x128xf32, #tpu.memory_space<vmem>>
    %dma_wait3A_1148 = tpu.memref_squeeze %dma_wait3A_1147 : memref<1x32x128xf32, #tpu.memory_space<vmem>> -> memref<32x128xf32, #tpu.memory_space<vmem>>
    %dma_wait3A_1149 = arith.constant 0 : i32
    %dma_wait3A_1150 = arith.constant 0 : i32
    %dma_wait3A_1151 = tpu.memref_slice %arg5[%dma_wait3A_1149, %dma_wait3A_1150] : memref<32x1000000xf32, #tpu.memory_space<hbm>> -> memref<32x128xf32, #tpu.memory_space<hbm>>
    %dma_wait3A_1152 = arith.constant 0 : i32
    %dma_wait3A_1153 = arith.constant 0 : i32
    %dma_wait3A_1154 = tpu.memref_slice %arg13[%dma_wait3A_1144, %dma_wait3A_1152, %dma_wait3A_1153] : memref<4x32x128xf32, #tpu.memory_space<vmem>> -> memref<1x32x128xf32, #tpu.memory_space<vmem>>
    %dma_wait3A_1155 = tpu.memref_squeeze %dma_wait3A_1154 : memref<1x32x128xf32, #tpu.memory_space<vmem>> -> memref<32x128xf32, #tpu.memory_space<vmem>>
    %dma_wait3A_1156 = arith.constant 0 : i32
    %dma_wait3A_1157 = arith.constant 0 : i32
    %dma_wait3A_1158 = tpu.memref_slice %arg5[%dma_wait3A_1156, %dma_wait3A_1157] : memref<32x1000000xf32, #tpu.memory_space<hbm>> -> memref<32x128xf32, #tpu.memory_space<hbm>>
    tpu.wait_dma2 semaphore(%arg17 : memref<!tpu.dma_semaphore, #tpu.memory_space<semaphore_mem>>) src(%dma_wait3A_1158 : memref<32x128xf32, #tpu.memory_space<hbm>>) dst(%dma_wait3A_1155 : memref<32x128xf32, #tpu.memory_space<vmem>>)
    %dma_wait3A_1159 = arith.constant 3 : i32
    %dma_wait3A_1160 = arith.constant 0 : i32
    %dma_wait3A_1161 = arith.constant 0 : i32
    %dma_wait3A_1162 = tpu.memref_slice %arg12[%dma_wait3A_1159, %dma_wait3A_1160, %dma_wait3A_1161] : memref<4x32x128xf32, #tpu.memory_space<vmem>> -> memref<1x32x128xf32, #tpu.memory_space<vmem>>
    %dma_wait3A_1163 = tpu.memref_squeeze %dma_wait3A_1162 : memref<1x32x128xf32, #tpu.memory_space<vmem>> -> memref<32x128xf32, #tpu.memory_space<vmem>>
    %dma_wait3A_1164 = arith.constant 0 : i32
    %dma_wait3A_1165 = arith.constant 0 : i32
    %dma_wait3A_1166 = tpu.memref_slice %arg4[%dma_wait3A_1164, %dma_wait3A_1165] : memref<32x1000000xf32, #tpu.memory_space<hbm>> -> memref<32x128xf32, #tpu.memory_space<hbm>>
    %dma_wait3A_1167 = arith.constant 0 : i32
    %dma_wait3A_1168 = arith.constant 0 : i32
    %dma_wait3A_1169 = tpu.memref_slice %arg12[%dma_wait3A_1159, %dma_wait3A_1167, %dma_wait3A_1168] : memref<4x32x128xf32, #tpu.memory_space<vmem>> -> memref<1x32x128xf32, #tpu.memory_space<vmem>>
    %dma_wait3A_1170 = tpu.memref_squeeze %dma_wait3A_1169 : memref<1x32x128xf32, #tpu.memory_space<vmem>> -> memref<32x128xf32, #tpu.memory_space<vmem>>
    %dma_wait3A_1171 = arith.constant 0 : i32
    %dma_wait3A_1172 = arith.constant 0 : i32
    %dma_wait3A_1173 = tpu.memref_slice %arg4[%dma_wait3A_1171, %dma_wait3A_1172] : memref<32x1000000xf32, #tpu.memory_space<hbm>> -> memref<32x128xf32, #tpu.memory_space<hbm>>
    tpu.wait_dma2 semaphore(%arg17 : memref<!tpu.dma_semaphore, #tpu.memory_space<semaphore_mem>>) src(%dma_wait3A_1173 : memref<32x128xf32, #tpu.memory_space<hbm>>) dst(%dma_wait3A_1170 : memref<32x128xf32, #tpu.memory_space<vmem>>)
    %dma_wait3A_1174 = arith.constant 3 : i32
    %dma_wait3A_1175 = arith.constant 0 : i32
    %dma_wait3A_1176 = arith.constant 0 : i32
    %dma_wait3A_1177 = tpu.memref_slice %arg13[%dma_wait3A_1174, %dma_wait3A_1175, %dma_wait3A_1176] : memref<4x32x128xf32, #tpu.memory_space<vmem>> -> memref<1x32x128xf32, #tpu.memory_space<vmem>>
    %dma_wait3A_1178 = tpu.memref_squeeze %dma_wait3A_1177 : memref<1x32x128xf32, #tpu.memory_space<vmem>> -> memref<32x128xf32, #tpu.memory_space<vmem>>
    %dma_wait3A_1179 = arith.constant 0 : i32
    %dma_wait3A_1180 = arith.constant 0 : i32
    %dma_wait3A_1181 = tpu.memref_slice %arg5[%dma_wait3A_1179, %dma_wait3A_1180] : memref<32x1000000xf32, #tpu.memory_space<hbm>> -> memref<32x128xf32, #tpu.memory_space<hbm>>
    %dma_wait3A_1182 = arith.constant 0 : i32
    %dma_wait3A_1183 = arith.constant 0 : i32
    %dma_wait3A_1184 = tpu.memref_slice %arg13[%dma_wait3A_1174, %dma_wait3A_1182, %dma_wait3A_1183] : memref<4x32x128xf32, #tpu.memory_space<vmem>> -> memref<1x32x128xf32, #tpu.memory_space<vmem>>
    %dma_wait3A_1185 = tpu.memref_squeeze %dma_wait3A_1184 : memref<1x32x128xf32, #tpu.memory_space<vmem>> -> memref<32x128xf32, #tpu.memory_space<vmem>>
    %dma_wait3A_1186 = arith.constant 0 : i32
    %dma_wait3A_1187 = arith.constant 0 : i32
    %dma_wait3A_1188 = tpu.memref_slice %arg5[%dma_wait3A_1186, %dma_wait3A_1187] : memref<32x1000000xf32, #tpu.memory_space<hbm>> -> memref<32x128xf32, #tpu.memory_space<hbm>>
    tpu.wait_dma2 semaphore(%arg17 : memref<!tpu.dma_semaphore, #tpu.memory_space<semaphore_mem>>) src(%dma_wait3A_1188 : memref<32x128xf32, #tpu.memory_space<hbm>>) dst(%dma_wait3A_1185 : memref<32x128xf32, #tpu.memory_space<vmem>>)
    %jit3A_1189 = arith.constant 128 : i32
    %div3A_1190 = vector.broadcast %jit3A_1189 : i32 to vector<16xi32>
    %div3A_1191 = arith.divsi %get3A_336, %div3A_1190 : vector<16xi32>
    %sign3A_1192 = arith.constant 0 : i32
    %sign3A_1193 = vector.broadcast %sign3A_1192 : i32 to vector<16xi32>
    %sign3A_1194 = arith.cmpi sgt, %get3A_336, %sign3A_1193 : vector<16xi32>
    %sign3A_1195 = arith.extui %sign3A_1194 : vector<16xi1> to vector<16xi32>
    %sign3A_1196 = arith.constant 0 : i32
    %sign3A_1197 = vector.broadcast %sign3A_1196 : i32 to vector<16xi32>
    %sign3A_1198 = arith.cmpi slt, %get3A_336, %sign3A_1197 : vector<16xi32>
    %sign3A_1199 = arith.extui %sign3A_1198 : vector<16xi1> to vector<16xi32>
    %sign3A_1200 = arith.subi %sign3A_1195, %sign3A_1199 : vector<16xi32>
    %sign3A_1201 = arith.constant 0 : i32
    %sign3A_1202 = arith.cmpi sgt, %jit3A_1189, %sign3A_1201 : i32
    %sign3A_1203 = arith.extui %sign3A_1202 : i1 to i32
    %sign3A_1204 = arith.constant 0 : i32
    %sign3A_1205 = arith.cmpi slt, %jit3A_1189, %sign3A_1204 : i32
    %sign3A_1206 = arith.extui %sign3A_1205 : i1 to i32
    %sign3A_1207 = arith.subi %sign3A_1203, %sign3A_1206 : i32
    %ne3A_1208 = vector.broadcast %sign3A_1207 : i32 to vector<16xi32>
    %ne3A_1209 = arith.cmpi ne, %sign3A_1200, %ne3A_1208 : vector<16xi32>
    %rem3A_1210 = vector.broadcast %jit3A_1189 : i32 to vector<16xi32>
    %rem3A_1211 = arith.remsi %get3A_336, %rem3A_1210 : vector<16xi32>
    %ne3A_1212 = arith.constant 0 : i32
    %ne3A_1213 = vector.broadcast %ne3A_1212 : i32 to vector<16xi32>
    %ne3A_1214 = arith.cmpi ne, %rem3A_1211, %ne3A_1213 : vector<16xi32>
    %and3A_1215 = arith.andi %ne3A_1209, %ne3A_1214 : vector<16xi1>
    %sub3A_1216 = arith.constant 1 : i32
    %sub3A_1217 = vector.broadcast %sub3A_1216 : i32 to vector<16xi32>
    %sub3A_1218 = arith.subi %div3A_1191, %sub3A_1217 : vector<16xi32>
    %select_n3A_1219 = arith.select %and3A_1215, %sub3A_1218, %div3A_1191 : vector<16xi1>, vector<16xi32>
    %mul3A_1220 = arith.constant 128 : i32
    %mul3A_1221 = vector.broadcast %mul3A_1220 : i32 to vector<16xi32>
    %mul3A_1222 = arith.muli %select_n3A_1219, %mul3A_1221 : vector<16xi32>
    %sub3A_1223 = arith.subi %get3A_336, %mul3A_1222 : vector<16xi32>
    %jit3A_1224 = arith.constant 128 : i32
    %div3A_1225 = vector.broadcast %jit3A_1224 : i32 to vector<16xi32>
    %div3A_1226 = arith.divsi %get3A_338, %div3A_1225 : vector<16xi32>
    %sign3A_1227 = arith.constant 0 : i32
    %sign3A_1228 = vector.broadcast %sign3A_1227 : i32 to vector<16xi32>
    %sign3A_1229 = arith.cmpi sgt, %get3A_338, %sign3A_1228 : vector<16xi32>
    %sign3A_1230 = arith.extui %sign3A_1229 : vector<16xi1> to vector<16xi32>
    %sign3A_1231 = arith.constant 0 : i32
    %sign3A_1232 = vector.broadcast %sign3A_1231 : i32 to vector<16xi32>
    %sign3A_1233 = arith.cmpi slt, %get3A_338, %sign3A_1232 : vector<16xi32>
    %sign3A_1234 = arith.extui %sign3A_1233 : vector<16xi1> to vector<16xi32>
    %sign3A_1235 = arith.subi %sign3A_1230, %sign3A_1234 : vector<16xi32>
    %sign3A_1236 = arith.constant 0 : i32
    %sign3A_1237 = arith.cmpi sgt, %jit3A_1224, %sign3A_1236 : i32
    %sign3A_1238 = arith.extui %sign3A_1237 : i1 to i32
    %sign3A_1239 = arith.constant 0 : i32
    %sign3A_1240 = arith.cmpi slt, %jit3A_1224, %sign3A_1239 : i32
    %sign3A_1241 = arith.extui %sign3A_1240 : i1 to i32
    %sign3A_1242 = arith.subi %sign3A_1238, %sign3A_1241 : i32
    %ne3A_1243 = vector.broadcast %sign3A_1242 : i32 to vector<16xi32>
    %ne3A_1244 = arith.cmpi ne, %sign3A_1235, %ne3A_1243 : vector<16xi32>
    %rem3A_1245 = vector.broadcast %jit3A_1224 : i32 to vector<16xi32>
    %rem3A_1246 = arith.remsi %get3A_338, %rem3A_1245 : vector<16xi32>
    %ne3A_1247 = arith.constant 0 : i32
    %ne3A_1248 = vector.broadcast %ne3A_1247 : i32 to vector<16xi32>
    %ne3A_1249 = arith.cmpi ne, %rem3A_1246, %ne3A_1248 : vector<16xi32>
    %and3A_1250 = arith.andi %ne3A_1244, %ne3A_1249 : vector<16xi1>
    %sub3A_1251 = arith.constant 1 : i32
    %sub3A_1252 = vector.broadcast %sub3A_1251 : i32 to vector<16xi32>
    %sub3A_1253 = arith.subi %div3A_1226, %sub3A_1252 : vector<16xi32>
    %select_n3A_1254 = arith.select %and3A_1250, %sub3A_1253, %div3A_1226 : vector<16xi1>, vector<16xi32>
    %mul3A_1255 = arith.constant 128 : i32
    %mul3A_1256 = vector.broadcast %mul3A_1255 : i32 to vector<16xi32>
    %mul3A_1257 = arith.muli %select_n3A_1254, %mul3A_1256 : vector<16xi32>
    %sub3A_1258 = arith.subi %get3A_338, %mul3A_1257 : vector<16xi32>
    %slice3A_1259 = vector.extract_strided_slice %sub3A_1223 {offsets = [4], sizes = [1], strides = [1]} : vector<16xi32> to vector<1xi32>
    %squeeze3A_1260 = vector.extract %slice3A_1259[0] : i32 from vector<1xi32>
    %broadcast_in_dim3A_1261 = vector.broadcast %squeeze3A_1260 : i32 to vector<16xi32>
    %slice3A_1262 = vector.extract_strided_slice %sub3A_1258 {offsets = [4], sizes = [1], strides = [1]} : vector<16xi32> to vector<1xi32>
    %squeeze3A_1263 = vector.extract %slice3A_1262[0] : i32 from vector<1xi32>
    %broadcast_in_dim3A_1264 = vector.broadcast %squeeze3A_1263 : i32 to vector<16xi32>
    %gather3A_1265 = arith.constant 0 : i32
    %gather3A_1266 = arith.constant 0 : i32
    %gather3A_1267 = arith.constant 0 : i32
    %gather3A_1268 = tpu.memref_slice %arg12[%gather3A_1265, %gather3A_1266, %gather3A_1267] : memref<4x32x128xf32, #tpu.memory_space<vmem>> -> memref<1x32x128xf32, #tpu.memory_space<vmem>>
    %gather3A_1269 = tpu.memref_squeeze %gather3A_1268 : memref<1x32x128xf32, #tpu.memory_space<vmem>> -> memref<32x128xf32, #tpu.memory_space<vmem>>
    %gather3A_1270 = tpu.vector_load_idx %gather3A_1269[%iota3A, %broadcast_in_dim3A_1261] : memref<32x128xf32, #tpu.memory_space<vmem>>[vector<16xi32>, vector<16xi32>], vector<16xf32>,
    %swap3A_1271 = arith.constant 4 : i32
    %swap3A_1272 = arith.index_cast %swap3A_1271 : i32 to index
    %swap3A_1273 = arith.constant 0 : index
    %swap3A_1274 = tpu.vector_load %arg14[%swap3A_1272, %swap3A_1273] {strides = array<i32>} : memref<8x32xf32, #tpu.memory_space<vmem>>, vector<16xf32>,
    tpu.vector_store %arg14[%swap3A_1272, %swap3A_1273], %gather3A_1270 {strides = array<i32>} : memref<8x32xf32, #tpu.memory_space<vmem>>, vector<16xf32>,
    %add3A_1275 = arith.constant 16 : i32
    %add3A_1276 = vector.broadcast %add3A_1275 : i32 to vector<16xi32>
    %add3A_1277 = arith.addi %iota3A, %add3A_1276 : vector<16xi32>
    %gather3A_1278 = arith.constant 0 : i32
    %gather3A_1279 = arith.constant 0 : i32
    %gather3A_1280 = arith.constant 0 : i32
    %gather3A_1281 = tpu.memref_slice %arg12[%gather3A_1278, %gather3A_1279, %gather3A_1280] : memref<4x32x128xf32, #tpu.memory_space<vmem>> -> memref<1x32x128xf32, #tpu.memory_space<vmem>>
    %gather3A_1282 = tpu.memref_squeeze %gather3A_1281 : memref<1x32x128xf32, #tpu.memory_space<vmem>> -> memref<32x128xf32, #tpu.memory_space<vmem>>
    %gather3A_1283 = tpu.vector_load_idx %gather3A_1282[%add3A_1277, %broadcast_in_dim3A_1261] : memref<32x128xf32, #tpu.memory_space<vmem>>[vector<16xi32>, vector<16xi32>], vector<16xf32>,
    %swap3A_1284 = arith.constant 4 : i32
    %swap3A_1285 = arith.index_cast %swap3A_1284 : i32 to index
    %swap3A_1286 = arith.constant 16 : index
    %swap3A_1287 = tpu.vector_load %arg14[%swap3A_1285, %swap3A_1286] {strides = array<i32>} : memref<8x32xf32, #tpu.memory_space<vmem>>, vector<16xf32>,
    tpu.vector_store %arg14[%swap3A_1285, %swap3A_1286], %gather3A_1283 {strides = array<i32>} : memref<8x32xf32, #tpu.memory_space<vmem>>, vector<16xf32>,
    %gather3A_1288 = arith.constant 0 : i32
    %gather3A_1289 = arith.constant 0 : i32
    %gather3A_1290 = arith.constant 0 : i32
    %gather3A_1291 = tpu.memref_slice %arg13[%gather3A_1288, %gather3A_1289, %gather3A_1290] : memref<4x32x128xf32, #tpu.memory_space<vmem>> -> memref<1x32x128xf32, #tpu.memory_space<vmem>>
    %gather3A_1292 = tpu.memref_squeeze %gather3A_1291 : memref<1x32x128xf32, #tpu.memory_space<vmem>> -> memref<32x128xf32, #tpu.memory_space<vmem>>
    %gather3A_1293 = tpu.vector_load_idx %gather3A_1292[%iota3A, %broadcast_in_dim3A_1264] : memref<32x128xf32, #tpu.memory_space<vmem>>[vector<16xi32>, vector<16xi32>], vector<16xf32>,
    %swap3A_1294 = arith.constant 4 : i32
    %swap3A_1295 = arith.index_cast %swap3A_1294 : i32 to index
    %swap3A_1296 = arith.constant 0 : index
    %swap3A_1297 = tpu.vector_load %arg15[%swap3A_1295, %swap3A_1296] {strides = array<i32>} : memref<8x32xf32, #tpu.memory_space<vmem>>, vector<16xf32>,
    tpu.vector_store %arg15[%swap3A_1295, %swap3A_1296], %gather3A_1293 {strides = array<i32>} : memref<8x32xf32, #tpu.memory_space<vmem>>, vector<16xf32>,
    %add3A_1298 = arith.constant 16 : i32
    %add3A_1299 = vector.broadcast %add3A_1298 : i32 to vector<16xi32>
    %add3A_1300 = arith.addi %iota3A, %add3A_1299 : vector<16xi32>
    %gather3A_1301 = arith.constant 0 : i32
    %gather3A_1302 = arith.constant 0 : i32
    %gather3A_1303 = arith.constant 0 : i32
    %gather3A_1304 = tpu.memref_slice %arg13[%gather3A_1301, %gather3A_1302, %gather3A_1303] : memref<4x32x128xf32, #tpu.memory_space<vmem>> -> memref<1x32x128xf32, #tpu.memory_space<vmem>>
    %gather3A_1305 = tpu.memref_squeeze %gather3A_1304 : memref<1x32x128xf32, #tpu.memory_space<vmem>> -> memref<32x128xf32, #tpu.memory_space<vmem>>
    %gather3A_1306 = tpu.vector_load_idx %gather3A_1305[%add3A_1300, %broadcast_in_dim3A_1264] : memref<32x128xf32, #tpu.memory_space<vmem>>[vector<16xi32>, vector<16xi32>], vector<16xf32>,
    %swap3A_1307 = arith.constant 4 : i32
    %swap3A_1308 = arith.index_cast %swap3A_1307 : i32 to index
    %swap3A_1309 = arith.constant 16 : index
    %swap3A_1310 = tpu.vector_load %arg15[%swap3A_1308, %swap3A_1309] {strides = array<i32>} : memref<8x32xf32, #tpu.memory_space<vmem>>, vector<16xf32>,
    tpu.vector_store %arg15[%swap3A_1308, %swap3A_1309], %gather3A_1306 {strides = array<i32>} : memref<8x32xf32, #tpu.memory_space<vmem>>, vector<16xf32>,
    %slice3A_1311 = vector.extract_strided_slice %sub3A_1223 {offsets = [5], sizes = [1], strides = [1]} : vector<16xi32> to vector<1xi32>
    %squeeze3A_1312 = vector.extract %slice3A_1311[0] : i32 from vector<1xi32>
    %broadcast_in_dim3A_1313 = vector.broadcast %squeeze3A_1312 : i32 to vector<16xi32>
    %slice3A_1314 = vector.extract_strided_slice %sub3A_1258 {offsets = [5], sizes = [1], strides = [1]} : vector<16xi32> to vector<1xi32>
    %squeeze3A_1315 = vector.extract %slice3A_1314[0] : i32 from vector<1xi32>
    %broadcast_in_dim3A_1316 = vector.broadcast %squeeze3A_1315 : i32 to vector<16xi32>
    %gather3A_1317 = arith.constant 1 : i32
    %gather3A_1318 = arith.constant 0 : i32
    %gather3A_1319 = arith.constant 0 : i32
    %gather3A_1320 = tpu.memref_slice %arg12[%gather3A_1317, %gather3A_1318, %gather3A_1319] : memref<4x32x128xf32, #tpu.memory_space<vmem>> -> memref<1x32x128xf32, #tpu.memory_space<vmem>>
    %gather3A_1321 = tpu.memref_squeeze %gather3A_1320 : memref<1x32x128xf32, #tpu.memory_space<vmem>> -> memref<32x128xf32, #tpu.memory_space<vmem>>
    %gather3A_1322 = tpu.vector_load_idx %gather3A_1321[%iota3A, %broadcast_in_dim3A_1313] : memref<32x128xf32, #tpu.memory_space<vmem>>[vector<16xi32>, vector<16xi32>], vector<16xf32>,
    %swap3A_1323 = arith.constant 5 : i32
    %swap3A_1324 = arith.index_cast %swap3A_1323 : i32 to index
    %swap3A_1325 = arith.constant 0 : index
    %swap3A_1326 = tpu.vector_load %arg14[%swap3A_1324, %swap3A_1325] {strides = array<i32>} : memref<8x32xf32, #tpu.memory_space<vmem>>, vector<16xf32>,
    tpu.vector_store %arg14[%swap3A_1324, %swap3A_1325], %gather3A_1322 {strides = array<i32>} : memref<8x32xf32, #tpu.memory_space<vmem>>, vector<16xf32>,
    %add3A_1327 = arith.constant 16 : i32
    %add3A_1328 = vector.broadcast %add3A_1327 : i32 to vector<16xi32>
    %add3A_1329 = arith.addi %iota3A, %add3A_1328 : vector<16xi32>
    %gather3A_1330 = arith.constant 1 : i32
    %gather3A_1331 = arith.constant 0 : i32
    %gather3A_1332 = arith.constant 0 : i32
    %gather3A_1333 = tpu.memref_slice %arg12[%gather3A_1330, %gather3A_1331, %gather3A_1332] : memref<4x32x128xf32, #tpu.memory_space<vmem>> -> memref<1x32x128xf32, #tpu.memory_space<vmem>>
    %gather3A_1334 = tpu.memref_squeeze %gather3A_1333 : memref<1x32x128xf32, #tpu.memory_space<vmem>> -> memref<32x128xf32, #tpu.memory_space<vmem>>
    %gather3A_1335 = tpu.vector_load_idx %gather3A_1334[%add3A_1329, %broadcast_in_dim3A_1313] : memref<32x128xf32, #tpu.memory_space<vmem>>[vector<16xi32>, vector<16xi32>], vector<16xf32>,
    %swap3A_1336 = arith.constant 5 : i32
    %swap3A_1337 = arith.index_cast %swap3A_1336 : i32 to index
    %swap3A_1338 = arith.constant 16 : index
    %swap3A_1339 = tpu.vector_load %arg14[%swap3A_1337, %swap3A_1338] {strides = array<i32>} : memref<8x32xf32, #tpu.memory_space<vmem>>, vector<16xf32>,
    tpu.vector_store %arg14[%swap3A_1337, %swap3A_1338], %gather3A_1335 {strides = array<i32>} : memref<8x32xf32, #tpu.memory_space<vmem>>, vector<16xf32>,
    %gather3A_1340 = arith.constant 1 : i32
    %gather3A_1341 = arith.constant 0 : i32
    %gather3A_1342 = arith.constant 0 : i32
    %gather3A_1343 = tpu.memref_slice %arg13[%gather3A_1340, %gather3A_1341, %gather3A_1342] : memref<4x32x128xf32, #tpu.memory_space<vmem>> -> memref<1x32x128xf32, #tpu.memory_space<vmem>>
    %gather3A_1344 = tpu.memref_squeeze %gather3A_1343 : memref<1x32x128xf32, #tpu.memory_space<vmem>> -> memref<32x128xf32, #tpu.memory_space<vmem>>
    %gather3A_1345 = tpu.vector_load_idx %gather3A_1344[%iota3A, %broadcast_in_dim3A_1316] : memref<32x128xf32, #tpu.memory_space<vmem>>[vector<16xi32>, vector<16xi32>], vector<16xf32>,
    %swap3A_1346 = arith.constant 5 : i32
    %swap3A_1347 = arith.index_cast %swap3A_1346 : i32 to index
    %swap3A_1348 = arith.constant 0 : index
    %swap3A_1349 = tpu.vector_load %arg15[%swap3A_1347, %swap3A_1348] {strides = array<i32>} : memref<8x32xf32, #tpu.memory_space<vmem>>, vector<16xf32>,
    tpu.vector_store %arg15[%swap3A_1347, %swap3A_1348], %gather3A_1345 {strides = array<i32>} : memref<8x32xf32, #tpu.memory_space<vmem>>, vector<16xf32>,
    %add3A_1350 = arith.constant 16 : i32
    %add3A_1351 = vector.broadcast %add3A_1350 : i32 to vector<16xi32>
    %add3A_1352 = arith.addi %iota3A, %add3A_1351 : vector<16xi32>
    %gather3A_1353 = arith.constant 1 : i32
    %gather3A_1354 = arith.constant 0 : i32
    %gather3A_1355 = arith.constant 0 : i32
    %gather3A_1356 = tpu.memref_slice %arg13[%gather3A_1353, %gather3A_1354, %gather3A_1355] : memref<4x32x128xf32, #tpu.memory_space<vmem>> -> memref<1x32x128xf32, #tpu.memory_space<vmem>>
    %gather3A_1357 = tpu.memref_squeeze %gather3A_1356 : memref<1x32x128xf32, #tpu.memory_space<vmem>> -> memref<32x128xf32, #tpu.memory_space<vmem>>
    %gather3A_1358 = tpu.vector_load_idx %gather3A_1357[%add3A_1352, %broadcast_in_dim3A_1316] : memref<32x128xf32, #tpu.memory_space<vmem>>[vector<16xi32>, vector<16xi32>], vector<16xf32>,
    %swap3A_1359 = arith.constant 5 : i32
    %swap3A_1360 = arith.index_cast %swap3A_1359 : i32 to index
    %swap3A_1361 = arith.constant 16 : index
    %swap3A_1362 = tpu.vector_load %arg15[%swap3A_1360, %swap3A_1361] {strides = array<i32>} : memref<8x32xf32, #tpu.memory_space<vmem>>, vector<16xf32>,
    tpu.vector_store %arg15[%swap3A_1360, %swap3A_1361], %gather3A_1358 {strides = array<i32>} : memref<8x32xf32, #tpu.memory_space<vmem>>, vector<16xf32>,
    %slice3A_1363 = vector.extract_strided_slice %sub3A_1223 {offsets = [6], sizes = [1], strides = [1]} : vector<16xi32> to vector<1xi32>
    %squeeze3A_1364 = vector.extract %slice3A_1363[0] : i32 from vector<1xi32>
    %broadcast_in_dim3A_1365 = vector.broadcast %squeeze3A_1364 : i32 to vector<16xi32>
    %slice3A_1366 = vector.extract_strided_slice %sub3A_1258 {offsets = [6], sizes = [1], strides = [1]} : vector<16xi32> to vector<1xi32>
    %squeeze3A_1367 = vector.extract %slice3A_1366[0] : i32 from vector<1xi32>
    %broadcast_in_dim3A_1368 = vector.broadcast %squeeze3A_1367 : i32 to vector<16xi32>
    %gather3A_1369 = arith.constant 2 : i32
    %gather3A_1370 = arith.constant 0 : i32
    %gather3A_1371 = arith.constant 0 : i32
    %gather3A_1372 = tpu.memref_slice %arg12[%gather3A_1369, %gather3A_1370, %gather3A_1371] : memref<4x32x128xf32, #tpu.memory_space<vmem>> -> memref<1x32x128xf32, #tpu.memory_space<vmem>>
    %gather3A_1373 = tpu.memref_squeeze %gather3A_1372 : memref<1x32x128xf32, #tpu.memory_space<vmem>> -> memref<32x128xf32, #tpu.memory_space<vmem>>
    %gather3A_1374 = tpu.vector_load_idx %gather3A_1373[%iota3A, %broadcast_in_dim3A_1365] : memref<32x128xf32, #tpu.memory_space<vmem>>[vector<16xi32>, vector<16xi32>], vector<16xf32>,
    %swap3A_1375 = arith.constant 6 : i32
    %swap3A_1376 = arith.index_cast %swap3A_1375 : i32 to index
    %swap3A_1377 = arith.constant 0 : index
    %swap3A_1378 = tpu.vector_load %arg14[%swap3A_1376, %swap3A_1377] {strides = array<i32>} : memref<8x32xf32, #tpu.memory_space<vmem>>, vector<16xf32>,
    tpu.vector_store %arg14[%swap3A_1376, %swap3A_1377], %gather3A_1374 {strides = array<i32>} : memref<8x32xf32, #tpu.memory_space<vmem>>, vector<16xf32>,
    %add3A_1379 = arith.constant 16 : i32
    %add3A_1380 = vector.broadcast %add3A_1379 : i32 to vector<16xi32>
    %add3A_1381 = arith.addi %iota3A, %add3A_1380 : vector<16xi32>
    %gather3A_1382 = arith.constant 2 : i32
    %gather3A_1383 = arith.constant 0 : i32
    %gather3A_1384 = arith.constant 0 : i32
    %gather3A_1385 = tpu.memref_slice %arg12[%gather3A_1382, %gather3A_1383, %gather3A_1384] : memref<4x32x128xf32, #tpu.memory_space<vmem>> -> memref<1x32x128xf32, #tpu.memory_space<vmem>>
    %gather3A_1386 = tpu.memref_squeeze %gather3A_1385 : memref<1x32x128xf32, #tpu.memory_space<vmem>> -> memref<32x128xf32, #tpu.memory_space<vmem>>
    %gather3A_1387 = tpu.vector_load_idx %gather3A_1386[%add3A_1381, %broadcast_in_dim3A_1365] : memref<32x128xf32, #tpu.memory_space<vmem>>[vector<16xi32>, vector<16xi32>], vector<16xf32>,
    %swap3A_1388 = arith.constant 6 : i32
    %swap3A_1389 = arith.index_cast %swap3A_1388 : i32 to index
    %swap3A_1390 = arith.constant 16 : index
    %swap3A_1391 = tpu.vector_load %arg14[%swap3A_1389, %swap3A_1390] {strides = array<i32>} : memref<8x32xf32, #tpu.memory_space<vmem>>, vector<16xf32>,
    tpu.vector_store %arg14[%swap3A_1389, %swap3A_1390], %gather3A_1387 {strides = array<i32>} : memref<8x32xf32, #tpu.memory_space<vmem>>, vector<16xf32>,
    %gather3A_1392 = arith.constant 2 : i32
    %gather3A_1393 = arith.constant 0 : i32
    %gather3A_1394 = arith.constant 0 : i32
    %gather3A_1395 = tpu.memref_slice %arg13[%gather3A_1392, %gather3A_1393, %gather3A_1394] : memref<4x32x128xf32, #tpu.memory_space<vmem>> -> memref<1x32x128xf32, #tpu.memory_space<vmem>>
    %gather3A_1396 = tpu.memref_squeeze %gather3A_1395 : memref<1x32x128xf32, #tpu.memory_space<vmem>> -> memref<32x128xf32, #tpu.memory_space<vmem>>
    %gather3A_1397 = tpu.vector_load_idx %gather3A_1396[%iota3A, %broadcast_in_dim3A_1368] : memref<32x128xf32, #tpu.memory_space<vmem>>[vector<16xi32>, vector<16xi32>], vector<16xf32>,
    %swap3A_1398 = arith.constant 6 : i32
    %swap3A_1399 = arith.index_cast %swap3A_1398 : i32 to index
    %swap3A_1400 = arith.constant 0 : index
    %swap3A_1401 = tpu.vector_load %arg15[%swap3A_1399, %swap3A_1400] {strides = array<i32>} : memref<8x32xf32, #tpu.memory_space<vmem>>, vector<16xf32>,
    tpu.vector_store %arg15[%swap3A_1399, %swap3A_1400], %gather3A_1397 {strides = array<i32>} : memref<8x32xf32, #tpu.memory_space<vmem>>, vector<16xf32>,
    %add3A_1402 = arith.constant 16 : i32
    %add3A_1403 = vector.broadcast %add3A_1402 : i32 to vector<16xi32>
    %add3A_1404 = arith.addi %iota3A, %add3A_1403 : vector<16xi32>
    %gather3A_1405 = arith.constant 2 : i32
    %gather3A_1406 = arith.constant 0 : i32
    %gather3A_1407 = arith.constant 0 : i32
    %gather3A_1408 = tpu.memref_slice %arg13[%gather3A_1405, %gather3A_1406, %gather3A_1407] : memref<4x32x128xf32, #tpu.memory_space<vmem>> -> memref<1x32x128xf32, #tpu.memory_space<vmem>>
    %gather3A_1409 = tpu.memref_squeeze %gather3A_1408 : memref<1x32x128xf32, #tpu.memory_space<vmem>> -> memref<32x128xf32, #tpu.memory_space<vmem>>
    %gather3A_1410 = tpu.vector_load_idx %gather3A_1409[%add3A_1404, %broadcast_in_dim3A_1368] : memref<32x128xf32, #tpu.memory_space<vmem>>[vector<16xi32>, vector<16xi32>], vector<16xf32>,
    %swap3A_1411 = arith.constant 6 : i32
    %swap3A_1412 = arith.index_cast %swap3A_1411 : i32 to index
    %swap3A_1413 = arith.constant 16 : index
    %swap3A_1414 = tpu.vector_load %arg15[%swap3A_1412, %swap3A_1413] {strides = array<i32>} : memref<8x32xf32, #tpu.memory_space<vmem>>, vector<16xf32>,
    tpu.vector_store %arg15[%swap3A_1412, %swap3A_1413], %gather3A_1410 {strides = array<i32>} : memref<8x32xf32, #tpu.memory_space<vmem>>, vector<16xf32>,
    %slice3A_1415 = vector.extract_strided_slice %sub3A_1223 {offsets = [7], sizes = [1], strides = [1]} : vector<16xi32> to vector<1xi32>
    %squeeze3A_1416 = vector.extract %slice3A_1415[0] : i32 from vector<1xi32>
    %broadcast_in_dim3A_1417 = vector.broadcast %squeeze3A_1416 : i32 to vector<16xi32>
    %slice3A_1418 = vector.extract_strided_slice %sub3A_1258 {offsets = [7], sizes = [1], strides = [1]} : vector<16xi32> to vector<1xi32>
    %squeeze3A_1419 = vector.extract %slice3A_1418[0] : i32 from vector<1xi32>
    %broadcast_in_dim3A_1420 = vector.broadcast %squeeze3A_1419 : i32 to vector<16xi32>
    %gather3A_1421 = arith.constant 3 : i32
    %gather3A_1422 = arith.constant 0 : i32
    %gather3A_1423 = arith.constant 0 : i32
    %gather3A_1424 = tpu.memref_slice %arg12[%gather3A_1421, %gather3A_1422, %gather3A_1423] : memref<4x32x128xf32, #tpu.memory_space<vmem>> -> memref<1x32x128xf32, #tpu.memory_space<vmem>>
    %gather3A_1425 = tpu.memref_squeeze %gather3A_1424 : memref<1x32x128xf32, #tpu.memory_space<vmem>> -> memref<32x128xf32, #tpu.memory_space<vmem>>
    %gather3A_1426 = tpu.vector_load_idx %gather3A_1425[%iota3A, %broadcast_in_dim3A_1417] : memref<32x128xf32, #tpu.memory_space<vmem>>[vector<16xi32>, vector<16xi32>], vector<16xf32>,
    %swap3A_1427 = arith.constant 7 : i32
    %swap3A_1428 = arith.index_cast %swap3A_1427 : i32 to index
    %swap3A_1429 = arith.constant 0 : index
    %swap3A_1430 = tpu.vector_load %arg14[%swap3A_1428, %swap3A_1429] {strides = array<i32>} : memref<8x32xf32, #tpu.memory_space<vmem>>, vector<16xf32>,
    tpu.vector_store %arg14[%swap3A_1428, %swap3A_1429], %gather3A_1426 {strides = array<i32>} : memref<8x32xf32, #tpu.memory_space<vmem>>, vector<16xf32>,
    %add3A_1431 = arith.constant 16 : i32
    %add3A_1432 = vector.broadcast %add3A_1431 : i32 to vector<16xi32>
    %add3A_1433 = arith.addi %iota3A, %add3A_1432 : vector<16xi32>
    %gather3A_1434 = arith.constant 3 : i32
    %gather3A_1435 = arith.constant 0 : i32
    %gather3A_1436 = arith.constant 0 : i32
    %gather3A_1437 = tpu.memref_slice %arg12[%gather3A_1434, %gather3A_1435, %gather3A_1436] : memref<4x32x128xf32, #tpu.memory_space<vmem>> -> memref<1x32x128xf32, #tpu.memory_space<vmem>>
    %gather3A_1438 = tpu.memref_squeeze %gather3A_1437 : memref<1x32x128xf32, #tpu.memory_space<vmem>> -> memref<32x128xf32, #tpu.memory_space<vmem>>
    %gather3A_1439 = tpu.vector_load_idx %gather3A_1438[%add3A_1433, %broadcast_in_dim3A_1417] : memref<32x128xf32, #tpu.memory_space<vmem>>[vector<16xi32>, vector<16xi32>], vector<16xf32>,
    %swap3A_1440 = arith.constant 7 : i32
    %swap3A_1441 = arith.index_cast %swap3A_1440 : i32 to index
    %swap3A_1442 = arith.constant 16 : index
    %swap3A_1443 = tpu.vector_load %arg14[%swap3A_1441, %swap3A_1442] {strides = array<i32>} : memref<8x32xf32, #tpu.memory_space<vmem>>, vector<16xf32>,
    tpu.vector_store %arg14[%swap3A_1441, %swap3A_1442], %gather3A_1439 {strides = array<i32>} : memref<8x32xf32, #tpu.memory_space<vmem>>, vector<16xf32>,
    %gather3A_1444 = arith.constant 3 : i32
    %gather3A_1445 = arith.constant 0 : i32
    %gather3A_1446 = arith.constant 0 : i32
    %gather3A_1447 = tpu.memref_slice %arg13[%gather3A_1444, %gather3A_1445, %gather3A_1446] : memref<4x32x128xf32, #tpu.memory_space<vmem>> -> memref<1x32x128xf32, #tpu.memory_space<vmem>>
    %gather3A_1448 = tpu.memref_squeeze %gather3A_1447 : memref<1x32x128xf32, #tpu.memory_space<vmem>> -> memref<32x128xf32, #tpu.memory_space<vmem>>
    %gather3A_1449 = tpu.vector_load_idx %gather3A_1448[%iota3A, %broadcast_in_dim3A_1420] : memref<32x128xf32, #tpu.memory_space<vmem>>[vector<16xi32>, vector<16xi32>], vector<16xf32>,
    %swap3A_1450 = arith.constant 7 : i32
    %swap3A_1451 = arith.index_cast %swap3A_1450 : i32 to index
    %swap3A_1452 = arith.constant 0 : index
    %swap3A_1453 = tpu.vector_load %arg15[%swap3A_1451, %swap3A_1452] {strides = array<i32>} : memref<8x32xf32, #tpu.memory_space<vmem>>, vector<16xf32>,
    tpu.vector_store %arg15[%swap3A_1451, %swap3A_1452], %gather3A_1449 {strides = array<i32>} : memref<8x32xf32, #tpu.memory_space<vmem>>, vector<16xf32>,
    %add3A_1454 = arith.constant 16 : i32
    %add3A_1455 = vector.broadcast %add3A_1454 : i32 to vector<16xi32>
    %add3A_1456 = arith.addi %iota3A, %add3A_1455 : vector<16xi32>
    %gather3A_1457 = arith.constant 3 : i32
    %gather3A_1458 = arith.constant 0 : i32
    %gather3A_1459 = arith.constant 0 : i32
    %gather3A_1460 = tpu.memref_slice %arg13[%gather3A_1457, %gather3A_1458, %gather3A_1459] : memref<4x32x128xf32, #tpu.memory_space<vmem>> -> memref<1x32x128xf32, #tpu.memory_space<vmem>>
    %gather3A_1461 = tpu.memref_squeeze %gather3A_1460 : memref<1x32x128xf32, #tpu.memory_space<vmem>> -> memref<32x128xf32, #tpu.memory_space<vmem>>
    %gather3A_1462 = tpu.vector_load_idx %gather3A_1461[%add3A_1456, %broadcast_in_dim3A_1420] : memref<32x128xf32, #tpu.memory_space<vmem>>[vector<16xi32>, vector<16xi32>], vector<16xf32>,
    %swap3A_1463 = arith.constant 7 : i32
    %swap3A_1464 = arith.index_cast %swap3A_1463 : i32 to index
    %swap3A_1465 = arith.constant 16 : index
    %swap3A_1466 = tpu.vector_load %arg15[%swap3A_1464, %swap3A_1465] {strides = array<i32>} : memref<8x32xf32, #tpu.memory_space<vmem>>, vector<16xf32>,
    tpu.vector_store %arg15[%swap3A_1464, %swap3A_1465], %gather3A_1462 {strides = array<i32>} : memref<8x32xf32, #tpu.memory_space<vmem>>, vector<16xf32>,
    %add3A_1467 = arith.constant 504 : i32
    %add3A_1468 = arith.addi %mul3A_2, %add3A_1467 : i32
    "tpu.region"() ({
      %run_scoped3A = tpu.sem_alloc : memref<!tpu.dma_semaphore, #tpu.memory_space<semaphore_mem>>
      %dma_start3A_1471 = arith.constant 0 : i32
      %dma_start3A_1472 = tpu.memref_slice %arg6[%add3A_1468, %dma_start3A_1471] : memref<16384x32xf32, #tpu.memory_space<hbm>> -> memref<8x32xf32, #tpu.memory_space<hbm>>
      %dma_start3A_1473 = arith.constant 0 : i32
      %dma_start3A_1474 = tpu.memref_slice %arg6[%add3A_1468, %dma_start3A_1473] : memref<16384x32xf32, #tpu.memory_space<hbm>> -> memref<8x32xf32, #tpu.memory_space<hbm>>
      tpu.enqueue_dma source(%arg14 : memref<8x32xf32, #tpu.memory_space<vmem>>) target(%dma_start3A_1474 : memref<8x32xf32, #tpu.memory_space<hbm>>) target_semaphore(%run_scoped3A : memref<!tpu.dma_semaphore, #tpu.memory_space<semaphore_mem>>)
      %dma_wait3A_1475 = arith.constant 0 : i32
      %dma_wait3A_1476 = tpu.memref_slice %arg6[%add3A_1468, %dma_wait3A_1475] : memref<16384x32xf32, #tpu.memory_space<hbm>> -> memref<8x32xf32, #tpu.memory_space<hbm>>
      %dma_wait3A_1477 = arith.constant 0 : i32
      %dma_wait3A_1478 = tpu.memref_slice %arg6[%add3A_1468, %dma_wait3A_1477] : memref<16384x32xf32, #tpu.memory_space<hbm>> -> memref<8x32xf32, #tpu.memory_space<hbm>>
      tpu.wait_dma2 semaphore(%run_scoped3A : memref<!tpu.dma_semaphore, #tpu.memory_space<semaphore_mem>>) src(%arg14 : memref<8x32xf32, #tpu.memory_space<vmem>>) dst(%dma_wait3A_1478 : memref<8x32xf32, #tpu.memory_space<hbm>>)
      tpu.yield
    }) : () -> ()
    %add3A_1469 = arith.constant 504 : i32
    %add3A_1470 = arith.addi %mul3A_2, %add3A_1469 : i32
    "tpu.region"() ({
      %run_scoped3A = tpu.sem_alloc : memref<!tpu.dma_semaphore, #tpu.memory_space<semaphore_mem>>
      %dma_start3A_1471 = arith.constant 0 : i32
      %dma_start3A_1472 = tpu.memref_slice %arg7[%add3A_1470, %dma_start3A_1471] : memref<16384x32xf32, #tpu.memory_space<hbm>> -> memref<8x32xf32, #tpu.memory_space<hbm>>
      %dma_start3A_1473 = arith.constant 0 : i32
      %dma_start3A_1474 = tpu.memref_slice %arg7[%add3A_1470, %dma_start3A_1473] : memref<16384x32xf32, #tpu.memory_space<hbm>> -> memref<8x32xf32, #tpu.memory_space<hbm>>
      tpu.enqueue_dma source(%arg15 : memref<8x32xf32, #tpu.memory_space<vmem>>) target(%dma_start3A_1474 : memref<8x32xf32, #tpu.memory_space<hbm>>) target_semaphore(%run_scoped3A : memref<!tpu.dma_semaphore, #tpu.memory_space<semaphore_mem>>)
      %dma_wait3A_1475 = arith.constant 0 : i32
      %dma_wait3A_1476 = tpu.memref_slice %arg7[%add3A_1470, %dma_wait3A_1475] : memref<16384x32xf32, #tpu.memory_space<hbm>> -> memref<8x32xf32, #tpu.memory_space<hbm>>
      %dma_wait3A_1477 = arith.constant 0 : i32
      %dma_wait3A_1478 = tpu.memref_slice %arg7[%add3A_1470, %dma_wait3A_1477] : memref<16384x32xf32, #tpu.memory_space<hbm>> -> memref<8x32xf32, #tpu.memory_space<hbm>>
      tpu.wait_dma2 semaphore(%run_scoped3A : memref<!tpu.dma_semaphore, #tpu.memory_space<semaphore_mem>>) src(%arg15 : memref<8x32xf32, #tpu.memory_space<vmem>>) dst(%dma_wait3A_1478 : memref<8x32xf32, #tpu.memory_space<hbm>>)
      tpu.yield
    }) : () -> ()
    return
  }
}

module attributes {stable_mosaic.version = 14 : i64} {
  func.func @_mlp_body(%arg0: i32, %arg1: memref<1024x32xf32, #tpu.memory_space<vmem>>, %arg2: memref<1024x32xf32, #tpu.memory_space<vmem>>, %arg3: memref<1024x128xf32, #tpu.memory_space<vmem>>, %arg4: memref<1024x128xf32, #tpu.memory_space<vmem>>, %arg5: memref<256x128xf32, #tpu.memory_space<vmem>>, %arg6: memref<1x128xf32, #tpu.memory_space<vmem>>, %arg7: memref<128x64xf32, #tpu.memory_space<vmem>>, %arg8: memref<1x64xf32, #tpu.memory_space<vmem>>, %arg9: memref<64x32xf32, #tpu.memory_space<vmem>>, %arg10: memref<1x32xf32, #tpu.memory_space<vmem>>, %arg11: memref<64x1xf32, #tpu.memory_space<vmem>>, %arg12: memref<1x1xf32, #tpu.memory_space<vmem>>, %arg13: memref<1x1024xf32, #tpu.memory_space<vmem>>) attributes {dimension_semantics = [#tpu.dimension_semantics<arbitrary>], iteration_bounds = array<i64: 16>, scalar_prefetch = 0 : i64, scratch_operands = 0 : i64, tpu.core_type = #tpu.core_type<tc>, window_params = [{transform_indices = @transform_0, window_bounds = array<i64: 1024, 32>}, {transform_indices = @transform_1, window_bounds = array<i64: 1024, 32>}, {transform_indices = @transform_2, window_bounds = array<i64: 1024, 128>}, {transform_indices = @transform_3, window_bounds = array<i64: 1024, 128>}, {pipeline_mode = #tpu.pipeline_mode<synchronous>, transform_indices = @transform_4, window_bounds = array<i64: 256, 128>}, {pipeline_mode = #tpu.pipeline_mode<synchronous>, transform_indices = @transform_5, window_bounds = array<i64: 1, 128>}, {pipeline_mode = #tpu.pipeline_mode<synchronous>, transform_indices = @transform_6, window_bounds = array<i64: 128, 64>}, {pipeline_mode = #tpu.pipeline_mode<synchronous>, transform_indices = @transform_7, window_bounds = array<i64: 1, 64>}, {pipeline_mode = #tpu.pipeline_mode<synchronous>, transform_indices = @transform_8, window_bounds = array<i64: 64, 32>}, {pipeline_mode = #tpu.pipeline_mode<synchronous>, transform_indices = @transform_9, window_bounds = array<i64: 1, 32>}, {pipeline_mode = #tpu.pipeline_mode<synchronous>, transform_indices = @transform_10, window_bounds = array<i64: 64, 1>}, {pipeline_mode = #tpu.pipeline_mode<synchronous>, transform_indices = @transform_11, window_bounds = array<i64: 1, 1>}, {transform_indices = @transform_12, window_bounds = array<i64: 1, 1024>}]} {
    %get3A = arith.constant 0 : index
    %get3A_0 = arith.constant 0 : index
    %get3A_1 = vector.load %arg3[%get3A, %get3A_0] : memref<1024x128xf32, #tpu.memory_space<vmem>>, vector<1024x128xf32>
    %get3A_2 = arith.constant 0 : index
    %get3A_3 = arith.constant 0 : index
    %get3A_4 = vector.load %arg5[%get3A_2, %get3A_3] : memref<256x128xf32, #tpu.memory_space<vmem>>, vector<128x128xf32>
    %dot_general3A = arith.constant dense<0.000000e+00> : vector<1024x128xf32>
    %dot_general3A_5 = tpu.matmul %get3A_1, %get3A_4, %dot_general3A {dimension_numbers = #tpu.dot_dimension_numbers<[1], [0], [0], [1], [0, 0, 1, 1], [], []>, transpose_lhs_hint = false} : vector<1024x128xf32>, vector<128x128xf32>, vector<1024x128xf32> -> vector<1024x128xf32>
    %get3A_6 = arith.constant 0 : index
    %get3A_7 = arith.constant 0 : index
    %get3A_8 = vector.load %arg4[%get3A_6, %get3A_7] : memref<1024x128xf32, #tpu.memory_space<vmem>>, vector<1024x128xf32>
    %get3A_9 = arith.constant 128 : index
    %get3A_10 = arith.constant 0 : index
    %get3A_11 = vector.load %arg5[%get3A_9, %get3A_10] : memref<256x128xf32, #tpu.memory_space<vmem>>, vector<128x128xf32>
    %dot_general3A_12 = arith.constant dense<0.000000e+00> : vector<1024x128xf32>
    %dot_general3A_13 = tpu.matmul %get3A_8, %get3A_11, %dot_general3A_12 {dimension_numbers = #tpu.dot_dimension_numbers<[1], [0], [0], [1], [0, 0, 1, 1], [], []>, transpose_lhs_hint = false} : vector<1024x128xf32>, vector<128x128xf32>, vector<1024x128xf32> -> vector<1024x128xf32>
    %add3A = arith.addf %dot_general3A_5, %dot_general3A_13 : vector<1024x128xf32>
    %get3A_14 = arith.constant 0 : index
    %get3A_15 = arith.constant 0 : index
    %get3A_16 = vector.load %arg6[%get3A_14, %get3A_15] : memref<1x128xf32, #tpu.memory_space<vmem>>, vector<1x128xf32>
    %add3A_17 = vector.broadcast %get3A_16 : vector<1x128xf32> to vector<1024x128xf32>
    %add3A_18 = arith.addf %add3A, %add3A_17 : vector<1024x128xf32>
    %max3A = arith.constant 0.000000e+00 : f32
    %max3A_19 = vector.broadcast %max3A : f32 to vector<1024x128xf32>
    %max3A_20 = arith.maximumf %add3A_18, %max3A_19 : vector<1024x128xf32>
    %get3A_21 = arith.constant 0 : index
    %get3A_22 = arith.constant 0 : index
    %get3A_23 = vector.load %arg7[%get3A_21, %get3A_22] : memref<128x64xf32, #tpu.memory_space<vmem>>, vector<128x64xf32>
    %dot_general3A_24 = arith.constant dense<0.000000e+00> : vector<1024x64xf32>
    %dot_general3A_25 = tpu.matmul %max3A_20, %get3A_23, %dot_general3A_24 {dimension_numbers = #tpu.dot_dimension_numbers<[1], [0], [0], [1], [0, 0, 1, 1], [], []>, transpose_lhs_hint = false} : vector<1024x128xf32>, vector<128x64xf32>, vector<1024x64xf32> -> vector<1024x64xf32>
    %get3A_26 = arith.constant 0 : index
    %get3A_27 = arith.constant 0 : index
    %get3A_28 = vector.load %arg8[%get3A_26, %get3A_27] : memref<1x64xf32, #tpu.memory_space<vmem>>, vector<1x64xf32>
    %add3A_29 = vector.broadcast %get3A_28 : vector<1x64xf32> to vector<1024x64xf32>
    %add3A_30 = arith.addf %dot_general3A_25, %add3A_29 : vector<1024x64xf32>
    %max3A_31 = arith.constant 0.000000e+00 : f32
    %max3A_32 = vector.broadcast %max3A_31 : f32 to vector<1024x64xf32>
    %max3A_33 = arith.maximumf %add3A_30, %max3A_32 : vector<1024x64xf32>
    %get3A_34 = arith.constant 0 : index
    %get3A_35 = arith.constant 0 : index
    %get3A_36 = vector.load %arg9[%get3A_34, %get3A_35] : memref<64x32xf32, #tpu.memory_space<vmem>>, vector<64x32xf32>
    %dot_general3A_37 = arith.constant dense<0.000000e+00> : vector<1024x32xf32>
    %dot_general3A_38 = tpu.matmul %max3A_33, %get3A_36, %dot_general3A_37 {dimension_numbers = #tpu.dot_dimension_numbers<[1], [0], [0], [1], [0, 0, 1, 1], [], []>, transpose_lhs_hint = false} : vector<1024x64xf32>, vector<64x32xf32>, vector<1024x32xf32> -> vector<1024x32xf32>
    %get3A_39 = arith.constant 0 : index
    %get3A_40 = arith.constant 0 : index
    %get3A_41 = vector.load %arg10[%get3A_39, %get3A_40] : memref<1x32xf32, #tpu.memory_space<vmem>>, vector<1x32xf32>
    %add3A_42 = vector.broadcast %get3A_41 : vector<1x32xf32> to vector<1024x32xf32>
    %add3A_43 = arith.addf %dot_general3A_38, %add3A_42 : vector<1024x32xf32>
    %max3A_44 = arith.constant 0.000000e+00 : f32
    %max3A_45 = vector.broadcast %max3A_44 : f32 to vector<1024x32xf32>
    %max3A_46 = arith.maximumf %add3A_43, %max3A_45 : vector<1024x32xf32>
    %get3A_47 = arith.constant 32 : index
    %get3A_48 = arith.constant 0 : index
    %get3A_49 = vector.load %arg11[%get3A_47, %get3A_48] : memref<64x1xf32, #tpu.memory_space<vmem>>, vector<32x1xf32>
    %dot_general3A_50 = arith.constant dense<0.000000e+00> : vector<1x1024xf32>
    %dot_general3A_51 = tpu.matmul %get3A_49, %max3A_46, %dot_general3A_50 {dimension_numbers = #tpu.dot_dimension_numbers<[0], [1], [1], [0], [0, 1, 1, 0], [], []>, transpose_lhs_hint = false} : vector<32x1xf32>, vector<1024x32xf32>, vector<1x1024xf32> -> vector<1x1024xf32>
    %get3A_52 = arith.constant 0 : index
    %get3A_53 = arith.constant 0 : index
    %get3A_54 = vector.load %arg11[%get3A_52, %get3A_53] : memref<64x1xf32, #tpu.memory_space<vmem>>, vector<32x1xf32>
    %get3A_55 = arith.constant 0 : index
    %get3A_56 = arith.constant 0 : index
    %get3A_57 = vector.load %arg1[%get3A_55, %get3A_56] : memref<1024x32xf32, #tpu.memory_space<vmem>>, vector<1024x32xf32>
    %get3A_58 = arith.constant 0 : index
    %get3A_59 = arith.constant 0 : index
    %get3A_60 = vector.load %arg2[%get3A_58, %get3A_59] : memref<1024x32xf32, #tpu.memory_space<vmem>>, vector<1024x32xf32>
    %mul3A = arith.mulf %get3A_57, %get3A_60 : vector<1024x32xf32>
    %dot_general3A_61 = arith.constant dense<0.000000e+00> : vector<1x1024xf32>
    %dot_general3A_62 = tpu.matmul %get3A_54, %mul3A, %dot_general3A_61 {dimension_numbers = #tpu.dot_dimension_numbers<[0], [1], [1], [0], [0, 1, 1, 0], [], []>, transpose_lhs_hint = false} : vector<32x1xf32>, vector<1024x32xf32>, vector<1x1024xf32> -> vector<1x1024xf32>
    %add3A_63 = arith.addf %dot_general3A_51, %dot_general3A_62 : vector<1x1024xf32>
    %get3A_64 = arith.constant 0 : index
    %get3A_65 = arith.constant 0 : index
    %get3A_66 = vector.load %arg12[%get3A_64, %get3A_65] : memref<1x1xf32, #tpu.memory_space<vmem>>, vector<1x1xf32>
    %add3A_67 = vector.broadcast %get3A_66 : vector<1x1xf32> to vector<1x1024xf32>
    %add3A_68 = arith.addf %add3A_63, %add3A_67 : vector<1x1024xf32>
    %swap3A = arith.constant 0 : index
    %swap3A_69 = arith.constant 0 : index
    %swap3A_70 = vector.load %arg13[%swap3A, %swap3A_69] : memref<1x1024xf32, #tpu.memory_space<vmem>>, vector<1x1024xf32>
    tpu.vector_store %arg13[%swap3A, %swap3A_69], %add3A_68 {strides = array<i32>} : memref<1x1024xf32, #tpu.memory_space<vmem>>, vector<1x1024xf32>,
    return
  }
  func.func @transform_0(%arg0: i32) -> (i32, i32) {
    %c0_i32 = arith.constant 0 : i32
    %c0_i32_0 = arith.constant 0 : i32
    return %arg0, %c0_i32 : i32, i32
  }
  func.func @transform_1(%arg0: i32) -> (i32, i32) {
    %c0_i32 = arith.constant 0 : i32
    %c0_i32_0 = arith.constant 0 : i32
    return %arg0, %c0_i32 : i32, i32
  }
  func.func @transform_2(%arg0: i32) -> (i32, i32) {
    %c0_i32 = arith.constant 0 : i32
    %c0_i32_0 = arith.constant 0 : i32
    return %arg0, %c0_i32 : i32, i32
  }
  func.func @transform_3(%arg0: i32) -> (i32, i32) {
    %c0_i32 = arith.constant 0 : i32
    %c0_i32_0 = arith.constant 0 : i32
    return %arg0, %c0_i32 : i32, i32
  }
  func.func @transform_4(%arg0: i32) -> (i32, i32) {
    %c0_i32 = arith.constant 0 : i32
    %c0_i32_0 = arith.constant 0 : i32
    %c0_i32_1 = arith.constant 0 : i32
    return %c0_i32, %c0_i32_0 : i32, i32
  }
  func.func @transform_5(%arg0: i32) -> (i32, i32) {
    %c0_i32 = arith.constant 0 : i32
    %c0_i32_0 = arith.constant 0 : i32
    %c0_i32_1 = arith.constant 0 : i32
    return %c0_i32, %c0_i32_0 : i32, i32
  }
  func.func @transform_6(%arg0: i32) -> (i32, i32) {
    %c0_i32 = arith.constant 0 : i32
    %c0_i32_0 = arith.constant 0 : i32
    %c0_i32_1 = arith.constant 0 : i32
    return %c0_i32, %c0_i32_0 : i32, i32
  }
  func.func @transform_7(%arg0: i32) -> (i32, i32) {
    %c0_i32 = arith.constant 0 : i32
    %c0_i32_0 = arith.constant 0 : i32
    %c0_i32_1 = arith.constant 0 : i32
    return %c0_i32, %c0_i32_0 : i32, i32
  }
  func.func @transform_8(%arg0: i32) -> (i32, i32) {
    %c0_i32 = arith.constant 0 : i32
    %c0_i32_0 = arith.constant 0 : i32
    %c0_i32_1 = arith.constant 0 : i32
    return %c0_i32, %c0_i32_0 : i32, i32
  }
  func.func @transform_9(%arg0: i32) -> (i32, i32) {
    %c0_i32 = arith.constant 0 : i32
    %c0_i32_0 = arith.constant 0 : i32
    %c0_i32_1 = arith.constant 0 : i32
    return %c0_i32, %c0_i32_0 : i32, i32
  }
  func.func @transform_10(%arg0: i32) -> (i32, i32) {
    %c0_i32 = arith.constant 0 : i32
    %c0_i32_0 = arith.constant 0 : i32
    %c0_i32_1 = arith.constant 0 : i32
    return %c0_i32, %c0_i32_0 : i32, i32
  }
  func.func @transform_11(%arg0: i32) -> (i32, i32) {
    %c0_i32 = arith.constant 0 : i32
    %c0_i32_0 = arith.constant 0 : i32
    %c0_i32_1 = arith.constant 0 : i32
    return %c0_i32, %c0_i32_0 : i32, i32
  }
  func.func @transform_12(%arg0: i32) -> (i32, i32) {
    %c0_i32 = arith.constant 0 : i32
    %c0_i32_0 = arith.constant 0 : i32
    return %c0_i32, %arg0 : i32, i32
  }
}

</mosaic_0001>

<sc_bundles>
// kernel: kernel.5.cloned.1.call-start
scs
__scs_entry_jumppad:
0x0: {  	(pc) =	sbr.rel $0x88, $3  }
0x1: {  	(tag) =	ssettag $0x0;
	lr =	simm.s32 $0x1  }
0x2: {  	[smem:$0x3F93] =	sst lr;
	_ =	strace $0xD0000000  }
0x3: {  	_ = 	snop  }
0x4: {  	_ = 	snop  }
0x5: {  	_ = 	snop  }
0x6: {  	_ = 	snop  }
0x7: {  	_ = 	snop  }
__scs_overlays_trampoline_lowered:
0x8: {  	[smem:$0x3FA2] =	sst s0  }
0x9: {  	[smem:$0x3FA3] =	sst s1  }
0xa: {  	[smem:$0x3FA4] =	sst s2  }
0xb: {  	[smem:$0x3FA5] =	sst s3  }
0xc: {  	[smem:$0x3FA6] =	sst s4  }
0xd: {  	[smem:$0x3FA7] =	sst s5  }
0xe: {  	[smem:$0x3FA8] =	sst s6  }
0xf: {  	[smem:$0x3FA9] =	sst s7  }
0x10: {  	[smem:$0x3FAA] =	sst s8  }
0x11: {  	[smem:$0x3FAB] =	sst s9;
	s0 =	simm.s32 @!p0 $0x0  }
0x12: {  	s1 =	sld [smem:$0x3F91];
	s0 =	simm.s32 @p0 $0x1  }
0x13: {  	[smem:$0x3FAC] =	sst s0;
	s0 =	simm.s32 @!p1 $0x0  }
0x14: {  	s2 =	sld [smem:$0x3F90];
	s0 =	simm.s32 @p1 $0x1  }
0x15: {  	[smem:$0x3FAD] =	sst s0;
	s0 =	simm.s32 @!p2 $0x0  }
0x16: {  	s3 =	sld [smem:$0x3FDB];
	s0 =	simm.s32 @p2 $0x1  }
0x17: {  	s4 =	simm.s32 $0x1BF5;
	[smem:$0x3FAF] =	sst s0  }
0x18: {  	s0 =	sld [smem:$0x3F92];
	_ =	swait.ge [sflag:s4], $0x0  }
0x19: {  	s7 =	sld [smem:$0x3F93]  }
0x1a: {  	s8 =	sadd.s32 $0xFFFFE003, lr  }
0x1b: {  	s9 =	sadd.s32 $0xFFFFFEF7, lr;
	s5 =	simm.s32 $0xFFFFFFFF;
	p2 =	slt.u32 s8, $0xFFFFF086  }
0x1c: {  	p1 =	slt.u32 s9, $0xF7A;
	s5 =	simm.s32 @!p2 $0x0  }
0x1d: {  	s5 =	simm.s32 @p1 $0x1;
	p0 =	seq.s32 s7, s2  }
0x1e: {  	s7 =	smul.u32 @!p0 $0xF7A, s2;
	p2 =	seq.s32 @!p0 s5, $0x0  }
0x1f: {  	s9 =	smul.u32 $0xF7A, s1;
	s8 =	simm.s32 @!p0 $0x1BF5;
	p2 =	por !p2, p0  }
0x20: {  	[sflag:s8] =	ssyncset.s32 @!p0 $0xFFFFF086;
	s6 =	sadd.s32 @!p0 s3, s7;
	s7 =	simm.s32 @!p0 $0x108  }
0x21: {  	s3 =	sadd.s32 s3, s9;
	s6 =	sadd.s32 @!p0 $0x88, s6;
	s7 =	simm.s32 @p2 $0x1082  }
0x22: {  	[simem:s7], [sflag:s8] =	dma.local @!p0 [hbm:s6], $0xF7A  }
0x23: {  	s9 =	sor.u32 $0xD0000000, s2;
	s6 =	simm.s32 $0x108;
	_ =	swait.ge @!p0 [sflag:s8], $0x0  }
0x24: {  	s3 =	sadd.s32 $0x88, s3;
	s6 =	simm.s32 @!p1 $0x1082;
	[sflag:s4] =	ssyncset.s32 $0xFFFFF086  }
0x25: {  	[simem:s6], [sflag:s4] =	dma.local [hbm:s3], $0xF7A  }
0x26: {  	[smem:$0x3F93] =	sst s1;
	(tag) =	ssettag s2;
	_ =	strace s9  }
0x27: {  	s1 =	sld [smem:$0x3FA3]  }
0x28: {  	s2 =	sld [smem:$0x3FA4]  }
0x29: {  	s4 =	sld [smem:$0x3FA6]  }
0x2a: {  	p0 =	seq.s32 s5, $0x0;
	s5 =	sld [smem:$0x3FA7]  }
0x2b: {  	s6 =	sld [smem:$0x3FA8]  }
0x2c: {  	s7 =	sld [smem:$0x3FA9]  }
0x2d: {  	s3 =	simm.s32 $0x108;
	s8 =	sld [smem:$0x3FAA]  }
0x2e: {  	s3 =	simm.s32 @!p0 $0x1082;
	s9 =	sld [smem:$0x3FAB]  }
0x2f: {  	lr =	sadd.s32 s0, s3;
	s0 =	sld [smem:$0x3FA2]  }
0x30: {  	s3 =	sld [smem:$0x3FA5]  }
0x31: {  	[smem:$0x3FAE] =	sst s10  }
0x32: {  	s10 =	sld [smem:$0x3FAC];
	_ =	sdelay $0x3  }
0x33: {  	p0 =	seq.s32 s10, $0x1;
	s10 =	sld [smem:$0x3FAE];
	_ =	sdelay $0x3  }
0x34: {  	[smem:$0x3FAE] =	sst s10  }
0x35: {  	s10 =	sld [smem:$0x3FAD];
	_ =	sdelay $0x3  }
0x36: {  	p1 =	seq.s32 s10, $0x1;
	s10 =	sld [smem:$0x3FAE];
	_ =	sdelay $0x3  }
0x37: {  	[smem:$0x3FAE] =	sst s10  }
0x38: {  	s10 =	sld [smem:$0x3FAF]  }
0x39: {  	_ = 	snop;
	(pc) =	sbr.ind lr, $3  }
0x3a: {  	_ = 	snop  }
0x3b: {  	_ = 	snop  }
0x3c: {  	p2 =	seq.s32 s10, $0x1;
	s10 =	sld [smem:$0x3FAE]  }
0x3d: {  	_ =	shalt  }
0x3e: {  	_ =	shalt  }
0x3f: {  	_ =	shalt  }
0x40: {  	_ =	shalt  }
0x41: {  	_ =	shalt  }
0x42: {  	_ =	shalt  }
0x43: {  	_ =	shalt  }
0x44: {  	_ =	shalt  }
0x45: {  	_ =	shalt  }
0x46: {  	_ =	shalt  }
0x47: {  	_ =	shalt  }
0x48: {  	_ =	shalt  }
0x49: {  	_ =	shalt  }
0x4a: {  	_ =	shalt  }
0x4b: {  	_ =	shalt  }
0x4c: {  	_ =	shalt  }
0x4d: {  	_ =	shalt  }
0x4e: {  	_ =	shalt  }
0x4f: {  	_ =	shalt  }
0x50: {  	_ =	shalt  }
0x51: {  	_ =	shalt  }
0x52: {  	_ =	shalt  }
0x53: {  	_ =	shalt  }
0x54: {  	_ =	shalt  }
0x55: {  	_ =	shalt  }
0x56: {  	_ =	shalt  }
0x57: {  	_ =	shalt  }
0x58: {  	_ =	shalt  }
0x59: {  	_ =	shalt  }
0x5a: {  	_ =	shalt  }
0x5b: {  	_ =	shalt  }
0x5c: {  	_ =	shalt  }
0x5d: {  	_ =	shalt  }
0x5e: {  	_ =	shalt  }
0x5f: {  	_ =	shalt  }
0x60: {  	_ =	shalt  }
0x61: {  	_ =	shalt  }
0x62: {  	_ =	shalt  }
0x63: {  	_ =	shalt  }
0x64: {  	_ =	shalt  }
0x65: {  	_ =	shalt  }
0x66: {  	_ =	shalt  }
0x67: {  	_ =	shalt  }
0x68: {  	_ =	shalt  }
0x69: {  	_ =	shalt  }
0x6a: {  	_ =	shalt  }
0x6b: {  	_ =	shalt  }
0x6c: {  	_ =	shalt  }
0x6d: {  	_ =	shalt  }
0x6e: {  	_ =	shalt  }
0x6f: {  	_ =	shalt  }
0x70: {  	_ =	shalt  }
0x71: {  	_ =	shalt  }
0x72: {  	_ =	shalt  }
0x73: {  	_ =	shalt  }
0x74: {  	_ =	shalt  }
0x75: {  	_ =	shalt  }
0x76: {  	_ =	shalt  }
0x77: {  	_ =	shalt  }
0x78: {  	_ =	shalt  }
0x79: {  	_ =	shalt  }
0x7a: {  	_ =	shalt  }
0x7b: {  	_ =	shalt  }
0x7c: {  	_ =	shalt  }
0x7d: {  	_ =	shalt  }
0x7e: {  	_ =	shalt  }
0x7f: {  	_ =	shalt  }
0x80: {  	_ =	shalt  }
0x81: {  	_ =	shalt  }
0x82: {  	_ =	shalt  }
0x83: {  	_ =	shalt  }
0x84: {  	_ =	shalt  }
0x85: {  	_ =	shalt  }
0x86: {  	_ =	shalt  }
0x87: {  	_ =	shalt  }
.Lfunc_end0:
.L_simem_size_0:
called_computation_lowered:
.L_overlay_start_0:
0x88: {  	s2 =	sld [smem:$0x3FD9]  }
0x89: {  	s3 =	sld [smem:$0x3FFE];
	_ =	sdelay $0x1  }
0x8a: {  	s1 =	srdreg.scid  }
0x8b: {  	s0 =	sand.u32 $0x1, s1  }
0x8c: {  	s17 =	sshll.u32 s0, $0xA;
	s2 =	sadd.s32 s3, s2  }
0x8d: {  	s2 =	sadd.s32 s2, s17  }
0x8e: {  	[smem:$0x3FBA] =	sst s2  }
0x8f: {  	_ = 	snop  }
0x90: {  	s2 =	sld [smem:$0x3FC5]  }
0x91: {  	s18 =	sld [smem:$0x3FC4]  }
0x92: {  	s4 =	sld [smem:$0x3FD0];
	(tm) =	ssettm $0x1  }
0x93: {  	s5 =	sld [smem:$0x3FFB];
	_ =	sdelay $0x3  }
0x94: {  	_ =	strace s5  }
0x95: {  	s5 =	sld [smem:$0x3FFC];
	_ =	sdelay $0x3  }
0x96: {  	_ =	strace s5  }
0x97: {  	s5 =	sld [smem:$0x3FFD];
	_ =	sdelay $0x3  }
0x98: {  	_ =	strace s5  }
0x99: {  	_ =	strace $0x8FFFFFFF  }
0x9a: {  	s19 =	sld [smem:$0x3FDB];
	_ =	sdelay $0x1  }
0x9b: {  	s6 =	simm.s32 $_scs_section_size  }
0x9c: {  	s7 =	simm.s32 $_size__tile_overlayer_lowered;
	s8 =	simm.s32 $_tile_overlayer_lowered  }
0x9d: {  	s22 =	simm.s32 $0x1BFF;
	s21 =	sshll.u32 s8, $0x1;
	s5 =	sadd.s32 s6, s19  }
0x9e: {  	s9 =	simm.s32 $0x0;
	s20 =	sshll.u32 s7, $0x1;
	s7 =	sadd.s32 s21, s5  }
0x9f: {  	[timem:s9], [sflag:s22] =	dma.local [hbm:s7], s20  }
0xa0: {  	_ =	swait.ge [sflag:s22], s20  }
0xa1: {  	s6 =	ssub.s32 $0x0, s20;
	[sflag:s22] =	ssyncset.done $0x0  }
0xa2: {  	[sflag:s22] =	ssyncadd.s32 s6;
	_ =	sdelay $0x1  }
0xa3: {  	s23 =	simm.s32 $0x1B8B  }
0xa4: {  	_ =	swait.ge [sflag:s23], $0x1  }
0xa5: {  	[sflag:s23] =	ssyncset.done $0x0  }
0xa6: {  	s25 =	simm.s32 $0x1B8E;
	s24 =	sld [smem:$0x3FFE];
	[sflag:s23] =	ssyncadd.s32 $0xFFFFFFFF  }
0xa7: {  	s26 =	simm.s32 $execute0_lowered;
	[smem:$0x3FD2] =	sst s25  }
0xa8: {  	s7 =	sshll.u32 s26, $0x1;
	_ =	strace $0x80000046;
	[dreg:$0x1] =	wrdreg $0xFFFFFFFF  }
0xa9: {  	s28 =	simm.s32 $_size_execute0_lowered;
	s5 =	sadd.s32 s5, s7;
	[dreg:$0x0] =	wrdreg $0x0  }
0xaa: {  	s7 =	sshll.u32 s28, $0x1;
	[dreg:$0x2] =	wrdreg s5  }
0xab: {  	[dreg:$0x3] =	wrdreg s7  }
0xac: {  	[dreg:$0x4] =	wrdreg $0xC0  }
0xad: {  	_ =	task [dreg:s9], $0x5FFFF  }
0xae: {  	[dreg:$0x1] =	wrdreg $0xFFFFFFFF  }
0xaf: {  	[dreg:$0x0] =	wrdreg $0x60  }
0xb0: {  	[dreg:$0x2] =	wrdreg s24  }
0xb1: {  	[dreg:$0x3] =	wrdreg s4  }
0xb2: {  	[dreg:$0x4] =	wrdreg s2  }
0xb3: {  	[dreg:$0x5] =	wrdreg s18  }
0xb4: {  	[dreg:$0x6] =	wrdreg $0x9  }
0xb5: {  	_ =	task.clear_ibuf [dreg:s9], $0x7FFFF;
	_ =	strace $0x90000046  }
0xb6: {  	s29 =	simm.s32 $0x9;
	_ =	strace $0x80000048  }
0xb7: {  	_ =	swait.ge [sflag:s29], $0x1  }
0xb8: {  	[sflag:s29] =	ssyncadd.s32 $0xFFFFFFFF  }
0xb9: {  	_ =	strace $0x90000048  }
0xba: {  	_ =	sfence  }
0xbb: {  	s30 =	sld [smem:$0x0];
	_ =	sdelay $0x2  }
0xbc: {  	s31 =	sshll.u32 s1, $0xD;
	s1 =	sshrl.u32 s1, $0x2  }
0xbd: {  	s3 =	sand.u32 $0x4000, s31;
	s1 =	sadd.s32 s1, s30  }
0xbe: {  	s0 =	sor.u32 s3, s0;
	s1 =	sshll.u32 s1, $0x11  }
0xbf: {  	s0 =	sor.u32 s1, s0  }
0xc0: {  	s0 =	sadd.s32 $0x8F2B, s0  }
0xc1: {  	[sflag:s0] =	ssyncadd.remote.s32 $0x1  }
0xc2: {  	_ =	sfence.sel $0xFFFF  }
0xc3: {  	[dreg:$0x0] =	wrdreg $0xFFFFFFFF;
	(pc) =	sbr.abs _section_cstart, $3  }
0xc4: {  	[dreg:$0x1] =	wrdreg $0xFFFFFFFF  }
0xc5: {  	_ =	task.clear_ibuf [dreg:s9], $0x2FFFF;
	_ =	strace $0x9FFFFFFF  }
0xc6: {  	(tm) =	ssettm $0x7FFFFFFF  }
0xc7: {  	_ =	shalt  }
tec
execute0_lowered:
.L_overlay_start_1:
0x0: {  	(tag) =	ssettag $0x1  }
0x1: {  	s24 =	rddreg [dreg:$0x0];
	s1 =	srdreg.scid  }
0x2: {  	s18 =	rddreg [dreg:$0x1];
	s0 =	stileid.u32;
	s1 =	sand.u32 $0x1, s1  }
0x3: {  	s2 =	rddreg [dreg:$0x2];
	s5 =	sshll.u32 s0, $0xA;
	s6 =	sshll.u32 s1, $0x9  }
0x4: {  	s3 =	rddreg [dreg:$0x3];
	s23 =	sor.u32 s6, s5  }
0x5: {  	s4 =	simm.s32 $0x0;
	s16 =	sadd.s32 $0x2400, s24;
	s6 =	sshrl.u32 s23, $0x3  }
0x6: {  	[smem:$0x7FF] =	sst s4;
	s26 =	sadd.s32 s16, s6  }
0x7: {  	_ =	strace $0x80000047;
	[dreg:$0x5] =	wrdreg s26  }
0x8: {  	s5 =	simm.s32 $0x2;
	s7 =	rddreg [dreg:$0x5]  }
0x9: {  	[tilespmem:s4], [sflag:$0x2] =	stream.linear.gather [hbm4b:s7+s4], $0x80, $0x38;
	[tilespmem:$0x8400] =	vst v63  }
0xa: {  	_ =	swait.ge [sflag:s5], $0x80  }
0xb: {  	[sflag:s5] =	ssyncset.done $0x0  }
0xc: {  	s6 =	sadd.s32 s18, s6;
	s7 =	simm.s32 $0x200;
	[sflag:s5] =	ssyncadd.s32 $0xFFFFFF80  }
0xd: {  	[tilespmem:s7], [sflag:$0x2] =	stream.linear.gather [hbm4b:s6+s4], $0x80, $0x38;
	[tilespmem:$0x8400] =	vst v63  }
0xe: {  	s25 =	sor.u32 $0x80, s23;
	_ =	swait.ge [sflag:s5], $0x80  }
0xf: {  	s10 =	sshrl.u32 s25, $0x3;
	[sflag:s5] =	ssyncset.done $0x0  }
0x10: {  	s9 =	simm.s32 $0x80;
	s8 =	sadd.s32 s16, s10;
	[sflag:s5] =	ssyncadd.s32 $0xFFFFFF80  }
0x11: {  	[tilespmem:s9], [sflag:$0x2] =	stream.linear.gather [hbm4b:s8+s4], $0x80, $0x38;
	[tilespmem:$0x8400] =	vst v63  }
0x12: {  	_ =	swait.ge [sflag:s5], $0x80  }
0x13: {  	[sflag:s5] =	ssyncset.done $0x0  }
0x14: {  	s11 =	simm.s32 $0x280;
	s10 =	sadd.s32 s18, s10;
	[sflag:s5] =	ssyncadd.s32 $0xFFFFFF80  }
0x15: {  	[tilespmem:s11], [sflag:$0x2] =	stream.linear.gather [hbm4b:s10+s4], $0x80, $0x38;
	[tilespmem:$0x8400] =	vst v63  }
0x16: {  	s28 =	sor.u32 $0x100, s23;
	_ =	swait.ge [sflag:s5], $0x80  }
0x17: {  	s14 =	sshrl.u32 s28, $0x3;
	[sflag:s5] =	ssyncset.done $0x0  }
0x18: {  	s13 =	simm.s32 $0x100;
	s12 =	sadd.s32 s16, s14;
	[sflag:s5] =	ssyncadd.s32 $0xFFFFFF80  }
0x19: {  	[tilespmem:s13], [sflag:$0x2] =	stream.linear.gather [hbm4b:s12+s4], $0x80, $0x38;
	[tilespmem:$0x8400] =	vst v63  }
0x1a: {  	_ =	swait.ge [sflag:s5], $0x80  }
0x1b: {  	[sflag:s5] =	ssyncset.done $0x0  }
0x1c: {  	s15 =	simm.s32 $0x300;
	s14 =	sadd.s32 s18, s14;
	[sflag:s5] =	ssyncadd.s32 $0xFFFFFF80  }
0x1d: {  	[tilespmem:s15], [sflag:$0x2] =	stream.linear.gather [hbm4b:s14+s4], $0x80, $0x38;
	[tilespmem:$0x8400] =	vst v63  }
0x1e: {  	s30 =	sor.u32 $0x180, s23;
	_ =	swait.ge [sflag:s5], $0x80  }
0x1f: {  	s19 =	sshrl.u32 s30, $0x3;
	[sflag:s5] =	ssyncset.done $0x0  }
0x20: {  	s17 =	simm.s32 $0x180;
	s16 =	sadd.s32 s16, s19;
	[sflag:s5] =	ssyncadd.s32 $0xFFFFFF80  }
0x21: {  	[tilespmem:s17], [sflag:$0x2] =	stream.linear.gather [hbm4b:s16+s4], $0x80, $0x38;
	[tilespmem:$0x8400] =	vst v63  }
0x22: {  	_ =	swait.ge [sflag:s5], $0x80  }
0x23: {  	[sflag:s5] =	ssyncset.done $0x0  }
0x24: {  	s18 =	sadd.s32 s18, s19;
	s19 =	simm.s32 $0x380;
	[sflag:s5] =	ssyncadd.s32 $0xFFFFFF80  }
0x25: {  	[tilespmem:s19], [sflag:$0x2] =	stream.linear.gather [hbm4b:s18+s4], $0x80, $0x38;
	[tilespmem:$0x8400] =	vst v63  }
0x26: {  	_ =	swait.ge [sflag:s5], $0x80  }
0x27: {  	[sflag:s5] =	ssyncset.done $0x0  }
0x28: {  	s20 =	simm.s32 $0x400;
	[sflag:s5] =	ssyncadd.s32 $0xFFFFFF80  }
0x29: {  	[tilespmem:s20], [sflag:$0x1] =	stream.indirect.gather [hbm4b:s2+s9], $0x80, s4, s9, $0xb8;
	[tilespmem:$0x8400] =	vst v63  }
0x2a: {  	s21 =	simm.s32 $0x4400;
	s22 =	simm.s32 $0x1  }
0x2b: {  	[tilespmem:s21], [sflag:$0x1] =	stream.indirect.gather [hbm4b:s3+s9], $0x80, s7, s9, $0xb8;
	[tilespmem:$0x8400] =	vst v63  }
0x2c: {  	_ =	swait.ge [sflag:s22], $0x4000  }
0x2d: {  	[sflag:s22] =	ssyncset.done $0x0  }
0x2e: {  	[sflag:s22] =	ssyncadd.s32 $0xFFFFC000  }
0x2f: {  	_ =	swait.ge [sflag:s22], $0x4000  }
0x30: {  	s31 =	sadd.s32 $0x2C00, s24;
	s26 =	sshll.u32 s23, $0x4;
	[sflag:s22] =	ssyncset.done $0x0  }
0x31: {  	s23 =	sadd.s32 s31, s26;
	[sflag:s22] =	ssyncadd.s32 $0xFFFFC000  }
0x32: {  	[hbm4b:s23+s4] =	stream.linear.scatter [tilespmem:s20], [sflag:$0x2], $0x4000, $0x38;
	[tilespmem:$0x8400] =	vst v63  }
0x33: {  	_ =	swait.ge [sflag:s5], $0x4000  }
0x34: {  	s0 =	smov.u32 s1;
	s1 =	sadd.s32 $0x42C00, s24;
	[sflag:s5] =	ssyncset.done $0x0  }
0x35: {  	s24 =	sadd.s32 s1, s26;
	[sflag:s5] =	ssyncadd.s32 $0xFFFFC000  }
0x36: {  	[hbm4b:s24+s4] =	stream.linear.scatter [tilespmem:s21], [sflag:$0x2], $0x4000, $0x38;
	[tilespmem:$0x8400] =	vst v63  }
0x37: {  	_ =	swait.ge [sflag:s5], $0x4000  }
0x38: {  	[sflag:s5] =	ssyncset.done $0x0  }
0x39: {  	[sflag:s5] =	ssyncadd.s32 $0xFFFFC000  }
0x3a: {  	[tilespmem:s20], [sflag:$0x1] =	stream.indirect.gather [hbm4b:s2+s9], $0x80, s9, s9, $0xb8;
	[tilespmem:$0x8400] =	vst v63  }
0x3b: {  	_ = 	snop  }
0x3c: {  	[tilespmem:s21], [sflag:$0x1] =	stream.indirect.gather [hbm4b:s3+s9], $0x80, s11, s9, $0xb8;
	[tilespmem:$0x8400] =	vst v63  }
0x3d: {  	_ =	swait.ge [sflag:s22], $0x4000  }
0x3e: {  	[sflag:s22] =	ssyncset.done $0x0  }
0x3f: {  	[sflag:s22] =	ssyncadd.s32 $0xFFFFC000  }
0x40: {  	_ =	swait.ge [sflag:s22], $0x4000  }
0x41: {  	s26 =	sshll.u32 s25, $0x4;
	[sflag:s22] =	ssyncset.done $0x0  }
0x42: {  	s25 =	sadd.s32 s31, s26;
	[sflag:s22] =	ssyncadd.s32 $0xFFFFC000  }
0x43: {  	[hbm4b:s25+s4] =	stream.linear.scatter [tilespmem:s20], [sflag:$0x2], $0x4000, $0x38;
	[tilespmem:$0x8400] =	vst v63  }
0x44: {  	_ =	swait.ge [sflag:s5], $0x4000  }
0x45: {  	[sflag:s5] =	ssyncset.done $0x0  }
0x46: {  	s26 =	sadd.s32 s1, s26;
	[dreg:$0x6] =	wrdreg s1;
	[sflag:s5] =	ssyncadd.s32 $0xFFFFC000  }
0x47: {  	[hbm4b:s26+s4] =	stream.linear.scatter [tilespmem:s21], [sflag:$0x2], $0x4000, $0x38;
	[tilespmem:$0x8400] =	vst v63  }
0x48: {  	_ =	swait.ge [sflag:s5], $0x4000  }
0x49: {  	[sflag:s5] =	ssyncset.done $0x0  }
0x4a: {  	[sflag:s5] =	ssyncadd.s32 $0xFFFFC000  }
0x4b: {  	[tilespmem:s20], [sflag:$0x1] =	stream.indirect.gather [hbm4b:s2+s9], $0x80, s13, s9, $0xb8;
	[tilespmem:$0x8400] =	vst v63  }
0x4c: {  	_ = 	snop  }
0x4d: {  	[tilespmem:s21], [sflag:$0x1] =	stream.indirect.gather [hbm4b:s3+s9], $0x80, s15, s9, $0xb8;
	[tilespmem:$0x8400] =	vst v63  }
0x4e: {  	_ =	swait.ge [sflag:s22], $0x4000  }
0x4f: {  	[sflag:s22] =	ssyncset.done $0x0  }
0x50: {  	[sflag:s22] =	ssyncadd.s32 $0xFFFFC000  }
0x51: {  	_ =	swait.ge [sflag:s22], $0x4000  }
0x52: {  	s29 =	sshll.u32 s28, $0x4;
	[sflag:s22] =	ssyncset.done $0x0  }
0x53: {  	s28 =	sadd.s32 s31, s29;
	[sflag:s22] =	ssyncadd.s32 $0xFFFFC000  }
0x54: {  	[hbm4b:s28+s4] =	stream.linear.scatter [tilespmem:s20], [sflag:$0x2], $0x4000, $0x38;
	[tilespmem:$0x8400] =	vst v63  }
0x55: {  	_ =	swait.ge [sflag:s5], $0x4000  }
0x56: {  	[sflag:s5] =	ssyncset.done $0x0  }
0x57: {  	s29 =	sadd.s32 s1, s29;
	[sflag:s5] =	ssyncadd.s32 $0xFFFFC000  }
0x58: {  	[hbm4b:s29+s4] =	stream.linear.scatter [tilespmem:s21], [sflag:$0x2], $0x4000, $0x38;
	[tilespmem:$0x8400] =	vst v63  }
0x59: {  	_ =	swait.ge [sflag:s5], $0x4000  }
0x5a: {  	[sflag:s5] =	ssyncset.done $0x0  }
0x5b: {  	[sflag:s5] =	ssyncadd.s32 $0xFFFFC000  }
0x5c: {  	[tilespmem:s20], [sflag:$0x1] =	stream.indirect.gather [hbm4b:s2+s9], $0x80, s17, s9, $0xb8;
	[tilespmem:$0x8400] =	vst v63  }
0x5d: {  	_ = 	snop  }
0x5e: {  	[tilespmem:s21], [sflag:$0x1] =	stream.indirect.gather [hbm4b:s3+s9], $0x80, s19, s9, $0xb8;
	[tilespmem:$0x8400] =	vst v63  }
0x5f: {  	_ =	swait.ge [sflag:s22], $0x4000  }
0x60: {  	s0 =	ssub.s32 $0x2, s0;
	s1 =	sshll.u32 s30, $0x4;
	[sflag:s22] =	ssyncset.done $0x0  }
0x61: {  	s30 =	sadd.s32 s31, s1;
	s31 =	sshrl.u32 s0, $0x1;
	[sflag:s22] =	ssyncadd.s32 $0xFFFFC000  }
0x62: {  	s0 =	ssub.s32 s0, s31;
	_ =	swait.ge [sflag:s22], $0x4000  }
0x63: {  	s0 =	smax.u32 s0, $0x1;
	[sflag:s22] =	ssyncset.done $0x0  }
0x64: {  	p0 =	sne.s32 s0, $0x1;
	[sflag:s22] =	ssyncadd.s32 $0xFFFFC000  }
0x65: {  	[hbm4b:s30+s4] =	stream.linear.scatter [tilespmem:s20], [sflag:$0x2], $0x4000, $0x38;
	[tilespmem:$0x8400] =	vst v63  }
.Ltmp0:
0x66: {  	_ =	swait.ge [sflag:s5], $0x4000;
	(pc) =	sbr.rel @!p0 .LBB2_2-.Ltmp0, $4  }
0x67: {  	[sflag:s5] =	ssyncset.done $0x0;
	s31 =	rddreg [dreg:$0x6]  }
0x68: {  	s31 =	sadd.s32 s31, s1;
	[sflag:s5] =	ssyncadd.s32 $0xFFFFC000  }
0x69: {  	[hbm4b:s31+s4] =	stream.linear.scatter [tilespmem:s21], [sflag:$0x2], $0x4000, $0x38;
	[tilespmem:$0x8400] =	vst v63  }
0x6a: {  	s1 =	sadd.s32 $0xFFFFFFFF, s0;
	_ =	swait.ge [sflag:s5], $0x4000  }
.LBB2_1:
0x6b: {  	[sflag:s5] =	ssyncset.done $0x0  }
0x6c: {  	s0 =	rddreg [dreg:$0x5];
	[sflag:s5] =	ssyncadd.s32 $0xFFFFC000  }
0x6d: {  	[tilespmem:s4], [sflag:$0x2] =	stream.linear.gather [hbm4b:s0+s4], $0x80, $0x38;
	[tilespmem:$0x8400] =	vst v63  }
0x6e: {  	_ =	swait.ge [sflag:s5], $0x80  }
0x6f: {  	[sflag:s5] =	ssyncset.done $0x0  }
0x70: {  	[sflag:s5] =	ssyncadd.s32 $0xFFFFFF80  }
0x71: {  	[tilespmem:s7], [sflag:$0x2] =	stream.linear.gather [hbm4b:s6+s4], $0x80, $0x38;
	[tilespmem:$0x8400] =	vst v63  }
0x72: {  	_ =	swait.ge [sflag:s5], $0x80  }
0x73: {  	[sflag:s5] =	ssyncset.done $0x0  }
0x74: {  	[sflag:s5] =	ssyncadd.s32 $0xFFFFFF80  }
0x75: {  	[tilespmem:s9], [sflag:$0x2] =	stream.linear.gather [hbm4b:s8+s4], $0x80, $0x38;
	[tilespmem:$0x8400] =	vst v63  }
0x76: {  	_ =	swait.ge [sflag:s5], $0x80  }
0x77: {  	[sflag:s5] =	ssyncset.done $0x0  }
0x78: {  	[sflag:s5] =	ssyncadd.s32 $0xFFFFFF80  }
0x79: {  	[tilespmem:s11], [sflag:$0x2] =	stream.linear.gather [hbm4b:s10+s4], $0x80, $0x38;
	[tilespmem:$0x8400] =	vst v63  }
0x7a: {  	_ =	swait.ge [sflag:s5], $0x80  }
0x7b: {  	[sflag:s5] =	ssyncset.done $0x0  }
0x7c: {  	[sflag:s5] =	ssyncadd.s32 $0xFFFFFF80  }
0x7d: {  	[tilespmem:s13], [sflag:$0x2] =	stream.linear.gather [hbm4b:s12+s4], $0x80, $0x38;
	[tilespmem:$0x8400] =	vst v63  }
0x7e: {  	_ =	swait.ge [sflag:s5], $0x80  }
0x7f: {  	[sflag:s5] =	ssyncset.done $0x0  }
0x80: {  	[sflag:s5] =	ssyncadd.s32 $0xFFFFFF80  }
0x81: {  	[tilespmem:s15], [sflag:$0x2] =	stream.linear.gather [hbm4b:s14+s4], $0x80, $0x38;
	[tilespmem:$0x8400] =	vst v63  }
0x82: {  	_ =	swait.ge [sflag:s5], $0x80  }
0x83: {  	[sflag:s5] =	ssyncset.done $0x0  }
0x84: {  	[sflag:s5] =	ssyncadd.s32 $0xFFFFFF80  }
0x85: {  	[tilespmem:s17], [sflag:$0x2] =	stream.linear.gather [hbm4b:s16+s4], $0x80, $0x38;
	[tilespmem:$0x8400] =	vst v63  }
0x86: {  	_ =	swait.ge [sflag:s5], $0x80  }
0x87: {  	[sflag:s5] =	ssyncset.done $0x0  }
0x88: {  	[sflag:s5] =	ssyncadd.s32 $0xFFFFFF80  }
0x89: {  	[tilespmem:s19], [sflag:$0x2] =	stream.linear.gather [hbm4b:s18+s4], $0x80, $0x38;
	[tilespmem:$0x8400] =	vst v63  }
0x8a: {  	_ =	swait.ge [sflag:s5], $0x80  }
0x8b: {  	[sflag:s5] =	ssyncset.done $0x0  }
0x8c: {  	[sflag:s5] =	ssyncadd.s32 $0xFFFFFF80  }
0x8d: {  	[tilespmem:s20], [sflag:$0x1] =	stream.indirect.gather [hbm4b:s2+s9], $0x80, s4, s9, $0xb8;
	[tilespmem:$0x8400] =	vst v63  }
0x8e: {  	_ = 	snop  }
0x8f: {  	[tilespmem:s21], [sflag:$0x1] =	stream.indirect.gather [hbm4b:s3+s9], $0x80, s7, s9, $0xb8;
	[tilespmem:$0x8400] =	vst v63  }
0x90: {  	_ =	swait.ge [sflag:s22], $0x4000  }
0x91: {  	[sflag:s22] =	ssyncset.done $0x0  }
0x92: {  	[sflag:s22] =	ssyncadd.s32 $0xFFFFC000  }
0x93: {  	_ =	swait.ge [sflag:s22], $0x4000  }
0x94: {  	[sflag:s22] =	ssyncset.done $0x0  }
0x95: {  	[sflag:s22] =	ssyncadd.s32 $0xFFFFC000  }
0x96: {  	[hbm4b:s23+s4] =	stream.linear.scatter [tilespmem:s20], [sflag:$0x2], $0x4000, $0x38;
	[tilespmem:$0x8400] =	vst v63  }
0x97: {  	_ =	swait.ge [sflag:s5], $0x4000  }
0x98: {  	[sflag:s5] =	ssyncset.done $0x0  }
0x99: {  	[sflag:s5] =	ssyncadd.s32 $0xFFFFC000  }
0x9a: {  	[hbm4b:s24+s4] =	stream.linear.scatter [tilespmem:s21], [sflag:$0x2], $0x4000, $0x38;
	[tilespmem:$0x8400] =	vst v63  }
0x9b: {  	_ =	swait.ge [sflag:s5], $0x4000  }
0x9c: {  	[sflag:s5] =	ssyncset.done $0x0  }
0x9d: {  	[sflag:s5] =	ssyncadd.s32 $0xFFFFC000  }
0x9e: {  	[tilespmem:s20], [sflag:$0x1] =	stream.indirect.gather [hbm4b:s2+s9], $0x80, s9, s9, $0xb8;
	[tilespmem:$0x8400] =	vst v63  }
0x9f: {  	_ = 	snop  }
0xa0: {  	[tilespmem:s21], [sflag:$0x1] =	stream.indirect.gather [hbm4b:s3+s9], $0x80, s11, s9, $0xb8;
	[tilespmem:$0x8400] =	vst v63  }
0xa1: {  	_ =	swait.ge [sflag:s22], $0x4000  }
0xa2: {  	[sflag:s22] =	ssyncset.done $0x0  }
0xa3: {  	[sflag:s22] =	ssyncadd.s32 $0xFFFFC000  }
0xa4: {  	_ =	swait.ge [sflag:s22], $0x4000  }
0xa5: {  	[sflag:s22] =	ssyncset.done $0x0  }
0xa6: {  	[sflag:s22] =	ssyncadd.s32 $0xFFFFC000  }
0xa7: {  	[hbm4b:s25+s4] =	stream.linear.scatter [tilespmem:s20], [sflag:$0x2], $0x4000, $0x38;
	[tilespmem:$0x8400] =	vst v63  }
0xa8: {  	_ =	swait.ge [sflag:s5], $0x4000  }
0xa9: {  	[sflag:s5] =	ssyncset.done $0x0  }
0xaa: {  	[sflag:s5] =	ssyncadd.s32 $0xFFFFC000  }
0xab: {  	[hbm4b:s26+s4] =	stream.linear.scatter [tilespmem:s21], [sflag:$0x2], $0x4000, $0x38;
	[tilespmem:$0x8400] =	vst v63  }
0xac: {  	_ =	swait.ge [sflag:s5], $0x4000  }
0xad: {  	[sflag:s5] =	ssyncset.done $0x0  }
0xae: {  	[sflag:s5] =	ssyncadd.s32 $0xFFFFC000  }
0xaf: {  	[tilespmem:s20], [sflag:$0x1] =	stream.indirect.gather [hbm4b:s2+s9], $0x80, s13, s9, $0xb8;
	[tilespmem:$0x8400] =	vst v63  }
0xb0: {  	_ = 	snop  }
0xb1: {  	[tilespmem:s21], [sflag:$0x1] =	stream.indirect.gather [hbm4b:s3+s9], $0x80, s15, s9, $0xb8;
	[tilespmem:$0x8400] =	vst v63  }
0xb2: {  	_ =	swait.ge [sflag:s22], $0x4000  }
0xb3: {  	[sflag:s22] =	ssyncset.done $0x0  }
0xb4: {  	[sflag:s22] =	ssyncadd.s32 $0xFFFFC000  }
0xb5: {  	_ =	swait.ge [sflag:s22], $0x4000  }
0xb6: {  	[sflag:s22] =	ssyncset.done $0x0  }
0xb7: {  	[sflag:s22] =	ssyncadd.s32 $0xFFFFC000  }
0xb8: {  	[hbm4b:s28+s4] =	stream.linear.scatter [tilespmem:s20], [sflag:$0x2], $0x4000, $0x38;
	[tilespmem:$0x8400] =	vst v63  }
0xb9: {  	_ =	swait.ge [sflag:s5], $0x4000  }
0xba: {  	[sflag:s5] =	ssyncset.done $0x0  }
0xbb: {  	[sflag:s5] =	ssyncadd.s32 $0xFFFFC000  }
0xbc: {  	[hbm4b:s29+s4] =	stream.linear.scatter [tilespmem:s21], [sflag:$0x2], $0x4000, $0x38;
	[tilespmem:$0x8400] =	vst v63  }
0xbd: {  	_ =	swait.ge [sflag:s5], $0x4000  }
0xbe: {  	[sflag:s5] =	ssyncset.done $0x0  }
0xbf: {  	[sflag:s5] =	ssyncadd.s32 $0xFFFFC000  }
0xc0: {  	[tilespmem:s20], [sflag:$0x1] =	stream.indirect.gather [hbm4b:s2+s9], $0x80, s17, s9, $0xb8;
	[tilespmem:$0x8400] =	vst v63  }
0xc1: {  	_ = 	snop  }
0xc2: {  	[tilespmem:s21], [sflag:$0x1] =	stream.indirect.gather [hbm4b:s3+s9], $0x80, s19, s9, $0xb8;
	[tilespmem:$0x8400] =	vst v63  }
0xc3: {  	_ =	swait.ge [sflag:s22], $0x4000  }
0xc4: {  	[sflag:s22] =	ssyncset.done $0x0  }
0xc5: {  	[sflag:s22] =	ssyncadd.s32 $0xFFFFC000  }
0xc6: {  	_ =	swait.ge [sflag:s22], $0x4000  }
0xc7: {  	[sflag:s22] =	ssyncset.done $0x0  }
0xc8: {  	p0 =	sne.s32 s1, $0x1;
	[sflag:s22] =	ssyncadd.s32 $0xFFFFC000  }
0xc9: {  	[hbm4b:s30+s4] =	stream.linear.scatter [tilespmem:s20], [sflag:$0x2], $0x4000, $0x38;
	[tilespmem:$0x8400] =	vst v63  }
.Ltmp1:
0xca: {  	_ =	swait.ge [sflag:s5], $0x4000;
	(pc) =	sbr.rel @p0 .LBB2_1-.Ltmp1, $4  }
0xcb: {  	[sflag:s5] =	ssyncset.done $0x0  }
0xcc: {  	[sflag:s5] =	ssyncadd.s32 $0xFFFFC000  }
0xcd: {  	[hbm4b:s31+s4] =	stream.linear.scatter [tilespmem:s21], [sflag:$0x2], $0x4000, $0x38;
	[tilespmem:$0x8400] =	vst v63  }
0xce: {  	s1 =	sadd.s32 $0xFFFFFFFF, s1;
	_ =	swait.ge [sflag:s5], $0x4000  }
.LBB2_2:
0xcf: {  	[sflag:s5] =	ssyncset.done $0x0  }
0xd0: {  	[sflag:s5] =	ssyncadd.s32 $0xFFFFC000  }
0xd1: {  	_ =	sfence.sel $0x180000  }
0xd2: {  	[bflag:$0x0] =	sbarrier.arrive $0xFFFF  }
0xd3: {  	_ =	strace $0x90000047  }
0xd4: {  	s0 =	stileid.u32;
	[bflag:$0x2] =	sbarrier.arrive $0xFFFF  }
0xd5: {  	p0 =	sne.s32 s0, $0x0;
	s0 =	rddreg [dreg:$0x4]  }
0xd6: {  	s0 =	sadd.s32 @!p0 $0x100000, s0  }
0xd7: {  	[sflag:s0] =	ssyncadd.tile.s32 @!p0 $0x1;
	_ =	shalt  }
.Lfunc_end2:
_tile_overlayer_lowered:
.L_overlay_start_2:
0xd8: {  	(tag) =	ssettag $0x2  }
0xd9: {  	s0 =	rddreg [dreg:$0x0];
	s2 =	stileid.u32  }
0xda: {  	s1 =	rddreg [dreg:$0x1];
	p0 =	sne.s32 s2, $0x0  }
0xdb: {  	s3 =	rddreg [dreg:$0x2];
	[bflag:$0x3] =	sbarrier.arrive $0xFFFF;
	s2 =	simm.s32 @!p0 $0x1C02  }
0xdc: {  	[timem:s3], [sflag:s2] =	dma.local @!p0 [hbm:s0], s1  }
0xdd: {  	s0 =	simm.s32 @!p0 $0x2  }
0xde: {  	_ =	swait.ge @!p0 [sflag:s0], s1  }
0xdf: {  	s1 =	ssub.s32 @!p0 $0x0, s1;
	[sflag:s0] =	ssyncset.done @!p0 $0x0  }
0xe0: {  	[sflag:s0] =	ssyncadd.s32 @!p0 s1  }
0xe1: {  	[bflag:$0x3] =	sbarrier.arrive $0xFFFF  }
0xe2: {  	_ =	shalt  }

// kernel: kernel.8.cloned.1.call-start
scs
__scs_entry_jumppad:
0x0: {  	(pc) =	sbr.rel $0x88, $3  }
0x1: {  	(tag) =	ssettag $0x0;
	lr =	simm.s32 $0x1  }
0x2: {  	[smem:$0x3F93] =	sst lr;
	_ =	strace $0xD0000000  }
0x3: {  	_ = 	snop  }
0x4: {  	_ = 	snop  }
0x5: {  	_ = 	snop  }
0x6: {  	_ = 	snop  }
0x7: {  	_ = 	snop  }
__scs_overlays_trampoline_lowered:
0x8: {  	[smem:$0x3FA2] =	sst s0  }
0x9: {  	[smem:$0x3FA3] =	sst s1  }
0xa: {  	[smem:$0x3FA4] =	sst s2  }
0xb: {  	[smem:$0x3FA5] =	sst s3  }
0xc: {  	[smem:$0x3FA6] =	sst s4  }
0xd: {  	[smem:$0x3FA7] =	sst s5  }
0xe: {  	[smem:$0x3FA8] =	sst s6  }
0xf: {  	[smem:$0x3FA9] =	sst s7  }
0x10: {  	[smem:$0x3FAA] =	sst s8  }
0x11: {  	[smem:$0x3FAB] =	sst s9;
	s0 =	simm.s32 @!p0 $0x0  }
0x12: {  	s1 =	sld [smem:$0x3F91];
	s0 =	simm.s32 @p0 $0x1  }
0x13: {  	[smem:$0x3FAC] =	sst s0;
	s0 =	simm.s32 @!p1 $0x0  }
0x14: {  	s2 =	sld [smem:$0x3F90];
	s0 =	simm.s32 @p1 $0x1  }
0x15: {  	[smem:$0x3FAD] =	sst s0;
	s0 =	simm.s32 @!p2 $0x0  }
0x16: {  	s3 =	sld [smem:$0x3FDB];
	s0 =	simm.s32 @p2 $0x1  }
0x17: {  	s4 =	simm.s32 $0x1BF5;
	[smem:$0x3FAF] =	sst s0  }
0x18: {  	s0 =	sld [smem:$0x3F92];
	_ =	swait.ge [sflag:s4], $0x0  }
0x19: {  	s7 =	sld [smem:$0x3F93]  }
0x1a: {  	s8 =	sadd.s32 $0xFFFFE003, lr  }
0x1b: {  	s9 =	sadd.s32 $0xFFFFFEF7, lr;
	s5 =	simm.s32 $0xFFFFFFFF;
	p2 =	slt.u32 s8, $0xFFFFF086  }
0x1c: {  	p1 =	slt.u32 s9, $0xF7A;
	s5 =	simm.s32 @!p2 $0x0  }
0x1d: {  	s5 =	simm.s32 @p1 $0x1;
	p0 =	seq.s32 s7, s2  }
0x1e: {  	s7 =	smul.u32 @!p0 $0xF7A, s2;
	p2 =	seq.s32 @!p0 s5, $0x0  }
0x1f: {  	s9 =	smul.u32 $0xF7A, s1;
	s8 =	simm.s32 @!p0 $0x1BF5;
	p2 =	por !p2, p0  }
0x20: {  	[sflag:s8] =	ssyncset.s32 @!p0 $0xFFFFF086;
	s6 =	sadd.s32 @!p0 s3, s7;
	s7 =	simm.s32 @!p0 $0x108  }
0x21: {  	s3 =	sadd.s32 s3, s9;
	s6 =	sadd.s32 @!p0 $0x88, s6;
	s7 =	simm.s32 @p2 $0x1082  }
0x22: {  	[simem:s7], [sflag:s8] =	dma.local @!p0 [hbm:s6], $0xF7A  }
0x23: {  	s9 =	sor.u32 $0xD0000000, s2;
	s6 =	simm.s32 $0x108;
	_ =	swait.ge @!p0 [sflag:s8], $0x0  }
0x24: {  	s3 =	sadd.s32 $0x88, s3;
	s6 =	simm.s32 @!p1 $0x1082;
	[sflag:s4] =	ssyncset.s32 $0xFFFFF086  }
0x25: {  	[simem:s6], [sflag:s4] =	dma.local [hbm:s3], $0xF7A  }
0x26: {  	[smem:$0x3F93] =	sst s1;
	(tag) =	ssettag s2;
	_ =	strace s9  }
0x27: {  	s1 =	sld [smem:$0x3FA3]  }
0x28: {  	s2 =	sld [smem:$0x3FA4]  }
0x29: {  	s4 =	sld [smem:$0x3FA6]  }
0x2a: {  	p0 =	seq.s32 s5, $0x0;
	s5 =	sld [smem:$0x3FA7]  }
0x2b: {  	s6 =	sld [smem:$0x3FA8]  }
0x2c: {  	s7 =	sld [smem:$0x3FA9]  }
0x2d: {  	s3 =	simm.s32 $0x108;
	s8 =	sld [smem:$0x3FAA]  }
0x2e: {  	s3 =	simm.s32 @!p0 $0x1082;
	s9 =	sld [smem:$0x3FAB]  }
0x2f: {  	lr =	sadd.s32 s0, s3;
	s0 =	sld [smem:$0x3FA2]  }
0x30: {  	s3 =	sld [smem:$0x3FA5]  }
0x31: {  	[smem:$0x3FAE] =	sst s10  }
0x32: {  	s10 =	sld [smem:$0x3FAC];
	_ =	sdelay $0x3  }
0x33: {  	p0 =	seq.s32 s10, $0x1;
	s10 =	sld [smem:$0x3FAE];
	_ =	sdelay $0x3  }
0x34: {  	[smem:$0x3FAE] =	sst s10  }
0x35: {  	s10 =	sld [smem:$0x3FAD];
	_ =	sdelay $0x3  }
0x36: {  	p1 =	seq.s32 s10, $0x1;
	s10 =	sld [smem:$0x3FAE];
	_ =	sdelay $0x3  }
0x37: {  	[smem:$0x3FAE] =	sst s10  }
0x38: {  	s10 =	sld [smem:$0x3FAF]  }
0x39: {  	_ = 	snop;
	(pc) =	sbr.ind lr, $3  }
0x3a: {  	_ = 	snop  }
0x3b: {  	_ = 	snop  }
0x3c: {  	p2 =	seq.s32 s10, $0x1;
	s10 =	sld [smem:$0x3FAE]  }
0x3d: {  	_ =	shalt  }
0x3e: {  	_ =	shalt  }
0x3f: {  	_ =	shalt  }
0x40: {  	_ =	shalt  }
0x41: {  	_ =	shalt  }
0x42: {  	_ =	shalt  }
0x43: {  	_ =	shalt  }
0x44: {  	_ =	shalt  }
0x45: {  	_ =	shalt  }
0x46: {  	_ =	shalt  }
0x47: {  	_ =	shalt  }
0x48: {  	_ =	shalt  }
0x49: {  	_ =	shalt  }
0x4a: {  	_ =	shalt  }
0x4b: {  	_ =	shalt  }
0x4c: {  	_ =	shalt  }
0x4d: {  	_ =	shalt  }
0x4e: {  	_ =	shalt  }
0x4f: {  	_ =	shalt  }
0x50: {  	_ =	shalt  }
0x51: {  	_ =	shalt  }
0x52: {  	_ =	shalt  }
0x53: {  	_ =	shalt  }
0x54: {  	_ =	shalt  }
0x55: {  	_ =	shalt  }
0x56: {  	_ =	shalt  }
0x57: {  	_ =	shalt  }
0x58: {  	_ =	shalt  }
0x59: {  	_ =	shalt  }
0x5a: {  	_ =	shalt  }
0x5b: {  	_ =	shalt  }
0x5c: {  	_ =	shalt  }
0x5d: {  	_ =	shalt  }
0x5e: {  	_ =	shalt  }
0x5f: {  	_ =	shalt  }
0x60: {  	_ =	shalt  }
0x61: {  	_ =	shalt  }
0x62: {  	_ =	shalt  }
0x63: {  	_ =	shalt  }
0x64: {  	_ =	shalt  }
0x65: {  	_ =	shalt  }
0x66: {  	_ =	shalt  }
0x67: {  	_ =	shalt  }
0x68: {  	_ =	shalt  }
0x69: {  	_ =	shalt  }
0x6a: {  	_ =	shalt  }
0x6b: {  	_ =	shalt  }
0x6c: {  	_ =	shalt  }
0x6d: {  	_ =	shalt  }
0x6e: {  	_ =	shalt  }
0x6f: {  	_ =	shalt  }
0x70: {  	_ =	shalt  }
0x71: {  	_ =	shalt  }
0x72: {  	_ =	shalt  }
0x73: {  	_ =	shalt  }
0x74: {  	_ =	shalt  }
0x75: {  	_ =	shalt  }
0x76: {  	_ =	shalt  }
0x77: {  	_ =	shalt  }
0x78: {  	_ =	shalt  }
0x79: {  	_ =	shalt  }
0x7a: {  	_ =	shalt  }
0x7b: {  	_ =	shalt  }
0x7c: {  	_ =	shalt  }
0x7d: {  	_ =	shalt  }
0x7e: {  	_ =	shalt  }
0x7f: {  	_ =	shalt  }
0x80: {  	_ =	shalt  }
0x81: {  	_ =	shalt  }
0x82: {  	_ =	shalt  }
0x83: {  	_ =	shalt  }
0x84: {  	_ =	shalt  }
0x85: {  	_ =	shalt  }
0x86: {  	_ =	shalt  }
0x87: {  	_ =	shalt  }
.Lfunc_end0:
.L_simem_size_0:
called_computation.1_lowered:
.L_overlay_start_0:
0x88: {  	s2 =	sld [smem:$0x3FD9]  }
0x89: {  	s3 =	sld [smem:$0x3FFE];
	_ =	sdelay $0x1  }
0x8a: {  	s1 =	srdreg.scid  }
0x8b: {  	s0 =	sand.u32 $0x1, s1  }
0x8c: {  	s17 =	sshll.u32 s0, $0xA;
	s2 =	sadd.s32 s3, s2  }
0x8d: {  	s2 =	sadd.s32 s2, s17  }
0x8e: {  	[smem:$0x3FBA] =	sst s2  }
0x8f: {  	_ = 	snop  }
0x90: {  	s18 =	sld [smem:$0x3FC7]  }
0x91: {  	s4 =	sld [smem:$0x3FC6]  }
0x92: {  	s5 =	sld [smem:$0x3FD0];
	(tm) =	ssettm $0x1  }
0x93: {  	s19 =	sld [smem:$0x3FFB];
	_ =	sdelay $0x3  }
0x94: {  	_ =	strace s19  }
0x95: {  	s2 =	sld [smem:$0x3FFC];
	_ =	sdelay $0x3  }
0x96: {  	_ =	strace s2  }
0x97: {  	s2 =	sld [smem:$0x3FFD];
	_ =	sdelay $0x3  }
0x98: {  	_ =	strace s2  }
0x99: {  	_ =	strace $0x8FFFFFFF  }
0x9a: {  	s20 =	sld [smem:$0x3FDB];
	_ =	sdelay $0x1  }
0x9b: {  	s6 =	simm.s32 $_scs_section_size  }
0x9c: {  	s7 =	simm.s32 $_size__tile_overlayer_lowered;
	s8 =	simm.s32 $_tile_overlayer_lowered  }
0x9d: {  	s9 =	simm.s32 $0x1BFF;
	s21 =	sshll.u32 s8, $0x1;
	s6 =	sadd.s32 s6, s20  }
0x9e: {  	s22 =	simm.s32 $0x0;
	s7 =	sshll.u32 s7, $0x1;
	s8 =	sadd.s32 s21, s6  }
0x9f: {  	[timem:s22], [sflag:s9] =	dma.local [hbm:s8], s7  }
0xa0: {  	_ =	swait.ge [sflag:s9], s7  }
0xa1: {  	s7 =	ssub.s32 $0x0, s7;
	[sflag:s9] =	ssyncset.done $0x0  }
0xa2: {  	[sflag:s9] =	ssyncadd.s32 s7;
	_ =	sdelay $0x1  }
0xa3: {  	s23 =	simm.s32 $0x1B8B  }
0xa4: {  	_ =	swait.ge [sflag:s23], $0x1  }
0xa5: {  	[sflag:s23] =	ssyncset.done $0x0  }
0xa6: {  	[sflag:s23] =	ssyncadd.s32 $0xFFFFFFFF  }
0xa7: {  	s7 =	sld [smem:$0x0]  }
0xa8: {  	s8 =	sand.u32 $0xFFFFFFFE, s1  }
0xa9: {  	p0 =	sne.s32 s1, s8  }
0xaa: {  	s8 =	sshll.u32 @p0 s8, $0xE  }
0xab: {  	s8 =	sadd.s32 @p0 $0x11B8D, s8;
	s9 =	sshll.u32 @p0 s7, $0x11  }
0xac: {  	s8 =	sor.u32 @p0 s9, s8  }
0xad: {  	[sflag:s8] =	ssyncadd.remote.s32 @p0 $0x1;
	_ =	sdelay $0x1  }
0xae: {  	s8 =	simm.s32 @p0 $0x1B8D  }
0xaf: {  	_ =	swait.eq @p0 [sflag:s8], $0x1  }
0xb0: {  	[sflag:s8] =	ssyncadd.s32 @p0 $0xFFFFFFFF  }
0xb1: {  	s9 =	sshll.u32 @!p0 s1, $0xE  }
0xb2: {  	s9 =	sor.u32 @!p0 $0x4000, s9;
	s8 =	simm.s32 @!p0 $0x1B8D  }
0xb3: {  	s7 =	sshll.u32 @!p0 s7, $0x11;
	s9 =	sadd.s32 @!p0 $0x11B8D, s9;
	_ =	swait.eq @!p0 [sflag:s8], $0x1  }
0xb4: {  	s7 =	sor.u32 @!p0 s7, s9;
	[sflag:s8] =	ssyncadd.s32 @!p0 $0xFFFFFFFF  }
0xb5: {  	s25 =	simm.s32 $0x1B8E;
	s24 =	sld [smem:$0x3FFE];
	[sflag:s7] =	ssyncadd.remote.s32 @!p0 $0x1  }
0xb6: {  	s26 =	simm.s32 $execute0_lowered;
	[smem:$0x3FD2] =	sst s25  }
0xb7: {  	s8 =	sshll.u32 s26, $0x1;
	_ =	strace $0x80000049;
	[dreg:$0x1] =	wrdreg $0xFFFFFFFF  }
0xb8: {  	s28 =	simm.s32 $_size_execute0_lowered;
	s6 =	sadd.s32 s6, s8;
	[dreg:$0x0] =	wrdreg $0x0  }
0xb9: {  	s8 =	sshll.u32 s28, $0x1;
	[dreg:$0x2] =	wrdreg s6  }
0xba: {  	[dreg:$0x3] =	wrdreg s8  }
0xbb: {  	[dreg:$0x4] =	wrdreg $0xC0  }
0xbc: {  	_ =	task [dreg:s22], $0x5FFFF  }
0xbd: {  	[dreg:$0x1] =	wrdreg $0xFFFFFFFF  }
0xbe: {  	[dreg:$0x0] =	wrdreg $0x60  }
0xbf: {  	[dreg:$0x2] =	wrdreg s24  }
0xc0: {  	[dreg:$0x3] =	wrdreg s5  }
0xc1: {  	[dreg:$0x4] =	wrdreg s18  }
0xc2: {  	[dreg:$0x5] =	wrdreg s4  }
0xc3: {  	[dreg:$0x6] =	wrdreg $0xA  }
0xc4: {  	_ =	task.clear_ibuf [dreg:s22], $0x7FFFF;
	_ =	strace $0x90000049  }
0xc5: {  	s29 =	simm.s32 $0xA;
	_ =	strace $0x8000004B  }
0xc6: {  	_ =	swait.ge [sflag:s29], $0x1  }
0xc7: {  	[sflag:s29] =	ssyncadd.s32 $0xFFFFFFFF  }
0xc8: {  	_ =	strace $0x9000004B  }
0xc9: {  	_ =	sfence  }
0xca: {  	s30 =	sld [smem:$0x0];
	_ =	sdelay $0x2  }
0xcb: {  	s31 =	sshll.u32 s1, $0xD;
	s1 =	sshrl.u32 s1, $0x2  }
0xcc: {  	s4 =	sand.u32 $0x4000, s31;
	s1 =	sadd.s32 s1, s30  }
0xcd: {  	s0 =	sor.u32 s4, s0;
	s1 =	sshll.u32 s1, $0x11  }
0xce: {  	s0 =	sor.u32 s1, s0  }
0xcf: {  	s0 =	sadd.s32 $0x8F2B, s0  }
0xd0: {  	[sflag:s0] =	ssyncadd.remote.s32 $0x1  }
0xd1: {  	_ =	sfence.sel $0xFFFF  }
0xd2: {  	[dreg:$0x0] =	wrdreg $0xFFFFFFFF;
	(pc) =	sbr.abs _section_cstart, $3  }
0xd3: {  	[dreg:$0x1] =	wrdreg $0xFFFFFFFF  }
0xd4: {  	_ =	task.clear_ibuf [dreg:s22], $0x2FFFF;
	_ =	strace $0x9FFFFFFF  }
0xd5: {  	(tm) =	ssettm $0x7FFFFFFF  }
tec
execute0_lowered:
.L_overlay_start_1:
0x0: {  	(tag) =	ssettag $0x1  }
0x1: {  	s0 =	rddreg [dreg:$0x0]  }
0x2: {  	s1 =	rddreg [dreg:$0x1]  }
0x3: {  	s2 =	rddreg [dreg:$0x2]  }
0x4: {  	s3 =	rddreg [dreg:$0x3];
	s4 =	srdreg.scid  }
0x5: {  	s12 =	stileid.u32;
	s13 =	simm.s32 $0x400;
	s14 =	simm.s32 $0x7A1400  }
0x6: {  	s15 =	simm.s32 $0x500;
	s16 =	simm.s32 $0x4500;
	s17 =	simm.s32 $0x1500  }
0x7: {  	s18 =	simm.s32 $0x5500;
	s19 =	simm.s32 $0x2500;
	s20 =	simm.s32 $0x6500  }
0x8: {  	s28 =	simm.s32 $0xA500;
	s29 =	simm.s32 $0xE500;
	s30 =	simm.s32 $0xB500  }
0x9: {  	s31 =	simm.s32 $0xF500;
	s5 =	sand.u32 $0x1, s4;
	s4 =	simm.s32 $0x0  }
0xa: {  	s6 =	sshll.u32 s12, $0xA;
	s10 =	sadd.s32 $0x82C00, s0;
	s22 =	sshll.u32 s12, $0xE  }
0xb: {  	s12 =	simm.s32 $0x1;
	s7 =	sshll.u32 s5, $0x9;
	[smem:$0x7FF] =	sst s4  }
0xc: {  	s8 =	ssub.s32 $0x2, s5;
	s23 =	sadd.s32 s22, s10;
	s5 =	sshll.u32 s5, $0xD  }
0xd: {  	s6 =	sor.u32 s7, s6;
	_ =	strace $0x8000004A;
	s11 =	sshrl.u32 s8, $0x1  }
0xe: {  	s7 =	sshrl.u32 s6, $0x3;
	s8 =	ssub.s32 s8, s11;
	s21 =	sshll.u32 s6, $0x4  }
0xf: {  	s9 =	sadd.s32 s7, s0;
	s0 =	sadd.s32 $0xC2C00, s0;
	s1 =	sadd.s32 s1, s7  }
0x10: {  	s7 =	sadd.s32 s5, s23;
	s26 =	smax.u32 s8, $0x1;
	[dreg:$0x8] =	wrdreg s1  }
0x11: {  	s23 =	simm.s32 $0x8500;
	s9 =	sadd.s32 $0x2400, s9;
	[dreg:$0x5] =	wrdreg s7  }
0x12: {  	s1 =	sor.u32 $0x1F80, s21;
	s6 =	sadd.s32 s22, s0;
	[dreg:$0xb] =	wrdreg s26  }
0x13: {  	s21 =	simm.s32 $0x3500;
	[dreg:$0x7] =	wrdreg s9;
	s24 =	sadd.s32 s10, s1  }
0x14: {  	v0 =	vlaneseq.u32;
	s22 =	simm.s32 $0x7500;
	s0 =	sadd.s32 s0, s1;
	[dreg:$0x9] =	wrdreg s24  }
0x15: {  	v0 =	vmul.u32 $0x80, v0;
	s26 =	simm.s32 $0xD500;
	s25 =	sadd.s32 s5, s6;
	[dreg:$0xa] =	wrdreg s0  }
0x16: {  	s10 =	simm.s32 $0x3;
	s5 =	simm.s32 $0x0;
	[dreg:$0x6] =	wrdreg s25  }
0x17: {  	v1 =	vimm.s32 $0x0;
	v2 =	vor.u32 $0x800, v0;
	s24 =	simm.s32 $0xC500;
	s25 =	simm.s32 $0x9500;
	s0 =	simm.s32 $0x2  }
.LBB2_1:
0x18: {  	[dreg:$0xc] =	wrdreg s5  }
0x19: {  	s1 =	rddreg [dreg:$0x7]  }
0x1a: {  	[tilespmem:s4], [sflag:$0x3] =	stream.linear.gather [hbm4b:s1+s4], $0x200, $0x38;
	[tilespmem:$0x10D00] =	vst v63  }
0x1b: {  	_ =	swait.ge [sflag:s10], $0x200  }
0x1c: {  	[sflag:s10] =	ssyncset.done $0x0  }
0x1d: {  	s11 =	simm.s32 $0x280;
	s9 =	rddreg [dreg:$0x8];
	[sflag:s10] =	ssyncadd.s32 $0xFFFFFE00  }
0x1e: {  	[tilespmem:s11], [sflag:$0x3] =	stream.linear.gather [hbm4b:s9+s4], $0x200, $0x38;
	[tilespmem:$0x10D00] =	vst v63  }
0x1f: {  	_ =	swait.ge [sflag:s10], $0x200  }
0x20: {  	[sflag:s10] =	ssyncset.done $0x0  }
0x21: {  	[sflag:s10] =	ssyncadd.s32 $0xFFFFFE00  }
0x22: {  	v3 =	vld [tilespmem:$0x280];
	_ =	sdelay $0x2  }
0x23: {  	v4 =	vld [tilespmem:$0x0];
	_ =	sdelay $0x1  }
0x24: {  	(v2sf) =	vpush v3, $0x0;
	_ =	sdelay $0x2  }
0x25: {  	(v2sf) =	vpush v4, $0x0;
	_ =	sdelay $0xa  }
0x26: {  	(v2sf) =	vpush v3, $0x1  }
0x27: {  	s6 =	spop (v2sf);
	(v2sf) =	vpush v4, $0x1;
	_ =	sdelay $0x2  }
0x28: {  	s7 =	sand.u32 $0x7F, s6;
	s8 =	spop (v2sf)  }
0x29: {  	s9 =	sshra.s32 s6, $0x1F;
	p6 =	slt.s32 s6, $0x1;
	s1 =	sand.u32 $0x7F, s8  }
0x2a: {  	s5 =	sshra.s32 s8, $0x1F;
	p2 =	slt.s32 s8, $0x1;
	p1 =	sne.s32 s1, $0x0  }
0x2b: {  	p0 =	sne.s32 s7, $0x0;
	s7 =	sshrl.u32 s5, $0x19;
	p1 =	por !p2, !p1  }
0x2c: {  	s7 =	sadd.s32 s7, s8;
	s8 =	simm.s32 $0x1;
	p1 =	por !p1, !p1  }
0x2d: {  	s9 =	sshrl.u32 s9, $0x19;
	s7 =	sshrl.u32 s7, $0x7;
	s8 =	simm.s32 @!p1 $0x0  }
0x2e: {  	s6 =	sadd.s32 s9, s6;
	p0 =	por !p6, !p0;
	s7 =	ssub.s32 s7, s8  }
0x2f: {  	p0 =	por !p0, !p0;
	s8 =	simm.s32 $0x1;
	s7 =	sshll.u32 s7, $0x7  }
0x30: {  	s6 =	sshrl.u32 s6, $0x7;
	s8 =	simm.s32 @!p0 $0x0;
	s7 =	sand.u32 $0x1FFFFF80, s7  }
0x31: {  	(v2sf) =	vpush v3, $0x2;
	s6 =	ssub.s32 s6, s8;
	s7 =	sadd.s32 s2, s7  }
0x32: {  	[tilespmem:s15], [sflag:$0x1] =	stream.strided.gather [hbm4b:s7+s13], $0x1000, s14, s13, $0x38;
	[tilespmem:$0x10D00] =	vst v63  }
0x33: {  	s6 =	sshll.u32 s6, $0x7;
	s7 =	spop (v2sf)  }
0x34: {  	s6 =	sand.u32 $0x1FFFFF80, s6;
	s8 =	spop (v2sf);
	(v2sf) =	vpush v4, $0x2  }
0x35: {  	s6 =	sadd.s32 s3, s6  }
0x36: {  	s9 =	sand.u32 $0x7F, s7;
	s11 =	sshra.s32 s7, $0x1F;
	p6 =	slt.s32 s7, $0x1  }
0x37: {  	[tilespmem:s16], [sflag:$0x1] =	stream.strided.gather [hbm4b:s6+s13], $0x1000, s14, s13, $0x38;
	[tilespmem:$0x10D00] =	vst v63  }
0x38: {  	p3 =	sne.s32 s9, $0x0;
	s9 =	sshrl.u32 s11, $0x19;
	s1 =	sand.u32 $0x7F, s8  }
0x39: {  	s5 =	sshra.s32 s8, $0x1F;
	p5 =	slt.s32 s8, $0x1;
	p4 =	sne.s32 s1, $0x0  }
0x3a: {  	s7 =	sadd.s32 s9, s7;
	s6 =	sshrl.u32 s5, $0x19;
	p1 =	por !p5, !p4  }
0x3b: {  	s6 =	sadd.s32 s6, s8;
	s8 =	simm.s32 $0x1;
	p1 =	por !p1, !p1  }
0x3c: {  	p0 =	por !p6, !p3;
	s6 =	sshrl.u32 s6, $0x7;
	s8 =	simm.s32 @!p1 $0x0  }
0x3d: {  	p0 =	por !p0, !p0;
	s6 =	ssub.s32 s6, s8;
	s8 =	simm.s32 $0x1  }
0x3e: {  	s7 =	sshrl.u32 s7, $0x7;
	s6 =	sshll.u32 s6, $0x7;
	s8 =	simm.s32 @!p0 $0x0  }
0x3f: {  	s6 =	sand.u32 $0x1FFFFF80, s6;
	s7 =	ssub.s32 s7, s8  }
0x40: {  	s6 =	sadd.s32 s2, s6;
	s8 =	sshll.u32 s7, $0x7;
	s7 =	spop (v2sf);
	(v2sf) =	vpush v3, $0x3  }
0x41: {  	[tilespmem:s17], [sflag:$0x1] =	stream.strided.gather [hbm4b:s6+s13], $0x1000, s14, s13, $0x38;
	[tilespmem:$0x10D00] =	vst v63  }
0x42: {  	s6 =	sand.u32 $0x1FFFFF80, s8;
	s9 =	sand.u32 $0x7F, s7;
	s11 =	sshra.s32 s7, $0x1F  }
0x43: {  	p6 =	slt.s32 s7, $0x1;
	s6 =	sadd.s32 s3, s6;
	s8 =	spop (v2sf);
	(v2sf) =	vpush v4, $0x3  }
0x44: {  	[tilespmem:s18], [sflag:$0x1] =	stream.strided.gather [hbm4b:s6+s13], $0x1000, s14, s13, $0x38;
	[tilespmem:$0x10D00] =	vst v63  }
0x45: {  	p3 =	sne.s32 s9, $0x0;
	s9 =	sshrl.u32 s11, $0x19;
	s1 =	sand.u32 $0x7F, s8  }
0x46: {  	s5 =	sshra.s32 s8, $0x1F;
	p5 =	slt.s32 s8, $0x1;
	p4 =	sne.s32 s1, $0x0  }
0x47: {  	s7 =	sadd.s32 s9, s7;
	s6 =	sshrl.u32 s5, $0x19;
	p1 =	por !p5, !p4  }
0x48: {  	s6 =	sadd.s32 s6, s8;
	s8 =	simm.s32 $0x1;
	p1 =	por !p1, !p1  }
0x49: {  	p0 =	por !p6, !p3;
	s6 =	sshrl.u32 s6, $0x7;
	s8 =	simm.s32 @!p1 $0x0  }
0x4a: {  	p0 =	por !p0, !p0;
	s6 =	ssub.s32 s6, s8;
	s8 =	simm.s32 $0x1  }
0x4b: {  	s7 =	sshrl.u32 s7, $0x7;
	s6 =	sshll.u32 s6, $0x7;
	s8 =	simm.s32 @!p0 $0x0  }
0x4c: {  	s6 =	sand.u32 $0x1FFFFF80, s6;
	s7 =	ssub.s32 s7, s8  }
0x4d: {  	s6 =	sadd.s32 s2, s6;
	s8 =	sshll.u32 s7, $0x7  }
0x4e: {  	[tilespmem:s19], [sflag:$0x1] =	stream.strided.gather [hbm4b:s6+s13], $0x1000, s14, s13, $0x38;
	[tilespmem:$0x10D00] =	vst v63  }
0x4f: {  	s7 =	spop (v2sf);
	s6 =	sand.u32 $0x1FFFFF80, s8  }
0x50: {  	s9 =	sand.u32 $0x7F, s7;
	s6 =	sadd.s32 s3, s6  }
0x51: {  	[tilespmem:s20], [sflag:$0x1] =	stream.strided.gather [hbm4b:s6+s13], $0x1000, s14, s13, $0x38;
	[tilespmem:$0x10D00] =	vst v63  }
0x52: {  	s11 =	sshra.s32 s7, $0x1F;
	p6 =	slt.s32 s7, $0x1;
	s8 =	spop (v2sf)  }
0x53: {  	p3 =	sne.s32 s9, $0x0;
	s9 =	sshrl.u32 s11, $0x19;
	s1 =	sand.u32 $0x7F, s8  }
0x54: {  	s5 =	sshra.s32 s8, $0x1F;
	p5 =	slt.s32 s8, $0x1;
	p4 =	sne.s32 s1, $0x0  }
0x55: {  	s7 =	sadd.s32 s9, s7;
	s6 =	sshrl.u32 s5, $0x19;
	p1 =	por !p5, !p4  }
0x56: {  	s6 =	sadd.s32 s6, s8;
	s8 =	simm.s32 $0x1;
	p1 =	por !p1, !p1  }
0x57: {  	p0 =	por !p6, !p3;
	s6 =	sshrl.u32 s6, $0x7;
	s8 =	simm.s32 @!p1 $0x0  }
0x58: {  	p0 =	por !p0, !p0;
	s6 =	ssub.s32 s6, s8;
	s8 =	simm.s32 $0x1  }
0x59: {  	s7 =	sshrl.u32 s7, $0x7;
	s6 =	sshll.u32 s6, $0x7;
	s8 =	simm.s32 @!p0 $0x0  }
0x5a: {  	s6 =	sand.u32 $0x1FFFFF80, s6;
	s7 =	ssub.s32 s7, s8  }
0x5b: {  	s6 =	sadd.s32 s2, s6;
	s11 =	sshll.u32 s7, $0x7  }
0x5c: {  	[tilespmem:s21], [sflag:$0x1] =	stream.strided.gather [hbm4b:s6+s13], $0x1000, s14, s13, $0x38;
	[tilespmem:$0x10D00] =	vst v63  }
0x5d: {  	s6 =	sand.u32 $0x1FFFFF80, s11  }
0x5e: {  	s6 =	sadd.s32 s3, s6  }
0x5f: {  	[tilespmem:s22], [sflag:$0x1] =	stream.strided.gather [hbm4b:s6+s13], $0x1000, s14, s13, $0x38;
	[tilespmem:$0x10D00] =	vst v63  }
0x60: {  	s8 =	simm.s32 $0x0;
	s7 =	simm.s32 $0x288;
	s6 =	simm.s32 $0x8  }
.LBB2_2:
0x61: {  	v6 =	vld [tilespmem:s7+$0xFFFFFFF8]  }
0x62: {  	v5 =	vld [tilespmem:s6+$0xFFFFFFF8];
	_ =	sdelay $0x3  }
0x63: {  	(v2sf) =	vpush v6, $0x4  }
0x64: {  	(v2sf) =	vpush v5, $0x4;
	_ =	sdelay $0xd  }
0x65: {  	s9 =	spop (v2sf)  }
0x66: {  	s1 =	spop (v2sf);
	(v2sf) =	vpush v6, $0x5  }
0x67: {  	s5 =	sand.u32 $0x7F, s9;
	s11 =	sshra.s32 s9, $0x1F;
	p6 =	slt.s32 s9, $0x1  }
0x68: {  	p0 =	sne.s32 s5, $0x0;
	s5 =	sand.u32 $0x7F, s1;
	(v2sf) =	vpush v5, $0x5;
	p2 =	slt.s32 s1, $0x1  }
0x69: {  	s11 =	sshrl.u32 s11, $0x19;
	p1 =	sne.s32 s5, $0x0;
	s5 =	sshra.s32 s1, $0x1F  }
0x6a: {  	s9 =	sadd.s32 s11, s9;
	s5 =	sshrl.u32 s5, $0x19;
	p1 =	por !p2, !p1  }
0x6b: {  	s1 =	sadd.s32 s5, s1;
	p1 =	por !p1, !p1;
	s5 =	simm.s32 $0x1  }
0x6c: {  	p0 =	por !p6, !p0;
	s1 =	sshrl.u32 s1, $0x7;
	s5 =	simm.s32 @!p1 $0x0  }
0x6d: {  	p0 =	por !p0, !p0;
	s1 =	ssub.s32 s1, s5;
	s5 =	simm.s32 $0x1  }
0x6e: {  	s9 =	sshrl.u32 s9, $0x7;
	s1 =	sshll.u32 s1, $0x7;
	s5 =	simm.s32 @!p0 $0x0  }
0x6f: {  	s1 =	sand.u32 $0x1FFFFF80, s1;
	s5 =	ssub.s32 s9, s5  }
0x70: {  	v3 =	vld [tilespmem:s6+$0x0];
	s1 =	sadd.s32 s2, s1;
	s5 =	sshll.u32 s5, $0x7  }
0x71: {  	v4 =	vld [tilespmem:s7+$0x0];
	[tilespmem:s23], [sflag:$0x2] =	stream.strided.gather [hbm4b:s1+s13], $0x1000, s14, s13, $0x38  }
0x72: {  	s1 =	sand.u32 $0x1FFFFF80, s5  }
0x73: {  	s1 =	sadd.s32 s3, s1  }
0x74: {  	[tilespmem:s24], [sflag:$0x2] =	stream.strided.gather [hbm4b:s1+s13], $0x1000, s14, s13, $0x38;
	[tilespmem:$0x10D00] =	vst v63  }
0x75: {  	s1 =	spop (v2sf)  }
0x76: {  	(v2sf) =	vpush v6, $0x6;
	s5 =	sand.u32 $0x7F, s1  }
0x77: {  	s9 =	spop (v2sf);
	s11 =	sshra.s32 s1, $0x1F;
	p6 =	slt.s32 s1, $0x1  }
0x78: {  	(v2sf) =	vpush v5, $0x6;
	p3 =	sne.s32 s5, $0x0;
	s5 =	sand.u32 $0x7F, s9;
	p5 =	slt.s32 s9, $0x1  }
0x79: {  	s11 =	sshrl.u32 s11, $0x19;
	p4 =	sne.s32 s5, $0x0;
	s5 =	sshra.s32 s9, $0x1F  }
0x7a: {  	s1 =	sadd.s32 s11, s1;
	s5 =	sshrl.u32 s5, $0x19;
	p1 =	por !p5, !p4  }
0x7b: {  	s5 =	sadd.s32 s5, s9;
	p1 =	por !p1, !p1;
	s9 =	simm.s32 $0x1  }
0x7c: {  	p0 =	por !p6, !p3;
	s5 =	sshrl.u32 s5, $0x7;
	s9 =	simm.s32 @!p1 $0x0  }
0x7d: {  	p0 =	por !p0, !p0;
	s5 =	ssub.s32 s5, s9;
	s9 =	simm.s32 $0x1  }
0x7e: {  	s1 =	sshrl.u32 s1, $0x7;
	s5 =	sshll.u32 s5, $0x7;
	s9 =	simm.s32 @!p0 $0x0  }
0x7f: {  	s5 =	sand.u32 $0x1FFFFF80, s5;
	s1 =	ssub.s32 s1, s9  }
0x80: {  	s5 =	sadd.s32 s2, s5;
	s1 =	sshll.u32 s1, $0x7  }
0x81: {  	[tilespmem:s25], [sflag:$0x2] =	stream.strided.gather [hbm4b:s5+s13], $0x1000, s14, s13, $0x38;
	[tilespmem:$0x10D00] =	vst v63  }
0x82: {  	s1 =	sand.u32 $0x1FFFFF80, s1  }
0x83: {  	s1 =	sadd.s32 s3, s1  }
0x84: {  	[tilespmem:s26], [sflag:$0x2] =	stream.strided.gather [hbm4b:s1+s13], $0x1000, s14, s13, $0x38;
	[tilespmem:$0x10D00] =	vst v63  }
0x85: {  	s1 =	spop (v2sf)  }
0x86: {  	(v2sf) =	vpush v6, $0x7;
	s5 =	sand.u32 $0x7F, s1  }
0x87: {  	s9 =	spop (v2sf);
	s11 =	sshra.s32 s1, $0x1F;
	p6 =	slt.s32 s1, $0x1  }
0x88: {  	(v2sf) =	vpush v5, $0x7;
	p3 =	sne.s32 s5, $0x0;
	s5 =	sand.u32 $0x7F, s9;
	p5 =	slt.s32 s9, $0x1  }
0x89: {  	s11 =	sshrl.u32 s11, $0x19;
	p4 =	sne.s32 s5, $0x0;
	s5 =	sshra.s32 s9, $0x1F  }
0x8a: {  	s1 =	sadd.s32 s11, s1;
	s5 =	sshrl.u32 s5, $0x19;
	p1 =	por !p5, !p4  }
0x8b: {  	s5 =	sadd.s32 s5, s9;
	p1 =	por !p1, !p1;
	s9 =	simm.s32 $0x1  }
0x8c: {  	p0 =	por !p6, !p3;
	s5 =	sshrl.u32 s5, $0x7;
	s9 =	simm.s32 @!p1 $0x0  }
0x8d: {  	p0 =	por !p0, !p0;
	s5 =	ssub.s32 s5, s9;
	s9 =	simm.s32 $0x1  }
0x8e: {  	s1 =	sshrl.u32 s1, $0x7;
	s5 =	sshll.u32 s5, $0x7;
	s9 =	simm.s32 @!p0 $0x0  }
0x8f: {  	s5 =	sand.u32 $0x1FFFFF80, s5;
	s1 =	ssub.s32 s1, s9  }
0x90: {  	s5 =	sadd.s32 s2, s5;
	s1 =	sshll.u32 s1, $0x7  }
0x91: {  	[tilespmem:s28], [sflag:$0x2] =	stream.strided.gather [hbm4b:s5+s13], $0x1000, s14, s13, $0x38;
	[tilespmem:$0x10D00] =	vst v63  }
0x92: {  	s1 =	sand.u32 $0x1FFFFF80, s1  }
0x93: {  	s1 =	sadd.s32 s3, s1  }
0x94: {  	[tilespmem:s29], [sflag:$0x2] =	stream.strided.gather [hbm4b:s1+s13], $0x1000, s14, s13, $0x38;
	[tilespmem:$0x10D00] =	vst v63  }
0x95: {  	s1 =	spop (v2sf)  }
0x96: {  	s5 =	sand.u32 $0x7F, s1  }
0x97: {  	s9 =	spop (v2sf);
	s11 =	sshra.s32 s1, $0x1F;
	p6 =	slt.s32 s1, $0x1  }
0x98: {  	p3 =	sne.s32 s5, $0x0;
	s5 =	sand.u32 $0x7F, s9;
	p5 =	slt.s32 s9, $0x1  }
0x99: {  	s11 =	sshrl.u32 s11, $0x19;
	p4 =	sne.s32 s5, $0x0;
	s5 =	sshra.s32 s9, $0x1F  }
0x9a: {  	s1 =	sadd.s32 s11, s1;
	s5 =	sshrl.u32 s5, $0x19;
	p1 =	por !p5, !p4  }
0x9b: {  	s5 =	sadd.s32 s5, s9;
	p1 =	por !p1, !p1;
	s9 =	simm.s32 $0x1  }
0x9c: {  	p0 =	por !p6, !p3;
	s5 =	sshrl.u32 s5, $0x7;
	s9 =	simm.s32 @!p1 $0x0  }
0x9d: {  	p0 =	por !p0, !p0;
	s5 =	ssub.s32 s5, s9;
	s9 =	simm.s32 $0x1  }
0x9e: {  	s1 =	sshrl.u32 s1, $0x7;
	s5 =	sshll.u32 s5, $0x7;
	s9 =	simm.s32 @!p0 $0x0  }
0x9f: {  	s5 =	sand.u32 $0x1FFFFF80, s5;
	s1 =	ssub.s32 s1, s9  }
0xa0: {  	s5 =	sadd.s32 s2, s5;
	s1 =	sshll.u32 s1, $0x7  }
0xa1: {  	[tilespmem:s30], [sflag:$0x2] =	stream.strided.gather [hbm4b:s5+s13], $0x1000, s14, s13, $0x38;
	[tilespmem:$0x10D00] =	vst v63  }
0xa2: {  	s1 =	sand.u32 $0x1FFFFF80, s1  }
0xa3: {  	s1 =	sadd.s32 s3, s1  }
0xa4: {  	[tilespmem:s31], [sflag:$0x2] =	stream.strided.gather [hbm4b:s1+s13], $0x1000, s14, s13, $0x38;
	[tilespmem:$0x10D00] =	vst v63  }
0xa5: {  	_ =	swait.ge [sflag:s12], $0x1000  }
0xa6: {  	[sflag:s12] =	ssyncset.done $0x0  }
0xa7: {  	[sflag:s12] =	ssyncadd.s32 $0xFFFFF000  }
0xa8: {  	_ =	swait.ge [sflag:s12], $0x1000  }
0xa9: {  	[sflag:s12] =	ssyncset.done $0x0  }
0xaa: {  	[sflag:s12] =	ssyncadd.s32 $0xFFFFF000  }
0xab: {  	_ =	swait.ge [sflag:s12], $0x1000  }
0xac: {  	[sflag:s12] =	ssyncset.done $0x0  }
0xad: {  	[sflag:s12] =	ssyncadd.s32 $0xFFFFF000  }
0xae: {  	v7 =	vshra.s32 v5, $0x1F;
	_ =	swait.ge [sflag:s12], $0x1000  }
0xaf: {  	v8 =	vand.u32 $0x7F, v5;
	v7 =	vshrl.u32 v7, $0x19;
	[sflag:s12] =	ssyncset.done $0x0  }
0xb0: {  	vm0 =	vlt.s32 v5, $0x1;
	vm1 =	vne.s32 v8, $0x0;
	v7 =	vadd.s32 v7, v5;
	[sflag:s12] =	ssyncadd.s32 $0xFFFFF000  }
0xb1: {  	vm0 =	vmand vm0, vm1;
	v7 =	vshrl.u32 v7, $0x7;
	_ =	swait.ge [sflag:s12], $0x1000  }
0xb2: {  	v29 =	vsel vm0, $0x1, v1;
	v7 =	vsub.s32 $0x0, v7;
	[sflag:s12] =	ssyncset.done $0x0  }
0xb3: {  	v7 =	vadd.s32 v29, v7;
	[sflag:s12] =	ssyncadd.s32 $0xFFFFF000  }
0xb4: {  	v7 =	vshll.u32 v7, $0x7;
	_ =	swait.ge [sflag:s12], $0x1000  }
0xb5: {  	v5 =	vadd.s32 v5, v7;
	[sflag:s12] =	ssyncset.done $0x0  }
0xb6: {  	v7 =	vbroadcast v5, $0x0;
	[sflag:s12] =	ssyncadd.s32 $0xFFFFF000  }
0xb7: {  	_ =	swait.ge [sflag:s12], $0x1000  }
0xb8: {  	v30 =	vadd.s32 v0, v7;
	[sflag:s12] =	ssyncset.done $0x0  }
0xb9: {  	[sflag:s12] =	ssyncadd.s32 $0xFFFFF000  }
0xba: {  	_ =	swait.ge [sflag:s12], $0x1000  }
0xbb: {  	v9 =	vshra.s32 v6, $0x1F;
	v10 =	vand.u32 $0x7F, v6;
	[sflag:s12] =	ssyncset.done $0x0  }
0xbc: {  	vm14 =	vlt.s32 v6, $0x1;
	v9 =	vshrl.u32 v9, $0x19;
	vm15 =	vne.s32 v10, $0x0;
	[sflag:s12] =	ssyncadd.s32 $0xFFFFF000  }
0xbd: {  	v9 =	vadd.s32 v9, v6;
	vm0 =	vmand vm14, vm15;
	v8 =	vld.idx.msk [tilespmem:v30+s15+$0x0], $0xffff  }
0xbe: {  	v9 =	vshrl.u32 v9, $0x7;
	v31 =	vsel vm0, $0x1, v1;
	v7 =	vadd.s32 v2, v7  }
0xbf: {  	v9 =	vsub.s32 v31, v9  }
0xc0: {  	v9 =	vshll.u32 v9, $0x7  }
0xc1: {  	v6 =	vadd.s32 v6, v9  }
0xc2: {  	v9 =	vbroadcast v6, $0x0;
	[tilespmem:$0x10500] =	vst v8  }
0xc3: {  	v7 =	vld.idx.msk [tilespmem:v7+s15+$0x0], $0xffff  }
0xc4: {  	v32 =	vadd.s32 v0, v9;
	_ =	sdelay $0x3  }
0xc5: {  	[tilespmem:$0x10510] =	vst v7  }
0xc6: {  	v7 =	vld.idx.msk [tilespmem:v32+s16+$0x0], $0xffff  }
0xc7: {  	v33 =	vadd.s32 v2, v9;
	_ =	sdelay $0x3  }
0xc8: {  	v34 =	vbroadcast v5, $0x1;
	[tilespmem:$0x10900] =	vst v7  }
0xc9: {  	v8 =	vld.idx.msk [tilespmem:v33+s16+$0x0], $0xffff  }
0xca: {  	v35 =	vadd.s32 v0, v34;
	_ =	sdelay $0x3  }
0xcb: {  	[tilespmem:$0x10910] =	vst v8  }
0xcc: {  	v8 =	vld.idx.msk [tilespmem:v35+s17+$0x0], $0xffff  }
0xcd: {  	v7 =	vadd.s32 v2, v34;
	_ =	sdelay $0x3  }
0xce: {  	v36 =	vbroadcast v6, $0x1;
	[tilespmem:$0x10580] =	vst v8  }
0xcf: {  	v7 =	vld.idx.msk [tilespmem:v7+s17+$0x0], $0xffff  }
0xd0: {  	v37 =	vadd.s32 v0, v36;
	_ =	sdelay $0x3  }
0xd1: {  	[tilespmem:$0x10590] =	vst v7  }
0xd2: {  	v7 =	vld.idx.msk [tilespmem:v37+s18+$0x0], $0xffff  }
0xd3: {  	v38 =	vadd.s32 v2, v36;
	_ =	sdelay $0x3  }
0xd4: {  	v39 =	vbroadcast v5, $0x2;
	[tilespmem:$0x10980] =	vst v7  }
0xd5: {  	v8 =	vld.idx.msk [tilespmem:v38+s18+$0x0], $0xffff  }
0xd6: {  	v40 =	vadd.s32 v0, v39;
	_ =	sdelay $0x3  }
0xd7: {  	[tilespmem:$0x10990] =	vst v8  }
0xd8: {  	v8 =	vld.idx.msk [tilespmem:v40+s19+$0x0], $0xffff  }
0xd9: {  	v7 =	vadd.s32 v2, v39;
	_ =	sdelay $0x3  }
0xda: {  	v41 =	vbroadcast v6, $0x2;
	[tilespmem:$0x10600] =	vst v8  }
0xdb: {  	v7 =	vld.idx.msk [tilespmem:v7+s19+$0x0], $0xffff  }
0xdc: {  	v42 =	vadd.s32 v0, v41;
	_ =	sdelay $0x3  }
0xdd: {  	[tilespmem:$0x10610] =	vst v7  }
0xde: {  	v7 =	vld.idx.msk [tilespmem:v42+s20+$0x0], $0xffff  }
0xdf: {  	v43 =	vadd.s32 v2, v41;
	_ =	sdelay $0x3  }
0xe0: {  	v44 =	vbroadcast v5, $0x3;
	[tilespmem:$0x10A00] =	vst v7  }
0xe1: {  	v8 =	vld.idx.msk [tilespmem:v43+s20+$0x0], $0xffff  }
0xe2: {  	v45 =	vadd.s32 v0, v44  }
0xe3: {  	(v2sf) =	vpush v4, $0x0;
	_ =	sdelay $0x2  }
0xe4: {  	(v2sf) =	vpush v3, $0x0;
	[tilespmem:$0x10A10] =	vst v8  }
0xe5: {  	v8 =	vld.idx.msk [tilespmem:v45+s21+$0x0], $0xffff  }
0xe6: {  	v7 =	vadd.s32 v2, v44;
	_ =	sdelay $0x3  }
0xe7: {  	v46 =	vbroadcast v6, $0x3;
	[tilespmem:$0x10680] =	vst v8  }
0xe8: {  	v7 =	vld.idx.msk [tilespmem:v7+s21+$0x0], $0xffff  }
0xe9: {  	v47 =	vadd.s32 v0, v46;
	_ =	sdelay $0x2  }
0xea: {  	(v2sf) =	vpush v4, $0x1  }
0xeb: {  	s1 =	spop (v2sf);
	(v2sf) =	vpush v3, $0x1;
	[tilespmem:$0x10690] =	vst v7  }
0xec: {  	v7 =	vld.idx.msk [tilespmem:v47+s22+$0x0], $0xffff  }
0xed: {  	v48 =	vadd.s32 v2, v46;
	s5 =	sand.u32 $0x7F, s1  }
0xee: {  	s9 =	spop (v2sf);
	s11 =	sshra.s32 s1, $0x1F;
	p6 =	slt.s32 s1, $0x1  }
0xef: {  	p3 =	sne.s32 s5, $0x0;
	s5 =	sand.u32 $0x7F, s9;
	p5 =	slt.s32 s9, $0x1  }
0xf0: {  	s11 =	sshrl.u32 s11, $0x19;
	p4 =	sne.s32 s5, $0x0;
	s5 =	sshra.s32 s9, $0x1F  }
0xf1: {  	s1 =	sadd.s32 s11, s1;
	s5 =	sshrl.u32 s5, $0x19;
	p1 =	por !p5, !p4;
	[tilespmem:$0x10A80] =	vst v7  }
0xf2: {  	s5 =	sadd.s32 s5, s9;
	p1 =	por !p1, !p1;
	s9 =	simm.s32 $0x1;
	v7 =	vld.idx.msk [tilespmem:v48+s22+$0x0], $0xffff  }
0xf3: {  	p0 =	por !p6, !p3;
	s5 =	sshrl.u32 s5, $0x7;
	s9 =	simm.s32 @!p1 $0x0  }
0xf4: {  	p0 =	por !p0, !p0;
	s5 =	ssub.s32 s5, s9;
	s9 =	simm.s32 $0x1  }
0xf5: {  	s1 =	sshrl.u32 s1, $0x7;
	s5 =	sshll.u32 s5, $0x7;
	s9 =	simm.s32 @!p0 $0x0  }
0xf6: {  	s5 =	sand.u32 $0x1FFFFF80, s5;
	s1 =	ssub.s32 s1, s9  }
0xf7: {  	s5 =	sadd.s32 s2, s5;
	s1 =	sshll.u32 s1, $0x7;
	[tilespmem:$0x10A90] =	vst v7  }
0xf8: {  	(v2sf) =	vpush v4, $0x2;
	[tilespmem:s15], [sflag:$0x1] =	stream.strided.gather [hbm4b:s5+s13], $0x1000, s14, s13, $0x38;
	[tilespmem:$0x10D00] =	vst v63  }
0xf9: {  	s1 =	sand.u32 $0x1FFFFF80, s1;
	s5 =	spop (v2sf)  }
0xfa: {  	s1 =	sadd.s32 s3, s1;
	s9 =	spop (v2sf)  }
0xfb: {  	(v2sf) =	vpush v3, $0x2;
	[tilespmem:s16], [sflag:$0x1] =	stream.strided.gather [hbm4b:s1+s13], $0x1000, s14, s13, $0x38;
	[tilespmem:$0x10D00] =	vst v63  }
0xfc: {  	s11 =	sshra.s32 s5, $0x1F;
	p6 =	slt.s32 s5, $0x1;
	s1 =	sand.u32 $0x7F, s5  }
0xfd: {  	p5 =	slt.s32 s9, $0x1;
	p3 =	sne.s32 s1, $0x0;
	s1 =	sand.u32 $0x7F, s9  }
0xfe: {  	s11 =	sshrl.u32 s11, $0x19;
	p4 =	sne.s32 s1, $0x0;
	s1 =	sshra.s32 s9, $0x1F  }
0xff: {  	s5 =	sadd.s32 s11, s5;
	s1 =	sshrl.u32 s1, $0x19;
	p1 =	por !p5, !p4  }
0x100: {  	s1 =	sadd.s32 s1, s9;
	p1 =	por !p1, !p1;
	s9 =	simm.s32 $0x1  }
0x101: {  	p0 =	por !p6, !p3;
	s1 =	sshrl.u32 s1, $0x7;
	s9 =	simm.s32 @!p1 $0x0  }
0x102: {  	p0 =	por !p0, !p0;
	s1 =	ssub.s32 s1, s9;
	s9 =	simm.s32 $0x1  }
0x103: {  	s5 =	sshrl.u32 s5, $0x7;
	s1 =	sshll.u32 s1, $0x7;
	s9 =	simm.s32 @!p0 $0x0  }
0x104: {  	s1 =	sand.u32 $0x1FFFFF80, s1;
	s5 =	ssub.s32 s5, s9  }
0x105: {  	s1 =	sadd.s32 s2, s1;
	s9 =	sshll.u32 s5, $0x7  }
0x106: {  	[tilespmem:s17], [sflag:$0x1] =	stream.strided.gather [hbm4b:s1+s13], $0x1000, s14, s13, $0x38;
	[tilespmem:$0x10D00] =	vst v63  }
0x107: {  	s5 =	spop (v2sf);
	(v2sf) =	vpush v4, $0x3;
	s1 =	sand.u32 $0x1FFFFF80, s9  }
0x108: {  	s1 =	sadd.s32 s3, s1  }
0x109: {  	[tilespmem:s18], [sflag:$0x1] =	stream.strided.gather [hbm4b:s1+s13], $0x1000, s14, s13, $0x38;
	[tilespmem:$0x10D00] =	vst v63  }
0x10a: {  	s9 =	spop (v2sf);
	(v2sf) =	vpush v3, $0x3  }
0x10b: {  	s11 =	sshra.s32 s5, $0x1F;
	p6 =	slt.s32 s5, $0x1;
	s1 =	sand.u32 $0x7F, s5  }
0x10c: {  	s11 =	sshrl.u32 s11, $0x19;
	p3 =	sne.s32 s1, $0x0;
	s1 =	sand.u32 $0x7F, s9  }
0x10d: {  	p5 =	slt.s32 s9, $0x1;
	p4 =	sne.s32 s1, $0x0;
	s1 =	sshra.s32 s9, $0x1F  }
0x10e: {  	s5 =	sadd.s32 s11, s5;
	s1 =	sshrl.u32 s1, $0x19;
	p1 =	por !p5, !p4  }
0x10f: {  	s1 =	sadd.s32 s1, s9;
	p1 =	por !p1, !p1;
	s9 =	simm.s32 $0x1  }
0x110: {  	p0 =	por !p6, !p3;
	s1 =	sshrl.u32 s1, $0x7;
	s9 =	simm.s32 @!p1 $0x0  }
0x111: {  	p0 =	por !p0, !p0;
	s1 =	ssub.s32 s1, s9;
	s9 =	simm.s32 $0x1  }
0x112: {  	s5 =	sshrl.u32 s5, $0x7;
	s1 =	sshll.u32 s1, $0x7;
	s9 =	simm.s32 @!p0 $0x0  }
0x113: {  	s1 =	sand.u32 $0x1FFFFF80, s1;
	s5 =	ssub.s32 s5, s9  }
0x114: {  	s1 =	sadd.s32 s2, s1;
	s11 =	sshll.u32 s5, $0x7  }
0x115: {  	[tilespmem:s19], [sflag:$0x1] =	stream.strided.gather [hbm4b:s1+s13], $0x1000, s14, s13, $0x38;
	[tilespmem:$0x10D00] =	vst v63  }
0x116: {  	s1 =	sand.u32 $0x1FFFFF80, s11;
	s5 =	spop (v2sf)  }
0x117: {  	s1 =	sadd.s32 s3, s1;
	s11 =	sshra.s32 s5, $0x1F  }
0x118: {  	[tilespmem:s20], [sflag:$0x1] =	stream.strided.gather [hbm4b:s1+s13], $0x1000, s14, s13, $0x38;
	[tilespmem:$0x10D00] =	vst v63  }
0x119: {  	p6 =	slt.s32 s5, $0x1;
	s1 =	sand.u32 $0x7F, s5;
	s9 =	spop (v2sf)  }
0x11a: {  	s11 =	sshrl.u32 s11, $0x19;
	p3 =	sne.s32 s1, $0x0;
	s1 =	sand.u32 $0x7F, s9  }
0x11b: {  	p5 =	slt.s32 s9, $0x1;
	p4 =	sne.s32 s1, $0x0;
	s1 =	sshra.s32 s9, $0x1F  }
0x11c: {  	s5 =	sadd.s32 s11, s5;
	p1 =	por !p5, !p4;
	s1 =	sshrl.u32 s1, $0x19  }
0x11d: {  	s1 =	sadd.s32 s1, s9;
	p1 =	por !p1, !p1;
	s9 =	simm.s32 $0x1  }
0x11e: {  	p0 =	por !p6, !p3;
	s9 =	simm.s32 @!p1 $0x0;
	s1 =	sshrl.u32 s1, $0x7  }
0x11f: {  	p0 =	por !p0, !p0;
	s1 =	ssub.s32 s1, s9;
	s9 =	simm.s32 $0x1  }
0x120: {  	s5 =	sshrl.u32 s5, $0x7;
	s1 =	sshll.u32 s1, $0x7;
	s9 =	simm.s32 @!p0 $0x0  }
0x121: {  	s1 =	sand.u32 $0x1FFFFF80, s1;
	s5 =	ssub.s32 s5, s9  }
0x122: {  	s1 =	sadd.s32 s2, s1;
	s5 =	sshll.u32 s5, $0x7  }
0x123: {  	[tilespmem:s21], [sflag:$0x1] =	stream.strided.gather [hbm4b:s1+s13], $0x1000, s14, s13, $0x38;
	[tilespmem:$0x10D00] =	vst v63  }
0x124: {  	s1 =	sand.u32 $0x1FFFFF80, s5  }
0x125: {  	s1 =	sadd.s32 s3, s1  }
0x126: {  	[tilespmem:s22], [sflag:$0x1] =	stream.strided.gather [hbm4b:s1+s13], $0x1000, s14, s13, $0x38;
	[tilespmem:$0x10D00] =	vst v63  }
0x127: {  	_ =	swait.ge [sflag:s0], $0x1000  }
0x128: {  	[sflag:s0] =	ssyncset.done $0x0  }
0x129: {  	[sflag:s0] =	ssyncadd.s32 $0xFFFFF000  }
0x12a: {  	_ =	swait.ge [sflag:s0], $0x1000  }
0x12b: {  	[sflag:s0] =	ssyncset.done $0x0  }
0x12c: {  	[sflag:s0] =	ssyncadd.s32 $0xFFFFF000  }
0x12d: {  	_ =	swait.ge [sflag:s0], $0x1000  }
0x12e: {  	[sflag:s0] =	ssyncset.done $0x0  }
0x12f: {  	[sflag:s0] =	ssyncadd.s32 $0xFFFFF000  }
0x130: {  	_ =	swait.ge [sflag:s0], $0x1000  }
0x131: {  	[sflag:s0] =	ssyncset.done $0x0  }
0x132: {  	[sflag:s0] =	ssyncadd.s32 $0xFFFFF000  }
0x133: {  	_ =	swait.ge [sflag:s0], $0x1000  }
0x134: {  	[sflag:s0] =	ssyncset.done $0x0  }
0x135: {  	[sflag:s0] =	ssyncadd.s32 $0xFFFFF000  }
0x136: {  	_ =	swait.ge [sflag:s0], $0x1000  }
0x137: {  	[sflag:s0] =	ssyncset.done $0x0  }
0x138: {  	v3 =	vbroadcast v5, $0x4;
	[sflag:s0] =	ssyncadd.s32 $0xFFFFF000  }
0x139: {  	_ =	swait.ge [sflag:s0], $0x1000  }
0x13a: {  	v49 =	vadd.s32 v0, v3;
	[sflag:s0] =	ssyncset.done $0x0  }
0x13b: {  	[sflag:s0] =	ssyncadd.s32 $0xFFFFF000  }
0x13c: {  	_ =	swait.ge [sflag:s0], $0x1000  }
0x13d: {  	[sflag:s0] =	ssyncset.done $0x0  }
0x13e: {  	[sflag:s0] =	ssyncadd.s32 $0xFFFFF000  }
0x13f: {  	v4 =	vld.idx.msk [tilespmem:v49+s23+$0x0], $0xffff  }
0x140: {  	v3 =	vadd.s32 v2, v3;
	_ =	sdelay $0x3  }
0x141: {  	v50 =	vbroadcast v6, $0x4;
	[tilespmem:$0x10700] =	vst v4  }
0x142: {  	v3 =	vld.idx.msk [tilespmem:v3+s23+$0x0], $0xffff  }
0x143: {  	v51 =	vadd.s32 v0, v50;
	_ =	sdelay $0x3  }
0x144: {  	[tilespmem:$0x10710] =	vst v3  }
0x145: {  	v3 =	vld.idx.msk [tilespmem:v51+s24+$0x0], $0xffff  }
0x146: {  	v52 =	vadd.s32 v2, v50;
	_ =	sdelay $0x3  }
0x147: {  	[tilespmem:$0x10B00] =	vst v3;
	v3 =	vbroadcast v5, $0x5  }
0x148: {  	v4 =	vld.idx.msk [tilespmem:v52+s24+$0x0], $0xffff  }
0x149: {  	v53 =	vadd.s32 v0, v3;
	_ =	sdelay $0x3  }
0x14a: {  	[tilespmem:$0x10B10] =	vst v4  }
0x14b: {  	v4 =	vld.idx.msk [tilespmem:v53+s25+$0x0], $0xffff  }
0x14c: {  	v3 =	vadd.s32 v2, v3;
	_ =	sdelay $0x3  }
0x14d: {  	v54 =	vbroadcast v6, $0x5;
	[tilespmem:$0x10780] =	vst v4  }
0x14e: {  	v3 =	vld.idx.msk [tilespmem:v3+s25+$0x0], $0xffff  }
0x14f: {  	v55 =	vadd.s32 v0, v54;
	_ =	sdelay $0x3  }
0x150: {  	[tilespmem:$0x10790] =	vst v3  }
0x151: {  	v3 =	vld.idx.msk [tilespmem:v55+s26+$0x0], $0xffff  }
0x152: {  	v56 =	vadd.s32 v2, v54;
	_ =	sdelay $0x3  }
0x153: {  	[tilespmem:$0x10B80] =	vst v3;
	v3 =	vbroadcast v5, $0x6  }
0x154: {  	v4 =	vld.idx.msk [tilespmem:v56+s26+$0x0], $0xffff  }
0x155: {  	v57 =	vadd.s32 v0, v3;
	_ =	sdelay $0x3  }
0x156: {  	[tilespmem:$0x10B90] =	vst v4  }
0x157: {  	v4 =	vld.idx.msk [tilespmem:v57+s28+$0x0], $0xffff  }
0x158: {  	v3 =	vadd.s32 v2, v3;
	_ =	sdelay $0x3  }
0x159: {  	v58 =	vbroadcast v6, $0x6;
	[tilespmem:$0x10800] =	vst v4  }
0x15a: {  	v3 =	vld.idx.msk [tilespmem:v3+s28+$0x0], $0xffff  }
0x15b: {  	v59 =	vadd.s32 v0, v58;
	_ =	sdelay $0x3  }
0x15c: {  	[tilespmem:$0x10810] =	vst v3  }
0x15d: {  	v3 =	vld.idx.msk [tilespmem:v59+s29+$0x0], $0xffff  }
0x15e: {  	v60 =	vadd.s32 v2, v58;
	_ =	sdelay $0x3  }
0x15f: {  	[tilespmem:$0x10C00] =	vst v3;
	v3 =	vbroadcast v5, $0x7  }
0x160: {  	v4 =	vld.idx.msk [tilespmem:v60+s29+$0x0], $0xffff  }
0x161: {  	v5 =	vadd.s32 v0, v3;
	_ =	sdelay $0x3  }
0x162: {  	[tilespmem:$0x10C10] =	vst v4  }
0x163: {  	v4 =	vld.idx.msk [tilespmem:v5+s30+$0x0], $0xffff  }
0x164: {  	v3 =	vadd.s32 v2, v3;
	_ =	sdelay $0x3  }
0x165: {  	v61 =	vbroadcast v6, $0x7;
	[tilespmem:$0x10880] =	vst v4  }
0x166: {  	v3 =	vld.idx.msk [tilespmem:v3+s30+$0x0], $0xffff  }
0x167: {  	v62 =	vadd.s32 v0, v61;
	_ =	sdelay $0x3  }
0x168: {  	[tilespmem:$0x10890] =	vst v3  }
0x169: {  	v3 =	vld.idx.msk [tilespmem:v62+s31+$0x0], $0xffff  }
0x16a: {  	v63 =	vadd.s32 v2, v61;
	_ =	sdelay $0x3  }
0x16b: {  	[tilespmem:$0x10C80] =	vst v3  }
0x16c: {  	v3 =	vld.idx.msk [tilespmem:v63+s31+$0x0], $0xffff;
	_ =	sdelay $0x3  }
0x16d: {  	s9 =	rddreg [dreg:$0x5]  }
0x16e: {  	s11 =	simm.s32 $0x10500;
	s1 =	sadd.s32 s8, s9;
	[tilespmem:$0x10C90] =	vst v3  }
0x16f: {  	[hbm4b:s1+s4] =	stream.linear.scatter [tilespmem:s11], [sflag:$0x3], $0x400, $0x38;
	[tilespmem:$0x10D00] =	vst v63  }
0x170: {  	p0 =	sne.s32 s8, $0x1F00;
	_ =	swait.ge [sflag:s10], $0x400  }
0x171: {  	s9 =	simm.s32 $0x10900;
	s5 =	rddreg [dreg:$0x6];
	[sflag:s10] =	ssyncset.done $0x0  }
.Ltmp0:
0x172: {  	[sflag:s10] =	ssyncadd.s32 $0xFFFFFC00;
	s1 =	sadd.s32 s8, s5;
	(pc) =	sbr.rel @p0 .LBB2_2-.Ltmp0, $4  }
0x173: {  	[hbm4b:s1+s4] =	stream.linear.scatter [tilespmem:s9], [sflag:$0x3], $0x400, $0x38;
	[tilespmem:$0x10D00] =	vst v63  }
0x174: {  	_ =	swait.ge [sflag:s10], $0x400  }
0x175: {  	s6 =	sadd.s32 $0x8, s6;
	[sflag:s10] =	ssyncset.done $0x0  }
0x176: {  	s7 =	sadd.s32 $0x8, s7;
	s8 =	sadd.s32 $0x80, s8;
	[sflag:s10] =	ssyncadd.s32 $0xFFFFFC00  }
0x177: {  	v3 =	vld [tilespmem:$0x478];
	_ =	sdelay $0x2  }
0x178: {  	v4 =	vld [tilespmem:$0x1F8];
	_ =	sdelay $0x1  }
0x179: {  	(v2sf) =	vpush v3, $0x4;
	_ =	sdelay $0x2  }
0x17a: {  	(v2sf) =	vpush v4, $0x4;
	_ =	sdelay $0xa  }
0x17b: {  	(v2sf) =	vpush v3, $0x5  }
0x17c: {  	s1 =	spop (v2sf);
	(v2sf) =	vpush v4, $0x5;
	_ =	sdelay $0x2  }
0x17d: {  	s5 =	sand.u32 $0x7F, s1;
	s6 =	spop (v2sf)  }
0x17e: {  	s7 =	sshra.s32 s1, $0x1F;
	p6 =	slt.s32 s1, $0x1;
	s9 =	sand.u32 $0x7F, s6  }
0x17f: {  	s8 =	sshra.s32 s6, $0x1F;
	p2 =	slt.s32 s6, $0x1;
	p1 =	sne.s32 s9, $0x0  }
0x180: {  	p0 =	sne.s32 s5, $0x0;
	s5 =	sshrl.u32 s8, $0x19;
	p1 =	por !p2, !p1  }
0x181: {  	s5 =	sadd.s32 s5, s6;
	s6 =	simm.s32 $0x1;
	p1 =	por !p1, !p1  }
0x182: {  	s7 =	sshrl.u32 s7, $0x19;
	s5 =	sshrl.u32 s5, $0x7;
	s6 =	simm.s32 @!p1 $0x0  }
0x183: {  	s1 =	sadd.s32 s7, s1;
	p0 =	por !p6, !p0;
	s5 =	ssub.s32 s5, s6  }
0x184: {  	p0 =	por !p0, !p0;
	s6 =	simm.s32 $0x1;
	s5 =	sshll.u32 s5, $0x7  }
0x185: {  	s1 =	sshrl.u32 s1, $0x7;
	s6 =	simm.s32 @!p0 $0x0;
	s5 =	sand.u32 $0x1FFFFF80, s5  }
0x186: {  	(v2sf) =	vpush v3, $0x6;
	s1 =	ssub.s32 s1, s6;
	s5 =	sadd.s32 s2, s5  }
0x187: {  	[tilespmem:s23], [sflag:$0x2] =	stream.strided.gather [hbm4b:s5+s13], $0x1000, s14, s13, $0x38;
	[tilespmem:$0x10D00] =	vst v63  }
0x188: {  	s1 =	sshll.u32 s1, $0x7;
	s5 =	spop (v2sf)  }
0x189: {  	s1 =	sand.u32 $0x1FFFFF80, s1;
	s6 =	spop (v2sf);
	(v2sf) =	vpush v4, $0x6  }
0x18a: {  	s1 =	sadd.s32 s3, s1  }
0x18b: {  	s9 =	sand.u32 $0x7F, s5;
	s7 =	sshra.s32 s5, $0x1F;
	p6 =	slt.s32 s5, $0x1  }
0x18c: {  	[tilespmem:s24], [sflag:$0x2] =	stream.strided.gather [hbm4b:s1+s13], $0x1000, s14, s13, $0x38;
	[tilespmem:$0x10D00] =	vst v63  }
0x18d: {  	p3 =	sne.s32 s9, $0x0;
	s7 =	sshrl.u32 s7, $0x19;
	s8 =	sand.u32 $0x7F, s6  }
0x18e: {  	s9 =	sshra.s32 s6, $0x1F;
	p5 =	slt.s32 s6, $0x1;
	p4 =	sne.s32 s8, $0x0  }
0x18f: {  	s5 =	sadd.s32 s7, s5;
	s1 =	sshrl.u32 s9, $0x19;
	p1 =	por !p5, !p4  }
0x190: {  	s1 =	sadd.s32 s1, s6;
	s6 =	simm.s32 $0x1;
	p1 =	por !p1, !p1  }
0x191: {  	p0 =	por !p6, !p3;
	s1 =	sshrl.u32 s1, $0x7;
	s6 =	simm.s32 @!p1 $0x0  }
0x192: {  	p0 =	por !p0, !p0;
	s1 =	ssub.s32 s1, s6;
	s6 =	simm.s32 $0x1  }
0x193: {  	s5 =	sshrl.u32 s5, $0x7;
	s1 =	sshll.u32 s1, $0x7;
	s6 =	simm.s32 @!p0 $0x0  }
0x194: {  	s1 =	sand.u32 $0x1FFFFF80, s1;
	s5 =	ssub.s32 s5, s6  }
0x195: {  	s1 =	sadd.s32 s2, s1;
	s8 =	sshll.u32 s5, $0x7;
	s5 =	spop (v2sf);
	(v2sf) =	vpush v3, $0x7  }
0x196: {  	[tilespmem:s25], [sflag:$0x2] =	stream.strided.gather [hbm4b:s1+s13], $0x1000, s14, s13, $0x38;
	[tilespmem:$0x10D00] =	vst v63  }
0x197: {  	s1 =	sand.u32 $0x1FFFFF80, s8;
	s9 =	sand.u32 $0x7F, s5;
	s7 =	sshra.s32 s5, $0x1F  }
0x198: {  	p6 =	slt.s32 s5, $0x1;
	s1 =	sadd.s32 s3, s1;
	s6 =	spop (v2sf);
	(v2sf) =	vpush v4, $0x7  }
0x199: {  	[tilespmem:s26], [sflag:$0x2] =	stream.strided.gather [hbm4b:s1+s13], $0x1000, s14, s13, $0x38;
	[tilespmem:$0x10D00] =	vst v63  }
0x19a: {  	p3 =	sne.s32 s9, $0x0;
	s7 =	sshrl.u32 s7, $0x19;
	s8 =	sand.u32 $0x7F, s6  }
0x19b: {  	s9 =	sshra.s32 s6, $0x1F;
	p5 =	slt.s32 s6, $0x1;
	p4 =	sne.s32 s8, $0x0  }
0x19c: {  	s5 =	sadd.s32 s7, s5;
	s1 =	sshrl.u32 s9, $0x19;
	p1 =	por !p5, !p4  }
0x19d: {  	s1 =	sadd.s32 s1, s6;
	s6 =	simm.s32 $0x1;
	p1 =	por !p1, !p1  }
0x19e: {  	p0 =	por !p6, !p3;
	s1 =	sshrl.u32 s1, $0x7;
	s6 =	simm.s32 @!p1 $0x0  }
0x19f: {  	p0 =	por !p0, !p0;
	s1 =	ssub.s32 s1, s6;
	s6 =	simm.s32 $0x1  }
0x1a0: {  	s5 =	sshrl.u32 s5, $0x7;
	s1 =	sshll.u32 s1, $0x7;
	s6 =	simm.s32 @!p0 $0x0  }
0x1a1: {  	s1 =	sand.u32 $0x1FFFFF80, s1;
	s5 =	ssub.s32 s5, s6  }
0x1a2: {  	s1 =	sadd.s32 s2, s1;
	s8 =	sshll.u32 s5, $0x7  }
0x1a3: {  	[tilespmem:s28], [sflag:$0x2] =	stream.strided.gather [hbm4b:s1+s13], $0x1000, s14, s13, $0x38;
	[tilespmem:$0x10D00] =	vst v63  }
0x1a4: {  	s5 =	spop (v2sf);
	s1 =	sand.u32 $0x1FFFFF80, s8  }
0x1a5: {  	s9 =	sand.u32 $0x7F, s5;
	s1 =	sadd.s32 s3, s1  }
0x1a6: {  	[tilespmem:s29], [sflag:$0x2] =	stream.strided.gather [hbm4b:s1+s13], $0x1000, s14, s13, $0x38;
	[tilespmem:$0x10D00] =	vst v63  }
0x1a7: {  	s7 =	sshra.s32 s5, $0x1F;
	p6 =	slt.s32 s5, $0x1;
	s6 =	spop (v2sf)  }
0x1a8: {  	p3 =	sne.s32 s9, $0x0;
	s7 =	sshrl.u32 s7, $0x19;
	s8 =	sand.u32 $0x7F, s6  }
0x1a9: {  	s9 =	sshra.s32 s6, $0x1F;
	p5 =	slt.s32 s6, $0x1;
	p4 =	sne.s32 s8, $0x0  }
0x1aa: {  	s5 =	sadd.s32 s7, s5;
	s1 =	sshrl.u32 s9, $0x19;
	p1 =	por !p5, !p4  }
0x1ab: {  	s1 =	sadd.s32 s1, s6;
	s6 =	simm.s32 $0x1;
	p1 =	por !p1, !p1  }
0x1ac: {  	p0 =	por !p6, !p3;
	s1 =	sshrl.u32 s1, $0x7;
	s6 =	simm.s32 @!p1 $0x0  }
0x1ad: {  	p0 =	por !p0, !p0;
	s1 =	ssub.s32 s1, s6;
	s6 =	simm.s32 $0x1  }
0x1ae: {  	s5 =	sshrl.u32 s5, $0x7;
	s1 =	sshll.u32 s1, $0x7;
	s6 =	simm.s32 @!p0 $0x0  }
0x1af: {  	s1 =	sand.u32 $0x1FFFFF80, s1;
	s5 =	ssub.s32 s5, s6  }
0x1b0: {  	s1 =	sadd.s32 s2, s1;
	s5 =	sshll.u32 s5, $0x7  }
0x1b1: {  	[tilespmem:s30], [sflag:$0x2] =	stream.strided.gather [hbm4b:s1+s13], $0x1000, s14, s13, $0x38;
	[tilespmem:$0x10D00] =	vst v63  }
0x1b2: {  	s1 =	sand.u32 $0x1FFFFF80, s5  }
0x1b3: {  	s1 =	sadd.s32 s3, s1  }
0x1b4: {  	[tilespmem:s31], [sflag:$0x2] =	stream.strided.gather [hbm4b:s1+s13], $0x1000, s14, s13, $0x38;
	[tilespmem:$0x10D00] =	vst v63  }
0x1b5: {  	_ =	swait.ge [sflag:s12], $0x1000  }
0x1b6: {  	[sflag:s12] =	ssyncset.done $0x0  }
0x1b7: {  	[sflag:s12] =	ssyncadd.s32 $0xFFFFF000  }
0x1b8: {  	_ =	swait.ge [sflag:s12], $0x1000  }
0x1b9: {  	[sflag:s12] =	ssyncset.done $0x0  }
0x1ba: {  	[sflag:s12] =	ssyncadd.s32 $0xFFFFF000  }
0x1bb: {  	_ =	swait.ge [sflag:s12], $0x1000  }
0x1bc: {  	[sflag:s12] =	ssyncset.done $0x0  }
0x1bd: {  	[sflag:s12] =	ssyncadd.s32 $0xFFFFF000  }
0x1be: {  	v5 =	vshra.s32 v4, $0x1F;
	_ =	swait.ge [sflag:s12], $0x1000  }
0x1bf: {  	v6 =	vand.u32 $0x7F, v4;
	v5 =	vshrl.u32 v5, $0x19;
	[sflag:s12] =	ssyncset.done $0x0  }
0x1c0: {  	vm0 =	vlt.s32 v4, $0x1;
	vm1 =	vne.s32 v6, $0x0;
	v5 =	vadd.s32 v5, v4;
	[sflag:s12] =	ssyncadd.s32 $0xFFFFF000  }
0x1c1: {  	vm0 =	vmand vm0, vm1;
	v5 =	vshrl.u32 v5, $0x7;
	_ =	swait.ge [sflag:s12], $0x1000  }
0x1c2: {  	v27 =	vsel vm0, $0x1, v1;
	v5 =	vsub.s32 $0x0, v5;
	[sflag:s12] =	ssyncset.done $0x0  }
0x1c3: {  	v5 =	vadd.s32 v27, v5;
	[sflag:s12] =	ssyncadd.s32 $0xFFFFF000  }
0x1c4: {  	v5 =	vshll.u32 v5, $0x7;
	_ =	swait.ge [sflag:s12], $0x1000  }
0x1c5: {  	v4 =	vadd.s32 v4, v5;
	[sflag:s12] =	ssyncset.done $0x0  }
0x1c6: {  	v5 =	vbroadcast v4, $0x0;
	[sflag:s12] =	ssyncadd.s32 $0xFFFFF000  }
0x1c7: {  	_ =	swait.ge [sflag:s12], $0x1000  }
0x1c8: {  	v28 =	vadd.s32 v0, v5;
	[sflag:s12] =	ssyncset.done $0x0  }
0x1c9: {  	[sflag:s12] =	ssyncadd.s32 $0xFFFFF000  }
0x1ca: {  	_ =	swait.ge [sflag:s12], $0x1000  }
0x1cb: {  	v7 =	vshra.s32 v3, $0x1F;
	v8 =	vand.u32 $0x7F, v3;
	[sflag:s12] =	ssyncset.done $0x0  }
0x1cc: {  	vm14 =	vlt.s32 v3, $0x1;
	v7 =	vshrl.u32 v7, $0x19;
	vm15 =	vne.s32 v8, $0x0;
	[sflag:s12] =	ssyncadd.s32 $0xFFFFF000  }
0x1cd: {  	v7 =	vadd.s32 v7, v3;
	vm0 =	vmand vm14, vm15;
	v6 =	vld.idx.msk [tilespmem:v28+s15+$0x0], $0xffff  }
0x1ce: {  	v7 =	vshrl.u32 v7, $0x7;
	v29 =	vsel vm0, $0x1, v1;
	v5 =	vadd.s32 v2, v5  }
0x1cf: {  	v7 =	vsub.s32 v29, v7  }
0x1d0: {  	v7 =	vshll.u32 v7, $0x7  }
0x1d1: {  	v3 =	vadd.s32 v3, v7  }
0x1d2: {  	v7 =	vbroadcast v3, $0x0;
	[tilespmem:$0x10500] =	vst v6  }
0x1d3: {  	v5 =	vld.idx.msk [tilespmem:v5+s15+$0x0], $0xffff  }
0x1d4: {  	v30 =	vadd.s32 v0, v7;
	_ =	sdelay $0x3  }
0x1d5: {  	[tilespmem:$0x10510] =	vst v5  }
0x1d6: {  	v5 =	vld.idx.msk [tilespmem:v30+s16+$0x0], $0xffff  }
0x1d7: {  	v31 =	vadd.s32 v2, v7;
	_ =	sdelay $0x3  }
0x1d8: {  	v32 =	vbroadcast v4, $0x1;
	[tilespmem:$0x10900] =	vst v5  }
0x1d9: {  	v6 =	vld.idx.msk [tilespmem:v31+s16+$0x0], $0xffff  }
0x1da: {  	v33 =	vadd.s32 v0, v32;
	_ =	sdelay $0x3  }
0x1db: {  	[tilespmem:$0x10910] =	vst v6  }
0x1dc: {  	v6 =	vld.idx.msk [tilespmem:v33+s17+$0x0], $0xffff  }
0x1dd: {  	v5 =	vadd.s32 v2, v32;
	_ =	sdelay $0x3  }
0x1de: {  	v34 =	vbroadcast v3, $0x1;
	[tilespmem:$0x10580] =	vst v6  }
0x1df: {  	v5 =	vld.idx.msk [tilespmem:v5+s17+$0x0], $0xffff  }
0x1e0: {  	v35 =	vadd.s32 v0, v34;
	_ =	sdelay $0x3  }
0x1e1: {  	[tilespmem:$0x10590] =	vst v5  }
0x1e2: {  	v5 =	vld.idx.msk [tilespmem:v35+s18+$0x0], $0xffff  }
0x1e3: {  	v36 =	vadd.s32 v2, v34;
	_ =	sdelay $0x3  }
0x1e4: {  	v37 =	vbroadcast v4, $0x2;
	[tilespmem:$0x10980] =	vst v5  }
0x1e5: {  	v6 =	vld.idx.msk [tilespmem:v36+s18+$0x0], $0xffff  }
0x1e6: {  	v38 =	vadd.s32 v0, v37;
	_ =	sdelay $0x3  }
0x1e7: {  	[tilespmem:$0x10990] =	vst v6  }
0x1e8: {  	v6 =	vld.idx.msk [tilespmem:v38+s19+$0x0], $0xffff  }
0x1e9: {  	v5 =	vadd.s32 v2, v37;
	_ =	sdelay $0x3  }
0x1ea: {  	v39 =	vbroadcast v3, $0x2;
	[tilespmem:$0x10600] =	vst v6  }
0x1eb: {  	v5 =	vld.idx.msk [tilespmem:v5+s19+$0x0], $0xffff  }
0x1ec: {  	v40 =	vadd.s32 v0, v39;
	_ =	sdelay $0x3  }
0x1ed: {  	[tilespmem:$0x10610] =	vst v5  }
0x1ee: {  	v5 =	vld.idx.msk [tilespmem:v40+s20+$0x0], $0xffff  }
0x1ef: {  	v41 =	vadd.s32 v2, v39;
	_ =	sdelay $0x3  }
0x1f0: {  	v42 =	vbroadcast v4, $0x3;
	[tilespmem:$0x10A00] =	vst v5  }
0x1f1: {  	v6 =	vld.idx.msk [tilespmem:v41+s20+$0x0], $0xffff  }
0x1f2: {  	v43 =	vadd.s32 v0, v42;
	_ =	sdelay $0x3  }
0x1f3: {  	[tilespmem:$0x10A10] =	vst v6  }
0x1f4: {  	v6 =	vld.idx.msk [tilespmem:v43+s21+$0x0], $0xffff  }
0x1f5: {  	v5 =	vadd.s32 v2, v42;
	_ =	sdelay $0x3  }
0x1f6: {  	v44 =	vbroadcast v3, $0x3;
	[tilespmem:$0x10680] =	vst v6  }
0x1f7: {  	v5 =	vld.idx.msk [tilespmem:v5+s21+$0x0], $0xffff  }
0x1f8: {  	v45 =	vadd.s32 v0, v44;
	_ =	sdelay $0x3  }
0x1f9: {  	[tilespmem:$0x10690] =	vst v5  }
0x1fa: {  	v5 =	vld.idx.msk [tilespmem:v45+s22+$0x0], $0xffff  }
0x1fb: {  	v46 =	vadd.s32 v2, v44;
	_ =	sdelay $0x3  }
0x1fc: {  	[tilespmem:$0x10A80] =	vst v5  }
0x1fd: {  	v5 =	vld.idx.msk [tilespmem:v46+s22+$0x0], $0xffff;
	_ =	sdelay $0x4  }
0x1fe: {  	[tilespmem:$0x10A90] =	vst v5  }
0x1ff: {  	_ =	swait.ge [sflag:s0], $0x1000  }
0x200: {  	[sflag:s0] =	ssyncset.done $0x0  }
0x201: {  	[sflag:s0] =	ssyncadd.s32 $0xFFFFF000  }
0x202: {  	_ =	swait.ge [sflag:s0], $0x1000  }
0x203: {  	[sflag:s0] =	ssyncset.done $0x0  }
0x204: {  	[sflag:s0] =	ssyncadd.s32 $0xFFFFF000  }
0x205: {  	_ =	swait.ge [sflag:s0], $0x1000  }
0x206: {  	[sflag:s0] =	ssyncset.done $0x0  }
0x207: {  	[sflag:s0] =	ssyncadd.s32 $0xFFFFF000  }
0x208: {  	_ =	swait.ge [sflag:s0], $0x1000  }
0x209: {  	[sflag:s0] =	ssyncset.done $0x0  }
0x20a: {  	[sflag:s0] =	ssyncadd.s32 $0xFFFFF000  }
0x20b: {  	_ =	swait.ge [sflag:s0], $0x1000  }
0x20c: {  	[sflag:s0] =	ssyncset.done $0x0  }
0x20d: {  	[sflag:s0] =	ssyncadd.s32 $0xFFFFF000  }
0x20e: {  	_ =	swait.ge [sflag:s0], $0x1000  }
0x20f: {  	[sflag:s0] =	ssyncset.done $0x0  }
0x210: {  	v47 =	vbroadcast v4, $0x4;
	[sflag:s0] =	ssyncadd.s32 $0xFFFFF000  }
0x211: {  	_ =	swait.ge [sflag:s0], $0x1000  }
0x212: {  	v48 =	vadd.s32 v0, v47;
	[sflag:s0] =	ssyncset.done $0x0  }
0x213: {  	[sflag:s0] =	ssyncadd.s32 $0xFFFFF000  }
0x214: {  	_ =	swait.ge [sflag:s0], $0x1000  }
0x215: {  	[sflag:s0] =	ssyncset.done $0x0  }
0x216: {  	[sflag:s0] =	ssyncadd.s32 $0xFFFFF000  }
0x217: {  	v6 =	vld.idx.msk [tilespmem:v48+s23+$0x0], $0xffff  }
0x218: {  	v5 =	vadd.s32 v2, v47;
	_ =	sdelay $0x3  }
0x219: {  	v49 =	vbroadcast v3, $0x4;
	[tilespmem:$0x10700] =	vst v6  }
0x21a: {  	v5 =	vld.idx.msk [tilespmem:v5+s23+$0x0], $0xffff  }
0x21b: {  	v50 =	vadd.s32 v0, v49;
	_ =	sdelay $0x3  }
0x21c: {  	[tilespmem:$0x10710] =	vst v5  }
0x21d: {  	v5 =	vld.idx.msk [tilespmem:v50+s24+$0x0], $0xffff  }
0x21e: {  	v51 =	vadd.s32 v2, v49;
	_ =	sdelay $0x3  }
0x21f: {  	v52 =	vbroadcast v4, $0x5;
	[tilespmem:$0x10B00] =	vst v5  }
0x220: {  	v6 =	vld.idx.msk [tilespmem:v51+s24+$0x0], $0xffff  }
0x221: {  	v53 =	vadd.s32 v0, v52;
	_ =	sdelay $0x3  }
0x222: {  	[tilespmem:$0x10B10] =	vst v6  }
0x223: {  	v6 =	vld.idx.msk [tilespmem:v53+s25+$0x0], $0xffff  }
0x224: {  	v5 =	vadd.s32 v2, v52;
	_ =	sdelay $0x3  }
0x225: {  	v54 =	vbroadcast v3, $0x5;
	[tilespmem:$0x10780] =	vst v6  }
0x226: {  	v5 =	vld.idx.msk [tilespmem:v5+s25+$0x0], $0xffff  }
0x227: {  	v55 =	vadd.s32 v0, v54;
	_ =	sdelay $0x3  }
0x228: {  	[tilespmem:$0x10790] =	vst v5  }
0x229: {  	v5 =	vld.idx.msk [tilespmem:v55+s26+$0x0], $0xffff  }
0x22a: {  	v56 =	vadd.s32 v2, v54;
	_ =	sdelay $0x3  }
0x22b: {  	v57 =	vbroadcast v4, $0x6;
	[tilespmem:$0x10B80] =	vst v5  }
0x22c: {  	v6 =	vld.idx.msk [tilespmem:v56+s26+$0x0], $0xffff  }
0x22d: {  	v58 =	vadd.s32 v0, v57;
	_ =	sdelay $0x3  }
0x22e: {  	[tilespmem:$0x10B90] =	vst v6  }
0x22f: {  	v6 =	vld.idx.msk [tilespmem:v58+s28+$0x0], $0xffff  }
0x230: {  	v5 =	vadd.s32 v2, v57;
	_ =	sdelay $0x3  }
0x231: {  	v59 =	vbroadcast v3, $0x6;
	[tilespmem:$0x10800] =	vst v6  }
0x232: {  	v5 =	vld.idx.msk [tilespmem:v5+s28+$0x0], $0xffff  }
0x233: {  	v60 =	vadd.s32 v0, v59;
	_ =	sdelay $0x3  }
0x234: {  	[tilespmem:$0x10810] =	vst v5  }
0x235: {  	v5 =	vld.idx.msk [tilespmem:v60+s29+$0x0], $0xffff  }
0x236: {  	v61 =	vadd.s32 v2, v59;
	_ =	sdelay $0x3  }
0x237: {  	v4 =	vbroadcast v4, $0x7;
	[tilespmem:$0x10C00] =	vst v5  }
0x238: {  	v5 =	vld.idx.msk [tilespmem:v61+s29+$0x0], $0xffff  }
0x239: {  	v62 =	vadd.s32 v0, v4;
	_ =	sdelay $0x3  }
0x23a: {  	[tilespmem:$0x10C10] =	vst v5  }
0x23b: {  	v5 =	vld.idx.msk [tilespmem:v62+s30+$0x0], $0xffff  }
0x23c: {  	v4 =	vadd.s32 v2, v4;
	_ =	sdelay $0x3  }
0x23d: {  	v3 =	vbroadcast v3, $0x7;
	[tilespmem:$0x10880] =	vst v5  }
0x23e: {  	v4 =	vld.idx.msk [tilespmem:v4+s30+$0x0], $0xffff  }
0x23f: {  	v63 =	vadd.s32 v0, v3;
	_ =	sdelay $0x3  }
0x240: {  	[tilespmem:$0x10890] =	vst v4  }
0x241: {  	v4 =	vld.idx.msk [tilespmem:v63+s31+$0x0], $0xffff  }
0x242: {  	v3 =	vadd.s32 v2, v3;
	_ =	sdelay $0x3  }
0x243: {  	[tilespmem:$0x10C80] =	vst v4  }
0x244: {  	v3 =	vld.idx.msk [tilespmem:v3+s31+$0x0], $0xffff;
	_ =	sdelay $0x4  }
0x245: {  	s6 =	rddreg [dreg:$0x9];
	[tilespmem:$0x10C90] =	vst v3  }
0x246: {  	[hbm4b:s6+s4] =	stream.linear.scatter [tilespmem:s11], [sflag:$0x3], $0x400, $0x38;
	[tilespmem:$0x10D00] =	vst v63  }
0x247: {  	_ =	swait.ge [sflag:s10], $0x400  }
0x248: {  	[sflag:s10] =	ssyncset.done $0x0  }
0x249: {  	s8 =	simm.s32 $0x10900;
	s7 =	rddreg [dreg:$0xa];
	[sflag:s10] =	ssyncadd.s32 $0xFFFFFC00  }
0x24a: {  	[hbm4b:s7+s4] =	stream.linear.scatter [tilespmem:s8], [sflag:$0x3], $0x400, $0x38;
	[tilespmem:$0x10D00] =	vst v63  }
0x24b: {  	_ =	swait.ge [sflag:s10], $0x400  }
0x24c: {  	s9 =	rddreg [dreg:$0xc]  }
0x24d: {  	s11 =	rddreg [dreg:$0xb];
	s5 =	sadd.s32 $0x1, s9  }
0x24e: {  	p0 =	sne.s32 s5, s11  }
.Ltmp1:
0x24f: {  	_ = 	snop;
	(pc) =	sbr.rel @p0 .LBB2_1-.Ltmp1, $3  }
0x250: {  	_ =	sdelay $0x1  }
0x251: {  	[sflag:s10] =	ssyncset.done $0x0  }
0x252: {  	[sflag:s10] =	ssyncadd.s32 $0xFFFFFC00  }
0x253: {  	_ =	sfence.sel $0x180000  }
0x254: {  	[bflag:$0x0] =	sbarrier.arrive $0xFFFF  }
0x255: {  	_ =	strace $0x9000004A  }
0x256: {  	s0 =	stileid.u32;
	[bflag:$0x2] =	sbarrier.arrive $0xFFFF  }
0x257: {  	p0 =	sne.s32 s0, $0x0;
	s0 =	rddreg [dreg:$0x4]  }
0x258: {  	s0 =	sadd.s32 @!p0 $0x100000, s0  }
0x259: {  	[sflag:s0] =	ssyncadd.tile.s32 @!p0 $0x1;
	_ =	shalt  }
.Lfunc_end2:
_tile_overlayer_lowered:
.L_overlay_start_2:
0x25a: {  	(tag) =	ssettag $0x2  }
0x25b: {  	s0 =	rddreg [dreg:$0x0];
	s2 =	stileid.u32  }
0x25c: {  	s1 =	rddreg [dreg:$0x1];
	p0 =	sne.s32 s2, $0x0  }
0x25d: {  	s3 =	rddreg [dreg:$0x2];
	[bflag:$0x3] =	sbarrier.arrive $0xFFFF;
	s2 =	simm.s32 @!p0 $0x1C03  }
0x25e: {  	[timem:s3], [sflag:s2] =	dma.local @!p0 [hbm:s0], s1  }
0x25f: {  	s0 =	simm.s32 @!p0 $0x3  }
0x260: {  	_ =	swait.ge @!p0 [sflag:s0], s1  }
0x261: {  	s1 =	ssub.s32 @!p0 $0x0, s1;
	[sflag:s0] =	ssyncset.done @!p0 $0x0  }
0x262: {  	[sflag:s0] =	ssyncadd.s32 @!p0 s1  }
0x263: {  	[bflag:$0x3] =	sbarrier.arrive $0xFFFF  }
0x264: {  	_ =	shalt  }

</sc_bundles>
